<compile_context>
chip_gen: v7x
topology: tpu7x:2x2x1
jax: 0.10.2.dev20260603
libtpu: 0.0.44.dev20260713+nightly
codegen_flags: <defaults>
</compile_context>

<pallas_src>
import jax
import jax.numpy as jnp
from jax import lax
from jax.experimental import pallas as pl
from jax.experimental.pallas import tpu as pltpu
from jax.experimental.pallas import tpu_sc as plsc

_BATCH = 16384
_K = 128
_NC = 2
_NS = 16
_NW = _NC * _NS
_BPW = _BATCH // _NW
_CHUNKS = (32, 96, 128, 128, 128)
_CMAX = max(_CHUNKS)
_L = 16
_NSLOT = 2


def _mirt_body(sid_hbm, eid_hbm, theta_hbm, a_hbm, b_hbm, out_hbm,
               theta_v0, a_v0, theta_v1, a_v1,
               sid_v, eid_v, b_v, part_v, out_v,
               sem0, sem1, semb):
    wid = lax.axis_index("s") * _NC + lax.axis_index("c")
    base = wid * _BPW

    s_cp = pltpu.async_copy(sid_hbm.at[pl.ds(base, _BPW)], sid_v, semb)
    e_cp = pltpu.async_copy(eid_hbm.at[pl.ds(base, _BPW)], eid_v, semb)
    s_cp.wait()
    e_cp.wait()

    slots = ((theta_v0, a_v0, sem0), (theta_v1, a_v1, sem1))
    offs = [sum(_CHUNKS[:i]) for i in range(len(_CHUNKS))]

    def issue(c):
        th_b, a_b, sem = slots[c % _NSLOT]
        off, sz = offs[c], _CHUNKS[c]
        t_cp = pltpu.async_copy(theta_hbm.at[sid_v.at[pl.ds(off, sz)]],
                                th_b.at[pl.ds(0, sz)], sem)
        a_cp = pltpu.async_copy(a_hbm.at[eid_v.at[pl.ds(off, sz)]],
                                a_b.at[pl.ds(0, sz)], sem)
        return t_cp, a_cp

    pending = [None] * _NSLOT
    pending[0] = issue(0)
    b_cp = pltpu.async_copy(b_hbm.at[eid_v], b_v, semb)

    for c in range(len(_CHUNKS)):
        if c + 1 < len(_CHUNKS):
            pending[(c + 1) % _NSLOT] = issue(c + 1)
        t_cp, a_cp = pending[c % _NSLOT]
        t_cp.wait()
        a_cp.wait()
        th_b, a_b, _ = slots[c % _NSLOT]
        off = offs[c]

        @plsc.parallel_loop(0, _CHUNKS[c], unroll=4)
        def _item(i, th_b=th_b, a_b=a_b, off=off):
            acc = jnp.zeros((_L,), jnp.float32)
            for k in range(_K // _L):
                av = a_b[i, pl.ds(k * _L, _L)]
                tv = th_b[i, pl.ds(k * _L, _L)]
                acc = acc + tv / (1.0 + jnp.exp(-av))
            part_v[pl.ds((off + i) * _L, _L)] = acc

    b_cp.wait()
    lanes = lax.iota(jnp.int32, _L)

    @plsc.parallel_loop(0, _BPW // _L, unroll=2)
    def _group(g):
        row0 = g * _L
        flat0 = row0 * _L + lanes * _L
        acc = jnp.zeros((_L,), jnp.float32)
        for j in range(_L):
            acc = acc + plsc.load_gather(part_v, [flat0 + j])
        bv = b_v[pl.ds(row0, _L)]
        out_v[pl.ds(row0, _L)] = 1.0 / (1.0 + jnp.exp(bv - acc))

    pltpu.sync_copy(out_v, out_hbm.at[pl.ds(base, _BPW)])


def _mirt_call(student_id, exercise_id, theta_w, a_w, b_flat, interpret=False):
    mesh = plsc.VectorSubcoreMesh(core_axis_name="c", subcore_axis_name="s",
                                  num_cores=_NC, num_subcores=_NS)
    chunk_slot = [
        pltpu.VMEM((_CMAX, _K), jnp.float32),
        pltpu.VMEM((_CMAX, _K), jnp.float32),
    ]
    run = pl.kernel(
        _mirt_body,
        out_type=jax.ShapeDtypeStruct((_BATCH,), jnp.float32),
        mesh=mesh,
        scratch_types=chunk_slot + chunk_slot + [
            pltpu.VMEM((_BPW,), jnp.int32),
            pltpu.VMEM((_BPW,), jnp.int32),
            pltpu.VMEM((_BPW,), jnp.float32),
            pltpu.VMEM((_BPW * _L,), jnp.float32),
            pltpu.VMEM((_BPW,), jnp.float32),
            pltpu.SemaphoreType.DMA,
            pltpu.SemaphoreType.DMA,
            pltpu.SemaphoreType.DMA,
        ],
        compiler_params=pltpu.CompilerParams(needs_layout_passes=False),
        interpret=interpret,
    )
    return run(student_id, exercise_id, theta_w, a_w, b_flat)


def kernel(student_id, exercise_id, theta_w, a_w, b_w):
    return _mirt_call(student_id, exercise_id, theta_w, a_w,
                      b_w.reshape((-1,)))

# --- scband reference (transcript-rebuilt; emitter-appended) ---
"""Pipeline reference for scband-mirt-72559177498699 (READ-ONLY COPY).

The authoritative reference and input builder live on the scoring server;
editing this copy changes nothing except your own understanding.
"""

import jax, jax.numpy as jnp
import numpy as np

STUDENT_NUM = 1000000
EXERCISE_NUM = 100000
KNOWLEDGE_NUM = 128
BATCH = 16384


def setup_inputs(seed: int = 0) -> dict:
    key = jax.random.key(seed)
    k1, k2, k3, k4, k5 = jax.random.split(key, 5)
    student_id = jax.random.randint(k1, (BATCH,), 0, STUDENT_NUM, dtype=jnp.int64 if jax.config.read('jax_enable_x64') else jnp.int32)
    exercise_id = jax.random.randint(k2, (BATCH,), 0, EXERCISE_NUM, dtype=jnp.int64 if jax.config.read('jax_enable_x64') else jnp.int32)
    theta_w = jax.random.normal(k3, (STUDENT_NUM, KNOWLEDGE_NUM), dtype=jnp.float32) * 0.02
    a_w = jax.random.normal(k4, (EXERCISE_NUM, KNOWLEDGE_NUM), dtype=jnp.float32) * 0.02
    b_w = jax.random.normal(k5, (EXERCISE_NUM, 1), dtype=jnp.float32) * 0.02
    return {"student_id": student_id, "exercise_id": exercise_id, "theta_w": theta_w, "a_w": a_w, "b_w": b_w}


def reference(student_id, exercise_id, theta_w, a_w, b_w):
    # theta = self.theta(student_id).squeeze(-1)  (squeeze is a no-op since K != 1)
    theta = jnp.take(theta_w, student_id, axis=0)
    # a = sigmoid(self.a(exercise_id).squeeze(-1))
    a = jax.nn.sigmoid(jnp.take(a_w, exercise_id, axis=0))
    # b = self.b(exercise_id).squeeze(-1)
    b = jnp.take(b_w, exercise_id, axis=0).squeeze(-1)
    # 1 / (1 + exp(-sum(a * theta, axis=-1) + b))
    return 1.0 / (1.0 + jnp.exp(-jnp.sum(a * theta, axis=-1) + b))

if __name__ == "__main__":
    import jax
    _d = setup_inputs()
    print(jax.jit(kernel)(*tuple(_d.values())))

</pallas_src>

<mosaic_0001>
#map = affine_map<(d0, d1) -> (0)>
#map1 = affine_map<(d0, d1) -> (0, 0)>
module attributes {stable_mosaic.version = 14 : i64} {
  func.func @_mirt_body(%arg0: i32, %arg1: i32, %arg2: memref<16384xi32, #tpu.memory_space<hbm>>, %arg3: memref<16384xi32, #tpu.memory_space<hbm>>, %arg4: memref<1000000x128xf32, #tpu.memory_space<hbm>>, %arg5: memref<100000x128xf32, #tpu.memory_space<hbm>>, %arg6: memref<100000xf32, #tpu.memory_space<hbm>>, %arg7: memref<16384xf32, #tpu.memory_space<hbm>>, %arg8: memref<128x128xf32, #tpu.memory_space<vmem>>, %arg9: memref<128x128xf32, #tpu.memory_space<vmem>>, %arg10: memref<128x128xf32, #tpu.memory_space<vmem>>, %arg11: memref<128x128xf32, #tpu.memory_space<vmem>>, %arg12: memref<512xi32, #tpu.memory_space<vmem>>, %arg13: memref<512xi32, #tpu.memory_space<vmem>>, %arg14: memref<512xf32, #tpu.memory_space<vmem>>, %arg15: memref<8192xf32, #tpu.memory_space<vmem>>, %arg16: memref<512xf32, #tpu.memory_space<vmem>>, %arg17: memref<!tpu.dma_semaphore, #tpu.memory_space<semaphore_mem>>, %arg18: memref<!tpu.dma_semaphore, #tpu.memory_space<semaphore_mem>>, %arg19: memref<!tpu.dma_semaphore, #tpu.memory_space<semaphore_mem>>) attributes {dimension_semantics = [#tpu.dimension_semantics<core_parallel>, #tpu.dimension_semantics<subcore_parallel>], iteration_bounds = array<i64: 2, 16>, scalar_prefetch = 0 : i64, scratch_operands = 12 : i64, tpu.core_type = #tpu.core_type<sc_vector_subcore>, window_params = [{transform_indices = #map}, {transform_indices = #map}, {transform_indices = #map1}, {transform_indices = #map1}, {transform_indices = #map}, {transform_indices = #map}]} {
    %mul3A = arith.constant 2 : i32
    %mul3A_0 = arith.muli %arg1, %mul3A : i32
    %add3A = arith.addi %mul3A_0, %arg0 : i32
    %mul3A_1 = arith.constant 512 : i32
    %mul3A_2 = arith.muli %add3A, %mul3A_1 : i32
    %dma_start3A = tpu.memref_slice %arg2[%mul3A_2] : memref<16384xi32, #tpu.memory_space<hbm>> -> memref<512xi32, #tpu.memory_space<hbm>>
    %dma_start3A_3 = tpu.memref_slice %arg2[%mul3A_2] : memref<16384xi32, #tpu.memory_space<hbm>> -> memref<512xi32, #tpu.memory_space<hbm>>
    tpu.enqueue_dma source(%dma_start3A_3 : memref<512xi32, #tpu.memory_space<hbm>>) target(%arg12 : memref<512xi32, #tpu.memory_space<vmem>>) target_semaphore(%arg19 : memref<!tpu.dma_semaphore, #tpu.memory_space<semaphore_mem>>)
    %dma_start3A_4 = tpu.memref_slice %arg3[%mul3A_2] : memref<16384xi32, #tpu.memory_space<hbm>> -> memref<512xi32, #tpu.memory_space<hbm>>
    %dma_start3A_5 = tpu.memref_slice %arg3[%mul3A_2] : memref<16384xi32, #tpu.memory_space<hbm>> -> memref<512xi32, #tpu.memory_space<hbm>>
    tpu.enqueue_dma source(%dma_start3A_5 : memref<512xi32, #tpu.memory_space<hbm>>) target(%arg13 : memref<512xi32, #tpu.memory_space<vmem>>) target_semaphore(%arg19 : memref<!tpu.dma_semaphore, #tpu.memory_space<semaphore_mem>>)
    %dma_wait3A = tpu.memref_slice %arg2[%mul3A_2] : memref<16384xi32, #tpu.memory_space<hbm>> -> memref<512xi32, #tpu.memory_space<hbm>>
    %dma_wait3A_6 = tpu.memref_slice %arg2[%mul3A_2] : memref<16384xi32, #tpu.memory_space<hbm>> -> memref<512xi32, #tpu.memory_space<hbm>>
    tpu.wait_dma2 semaphore(%arg19 : memref<!tpu.dma_semaphore, #tpu.memory_space<semaphore_mem>>) src(%dma_wait3A_6 : memref<512xi32, #tpu.memory_space<hbm>>) dst(%arg12 : memref<512xi32, #tpu.memory_space<vmem>>)
    %dma_wait3A_7 = tpu.memref_slice %arg3[%mul3A_2] : memref<16384xi32, #tpu.memory_space<hbm>> -> memref<512xi32, #tpu.memory_space<hbm>>
    %dma_wait3A_8 = tpu.memref_slice %arg3[%mul3A_2] : memref<16384xi32, #tpu.memory_space<hbm>> -> memref<512xi32, #tpu.memory_space<hbm>>
    tpu.wait_dma2 semaphore(%arg19 : memref<!tpu.dma_semaphore, #tpu.memory_space<semaphore_mem>>) src(%dma_wait3A_8 : memref<512xi32, #tpu.memory_space<hbm>>) dst(%arg13 : memref<512xi32, #tpu.memory_space<vmem>>)
    %dma_start3A_9 = arith.constant 0 : i32
    %dma_start3A_10 = arith.constant 0 : i32
    %dma_start3A_11 = tpu.memref_slice %arg8[%dma_start3A_9, %dma_start3A_10] : memref<128x128xf32, #tpu.memory_space<vmem>> -> memref<32x128xf32, #tpu.memory_space<vmem>>
    %dma_start3A_12 = arith.constant 0 : i32
    %dma_start3A_13 = tpu.memref_slice %arg12[%dma_start3A_12] : memref<512xi32, #tpu.memory_space<vmem>> -> memref<32xi32, #tpu.memory_space<vmem>>
    %dma_start3A_14 = arith.constant 0 : i32
    %dma_start3A_15 = arith.constant 0 : i32
    %dma_start3A_16 = tpu.memref_slice %arg4[%dma_start3A_14, %dma_start3A_15] : memref<1000000x128xf32, #tpu.memory_space<hbm>> -> memref<1000000x128xf32, #tpu.memory_space<hbm>>
    tpu.enqueue_indirect_dma source(%dma_start3A_16 : memref<1000000x128xf32, #tpu.memory_space<hbm>>) target(%dma_start3A_11 : memref<32x128xf32, #tpu.memory_space<vmem>>) offsets(%dma_start3A_13 : memref<32xi32, #tpu.memory_space<vmem>>) semaphore(%arg17 : memref<!tpu.dma_semaphore, #tpu.memory_space<semaphore_mem>>)
    %dma_start3A_17 = arith.constant 0 : i32
    %dma_start3A_18 = arith.constant 0 : i32
    %dma_start3A_19 = tpu.memref_slice %arg9[%dma_start3A_17, %dma_start3A_18] : memref<128x128xf32, #tpu.memory_space<vmem>> -> memref<32x128xf32, #tpu.memory_space<vmem>>
    %dma_start3A_20 = arith.constant 0 : i32
    %dma_start3A_21 = tpu.memref_slice %arg13[%dma_start3A_20] : memref<512xi32, #tpu.memory_space<vmem>> -> memref<32xi32, #tpu.memory_space<vmem>>
    %dma_start3A_22 = arith.constant 0 : i32
    %dma_start3A_23 = arith.constant 0 : i32
    %dma_start3A_24 = tpu.memref_slice %arg5[%dma_start3A_22, %dma_start3A_23] : memref<100000x128xf32, #tpu.memory_space<hbm>> -> memref<100000x128xf32, #tpu.memory_space<hbm>>
    tpu.enqueue_indirect_dma source(%dma_start3A_24 : memref<100000x128xf32, #tpu.memory_space<hbm>>) target(%dma_start3A_19 : memref<32x128xf32, #tpu.memory_space<vmem>>) offsets(%dma_start3A_21 : memref<32xi32, #tpu.memory_space<vmem>>) semaphore(%arg17 : memref<!tpu.dma_semaphore, #tpu.memory_space<semaphore_mem>>)
    %dma_start3A_25 = arith.constant 0 : i32
    %dma_start3A_26 = tpu.memref_slice %arg6[%dma_start3A_25] : memref<100000xf32, #tpu.memory_space<hbm>> -> memref<100000xf32, #tpu.memory_space<hbm>>
    tpu.enqueue_indirect_dma source(%dma_start3A_26 : memref<100000xf32, #tpu.memory_space<hbm>>) target(%arg14 : memref<512xf32, #tpu.memory_space<vmem>>) offsets(%arg13 : memref<512xi32, #tpu.memory_space<vmem>>) semaphore(%arg19 : memref<!tpu.dma_semaphore, #tpu.memory_space<semaphore_mem>>)
    %dma_start3A_27 = arith.constant 0 : i32
    %dma_start3A_28 = arith.constant 0 : i32
    %dma_start3A_29 = tpu.memref_slice %arg10[%dma_start3A_27, %dma_start3A_28] : memref<128x128xf32, #tpu.memory_space<vmem>> -> memref<96x128xf32, #tpu.memory_space<vmem>>
    %dma_start3A_30 = arith.constant 32 : i32
    %dma_start3A_31 = tpu.memref_slice %arg12[%dma_start3A_30] : memref<512xi32, #tpu.memory_space<vmem>> -> memref<96xi32, #tpu.memory_space<vmem>>
    %dma_start3A_32 = arith.constant 0 : i32
    %dma_start3A_33 = arith.constant 0 : i32
    %dma_start3A_34 = tpu.memref_slice %arg4[%dma_start3A_32, %dma_start3A_33] : memref<1000000x128xf32, #tpu.memory_space<hbm>> -> memref<1000000x128xf32, #tpu.memory_space<hbm>>
    tpu.enqueue_indirect_dma source(%dma_start3A_34 : memref<1000000x128xf32, #tpu.memory_space<hbm>>) target(%dma_start3A_29 : memref<96x128xf32, #tpu.memory_space<vmem>>) offsets(%dma_start3A_31 : memref<96xi32, #tpu.memory_space<vmem>>) semaphore(%arg18 : memref<!tpu.dma_semaphore, #tpu.memory_space<semaphore_mem>>)
    %dma_start3A_35 = arith.constant 0 : i32
    %dma_start3A_36 = arith.constant 0 : i32
    %dma_start3A_37 = tpu.memref_slice %arg11[%dma_start3A_35, %dma_start3A_36] : memref<128x128xf32, #tpu.memory_space<vmem>> -> memref<96x128xf32, #tpu.memory_space<vmem>>
    %dma_start3A_38 = arith.constant 32 : i32
    %dma_start3A_39 = tpu.memref_slice %arg13[%dma_start3A_38] : memref<512xi32, #tpu.memory_space<vmem>> -> memref<96xi32, #tpu.memory_space<vmem>>
    %dma_start3A_40 = arith.constant 0 : i32
    %dma_start3A_41 = arith.constant 0 : i32
    %dma_start3A_42 = tpu.memref_slice %arg5[%dma_start3A_40, %dma_start3A_41] : memref<100000x128xf32, #tpu.memory_space<hbm>> -> memref<100000x128xf32, #tpu.memory_space<hbm>>
    tpu.enqueue_indirect_dma source(%dma_start3A_42 : memref<100000x128xf32, #tpu.memory_space<hbm>>) target(%dma_start3A_37 : memref<96x128xf32, #tpu.memory_space<vmem>>) offsets(%dma_start3A_39 : memref<96xi32, #tpu.memory_space<vmem>>) semaphore(%arg18 : memref<!tpu.dma_semaphore, #tpu.memory_space<semaphore_mem>>)
    %dma_wait3A_43 = arith.constant 0 : i32
    %dma_wait3A_44 = arith.constant 0 : i32
    %dma_wait3A_45 = tpu.memref_slice %arg8[%dma_wait3A_43, %dma_wait3A_44] : memref<128x128xf32, #tpu.memory_space<vmem>> -> memref<32x128xf32, #tpu.memory_space<vmem>>
    %dma_wait3A_46 = arith.constant 0 : i32
    %dma_wait3A_47 = tpu.memref_slice %arg12[%dma_wait3A_46] : memref<512xi32, #tpu.memory_space<vmem>> -> memref<32xi32, #tpu.memory_space<vmem>>
    %dma_wait3A_48 = arith.constant 0 : i32
    %dma_wait3A_49 = arith.constant 0 : i32
    %dma_wait3A_50 = tpu.memref_slice %arg4[%dma_wait3A_48, %dma_wait3A_49] : memref<1000000x128xf32, #tpu.memory_space<hbm>> -> memref<1000000x128xf32, #tpu.memory_space<hbm>>
    tpu.wait_indirect_dma semaphore(%arg17 : memref<!tpu.dma_semaphore, #tpu.memory_space<semaphore_mem>>) src(%dma_wait3A_50 : memref<1000000x128xf32, #tpu.memory_space<hbm>>) dst(%dma_wait3A_45 : memref<32x128xf32, #tpu.memory_space<vmem>>)
    %dma_wait3A_51 = arith.constant 0 : i32
    %dma_wait3A_52 = arith.constant 0 : i32
    %dma_wait3A_53 = tpu.memref_slice %arg9[%dma_wait3A_51, %dma_wait3A_52] : memref<128x128xf32, #tpu.memory_space<vmem>> -> memref<32x128xf32, #tpu.memory_space<vmem>>
    %dma_wait3A_54 = arith.constant 0 : i32
    %dma_wait3A_55 = tpu.memref_slice %arg13[%dma_wait3A_54] : memref<512xi32, #tpu.memory_space<vmem>> -> memref<32xi32, #tpu.memory_space<vmem>>
    %dma_wait3A_56 = arith.constant 0 : i32
    %dma_wait3A_57 = arith.constant 0 : i32
    %dma_wait3A_58 = tpu.memref_slice %arg5[%dma_wait3A_56, %dma_wait3A_57] : memref<100000x128xf32, #tpu.memory_space<hbm>> -> memref<100000x128xf32, #tpu.memory_space<hbm>>
    tpu.wait_indirect_dma semaphore(%arg17 : memref<!tpu.dma_semaphore, #tpu.memory_space<semaphore_mem>>) src(%dma_wait3A_58 : memref<100000x128xf32, #tpu.memory_space<hbm>>) dst(%dma_wait3A_53 : memref<32x128xf32, #tpu.memory_space<vmem>>)
    %parallel_loop3A = arith.constant 0 : i32
    %parallel_loop3A_59 = arith.constant 32 : i32
    %parallel_loop3A_60 = arith.constant 1 : i32
    scf.for %parallel_loop3A_190 = %parallel_loop3A to %parallel_loop3A_59 step %parallel_loop3A_60  : i32 {
      %parallel_loop3A_191 = arith.constant 0.000000e+00 : f32
      %parallel_loop3A_192 = vector.broadcast %parallel_loop3A_191 : f32 to vector<16xf32>
      %parallel_loop3A_193 = arith.index_cast %parallel_loop3A_190 : i32 to index
      %parallel_loop3A_194 = arith.constant 0 : index
      %parallel_loop3A_195 = tpu.vector_load %arg9[%parallel_loop3A_193, %parallel_loop3A_194] {strides = array<i32>} : memref<128x128xf32, #tpu.memory_space<vmem>>, vector<16xf32>,
      %parallel_loop3A_196 = arith.index_cast %parallel_loop3A_190 : i32 to index
      %parallel_loop3A_197 = arith.constant 0 : index
      %parallel_loop3A_198 = tpu.vector_load %arg8[%parallel_loop3A_196, %parallel_loop3A_197] {strides = array<i32>} : memref<128x128xf32, #tpu.memory_space<vmem>>, vector<16xf32>,
      %parallel_loop3A_199 = arith.constant 0.000000e+00 : f32
      %parallel_loop3A_200 = vector.broadcast %parallel_loop3A_199 : f32 to vector<16xf32>
      %parallel_loop3A_201 = arith.subf %parallel_loop3A_200, %parallel_loop3A_195 : vector<16xf32>
      %parallel_loop3A_202 = math.exp %parallel_loop3A_201 : vector<16xf32>
      %parallel_loop3A_203 = arith.constant 1.000000e+00 : f32
      %parallel_loop3A_204 = vector.broadcast %parallel_loop3A_203 : f32 to vector<16xf32>
      %parallel_loop3A_205 = arith.addf %parallel_loop3A_204, %parallel_loop3A_202 : vector<16xf32>
      %parallel_loop3A_206 = arith.divf %parallel_loop3A_198, %parallel_loop3A_205 : vector<16xf32>
      %parallel_loop3A_207 = arith.addf %parallel_loop3A_192, %parallel_loop3A_206 : vector<16xf32>
      %parallel_loop3A_208 = arith.index_cast %parallel_loop3A_190 : i32 to index
      %parallel_loop3A_209 = arith.constant 16 : index
      %parallel_loop3A_210 = tpu.vector_load %arg9[%parallel_loop3A_208, %parallel_loop3A_209] {strides = array<i32>} : memref<128x128xf32, #tpu.memory_space<vmem>>, vector<16xf32>,
      %parallel_loop3A_211 = arith.index_cast %parallel_loop3A_190 : i32 to index
      %parallel_loop3A_212 = arith.constant 16 : index
      %parallel_loop3A_213 = tpu.vector_load %arg8[%parallel_loop3A_211, %parallel_loop3A_212] {strides = array<i32>} : memref<128x128xf32, #tpu.memory_space<vmem>>, vector<16xf32>,
      %parallel_loop3A_214 = arith.constant 0.000000e+00 : f32
      %parallel_loop3A_215 = vector.broadcast %parallel_loop3A_214 : f32 to vector<16xf32>
      %parallel_loop3A_216 = arith.subf %parallel_loop3A_215, %parallel_loop3A_210 : vector<16xf32>
      %parallel_loop3A_217 = math.exp %parallel_loop3A_216 : vector<16xf32>
      %parallel_loop3A_218 = arith.constant 1.000000e+00 : f32
      %parallel_loop3A_219 = vector.broadcast %parallel_loop3A_218 : f32 to vector<16xf32>
      %parallel_loop3A_220 = arith.addf %parallel_loop3A_219, %parallel_loop3A_217 : vector<16xf32>
      %parallel_loop3A_221 = arith.divf %parallel_loop3A_213, %parallel_loop3A_220 : vector<16xf32>
      %parallel_loop3A_222 = arith.addf %parallel_loop3A_207, %parallel_loop3A_221 : vector<16xf32>
      %parallel_loop3A_223 = arith.index_cast %parallel_loop3A_190 : i32 to index
      %parallel_loop3A_224 = arith.constant 32 : index
      %parallel_loop3A_225 = tpu.vector_load %arg9[%parallel_loop3A_223, %parallel_loop3A_224] {strides = array<i32>} : memref<128x128xf32, #tpu.memory_space<vmem>>, vector<16xf32>,
      %parallel_loop3A_226 = arith.index_cast %parallel_loop3A_190 : i32 to index
      %parallel_loop3A_227 = arith.constant 32 : index
      %parallel_loop3A_228 = tpu.vector_load %arg8[%parallel_loop3A_226, %parallel_loop3A_227] {strides = array<i32>} : memref<128x128xf32, #tpu.memory_space<vmem>>, vector<16xf32>,
      %parallel_loop3A_229 = arith.constant 0.000000e+00 : f32
      %parallel_loop3A_230 = vector.broadcast %parallel_loop3A_229 : f32 to vector<16xf32>
      %parallel_loop3A_231 = arith.subf %parallel_loop3A_230, %parallel_loop3A_225 : vector<16xf32>
      %parallel_loop3A_232 = math.exp %parallel_loop3A_231 : vector<16xf32>
      %parallel_loop3A_233 = arith.constant 1.000000e+00 : f32
      %parallel_loop3A_234 = vector.broadcast %parallel_loop3A_233 : f32 to vector<16xf32>
      %parallel_loop3A_235 = arith.addf %parallel_loop3A_234, %parallel_loop3A_232 : vector<16xf32>
      %parallel_loop3A_236 = arith.divf %parallel_loop3A_228, %parallel_loop3A_235 : vector<16xf32>
      %parallel_loop3A_237 = arith.addf %parallel_loop3A_222, %parallel_loop3A_236 : vector<16xf32>
      %parallel_loop3A_238 = arith.index_cast %parallel_loop3A_190 : i32 to index
      %parallel_loop3A_239 = arith.constant 48 : index
      %parallel_loop3A_240 = tpu.vector_load %arg9[%parallel_loop3A_238, %parallel_loop3A_239] {strides = array<i32>} : memref<128x128xf32, #tpu.memory_space<vmem>>, vector<16xf32>,
      %parallel_loop3A_241 = arith.index_cast %parallel_loop3A_190 : i32 to index
      %parallel_loop3A_242 = arith.constant 48 : index
      %parallel_loop3A_243 = tpu.vector_load %arg8[%parallel_loop3A_241, %parallel_loop3A_242] {strides = array<i32>} : memref<128x128xf32, #tpu.memory_space<vmem>>, vector<16xf32>,
      %parallel_loop3A_244 = arith.constant 0.000000e+00 : f32
      %parallel_loop3A_245 = vector.broadcast %parallel_loop3A_244 : f32 to vector<16xf32>
      %parallel_loop3A_246 = arith.subf %parallel_loop3A_245, %parallel_loop3A_240 : vector<16xf32>
      %parallel_loop3A_247 = math.exp %parallel_loop3A_246 : vector<16xf32>
      %parallel_loop3A_248 = arith.constant 1.000000e+00 : f32
      %parallel_loop3A_249 = vector.broadcast %parallel_loop3A_248 : f32 to vector<16xf32>
      %parallel_loop3A_250 = arith.addf %parallel_loop3A_249, %parallel_loop3A_247 : vector<16xf32>
      %parallel_loop3A_251 = arith.divf %parallel_loop3A_243, %parallel_loop3A_250 : vector<16xf32>
      %parallel_loop3A_252 = arith.addf %parallel_loop3A_237, %parallel_loop3A_251 : vector<16xf32>
      %parallel_loop3A_253 = arith.index_cast %parallel_loop3A_190 : i32 to index
      %parallel_loop3A_254 = arith.constant 64 : index
      %parallel_loop3A_255 = tpu.vector_load %arg9[%parallel_loop3A_253, %parallel_loop3A_254] {strides = array<i32>} : memref<128x128xf32, #tpu.memory_space<vmem>>, vector<16xf32>,
      %parallel_loop3A_256 = arith.index_cast %parallel_loop3A_190 : i32 to index
      %parallel_loop3A_257 = arith.constant 64 : index
      %parallel_loop3A_258 = tpu.vector_load %arg8[%parallel_loop3A_256, %parallel_loop3A_257] {strides = array<i32>} : memref<128x128xf32, #tpu.memory_space<vmem>>, vector<16xf32>,
      %parallel_loop3A_259 = arith.constant 0.000000e+00 : f32
      %parallel_loop3A_260 = vector.broadcast %parallel_loop3A_259 : f32 to vector<16xf32>
      %parallel_loop3A_261 = arith.subf %parallel_loop3A_260, %parallel_loop3A_255 : vector<16xf32>
      %parallel_loop3A_262 = math.exp %parallel_loop3A_261 : vector<16xf32>
      %parallel_loop3A_263 = arith.constant 1.000000e+00 : f32
      %parallel_loop3A_264 = vector.broadcast %parallel_loop3A_263 : f32 to vector<16xf32>
      %parallel_loop3A_265 = arith.addf %parallel_loop3A_264, %parallel_loop3A_262 : vector<16xf32>
      %parallel_loop3A_266 = arith.divf %parallel_loop3A_258, %parallel_loop3A_265 : vector<16xf32>
      %parallel_loop3A_267 = arith.addf %parallel_loop3A_252, %parallel_loop3A_266 : vector<16xf32>
      %parallel_loop3A_268 = arith.index_cast %parallel_loop3A_190 : i32 to index
      %parallel_loop3A_269 = arith.constant 80 : index
      %parallel_loop3A_270 = tpu.vector_load %arg9[%parallel_loop3A_268, %parallel_loop3A_269] {strides = array<i32>} : memref<128x128xf32, #tpu.memory_space<vmem>>, vector<16xf32>,
      %parallel_loop3A_271 = arith.index_cast %parallel_loop3A_190 : i32 to index
      %parallel_loop3A_272 = arith.constant 80 : index
      %parallel_loop3A_273 = tpu.vector_load %arg8[%parallel_loop3A_271, %parallel_loop3A_272] {strides = array<i32>} : memref<128x128xf32, #tpu.memory_space<vmem>>, vector<16xf32>,
      %parallel_loop3A_274 = arith.constant 0.000000e+00 : f32
      %parallel_loop3A_275 = vector.broadcast %parallel_loop3A_274 : f32 to vector<16xf32>
      %parallel_loop3A_276 = arith.subf %parallel_loop3A_275, %parallel_loop3A_270 : vector<16xf32>
      %parallel_loop3A_277 = math.exp %parallel_loop3A_276 : vector<16xf32>
      %parallel_loop3A_278 = arith.constant 1.000000e+00 : f32
      %parallel_loop3A_279 = vector.broadcast %parallel_loop3A_278 : f32 to vector<16xf32>
      %parallel_loop3A_280 = arith.addf %parallel_loop3A_279, %parallel_loop3A_277 : vector<16xf32>
      %parallel_loop3A_281 = arith.divf %parallel_loop3A_273, %parallel_loop3A_280 : vector<16xf32>
      %parallel_loop3A_282 = arith.addf %parallel_loop3A_267, %parallel_loop3A_281 : vector<16xf32>
      %parallel_loop3A_283 = arith.index_cast %parallel_loop3A_190 : i32 to index
      %parallel_loop3A_284 = arith.constant 96 : index
      %parallel_loop3A_285 = tpu.vector_load %arg9[%parallel_loop3A_283, %parallel_loop3A_284] {strides = array<i32>} : memref<128x128xf32, #tpu.memory_space<vmem>>, vector<16xf32>,
      %parallel_loop3A_286 = arith.index_cast %parallel_loop3A_190 : i32 to index
      %parallel_loop3A_287 = arith.constant 96 : index
      %parallel_loop3A_288 = tpu.vector_load %arg8[%parallel_loop3A_286, %parallel_loop3A_287] {strides = array<i32>} : memref<128x128xf32, #tpu.memory_space<vmem>>, vector<16xf32>,
      %parallel_loop3A_289 = arith.constant 0.000000e+00 : f32
      %parallel_loop3A_290 = vector.broadcast %parallel_loop3A_289 : f32 to vector<16xf32>
      %parallel_loop3A_291 = arith.subf %parallel_loop3A_290, %parallel_loop3A_285 : vector<16xf32>
      %parallel_loop3A_292 = math.exp %parallel_loop3A_291 : vector<16xf32>
      %parallel_loop3A_293 = arith.constant 1.000000e+00 : f32
      %parallel_loop3A_294 = vector.broadcast %parallel_loop3A_293 : f32 to vector<16xf32>
      %parallel_loop3A_295 = arith.addf %parallel_loop3A_294, %parallel_loop3A_292 : vector<16xf32>
      %parallel_loop3A_296 = arith.divf %parallel_loop3A_288, %parallel_loop3A_295 : vector<16xf32>
      %parallel_loop3A_297 = arith.addf %parallel_loop3A_282, %parallel_loop3A_296 : vector<16xf32>
      %parallel_loop3A_298 = arith.index_cast %parallel_loop3A_190 : i32 to index
      %parallel_loop3A_299 = arith.constant 112 : index
      %parallel_loop3A_300 = tpu.vector_load %arg9[%parallel_loop3A_298, %parallel_loop3A_299] {strides = array<i32>} : memref<128x128xf32, #tpu.memory_space<vmem>>, vector<16xf32>,
      %parallel_loop3A_301 = arith.index_cast %parallel_loop3A_190 : i32 to index
      %parallel_loop3A_302 = arith.constant 112 : index
      %parallel_loop3A_303 = tpu.vector_load %arg8[%parallel_loop3A_301, %parallel_loop3A_302] {strides = array<i32>} : memref<128x128xf32, #tpu.memory_space<vmem>>, vector<16xf32>,
      %parallel_loop3A_304 = arith.constant 0.000000e+00 : f32
      %parallel_loop3A_305 = vector.broadcast %parallel_loop3A_304 : f32 to vector<16xf32>
      %parallel_loop3A_306 = arith.subf %parallel_loop3A_305, %parallel_loop3A_300 : vector<16xf32>
      %parallel_loop3A_307 = math.exp %parallel_loop3A_306 : vector<16xf32>
      %parallel_loop3A_308 = arith.constant 1.000000e+00 : f32
      %parallel_loop3A_309 = vector.broadcast %parallel_loop3A_308 : f32 to vector<16xf32>
      %parallel_loop3A_310 = arith.addf %parallel_loop3A_309, %parallel_loop3A_307 : vector<16xf32>
      %parallel_loop3A_311 = arith.divf %parallel_loop3A_303, %parallel_loop3A_310 : vector<16xf32>
      %parallel_loop3A_312 = arith.addf %parallel_loop3A_297, %parallel_loop3A_311 : vector<16xf32>
      %parallel_loop3A_313 = arith.constant 0 : i32
      %parallel_loop3A_314 = arith.addi %parallel_loop3A_313, %parallel_loop3A_190 : i32
      %parallel_loop3A_315 = arith.constant 16 : i32
      %parallel_loop3A_316 = arith.muli %parallel_loop3A_314, %parallel_loop3A_315 : i32
      %parallel_loop3A_317 = arith.index_cast %parallel_loop3A_316 : i32 to index
      %parallel_loop3A_318 = tpu.vector_load %arg15[%parallel_loop3A_317] {strides = array<i32>} : memref<8192xf32, #tpu.memory_space<vmem>>, vector<16xf32>,
      tpu.vector_store %arg15[%parallel_loop3A_317], %parallel_loop3A_312 {strides = array<i32>} : memref<8192xf32, #tpu.memory_space<vmem>>, vector<16xf32>,
    } {sc.loop_unroll_factor = 4 : i64, sc.parallel_access}
    %dma_start3A_61 = arith.constant 0 : i32
    %dma_start3A_62 = arith.constant 0 : i32
    %dma_start3A_63 = tpu.memref_slice %arg8[%dma_start3A_61, %dma_start3A_62] : memref<128x128xf32, #tpu.memory_space<vmem>> -> memref<128x128xf32, #tpu.memory_space<vmem>>
    %dma_start3A_64 = arith.constant 128 : i32
    %dma_start3A_65 = tpu.memref_slice %arg12[%dma_start3A_64] : memref<512xi32, #tpu.memory_space<vmem>> -> memref<128xi32, #tpu.memory_space<vmem>>
    %dma_start3A_66 = arith.constant 0 : i32
    %dma_start3A_67 = arith.constant 0 : i32
    %dma_start3A_68 = tpu.memref_slice %arg4[%dma_start3A_66, %dma_start3A_67] : memref<1000000x128xf32, #tpu.memory_space<hbm>> -> memref<1000000x128xf32, #tpu.memory_space<hbm>>
    tpu.enqueue_indirect_dma source(%dma_start3A_68 : memref<1000000x128xf32, #tpu.memory_space<hbm>>) target(%dma_start3A_63 : memref<128x128xf32, #tpu.memory_space<vmem>>) offsets(%dma_start3A_65 : memref<128xi32, #tpu.memory_space<vmem>>) semaphore(%arg17 : memref<!tpu.dma_semaphore, #tpu.memory_space<semaphore_mem>>)
    %dma_start3A_69 = arith.constant 0 : i32
    %dma_start3A_70 = arith.constant 0 : i32
    %dma_start3A_71 = tpu.memref_slice %arg9[%dma_start3A_69, %dma_start3A_70] : memref<128x128xf32, #tpu.memory_space<vmem>> -> memref<128x128xf32, #tpu.memory_space<vmem>>
    %dma_start3A_72 = arith.constant 128 : i32
    %dma_start3A_73 = tpu.memref_slice %arg13[%dma_start3A_72] : memref<512xi32, #tpu.memory_space<vmem>> -> memref<128xi32, #tpu.memory_space<vmem>>
    %dma_start3A_74 = arith.constant 0 : i32
    %dma_start3A_75 = arith.constant 0 : i32
    %dma_start3A_76 = tpu.memref_slice %arg5[%dma_start3A_74, %dma_start3A_75] : memref<100000x128xf32, #tpu.memory_space<hbm>> -> memref<100000x128xf32, #tpu.memory_space<hbm>>
    tpu.enqueue_indirect_dma source(%dma_start3A_76 : memref<100000x128xf32, #tpu.memory_space<hbm>>) target(%dma_start3A_71 : memref<128x128xf32, #tpu.memory_space<vmem>>) offsets(%dma_start3A_73 : memref<128xi32, #tpu.memory_space<vmem>>) semaphore(%arg17 : memref<!tpu.dma_semaphore, #tpu.memory_space<semaphore_mem>>)
    %dma_wait3A_77 = arith.constant 0 : i32
    %dma_wait3A_78 = arith.constant 0 : i32
    %dma_wait3A_79 = tpu.memref_slice %arg10[%dma_wait3A_77, %dma_wait3A_78] : memref<128x128xf32, #tpu.memory_space<vmem>> -> memref<96x128xf32, #tpu.memory_space<vmem>>
    %dma_wait3A_80 = arith.constant 32 : i32
    %dma_wait3A_81 = tpu.memref_slice %arg12[%dma_wait3A_80] : memref<512xi32, #tpu.memory_space<vmem>> -> memref<96xi32, #tpu.memory_space<vmem>>
    %dma_wait3A_82 = arith.constant 0 : i32
    %dma_wait3A_83 = arith.constant 0 : i32
    %dma_wait3A_84 = tpu.memref_slice %arg4[%dma_wait3A_82, %dma_wait3A_83] : memref<1000000x128xf32, #tpu.memory_space<hbm>> -> memref<1000000x128xf32, #tpu.memory_space<hbm>>
    tpu.wait_indirect_dma semaphore(%arg18 : memref<!tpu.dma_semaphore, #tpu.memory_space<semaphore_mem>>) src(%dma_wait3A_84 : memref<1000000x128xf32, #tpu.memory_space<hbm>>) dst(%dma_wait3A_79 : memref<96x128xf32, #tpu.memory_space<vmem>>)
    %dma_wait3A_85 = arith.constant 0 : i32
    %dma_wait3A_86 = arith.constant 0 : i32
    %dma_wait3A_87 = tpu.memref_slice %arg11[%dma_wait3A_85, %dma_wait3A_86] : memref<128x128xf32, #tpu.memory_space<vmem>> -> memref<96x128xf32, #tpu.memory_space<vmem>>
    %dma_wait3A_88 = arith.constant 32 : i32
    %dma_wait3A_89 = tpu.memref_slice %arg13[%dma_wait3A_88] : memref<512xi32, #tpu.memory_space<vmem>> -> memref<96xi32, #tpu.memory_space<vmem>>
    %dma_wait3A_90 = arith.constant 0 : i32
    %dma_wait3A_91 = arith.constant 0 : i32
    %dma_wait3A_92 = tpu.memref_slice %arg5[%dma_wait3A_90, %dma_wait3A_91] : memref<100000x128xf32, #tpu.memory_space<hbm>> -> memref<100000x128xf32, #tpu.memory_space<hbm>>
    tpu.wait_indirect_dma semaphore(%arg18 : memref<!tpu.dma_semaphore, #tpu.memory_space<semaphore_mem>>) src(%dma_wait3A_92 : memref<100000x128xf32, #tpu.memory_space<hbm>>) dst(%dma_wait3A_87 : memref<96x128xf32, #tpu.memory_space<vmem>>)
    %parallel_loop3A_93 = arith.constant 0 : i32
    %parallel_loop3A_94 = arith.constant 96 : i32
    %parallel_loop3A_95 = arith.constant 1 : i32
    scf.for %parallel_loop3A_190 = %parallel_loop3A_93 to %parallel_loop3A_94 step %parallel_loop3A_95  : i32 {
      %parallel_loop3A_191 = arith.constant 0.000000e+00 : f32
      %parallel_loop3A_192 = vector.broadcast %parallel_loop3A_191 : f32 to vector<16xf32>
      %parallel_loop3A_193 = arith.index_cast %parallel_loop3A_190 : i32 to index
      %parallel_loop3A_194 = arith.constant 0 : index
      %parallel_loop3A_195 = tpu.vector_load %arg11[%parallel_loop3A_193, %parallel_loop3A_194] {strides = array<i32>} : memref<128x128xf32, #tpu.memory_space<vmem>>, vector<16xf32>,
      %parallel_loop3A_196 = arith.index_cast %parallel_loop3A_190 : i32 to index
      %parallel_loop3A_197 = arith.constant 0 : index
      %parallel_loop3A_198 = tpu.vector_load %arg10[%parallel_loop3A_196, %parallel_loop3A_197] {strides = array<i32>} : memref<128x128xf32, #tpu.memory_space<vmem>>, vector<16xf32>,
      %parallel_loop3A_199 = arith.constant 0.000000e+00 : f32
      %parallel_loop3A_200 = vector.broadcast %parallel_loop3A_199 : f32 to vector<16xf32>
      %parallel_loop3A_201 = arith.subf %parallel_loop3A_200, %parallel_loop3A_195 : vector<16xf32>
      %parallel_loop3A_202 = math.exp %parallel_loop3A_201 : vector<16xf32>
      %parallel_loop3A_203 = arith.constant 1.000000e+00 : f32
      %parallel_loop3A_204 = vector.broadcast %parallel_loop3A_203 : f32 to vector<16xf32>
      %parallel_loop3A_205 = arith.addf %parallel_loop3A_204, %parallel_loop3A_202 : vector<16xf32>
      %parallel_loop3A_206 = arith.divf %parallel_loop3A_198, %parallel_loop3A_205 : vector<16xf32>
      %parallel_loop3A_207 = arith.addf %parallel_loop3A_192, %parallel_loop3A_206 : vector<16xf32>
      %parallel_loop3A_208 = arith.index_cast %parallel_loop3A_190 : i32 to index
      %parallel_loop3A_209 = arith.constant 16 : index
      %parallel_loop3A_210 = tpu.vector_load %arg11[%parallel_loop3A_208, %parallel_loop3A_209] {strides = array<i32>} : memref<128x128xf32, #tpu.memory_space<vmem>>, vector<16xf32>,
      %parallel_loop3A_211 = arith.index_cast %parallel_loop3A_190 : i32 to index
      %parallel_loop3A_212 = arith.constant 16 : index
      %parallel_loop3A_213 = tpu.vector_load %arg10[%parallel_loop3A_211, %parallel_loop3A_212] {strides = array<i32>} : memref<128x128xf32, #tpu.memory_space<vmem>>, vector<16xf32>,
      %parallel_loop3A_214 = arith.constant 0.000000e+00 : f32
      %parallel_loop3A_215 = vector.broadcast %parallel_loop3A_214 : f32 to vector<16xf32>
      %parallel_loop3A_216 = arith.subf %parallel_loop3A_215, %parallel_loop3A_210 : vector<16xf32>
      %parallel_loop3A_217 = math.exp %parallel_loop3A_216 : vector<16xf32>
      %parallel_loop3A_218 = arith.constant 1.000000e+00 : f32
      %parallel_loop3A_219 = vector.broadcast %parallel_loop3A_218 : f32 to vector<16xf32>
      %parallel_loop3A_220 = arith.addf %parallel_loop3A_219, %parallel_loop3A_217 : vector<16xf32>
      %parallel_loop3A_221 = arith.divf %parallel_loop3A_213, %parallel_loop3A_220 : vector<16xf32>
      %parallel_loop3A_222 = arith.addf %parallel_loop3A_207, %parallel_loop3A_221 : vector<16xf32>
      %parallel_loop3A_223 = arith.index_cast %parallel_loop3A_190 : i32 to index
      %parallel_loop3A_224 = arith.constant 32 : index
      %parallel_loop3A_225 = tpu.vector_load %arg11[%parallel_loop3A_223, %parallel_loop3A_224] {strides = array<i32>} : memref<128x128xf32, #tpu.memory_space<vmem>>, vector<16xf32>,
      %parallel_loop3A_226 = arith.index_cast %parallel_loop3A_190 : i32 to index
      %parallel_loop3A_227 = arith.constant 32 : index
      %parallel_loop3A_228 = tpu.vector_load %arg10[%parallel_loop3A_226, %parallel_loop3A_227] {strides = array<i32>} : memref<128x128xf32, #tpu.memory_space<vmem>>, vector<16xf32>,
      %parallel_loop3A_229 = arith.constant 0.000000e+00 : f32
      %parallel_loop3A_230 = vector.broadcast %parallel_loop3A_229 : f32 to vector<16xf32>
      %parallel_loop3A_231 = arith.subf %parallel_loop3A_230, %parallel_loop3A_225 : vector<16xf32>
      %parallel_loop3A_232 = math.exp %parallel_loop3A_231 : vector<16xf32>
      %parallel_loop3A_233 = arith.constant 1.000000e+00 : f32
      %parallel_loop3A_234 = vector.broadcast %parallel_loop3A_233 : f32 to vector<16xf32>
      %parallel_loop3A_235 = arith.addf %parallel_loop3A_234, %parallel_loop3A_232 : vector<16xf32>
      %parallel_loop3A_236 = arith.divf %parallel_loop3A_228, %parallel_loop3A_235 : vector<16xf32>
      %parallel_loop3A_237 = arith.addf %parallel_loop3A_222, %parallel_loop3A_236 : vector<16xf32>
      %parallel_loop3A_238 = arith.index_cast %parallel_loop3A_190 : i32 to index
      %parallel_loop3A_239 = arith.constant 48 : index
      %parallel_loop3A_240 = tpu.vector_load %arg11[%parallel_loop3A_238, %parallel_loop3A_239] {strides = array<i32>} : memref<128x128xf32, #tpu.memory_space<vmem>>, vector<16xf32>,
      %parallel_loop3A_241 = arith.index_cast %parallel_loop3A_190 : i32 to index
      %parallel_loop3A_242 = arith.constant 48 : index
      %parallel_loop3A_243 = tpu.vector_load %arg10[%parallel_loop3A_241, %parallel_loop3A_242] {strides = array<i32>} : memref<128x128xf32, #tpu.memory_space<vmem>>, vector<16xf32>,
      %parallel_loop3A_244 = arith.constant 0.000000e+00 : f32
      %parallel_loop3A_245 = vector.broadcast %parallel_loop3A_244 : f32 to vector<16xf32>
      %parallel_loop3A_246 = arith.subf %parallel_loop3A_245, %parallel_loop3A_240 : vector<16xf32>
      %parallel_loop3A_247 = math.exp %parallel_loop3A_246 : vector<16xf32>
      %parallel_loop3A_248 = arith.constant 1.000000e+00 : f32
      %parallel_loop3A_249 = vector.broadcast %parallel_loop3A_248 : f32 to vector<16xf32>
      %parallel_loop3A_250 = arith.addf %parallel_loop3A_249, %parallel_loop3A_247 : vector<16xf32>
      %parallel_loop3A_251 = arith.divf %parallel_loop3A_243, %parallel_loop3A_250 : vector<16xf32>
      %parallel_loop3A_252 = arith.addf %parallel_loop3A_237, %parallel_loop3A_251 : vector<16xf32>
      %parallel_loop3A_253 = arith.index_cast %parallel_loop3A_190 : i32 to index
      %parallel_loop3A_254 = arith.constant 64 : index
      %parallel_loop3A_255 = tpu.vector_load %arg11[%parallel_loop3A_253, %parallel_loop3A_254] {strides = array<i32>} : memref<128x128xf32, #tpu.memory_space<vmem>>, vector<16xf32>,
      %parallel_loop3A_256 = arith.index_cast %parallel_loop3A_190 : i32 to index
      %parallel_loop3A_257 = arith.constant 64 : index
      %parallel_loop3A_258 = tpu.vector_load %arg10[%parallel_loop3A_256, %parallel_loop3A_257] {strides = array<i32>} : memref<128x128xf32, #tpu.memory_space<vmem>>, vector<16xf32>,
      %parallel_loop3A_259 = arith.constant 0.000000e+00 : f32
      %parallel_loop3A_260 = vector.broadcast %parallel_loop3A_259 : f32 to vector<16xf32>
      %parallel_loop3A_261 = arith.subf %parallel_loop3A_260, %parallel_loop3A_255 : vector<16xf32>
      %parallel_loop3A_262 = math.exp %parallel_loop3A_261 : vector<16xf32>
      %parallel_loop3A_263 = arith.constant 1.000000e+00 : f32
      %parallel_loop3A_264 = vector.broadcast %parallel_loop3A_263 : f32 to vector<16xf32>
      %parallel_loop3A_265 = arith.addf %parallel_loop3A_264, %parallel_loop3A_262 : vector<16xf32>
      %parallel_loop3A_266 = arith.divf %parallel_loop3A_258, %parallel_loop3A_265 : vector<16xf32>
      %parallel_loop3A_267 = arith.addf %parallel_loop3A_252, %parallel_loop3A_266 : vector<16xf32>
      %parallel_loop3A_268 = arith.index_cast %parallel_loop3A_190 : i32 to index
      %parallel_loop3A_269 = arith.constant 80 : index
      %parallel_loop3A_270 = tpu.vector_load %arg11[%parallel_loop3A_268, %parallel_loop3A_269] {strides = array<i32>} : memref<128x128xf32, #tpu.memory_space<vmem>>, vector<16xf32>,
      %parallel_loop3A_271 = arith.index_cast %parallel_loop3A_190 : i32 to index
      %parallel_loop3A_272 = arith.constant 80 : index
      %parallel_loop3A_273 = tpu.vector_load %arg10[%parallel_loop3A_271, %parallel_loop3A_272] {strides = array<i32>} : memref<128x128xf32, #tpu.memory_space<vmem>>, vector<16xf32>,
      %parallel_loop3A_274 = arith.constant 0.000000e+00 : f32
      %parallel_loop3A_275 = vector.broadcast %parallel_loop3A_274 : f32 to vector<16xf32>
      %parallel_loop3A_276 = arith.subf %parallel_loop3A_275, %parallel_loop3A_270 : vector<16xf32>
      %parallel_loop3A_277 = math.exp %parallel_loop3A_276 : vector<16xf32>
      %parallel_loop3A_278 = arith.constant 1.000000e+00 : f32
      %parallel_loop3A_279 = vector.broadcast %parallel_loop3A_278 : f32 to vector<16xf32>
      %parallel_loop3A_280 = arith.addf %parallel_loop3A_279, %parallel_loop3A_277 : vector<16xf32>
      %parallel_loop3A_281 = arith.divf %parallel_loop3A_273, %parallel_loop3A_280 : vector<16xf32>
      %parallel_loop3A_282 = arith.addf %parallel_loop3A_267, %parallel_loop3A_281 : vector<16xf32>
      %parallel_loop3A_283 = arith.index_cast %parallel_loop3A_190 : i32 to index
      %parallel_loop3A_284 = arith.constant 96 : index
      %parallel_loop3A_285 = tpu.vector_load %arg11[%parallel_loop3A_283, %parallel_loop3A_284] {strides = array<i32>} : memref<128x128xf32, #tpu.memory_space<vmem>>, vector<16xf32>,
      %parallel_loop3A_286 = arith.index_cast %parallel_loop3A_190 : i32 to index
      %parallel_loop3A_287 = arith.constant 96 : index
      %parallel_loop3A_288 = tpu.vector_load %arg10[%parallel_loop3A_286, %parallel_loop3A_287] {strides = array<i32>} : memref<128x128xf32, #tpu.memory_space<vmem>>, vector<16xf32>,
      %parallel_loop3A_289 = arith.constant 0.000000e+00 : f32
      %parallel_loop3A_290 = vector.broadcast %parallel_loop3A_289 : f32 to vector<16xf32>
      %parallel_loop3A_291 = arith.subf %parallel_loop3A_290, %parallel_loop3A_285 : vector<16xf32>
      %parallel_loop3A_292 = math.exp %parallel_loop3A_291 : vector<16xf32>
      %parallel_loop3A_293 = arith.constant 1.000000e+00 : f32
      %parallel_loop3A_294 = vector.broadcast %parallel_loop3A_293 : f32 to vector<16xf32>
      %parallel_loop3A_295 = arith.addf %parallel_loop3A_294, %parallel_loop3A_292 : vector<16xf32>
      %parallel_loop3A_296 = arith.divf %parallel_loop3A_288, %parallel_loop3A_295 : vector<16xf32>
      %parallel_loop3A_297 = arith.addf %parallel_loop3A_282, %parallel_loop3A_296 : vector<16xf32>
      %parallel_loop3A_298 = arith.index_cast %parallel_loop3A_190 : i32 to index
      %parallel_loop3A_299 = arith.constant 112 : index
      %parallel_loop3A_300 = tpu.vector_load %arg11[%parallel_loop3A_298, %parallel_loop3A_299] {strides = array<i32>} : memref<128x128xf32, #tpu.memory_space<vmem>>, vector<16xf32>,
      %parallel_loop3A_301 = arith.index_cast %parallel_loop3A_190 : i32 to index
      %parallel_loop3A_302 = arith.constant 112 : index
      %parallel_loop3A_303 = tpu.vector_load %arg10[%parallel_loop3A_301, %parallel_loop3A_302] {strides = array<i32>} : memref<128x128xf32, #tpu.memory_space<vmem>>, vector<16xf32>,
      %parallel_loop3A_304 = arith.constant 0.000000e+00 : f32
      %parallel_loop3A_305 = vector.broadcast %parallel_loop3A_304 : f32 to vector<16xf32>
      %parallel_loop3A_306 = arith.subf %parallel_loop3A_305, %parallel_loop3A_300 : vector<16xf32>
      %parallel_loop3A_307 = math.exp %parallel_loop3A_306 : vector<16xf32>
      %parallel_loop3A_308 = arith.constant 1.000000e+00 : f32
      %parallel_loop3A_309 = vector.broadcast %parallel_loop3A_308 : f32 to vector<16xf32>
      %parallel_loop3A_310 = arith.addf %parallel_loop3A_309, %parallel_loop3A_307 : vector<16xf32>
      %parallel_loop3A_311 = arith.divf %parallel_loop3A_303, %parallel_loop3A_310 : vector<16xf32>
      %parallel_loop3A_312 = arith.addf %parallel_loop3A_297, %parallel_loop3A_311 : vector<16xf32>
      %parallel_loop3A_313 = arith.constant 32 : i32
      %parallel_loop3A_314 = arith.addi %parallel_loop3A_313, %parallel_loop3A_190 : i32
      %parallel_loop3A_315 = arith.constant 16 : i32
      %parallel_loop3A_316 = arith.muli %parallel_loop3A_314, %parallel_loop3A_315 : i32
      %parallel_loop3A_317 = arith.index_cast %parallel_loop3A_316 : i32 to index
      %parallel_loop3A_318 = tpu.vector_load %arg15[%parallel_loop3A_317] {strides = array<i32>} : memref<8192xf32, #tpu.memory_space<vmem>>, vector<16xf32>,
      tpu.vector_store %arg15[%parallel_loop3A_317], %parallel_loop3A_312 {strides = array<i32>} : memref<8192xf32, #tpu.memory_space<vmem>>, vector<16xf32>,
    } {sc.loop_unroll_factor = 4 : i64, sc.parallel_access}
    %dma_start3A_96 = arith.constant 0 : i32
    %dma_start3A_97 = arith.constant 0 : i32
    %dma_start3A_98 = tpu.memref_slice %arg10[%dma_start3A_96, %dma_start3A_97] : memref<128x128xf32, #tpu.memory_space<vmem>> -> memref<128x128xf32, #tpu.memory_space<vmem>>
    %dma_start3A_99 = arith.constant 256 : i32
    %dma_start3A_100 = tpu.memref_slice %arg12[%dma_start3A_99] : memref<512xi32, #tpu.memory_space<vmem>> -> memref<128xi32, #tpu.memory_space<vmem>>
    %dma_start3A_101 = arith.constant 0 : i32
    %dma_start3A_102 = arith.constant 0 : i32
    %dma_start3A_103 = tpu.memref_slice %arg4[%dma_start3A_101, %dma_start3A_102] : memref<1000000x128xf32, #tpu.memory_space<hbm>> -> memref<1000000x128xf32, #tpu.memory_space<hbm>>
    tpu.enqueue_indirect_dma source(%dma_start3A_103 : memref<1000000x128xf32, #tpu.memory_space<hbm>>) target(%dma_start3A_98 : memref<128x128xf32, #tpu.memory_space<vmem>>) offsets(%dma_start3A_100 : memref<128xi32, #tpu.memory_space<vmem>>) semaphore(%arg18 : memref<!tpu.dma_semaphore, #tpu.memory_space<semaphore_mem>>)
    %dma_start3A_104 = arith.constant 0 : i32
    %dma_start3A_105 = arith.constant 0 : i32
    %dma_start3A_106 = tpu.memref_slice %arg11[%dma_start3A_104, %dma_start3A_105] : memref<128x128xf32, #tpu.memory_space<vmem>> -> memref<128x128xf32, #tpu.memory_space<vmem>>
    %dma_start3A_107 = arith.constant 256 : i32
    %dma_start3A_108 = tpu.memref_slice %arg13[%dma_start3A_107] : memref<512xi32, #tpu.memory_space<vmem>> -> memref<128xi32, #tpu.memory_space<vmem>>
    %dma_start3A_109 = arith.constant 0 : i32
    %dma_start3A_110 = arith.constant 0 : i32
    %dma_start3A_111 = tpu.memref_slice %arg5[%dma_start3A_109, %dma_start3A_110] : memref<100000x128xf32, #tpu.memory_space<hbm>> -> memref<100000x128xf32, #tpu.memory_space<hbm>>
    tpu.enqueue_indirect_dma source(%dma_start3A_111 : memref<100000x128xf32, #tpu.memory_space<hbm>>) target(%dma_start3A_106 : memref<128x128xf32, #tpu.memory_space<vmem>>) offsets(%dma_start3A_108 : memref<128xi32, #tpu.memory_space<vmem>>) semaphore(%arg18 : memref<!tpu.dma_semaphore, #tpu.memory_space<semaphore_mem>>)
    %dma_wait3A_112 = arith.constant 0 : i32
    %dma_wait3A_113 = arith.constant 0 : i32
    %dma_wait3A_114 = tpu.memref_slice %arg8[%dma_wait3A_112, %dma_wait3A_113] : memref<128x128xf32, #tpu.memory_space<vmem>> -> memref<128x128xf32, #tpu.memory_space<vmem>>
    %dma_wait3A_115 = arith.constant 128 : i32
    %dma_wait3A_116 = tpu.memref_slice %arg12[%dma_wait3A_115] : memref<512xi32, #tpu.memory_space<vmem>> -> memref<128xi32, #tpu.memory_space<vmem>>
    %dma_wait3A_117 = arith.constant 0 : i32
    %dma_wait3A_118 = arith.constant 0 : i32
    %dma_wait3A_119 = tpu.memref_slice %arg4[%dma_wait3A_117, %dma_wait3A_118] : memref<1000000x128xf32, #tpu.memory_space<hbm>> -> memref<1000000x128xf32, #tpu.memory_space<hbm>>
    tpu.wait_indirect_dma semaphore(%arg17 : memref<!tpu.dma_semaphore, #tpu.memory_space<semaphore_mem>>) src(%dma_wait3A_119 : memref<1000000x128xf32, #tpu.memory_space<hbm>>) dst(%dma_wait3A_114 : memref<128x128xf32, #tpu.memory_space<vmem>>)
    %dma_wait3A_120 = arith.constant 0 : i32
    %dma_wait3A_121 = arith.constant 0 : i32
    %dma_wait3A_122 = tpu.memref_slice %arg9[%dma_wait3A_120, %dma_wait3A_121] : memref<128x128xf32, #tpu.memory_space<vmem>> -> memref<128x128xf32, #tpu.memory_space<vmem>>
    %dma_wait3A_123 = arith.constant 128 : i32
    %dma_wait3A_124 = tpu.memref_slice %arg13[%dma_wait3A_123] : memref<512xi32, #tpu.memory_space<vmem>> -> memref<128xi32, #tpu.memory_space<vmem>>
    %dma_wait3A_125 = arith.constant 0 : i32
    %dma_wait3A_126 = arith.constant 0 : i32
    %dma_wait3A_127 = tpu.memref_slice %arg5[%dma_wait3A_125, %dma_wait3A_126] : memref<100000x128xf32, #tpu.memory_space<hbm>> -> memref<100000x128xf32, #tpu.memory_space<hbm>>
    tpu.wait_indirect_dma semaphore(%arg17 : memref<!tpu.dma_semaphore, #tpu.memory_space<semaphore_mem>>) src(%dma_wait3A_127 : memref<100000x128xf32, #tpu.memory_space<hbm>>) dst(%dma_wait3A_122 : memref<128x128xf32, #tpu.memory_space<vmem>>)
    %parallel_loop3A_128 = arith.constant 0 : i32
    %parallel_loop3A_129 = arith.constant 128 : i32
    %parallel_loop3A_130 = arith.constant 1 : i32
    scf.for %parallel_loop3A_190 = %parallel_loop3A_128 to %parallel_loop3A_129 step %parallel_loop3A_130  : i32 {
      %parallel_loop3A_191 = arith.constant 0.000000e+00 : f32
      %parallel_loop3A_192 = vector.broadcast %parallel_loop3A_191 : f32 to vector<16xf32>
      %parallel_loop3A_193 = arith.index_cast %parallel_loop3A_190 : i32 to index
      %parallel_loop3A_194 = arith.constant 0 : index
      %parallel_loop3A_195 = tpu.vector_load %arg9[%parallel_loop3A_193, %parallel_loop3A_194] {strides = array<i32>} : memref<128x128xf32, #tpu.memory_space<vmem>>, vector<16xf32>,
      %parallel_loop3A_196 = arith.index_cast %parallel_loop3A_190 : i32 to index
      %parallel_loop3A_197 = arith.constant 0 : index
      %parallel_loop3A_198 = tpu.vector_load %arg8[%parallel_loop3A_196, %parallel_loop3A_197] {strides = array<i32>} : memref<128x128xf32, #tpu.memory_space<vmem>>, vector<16xf32>,
      %parallel_loop3A_199 = arith.constant 0.000000e+00 : f32
      %parallel_loop3A_200 = vector.broadcast %parallel_loop3A_199 : f32 to vector<16xf32>
      %parallel_loop3A_201 = arith.subf %parallel_loop3A_200, %parallel_loop3A_195 : vector<16xf32>
      %parallel_loop3A_202 = math.exp %parallel_loop3A_201 : vector<16xf32>
      %parallel_loop3A_203 = arith.constant 1.000000e+00 : f32
      %parallel_loop3A_204 = vector.broadcast %parallel_loop3A_203 : f32 to vector<16xf32>
      %parallel_loop3A_205 = arith.addf %parallel_loop3A_204, %parallel_loop3A_202 : vector<16xf32>
      %parallel_loop3A_206 = arith.divf %parallel_loop3A_198, %parallel_loop3A_205 : vector<16xf32>
      %parallel_loop3A_207 = arith.addf %parallel_loop3A_192, %parallel_loop3A_206 : vector<16xf32>
      %parallel_loop3A_208 = arith.index_cast %parallel_loop3A_190 : i32 to index
      %parallel_loop3A_209 = arith.constant 16 : index
      %parallel_loop3A_210 = tpu.vector_load %arg9[%parallel_loop3A_208, %parallel_loop3A_209] {strides = array<i32>} : memref<128x128xf32, #tpu.memory_space<vmem>>, vector<16xf32>,
      %parallel_loop3A_211 = arith.index_cast %parallel_loop3A_190 : i32 to index
      %parallel_loop3A_212 = arith.constant 16 : index
      %parallel_loop3A_213 = tpu.vector_load %arg8[%parallel_loop3A_211, %parallel_loop3A_212] {strides = array<i32>} : memref<128x128xf32, #tpu.memory_space<vmem>>, vector<16xf32>,
      %parallel_loop3A_214 = arith.constant 0.000000e+00 : f32
      %parallel_loop3A_215 = vector.broadcast %parallel_loop3A_214 : f32 to vector<16xf32>
      %parallel_loop3A_216 = arith.subf %parallel_loop3A_215, %parallel_loop3A_210 : vector<16xf32>
      %parallel_loop3A_217 = math.exp %parallel_loop3A_216 : vector<16xf32>
      %parallel_loop3A_218 = arith.constant 1.000000e+00 : f32
      %parallel_loop3A_219 = vector.broadcast %parallel_loop3A_218 : f32 to vector<16xf32>
      %parallel_loop3A_220 = arith.addf %parallel_loop3A_219, %parallel_loop3A_217 : vector<16xf32>
      %parallel_loop3A_221 = arith.divf %parallel_loop3A_213, %parallel_loop3A_220 : vector<16xf32>
      %parallel_loop3A_222 = arith.addf %parallel_loop3A_207, %parallel_loop3A_221 : vector<16xf32>
      %parallel_loop3A_223 = arith.index_cast %parallel_loop3A_190 : i32 to index
      %parallel_loop3A_224 = arith.constant 32 : index
      %parallel_loop3A_225 = tpu.vector_load %arg9[%parallel_loop3A_223, %parallel_loop3A_224] {strides = array<i32>} : memref<128x128xf32, #tpu.memory_space<vmem>>, vector<16xf32>,
      %parallel_loop3A_226 = arith.index_cast %parallel_loop3A_190 : i32 to index
      %parallel_loop3A_227 = arith.constant 32 : index
      %parallel_loop3A_228 = tpu.vector_load %arg8[%parallel_loop3A_226, %parallel_loop3A_227] {strides = array<i32>} : memref<128x128xf32, #tpu.memory_space<vmem>>, vector<16xf32>,
      %parallel_loop3A_229 = arith.constant 0.000000e+00 : f32
      %parallel_loop3A_230 = vector.broadcast %parallel_loop3A_229 : f32 to vector<16xf32>
      %parallel_loop3A_231 = arith.subf %parallel_loop3A_230, %parallel_loop3A_225 : vector<16xf32>
      %parallel_loop3A_232 = math.exp %parallel_loop3A_231 : vector<16xf32>
      %parallel_loop3A_233 = arith.constant 1.000000e+00 : f32
      %parallel_loop3A_234 = vector.broadcast %parallel_loop3A_233 : f32 to vector<16xf32>
      %parallel_loop3A_235 = arith.addf %parallel_loop3A_234, %parallel_loop3A_232 : vector<16xf32>
      %parallel_loop3A_236 = arith.divf %parallel_loop3A_228, %parallel_loop3A_235 : vector<16xf32>
      %parallel_loop3A_237 = arith.addf %parallel_loop3A_222, %parallel_loop3A_236 : vector<16xf32>
      %parallel_loop3A_238 = arith.index_cast %parallel_loop3A_190 : i32 to index
      %parallel_loop3A_239 = arith.constant 48 : index
      %parallel_loop3A_240 = tpu.vector_load %arg9[%parallel_loop3A_238, %parallel_loop3A_239] {strides = array<i32>} : memref<128x128xf32, #tpu.memory_space<vmem>>, vector<16xf32>,
      %parallel_loop3A_241 = arith.index_cast %parallel_loop3A_190 : i32 to index
      %parallel_loop3A_242 = arith.constant 48 : index
      %parallel_loop3A_243 = tpu.vector_load %arg8[%parallel_loop3A_241, %parallel_loop3A_242] {strides = array<i32>} : memref<128x128xf32, #tpu.memory_space<vmem>>, vector<16xf32>,
      %parallel_loop3A_244 = arith.constant 0.000000e+00 : f32
      %parallel_loop3A_245 = vector.broadcast %parallel_loop3A_244 : f32 to vector<16xf32>
      %parallel_loop3A_246 = arith.subf %parallel_loop3A_245, %parallel_loop3A_240 : vector<16xf32>
      %parallel_loop3A_247 = math.exp %parallel_loop3A_246 : vector<16xf32>
      %parallel_loop3A_248 = arith.constant 1.000000e+00 : f32
      %parallel_loop3A_249 = vector.broadcast %parallel_loop3A_248 : f32 to vector<16xf32>
      %parallel_loop3A_250 = arith.addf %parallel_loop3A_249, %parallel_loop3A_247 : vector<16xf32>
      %parallel_loop3A_251 = arith.divf %parallel_loop3A_243, %parallel_loop3A_250 : vector<16xf32>
      %parallel_loop3A_252 = arith.addf %parallel_loop3A_237, %parallel_loop3A_251 : vector<16xf32>
      %parallel_loop3A_253 = arith.index_cast %parallel_loop3A_190 : i32 to index
      %parallel_loop3A_254 = arith.constant 64 : index
      %parallel_loop3A_255 = tpu.vector_load %arg9[%parallel_loop3A_253, %parallel_loop3A_254] {strides = array<i32>} : memref<128x128xf32, #tpu.memory_space<vmem>>, vector<16xf32>,
      %parallel_loop3A_256 = arith.index_cast %parallel_loop3A_190 : i32 to index
      %parallel_loop3A_257 = arith.constant 64 : index
      %parallel_loop3A_258 = tpu.vector_load %arg8[%parallel_loop3A_256, %parallel_loop3A_257] {strides = array<i32>} : memref<128x128xf32, #tpu.memory_space<vmem>>, vector<16xf32>,
      %parallel_loop3A_259 = arith.constant 0.000000e+00 : f32
      %parallel_loop3A_260 = vector.broadcast %parallel_loop3A_259 : f32 to vector<16xf32>
      %parallel_loop3A_261 = arith.subf %parallel_loop3A_260, %parallel_loop3A_255 : vector<16xf32>
      %parallel_loop3A_262 = math.exp %parallel_loop3A_261 : vector<16xf32>
      %parallel_loop3A_263 = arith.constant 1.000000e+00 : f32
      %parallel_loop3A_264 = vector.broadcast %parallel_loop3A_263 : f32 to vector<16xf32>
      %parallel_loop3A_265 = arith.addf %parallel_loop3A_264, %parallel_loop3A_262 : vector<16xf32>
      %parallel_loop3A_266 = arith.divf %parallel_loop3A_258, %parallel_loop3A_265 : vector<16xf32>
      %parallel_loop3A_267 = arith.addf %parallel_loop3A_252, %parallel_loop3A_266 : vector<16xf32>
      %parallel_loop3A_268 = arith.index_cast %parallel_loop3A_190 : i32 to index
      %parallel_loop3A_269 = arith.constant 80 : index
      %parallel_loop3A_270 = tpu.vector_load %arg9[%parallel_loop3A_268, %parallel_loop3A_269] {strides = array<i32>} : memref<128x128xf32, #tpu.memory_space<vmem>>, vector<16xf32>,
      %parallel_loop3A_271 = arith.index_cast %parallel_loop3A_190 : i32 to index
      %parallel_loop3A_272 = arith.constant 80 : index
      %parallel_loop3A_273 = tpu.vector_load %arg8[%parallel_loop3A_271, %parallel_loop3A_272] {strides = array<i32>} : memref<128x128xf32, #tpu.memory_space<vmem>>, vector<16xf32>,
      %parallel_loop3A_274 = arith.constant 0.000000e+00 : f32
      %parallel_loop3A_275 = vector.broadcast %parallel_loop3A_274 : f32 to vector<16xf32>
      %parallel_loop3A_276 = arith.subf %parallel_loop3A_275, %parallel_loop3A_270 : vector<16xf32>
      %parallel_loop3A_277 = math.exp %parallel_loop3A_276 : vector<16xf32>
      %parallel_loop3A_278 = arith.constant 1.000000e+00 : f32
      %parallel_loop3A_279 = vector.broadcast %parallel_loop3A_278 : f32 to vector<16xf32>
      %parallel_loop3A_280 = arith.addf %parallel_loop3A_279, %parallel_loop3A_277 : vector<16xf32>
      %parallel_loop3A_281 = arith.divf %parallel_loop3A_273, %parallel_loop3A_280 : vector<16xf32>
      %parallel_loop3A_282 = arith.addf %parallel_loop3A_267, %parallel_loop3A_281 : vector<16xf32>
      %parallel_loop3A_283 = arith.index_cast %parallel_loop3A_190 : i32 to index
      %parallel_loop3A_284 = arith.constant 96 : index
      %parallel_loop3A_285 = tpu.vector_load %arg9[%parallel_loop3A_283, %parallel_loop3A_284] {strides = array<i32>} : memref<128x128xf32, #tpu.memory_space<vmem>>, vector<16xf32>,
      %parallel_loop3A_286 = arith.index_cast %parallel_loop3A_190 : i32 to index
      %parallel_loop3A_287 = arith.constant 96 : index
      %parallel_loop3A_288 = tpu.vector_load %arg8[%parallel_loop3A_286, %parallel_loop3A_287] {strides = array<i32>} : memref<128x128xf32, #tpu.memory_space<vmem>>, vector<16xf32>,
      %parallel_loop3A_289 = arith.constant 0.000000e+00 : f32
      %parallel_loop3A_290 = vector.broadcast %parallel_loop3A_289 : f32 to vector<16xf32>
      %parallel_loop3A_291 = arith.subf %parallel_loop3A_290, %parallel_loop3A_285 : vector<16xf32>
      %parallel_loop3A_292 = math.exp %parallel_loop3A_291 : vector<16xf32>
      %parallel_loop3A_293 = arith.constant 1.000000e+00 : f32
      %parallel_loop3A_294 = vector.broadcast %parallel_loop3A_293 : f32 to vector<16xf32>
      %parallel_loop3A_295 = arith.addf %parallel_loop3A_294, %parallel_loop3A_292 : vector<16xf32>
      %parallel_loop3A_296 = arith.divf %parallel_loop3A_288, %parallel_loop3A_295 : vector<16xf32>
      %parallel_loop3A_297 = arith.addf %parallel_loop3A_282, %parallel_loop3A_296 : vector<16xf32>
      %parallel_loop3A_298 = arith.index_cast %parallel_loop3A_190 : i32 to index
      %parallel_loop3A_299 = arith.constant 112 : index
      %parallel_loop3A_300 = tpu.vector_load %arg9[%parallel_loop3A_298, %parallel_loop3A_299] {strides = array<i32>} : memref<128x128xf32, #tpu.memory_space<vmem>>, vector<16xf32>,
      %parallel_loop3A_301 = arith.index_cast %parallel_loop3A_190 : i32 to index
      %parallel_loop3A_302 = arith.constant 112 : index
      %parallel_loop3A_303 = tpu.vector_load %arg8[%parallel_loop3A_301, %parallel_loop3A_302] {strides = array<i32>} : memref<128x128xf32, #tpu.memory_space<vmem>>, vector<16xf32>,
      %parallel_loop3A_304 = arith.constant 0.000000e+00 : f32
      %parallel_loop3A_305 = vector.broadcast %parallel_loop3A_304 : f32 to vector<16xf32>
      %parallel_loop3A_306 = arith.subf %parallel_loop3A_305, %parallel_loop3A_300 : vector<16xf32>
      %parallel_loop3A_307 = math.exp %parallel_loop3A_306 : vector<16xf32>
      %parallel_loop3A_308 = arith.constant 1.000000e+00 : f32
      %parallel_loop3A_309 = vector.broadcast %parallel_loop3A_308 : f32 to vector<16xf32>
      %parallel_loop3A_310 = arith.addf %parallel_loop3A_309, %parallel_loop3A_307 : vector<16xf32>
      %parallel_loop3A_311 = arith.divf %parallel_loop3A_303, %parallel_loop3A_310 : vector<16xf32>
      %parallel_loop3A_312 = arith.addf %parallel_loop3A_297, %parallel_loop3A_311 : vector<16xf32>
      %parallel_loop3A_313 = arith.constant 128 : i32
      %parallel_loop3A_314 = arith.addi %parallel_loop3A_313, %parallel_loop3A_190 : i32
      %parallel_loop3A_315 = arith.constant 16 : i32
      %parallel_loop3A_316 = arith.muli %parallel_loop3A_314, %parallel_loop3A_315 : i32
      %parallel_loop3A_317 = arith.index_cast %parallel_loop3A_316 : i32 to index
      %parallel_loop3A_318 = tpu.vector_load %arg15[%parallel_loop3A_317] {strides = array<i32>} : memref<8192xf32, #tpu.memory_space<vmem>>, vector<16xf32>,
      tpu.vector_store %arg15[%parallel_loop3A_317], %parallel_loop3A_312 {strides = array<i32>} : memref<8192xf32, #tpu.memory_space<vmem>>, vector<16xf32>,
    } {sc.loop_unroll_factor = 4 : i64, sc.parallel_access}
    %dma_start3A_131 = arith.constant 0 : i32
    %dma_start3A_132 = arith.constant 0 : i32
    %dma_start3A_133 = tpu.memref_slice %arg8[%dma_start3A_131, %dma_start3A_132] : memref<128x128xf32, #tpu.memory_space<vmem>> -> memref<128x128xf32, #tpu.memory_space<vmem>>
    %dma_start3A_134 = arith.constant 384 : i32
    %dma_start3A_135 = tpu.memref_slice %arg12[%dma_start3A_134] : memref<512xi32, #tpu.memory_space<vmem>> -> memref<128xi32, #tpu.memory_space<vmem>>
    %dma_start3A_136 = arith.constant 0 : i32
    %dma_start3A_137 = arith.constant 0 : i32
    %dma_start3A_138 = tpu.memref_slice %arg4[%dma_start3A_136, %dma_start3A_137] : memref<1000000x128xf32, #tpu.memory_space<hbm>> -> memref<1000000x128xf32, #tpu.memory_space<hbm>>
    tpu.enqueue_indirect_dma source(%dma_start3A_138 : memref<1000000x128xf32, #tpu.memory_space<hbm>>) target(%dma_start3A_133 : memref<128x128xf32, #tpu.memory_space<vmem>>) offsets(%dma_start3A_135 : memref<128xi32, #tpu.memory_space<vmem>>) semaphore(%arg17 : memref<!tpu.dma_semaphore, #tpu.memory_space<semaphore_mem>>)
    %dma_start3A_139 = arith.constant 0 : i32
    %dma_start3A_140 = arith.constant 0 : i32
    %dma_start3A_141 = tpu.memref_slice %arg9[%dma_start3A_139, %dma_start3A_140] : memref<128x128xf32, #tpu.memory_space<vmem>> -> memref<128x128xf32, #tpu.memory_space<vmem>>
    %dma_start3A_142 = arith.constant 384 : i32
    %dma_start3A_143 = tpu.memref_slice %arg13[%dma_start3A_142] : memref<512xi32, #tpu.memory_space<vmem>> -> memref<128xi32, #tpu.memory_space<vmem>>
    %dma_start3A_144 = arith.constant 0 : i32
    %dma_start3A_145 = arith.constant 0 : i32
    %dma_start3A_146 = tpu.memref_slice %arg5[%dma_start3A_144, %dma_start3A_145] : memref<100000x128xf32, #tpu.memory_space<hbm>> -> memref<100000x128xf32, #tpu.memory_space<hbm>>
    tpu.enqueue_indirect_dma source(%dma_start3A_146 : memref<100000x128xf32, #tpu.memory_space<hbm>>) target(%dma_start3A_141 : memref<128x128xf32, #tpu.memory_space<vmem>>) offsets(%dma_start3A_143 : memref<128xi32, #tpu.memory_space<vmem>>) semaphore(%arg17 : memref<!tpu.dma_semaphore, #tpu.memory_space<semaphore_mem>>)
    %dma_wait3A_147 = arith.constant 0 : i32
    %dma_wait3A_148 = arith.constant 0 : i32
    %dma_wait3A_149 = tpu.memref_slice %arg10[%dma_wait3A_147, %dma_wait3A_148] : memref<128x128xf32, #tpu.memory_space<vmem>> -> memref<128x128xf32, #tpu.memory_space<vmem>>
    %dma_wait3A_150 = arith.constant 256 : i32
    %dma_wait3A_151 = tpu.memref_slice %arg12[%dma_wait3A_150] : memref<512xi32, #tpu.memory_space<vmem>> -> memref<128xi32, #tpu.memory_space<vmem>>
    %dma_wait3A_152 = arith.constant 0 : i32
    %dma_wait3A_153 = arith.constant 0 : i32
    %dma_wait3A_154 = tpu.memref_slice %arg4[%dma_wait3A_152, %dma_wait3A_153] : memref<1000000x128xf32, #tpu.memory_space<hbm>> -> memref<1000000x128xf32, #tpu.memory_space<hbm>>
    tpu.wait_indirect_dma semaphore(%arg18 : memref<!tpu.dma_semaphore, #tpu.memory_space<semaphore_mem>>) src(%dma_wait3A_154 : memref<1000000x128xf32, #tpu.memory_space<hbm>>) dst(%dma_wait3A_149 : memref<128x128xf32, #tpu.memory_space<vmem>>)
    %dma_wait3A_155 = arith.constant 0 : i32
    %dma_wait3A_156 = arith.constant 0 : i32
    %dma_wait3A_157 = tpu.memref_slice %arg11[%dma_wait3A_155, %dma_wait3A_156] : memref<128x128xf32, #tpu.memory_space<vmem>> -> memref<128x128xf32, #tpu.memory_space<vmem>>
    %dma_wait3A_158 = arith.constant 256 : i32
    %dma_wait3A_159 = tpu.memref_slice %arg13[%dma_wait3A_158] : memref<512xi32, #tpu.memory_space<vmem>> -> memref<128xi32, #tpu.memory_space<vmem>>
    %dma_wait3A_160 = arith.constant 0 : i32
    %dma_wait3A_161 = arith.constant 0 : i32
    %dma_wait3A_162 = tpu.memref_slice %arg5[%dma_wait3A_160, %dma_wait3A_161] : memref<100000x128xf32, #tpu.memory_space<hbm>> -> memref<100000x128xf32, #tpu.memory_space<hbm>>
    tpu.wait_indirect_dma semaphore(%arg18 : memref<!tpu.dma_semaphore, #tpu.memory_space<semaphore_mem>>) src(%dma_wait3A_162 : memref<100000x128xf32, #tpu.memory_space<hbm>>) dst(%dma_wait3A_157 : memref<128x128xf32, #tpu.memory_space<vmem>>)
    %parallel_loop3A_163 = arith.constant 0 : i32
    %parallel_loop3A_164 = arith.constant 128 : i32
    %parallel_loop3A_165 = arith.constant 1 : i32
    scf.for %parallel_loop3A_190 = %parallel_loop3A_163 to %parallel_loop3A_164 step %parallel_loop3A_165  : i32 {
      %parallel_loop3A_191 = arith.constant 0.000000e+00 : f32
      %parallel_loop3A_192 = vector.broadcast %parallel_loop3A_191 : f32 to vector<16xf32>
      %parallel_loop3A_193 = arith.index_cast %parallel_loop3A_190 : i32 to index
      %parallel_loop3A_194 = arith.constant 0 : index
      %parallel_loop3A_195 = tpu.vector_load %arg11[%parallel_loop3A_193, %parallel_loop3A_194] {strides = array<i32>} : memref<128x128xf32, #tpu.memory_space<vmem>>, vector<16xf32>,
      %parallel_loop3A_196 = arith.index_cast %parallel_loop3A_190 : i32 to index
      %parallel_loop3A_197 = arith.constant 0 : index
      %parallel_loop3A_198 = tpu.vector_load %arg10[%parallel_loop3A_196, %parallel_loop3A_197] {strides = array<i32>} : memref<128x128xf32, #tpu.memory_space<vmem>>, vector<16xf32>,
      %parallel_loop3A_199 = arith.constant 0.000000e+00 : f32
      %parallel_loop3A_200 = vector.broadcast %parallel_loop3A_199 : f32 to vector<16xf32>
      %parallel_loop3A_201 = arith.subf %parallel_loop3A_200, %parallel_loop3A_195 : vector<16xf32>
      %parallel_loop3A_202 = math.exp %parallel_loop3A_201 : vector<16xf32>
      %parallel_loop3A_203 = arith.constant 1.000000e+00 : f32
      %parallel_loop3A_204 = vector.broadcast %parallel_loop3A_203 : f32 to vector<16xf32>
      %parallel_loop3A_205 = arith.addf %parallel_loop3A_204, %parallel_loop3A_202 : vector<16xf32>
      %parallel_loop3A_206 = arith.divf %parallel_loop3A_198, %parallel_loop3A_205 : vector<16xf32>
      %parallel_loop3A_207 = arith.addf %parallel_loop3A_192, %parallel_loop3A_206 : vector<16xf32>
      %parallel_loop3A_208 = arith.index_cast %parallel_loop3A_190 : i32 to index
      %parallel_loop3A_209 = arith.constant 16 : index
      %parallel_loop3A_210 = tpu.vector_load %arg11[%parallel_loop3A_208, %parallel_loop3A_209] {strides = array<i32>} : memref<128x128xf32, #tpu.memory_space<vmem>>, vector<16xf32>,
      %parallel_loop3A_211 = arith.index_cast %parallel_loop3A_190 : i32 to index
      %parallel_loop3A_212 = arith.constant 16 : index
      %parallel_loop3A_213 = tpu.vector_load %arg10[%parallel_loop3A_211, %parallel_loop3A_212] {strides = array<i32>} : memref<128x128xf32, #tpu.memory_space<vmem>>, vector<16xf32>,
      %parallel_loop3A_214 = arith.constant 0.000000e+00 : f32
      %parallel_loop3A_215 = vector.broadcast %parallel_loop3A_214 : f32 to vector<16xf32>
      %parallel_loop3A_216 = arith.subf %parallel_loop3A_215, %parallel_loop3A_210 : vector<16xf32>
      %parallel_loop3A_217 = math.exp %parallel_loop3A_216 : vector<16xf32>
      %parallel_loop3A_218 = arith.constant 1.000000e+00 : f32
      %parallel_loop3A_219 = vector.broadcast %parallel_loop3A_218 : f32 to vector<16xf32>
      %parallel_loop3A_220 = arith.addf %parallel_loop3A_219, %parallel_loop3A_217 : vector<16xf32>
      %parallel_loop3A_221 = arith.divf %parallel_loop3A_213, %parallel_loop3A_220 : vector<16xf32>
      %parallel_loop3A_222 = arith.addf %parallel_loop3A_207, %parallel_loop3A_221 : vector<16xf32>
      %parallel_loop3A_223 = arith.index_cast %parallel_loop3A_190 : i32 to index
      %parallel_loop3A_224 = arith.constant 32 : index
      %parallel_loop3A_225 = tpu.vector_load %arg11[%parallel_loop3A_223, %parallel_loop3A_224] {strides = array<i32>} : memref<128x128xf32, #tpu.memory_space<vmem>>, vector<16xf32>,
      %parallel_loop3A_226 = arith.index_cast %parallel_loop3A_190 : i32 to index
      %parallel_loop3A_227 = arith.constant 32 : index
      %parallel_loop3A_228 = tpu.vector_load %arg10[%parallel_loop3A_226, %parallel_loop3A_227] {strides = array<i32>} : memref<128x128xf32, #tpu.memory_space<vmem>>, vector<16xf32>,
      %parallel_loop3A_229 = arith.constant 0.000000e+00 : f32
      %parallel_loop3A_230 = vector.broadcast %parallel_loop3A_229 : f32 to vector<16xf32>
      %parallel_loop3A_231 = arith.subf %parallel_loop3A_230, %parallel_loop3A_225 : vector<16xf32>
      %parallel_loop3A_232 = math.exp %parallel_loop3A_231 : vector<16xf32>
      %parallel_loop3A_233 = arith.constant 1.000000e+00 : f32
      %parallel_loop3A_234 = vector.broadcast %parallel_loop3A_233 : f32 to vector<16xf32>
      %parallel_loop3A_235 = arith.addf %parallel_loop3A_234, %parallel_loop3A_232 : vector<16xf32>
      %parallel_loop3A_236 = arith.divf %parallel_loop3A_228, %parallel_loop3A_235 : vector<16xf32>
      %parallel_loop3A_237 = arith.addf %parallel_loop3A_222, %parallel_loop3A_236 : vector<16xf32>
      %parallel_loop3A_238 = arith.index_cast %parallel_loop3A_190 : i32 to index
      %parallel_loop3A_239 = arith.constant 48 : index
      %parallel_loop3A_240 = tpu.vector_load %arg11[%parallel_loop3A_238, %parallel_loop3A_239] {strides = array<i32>} : memref<128x128xf32, #tpu.memory_space<vmem>>, vector<16xf32>,
      %parallel_loop3A_241 = arith.index_cast %parallel_loop3A_190 : i32 to index
      %parallel_loop3A_242 = arith.constant 48 : index
      %parallel_loop3A_243 = tpu.vector_load %arg10[%parallel_loop3A_241, %parallel_loop3A_242] {strides = array<i32>} : memref<128x128xf32, #tpu.memory_space<vmem>>, vector<16xf32>,
      %parallel_loop3A_244 = arith.constant 0.000000e+00 : f32
      %parallel_loop3A_245 = vector.broadcast %parallel_loop3A_244 : f32 to vector<16xf32>
      %parallel_loop3A_246 = arith.subf %parallel_loop3A_245, %parallel_loop3A_240 : vector<16xf32>
      %parallel_loop3A_247 = math.exp %parallel_loop3A_246 : vector<16xf32>
      %parallel_loop3A_248 = arith.constant 1.000000e+00 : f32
      %parallel_loop3A_249 = vector.broadcast %parallel_loop3A_248 : f32 to vector<16xf32>
      %parallel_loop3A_250 = arith.addf %parallel_loop3A_249, %parallel_loop3A_247 : vector<16xf32>
      %parallel_loop3A_251 = arith.divf %parallel_loop3A_243, %parallel_loop3A_250 : vector<16xf32>
      %parallel_loop3A_252 = arith.addf %parallel_loop3A_237, %parallel_loop3A_251 : vector<16xf32>
      %parallel_loop3A_253 = arith.index_cast %parallel_loop3A_190 : i32 to index
      %parallel_loop3A_254 = arith.constant 64 : index
      %parallel_loop3A_255 = tpu.vector_load %arg11[%parallel_loop3A_253, %parallel_loop3A_254] {strides = array<i32>} : memref<128x128xf32, #tpu.memory_space<vmem>>, vector<16xf32>,
      %parallel_loop3A_256 = arith.index_cast %parallel_loop3A_190 : i32 to index
      %parallel_loop3A_257 = arith.constant 64 : index
      %parallel_loop3A_258 = tpu.vector_load %arg10[%parallel_loop3A_256, %parallel_loop3A_257] {strides = array<i32>} : memref<128x128xf32, #tpu.memory_space<vmem>>, vector<16xf32>,
      %parallel_loop3A_259 = arith.constant 0.000000e+00 : f32
      %parallel_loop3A_260 = vector.broadcast %parallel_loop3A_259 : f32 to vector<16xf32>
      %parallel_loop3A_261 = arith.subf %parallel_loop3A_260, %parallel_loop3A_255 : vector<16xf32>
      %parallel_loop3A_262 = math.exp %parallel_loop3A_261 : vector<16xf32>
      %parallel_loop3A_263 = arith.constant 1.000000e+00 : f32
      %parallel_loop3A_264 = vector.broadcast %parallel_loop3A_263 : f32 to vector<16xf32>
      %parallel_loop3A_265 = arith.addf %parallel_loop3A_264, %parallel_loop3A_262 : vector<16xf32>
      %parallel_loop3A_266 = arith.divf %parallel_loop3A_258, %parallel_loop3A_265 : vector<16xf32>
      %parallel_loop3A_267 = arith.addf %parallel_loop3A_252, %parallel_loop3A_266 : vector<16xf32>
      %parallel_loop3A_268 = arith.index_cast %parallel_loop3A_190 : i32 to index
      %parallel_loop3A_269 = arith.constant 80 : index
      %parallel_loop3A_270 = tpu.vector_load %arg11[%parallel_loop3A_268, %parallel_loop3A_269] {strides = array<i32>} : memref<128x128xf32, #tpu.memory_space<vmem>>, vector<16xf32>,
      %parallel_loop3A_271 = arith.index_cast %parallel_loop3A_190 : i32 to index
      %parallel_loop3A_272 = arith.constant 80 : index
      %parallel_loop3A_273 = tpu.vector_load %arg10[%parallel_loop3A_271, %parallel_loop3A_272] {strides = array<i32>} : memref<128x128xf32, #tpu.memory_space<vmem>>, vector<16xf32>,
      %parallel_loop3A_274 = arith.constant 0.000000e+00 : f32
      %parallel_loop3A_275 = vector.broadcast %parallel_loop3A_274 : f32 to vector<16xf32>
      %parallel_loop3A_276 = arith.subf %parallel_loop3A_275, %parallel_loop3A_270 : vector<16xf32>
      %parallel_loop3A_277 = math.exp %parallel_loop3A_276 : vector<16xf32>
      %parallel_loop3A_278 = arith.constant 1.000000e+00 : f32
      %parallel_loop3A_279 = vector.broadcast %parallel_loop3A_278 : f32 to vector<16xf32>
      %parallel_loop3A_280 = arith.addf %parallel_loop3A_279, %parallel_loop3A_277 : vector<16xf32>
      %parallel_loop3A_281 = arith.divf %parallel_loop3A_273, %parallel_loop3A_280 : vector<16xf32>
      %parallel_loop3A_282 = arith.addf %parallel_loop3A_267, %parallel_loop3A_281 : vector<16xf32>
      %parallel_loop3A_283 = arith.index_cast %parallel_loop3A_190 : i32 to index
      %parallel_loop3A_284 = arith.constant 96 : index
      %parallel_loop3A_285 = tpu.vector_load %arg11[%parallel_loop3A_283, %parallel_loop3A_284] {strides = array<i32>} : memref<128x128xf32, #tpu.memory_space<vmem>>, vector<16xf32>,
      %parallel_loop3A_286 = arith.index_cast %parallel_loop3A_190 : i32 to index
      %parallel_loop3A_287 = arith.constant 96 : index
      %parallel_loop3A_288 = tpu.vector_load %arg10[%parallel_loop3A_286, %parallel_loop3A_287] {strides = array<i32>} : memref<128x128xf32, #tpu.memory_space<vmem>>, vector<16xf32>,
      %parallel_loop3A_289 = arith.constant 0.000000e+00 : f32
      %parallel_loop3A_290 = vector.broadcast %parallel_loop3A_289 : f32 to vector<16xf32>
      %parallel_loop3A_291 = arith.subf %parallel_loop3A_290, %parallel_loop3A_285 : vector<16xf32>
      %parallel_loop3A_292 = math.exp %parallel_loop3A_291 : vector<16xf32>
      %parallel_loop3A_293 = arith.constant 1.000000e+00 : f32
      %parallel_loop3A_294 = vector.broadcast %parallel_loop3A_293 : f32 to vector<16xf32>
      %parallel_loop3A_295 = arith.addf %parallel_loop3A_294, %parallel_loop3A_292 : vector<16xf32>
      %parallel_loop3A_296 = arith.divf %parallel_loop3A_288, %parallel_loop3A_295 : vector<16xf32>
      %parallel_loop3A_297 = arith.addf %parallel_loop3A_282, %parallel_loop3A_296 : vector<16xf32>
      %parallel_loop3A_298 = arith.index_cast %parallel_loop3A_190 : i32 to index
      %parallel_loop3A_299 = arith.constant 112 : index
      %parallel_loop3A_300 = tpu.vector_load %arg11[%parallel_loop3A_298, %parallel_loop3A_299] {strides = array<i32>} : memref<128x128xf32, #tpu.memory_space<vmem>>, vector<16xf32>,
      %parallel_loop3A_301 = arith.index_cast %parallel_loop3A_190 : i32 to index
      %parallel_loop3A_302 = arith.constant 112 : index
      %parallel_loop3A_303 = tpu.vector_load %arg10[%parallel_loop3A_301, %parallel_loop3A_302] {strides = array<i32>} : memref<128x128xf32, #tpu.memory_space<vmem>>, vector<16xf32>,
      %parallel_loop3A_304 = arith.constant 0.000000e+00 : f32
      %parallel_loop3A_305 = vector.broadcast %parallel_loop3A_304 : f32 to vector<16xf32>
      %parallel_loop3A_306 = arith.subf %parallel_loop3A_305, %parallel_loop3A_300 : vector<16xf32>
      %parallel_loop3A_307 = math.exp %parallel_loop3A_306 : vector<16xf32>
      %parallel_loop3A_308 = arith.constant 1.000000e+00 : f32
      %parallel_loop3A_309 = vector.broadcast %parallel_loop3A_308 : f32 to vector<16xf32>
      %parallel_loop3A_310 = arith.addf %parallel_loop3A_309, %parallel_loop3A_307 : vector<16xf32>
      %parallel_loop3A_311 = arith.divf %parallel_loop3A_303, %parallel_loop3A_310 : vector<16xf32>
      %parallel_loop3A_312 = arith.addf %parallel_loop3A_297, %parallel_loop3A_311 : vector<16xf32>
      %parallel_loop3A_313 = arith.constant 256 : i32
      %parallel_loop3A_314 = arith.addi %parallel_loop3A_313, %parallel_loop3A_190 : i32
      %parallel_loop3A_315 = arith.constant 16 : i32
      %parallel_loop3A_316 = arith.muli %parallel_loop3A_314, %parallel_loop3A_315 : i32
      %parallel_loop3A_317 = arith.index_cast %parallel_loop3A_316 : i32 to index
      %parallel_loop3A_318 = tpu.vector_load %arg15[%parallel_loop3A_317] {strides = array<i32>} : memref<8192xf32, #tpu.memory_space<vmem>>, vector<16xf32>,
      tpu.vector_store %arg15[%parallel_loop3A_317], %parallel_loop3A_312 {strides = array<i32>} : memref<8192xf32, #tpu.memory_space<vmem>>, vector<16xf32>,
    } {sc.loop_unroll_factor = 4 : i64, sc.parallel_access}
    %dma_wait3A_166 = arith.constant 0 : i32
    %dma_wait3A_167 = arith.constant 0 : i32
    %dma_wait3A_168 = tpu.memref_slice %arg8[%dma_wait3A_166, %dma_wait3A_167] : memref<128x128xf32, #tpu.memory_space<vmem>> -> memref<128x128xf32, #tpu.memory_space<vmem>>
    %dma_wait3A_169 = arith.constant 384 : i32
    %dma_wait3A_170 = tpu.memref_slice %arg12[%dma_wait3A_169] : memref<512xi32, #tpu.memory_space<vmem>> -> memref<128xi32, #tpu.memory_space<vmem>>
    %dma_wait3A_171 = arith.constant 0 : i32
    %dma_wait3A_172 = arith.constant 0 : i32
    %dma_wait3A_173 = tpu.memref_slice %arg4[%dma_wait3A_171, %dma_wait3A_172] : memref<1000000x128xf32, #tpu.memory_space<hbm>> -> memref<1000000x128xf32, #tpu.memory_space<hbm>>
    tpu.wait_indirect_dma semaphore(%arg17 : memref<!tpu.dma_semaphore, #tpu.memory_space<semaphore_mem>>) src(%dma_wait3A_173 : memref<1000000x128xf32, #tpu.memory_space<hbm>>) dst(%dma_wait3A_168 : memref<128x128xf32, #tpu.memory_space<vmem>>)
    %dma_wait3A_174 = arith.constant 0 : i32
    %dma_wait3A_175 = arith.constant 0 : i32
    %dma_wait3A_176 = tpu.memref_slice %arg9[%dma_wait3A_174, %dma_wait3A_175] : memref<128x128xf32, #tpu.memory_space<vmem>> -> memref<128x128xf32, #tpu.memory_space<vmem>>
    %dma_wait3A_177 = arith.constant 384 : i32
    %dma_wait3A_178 = tpu.memref_slice %arg13[%dma_wait3A_177] : memref<512xi32, #tpu.memory_space<vmem>> -> memref<128xi32, #tpu.memory_space<vmem>>
    %dma_wait3A_179 = arith.constant 0 : i32
    %dma_wait3A_180 = arith.constant 0 : i32
    %dma_wait3A_181 = tpu.memref_slice %arg5[%dma_wait3A_179, %dma_wait3A_180] : memref<100000x128xf32, #tpu.memory_space<hbm>> -> memref<100000x128xf32, #tpu.memory_space<hbm>>
    tpu.wait_indirect_dma semaphore(%arg17 : memref<!tpu.dma_semaphore, #tpu.memory_space<semaphore_mem>>) src(%dma_wait3A_181 : memref<100000x128xf32, #tpu.memory_space<hbm>>) dst(%dma_wait3A_176 : memref<128x128xf32, #tpu.memory_space<vmem>>)
    %parallel_loop3A_182 = arith.constant 0 : i32
    %parallel_loop3A_183 = arith.constant 128 : i32
    %parallel_loop3A_184 = arith.constant 1 : i32
    scf.for %parallel_loop3A_190 = %parallel_loop3A_182 to %parallel_loop3A_183 step %parallel_loop3A_184  : i32 {
      %parallel_loop3A_191 = arith.constant 0.000000e+00 : f32
      %parallel_loop3A_192 = vector.broadcast %parallel_loop3A_191 : f32 to vector<16xf32>
      %parallel_loop3A_193 = arith.index_cast %parallel_loop3A_190 : i32 to index
      %parallel_loop3A_194 = arith.constant 0 : index
      %parallel_loop3A_195 = tpu.vector_load %arg9[%parallel_loop3A_193, %parallel_loop3A_194] {strides = array<i32>} : memref<128x128xf32, #tpu.memory_space<vmem>>, vector<16xf32>,
      %parallel_loop3A_196 = arith.index_cast %parallel_loop3A_190 : i32 to index
      %parallel_loop3A_197 = arith.constant 0 : index
      %parallel_loop3A_198 = tpu.vector_load %arg8[%parallel_loop3A_196, %parallel_loop3A_197] {strides = array<i32>} : memref<128x128xf32, #tpu.memory_space<vmem>>, vector<16xf32>,
      %parallel_loop3A_199 = arith.constant 0.000000e+00 : f32
      %parallel_loop3A_200 = vector.broadcast %parallel_loop3A_199 : f32 to vector<16xf32>
      %parallel_loop3A_201 = arith.subf %parallel_loop3A_200, %parallel_loop3A_195 : vector<16xf32>
      %parallel_loop3A_202 = math.exp %parallel_loop3A_201 : vector<16xf32>
      %parallel_loop3A_203 = arith.constant 1.000000e+00 : f32
      %parallel_loop3A_204 = vector.broadcast %parallel_loop3A_203 : f32 to vector<16xf32>
      %parallel_loop3A_205 = arith.addf %parallel_loop3A_204, %parallel_loop3A_202 : vector<16xf32>
      %parallel_loop3A_206 = arith.divf %parallel_loop3A_198, %parallel_loop3A_205 : vector<16xf32>
      %parallel_loop3A_207 = arith.addf %parallel_loop3A_192, %parallel_loop3A_206 : vector<16xf32>
      %parallel_loop3A_208 = arith.index_cast %parallel_loop3A_190 : i32 to index
      %parallel_loop3A_209 = arith.constant 16 : index
      %parallel_loop3A_210 = tpu.vector_load %arg9[%parallel_loop3A_208, %parallel_loop3A_209] {strides = array<i32>} : memref<128x128xf32, #tpu.memory_space<vmem>>, vector<16xf32>,
      %parallel_loop3A_211 = arith.index_cast %parallel_loop3A_190 : i32 to index
      %parallel_loop3A_212 = arith.constant 16 : index
      %parallel_loop3A_213 = tpu.vector_load %arg8[%parallel_loop3A_211, %parallel_loop3A_212] {strides = array<i32>} : memref<128x128xf32, #tpu.memory_space<vmem>>, vector<16xf32>,
      %parallel_loop3A_214 = arith.constant 0.000000e+00 : f32
      %parallel_loop3A_215 = vector.broadcast %parallel_loop3A_214 : f32 to vector<16xf32>
      %parallel_loop3A_216 = arith.subf %parallel_loop3A_215, %parallel_loop3A_210 : vector<16xf32>
      %parallel_loop3A_217 = math.exp %parallel_loop3A_216 : vector<16xf32>
      %parallel_loop3A_218 = arith.constant 1.000000e+00 : f32
      %parallel_loop3A_219 = vector.broadcast %parallel_loop3A_218 : f32 to vector<16xf32>
      %parallel_loop3A_220 = arith.addf %parallel_loop3A_219, %parallel_loop3A_217 : vector<16xf32>
      %parallel_loop3A_221 = arith.divf %parallel_loop3A_213, %parallel_loop3A_220 : vector<16xf32>
      %parallel_loop3A_222 = arith.addf %parallel_loop3A_207, %parallel_loop3A_221 : vector<16xf32>
      %parallel_loop3A_223 = arith.index_cast %parallel_loop3A_190 : i32 to index
      %parallel_loop3A_224 = arith.constant 32 : index
      %parallel_loop3A_225 = tpu.vector_load %arg9[%parallel_loop3A_223, %parallel_loop3A_224] {strides = array<i32>} : memref<128x128xf32, #tpu.memory_space<vmem>>, vector<16xf32>,
      %parallel_loop3A_226 = arith.index_cast %parallel_loop3A_190 : i32 to index
      %parallel_loop3A_227 = arith.constant 32 : index
      %parallel_loop3A_228 = tpu.vector_load %arg8[%parallel_loop3A_226, %parallel_loop3A_227] {strides = array<i32>} : memref<128x128xf32, #tpu.memory_space<vmem>>, vector<16xf32>,
      %parallel_loop3A_229 = arith.constant 0.000000e+00 : f32
      %parallel_loop3A_230 = vector.broadcast %parallel_loop3A_229 : f32 to vector<16xf32>
      %parallel_loop3A_231 = arith.subf %parallel_loop3A_230, %parallel_loop3A_225 : vector<16xf32>
      %parallel_loop3A_232 = math.exp %parallel_loop3A_231 : vector<16xf32>
      %parallel_loop3A_233 = arith.constant 1.000000e+00 : f32
      %parallel_loop3A_234 = vector.broadcast %parallel_loop3A_233 : f32 to vector<16xf32>
      %parallel_loop3A_235 = arith.addf %parallel_loop3A_234, %parallel_loop3A_232 : vector<16xf32>
      %parallel_loop3A_236 = arith.divf %parallel_loop3A_228, %parallel_loop3A_235 : vector<16xf32>
      %parallel_loop3A_237 = arith.addf %parallel_loop3A_222, %parallel_loop3A_236 : vector<16xf32>
      %parallel_loop3A_238 = arith.index_cast %parallel_loop3A_190 : i32 to index
      %parallel_loop3A_239 = arith.constant 48 : index
      %parallel_loop3A_240 = tpu.vector_load %arg9[%parallel_loop3A_238, %parallel_loop3A_239] {strides = array<i32>} : memref<128x128xf32, #tpu.memory_space<vmem>>, vector<16xf32>,
      %parallel_loop3A_241 = arith.index_cast %parallel_loop3A_190 : i32 to index
      %parallel_loop3A_242 = arith.constant 48 : index
      %parallel_loop3A_243 = tpu.vector_load %arg8[%parallel_loop3A_241, %parallel_loop3A_242] {strides = array<i32>} : memref<128x128xf32, #tpu.memory_space<vmem>>, vector<16xf32>,
      %parallel_loop3A_244 = arith.constant 0.000000e+00 : f32
      %parallel_loop3A_245 = vector.broadcast %parallel_loop3A_244 : f32 to vector<16xf32>
      %parallel_loop3A_246 = arith.subf %parallel_loop3A_245, %parallel_loop3A_240 : vector<16xf32>
      %parallel_loop3A_247 = math.exp %parallel_loop3A_246 : vector<16xf32>
      %parallel_loop3A_248 = arith.constant 1.000000e+00 : f32
      %parallel_loop3A_249 = vector.broadcast %parallel_loop3A_248 : f32 to vector<16xf32>
      %parallel_loop3A_250 = arith.addf %parallel_loop3A_249, %parallel_loop3A_247 : vector<16xf32>
      %parallel_loop3A_251 = arith.divf %parallel_loop3A_243, %parallel_loop3A_250 : vector<16xf32>
      %parallel_loop3A_252 = arith.addf %parallel_loop3A_237, %parallel_loop3A_251 : vector<16xf32>
      %parallel_loop3A_253 = arith.index_cast %parallel_loop3A_190 : i32 to index
      %parallel_loop3A_254 = arith.constant 64 : index
      %parallel_loop3A_255 = tpu.vector_load %arg9[%parallel_loop3A_253, %parallel_loop3A_254] {strides = array<i32>} : memref<128x128xf32, #tpu.memory_space<vmem>>, vector<16xf32>,
      %parallel_loop3A_256 = arith.index_cast %parallel_loop3A_190 : i32 to index
      %parallel_loop3A_257 = arith.constant 64 : index
      %parallel_loop3A_258 = tpu.vector_load %arg8[%parallel_loop3A_256, %parallel_loop3A_257] {strides = array<i32>} : memref<128x128xf32, #tpu.memory_space<vmem>>, vector<16xf32>,
      %parallel_loop3A_259 = arith.constant 0.000000e+00 : f32
      %parallel_loop3A_260 = vector.broadcast %parallel_loop3A_259 : f32 to vector<16xf32>
      %parallel_loop3A_261 = arith.subf %parallel_loop3A_260, %parallel_loop3A_255 : vector<16xf32>
      %parallel_loop3A_262 = math.exp %parallel_loop3A_261 : vector<16xf32>
      %parallel_loop3A_263 = arith.constant 1.000000e+00 : f32
      %parallel_loop3A_264 = vector.broadcast %parallel_loop3A_263 : f32 to vector<16xf32>
      %parallel_loop3A_265 = arith.addf %parallel_loop3A_264, %parallel_loop3A_262 : vector<16xf32>
      %parallel_loop3A_266 = arith.divf %parallel_loop3A_258, %parallel_loop3A_265 : vector<16xf32>
      %parallel_loop3A_267 = arith.addf %parallel_loop3A_252, %parallel_loop3A_266 : vector<16xf32>
      %parallel_loop3A_268 = arith.index_cast %parallel_loop3A_190 : i32 to index
      %parallel_loop3A_269 = arith.constant 80 : index
      %parallel_loop3A_270 = tpu.vector_load %arg9[%parallel_loop3A_268, %parallel_loop3A_269] {strides = array<i32>} : memref<128x128xf32, #tpu.memory_space<vmem>>, vector<16xf32>,
      %parallel_loop3A_271 = arith.index_cast %parallel_loop3A_190 : i32 to index
      %parallel_loop3A_272 = arith.constant 80 : index
      %parallel_loop3A_273 = tpu.vector_load %arg8[%parallel_loop3A_271, %parallel_loop3A_272] {strides = array<i32>} : memref<128x128xf32, #tpu.memory_space<vmem>>, vector<16xf32>,
      %parallel_loop3A_274 = arith.constant 0.000000e+00 : f32
      %parallel_loop3A_275 = vector.broadcast %parallel_loop3A_274 : f32 to vector<16xf32>
      %parallel_loop3A_276 = arith.subf %parallel_loop3A_275, %parallel_loop3A_270 : vector<16xf32>
      %parallel_loop3A_277 = math.exp %parallel_loop3A_276 : vector<16xf32>
      %parallel_loop3A_278 = arith.constant 1.000000e+00 : f32
      %parallel_loop3A_279 = vector.broadcast %parallel_loop3A_278 : f32 to vector<16xf32>
      %parallel_loop3A_280 = arith.addf %parallel_loop3A_279, %parallel_loop3A_277 : vector<16xf32>
      %parallel_loop3A_281 = arith.divf %parallel_loop3A_273, %parallel_loop3A_280 : vector<16xf32>
      %parallel_loop3A_282 = arith.addf %parallel_loop3A_267, %parallel_loop3A_281 : vector<16xf32>
      %parallel_loop3A_283 = arith.index_cast %parallel_loop3A_190 : i32 to index
      %parallel_loop3A_284 = arith.constant 96 : index
      %parallel_loop3A_285 = tpu.vector_load %arg9[%parallel_loop3A_283, %parallel_loop3A_284] {strides = array<i32>} : memref<128x128xf32, #tpu.memory_space<vmem>>, vector<16xf32>,
      %parallel_loop3A_286 = arith.index_cast %parallel_loop3A_190 : i32 to index
      %parallel_loop3A_287 = arith.constant 96 : index
      %parallel_loop3A_288 = tpu.vector_load %arg8[%parallel_loop3A_286, %parallel_loop3A_287] {strides = array<i32>} : memref<128x128xf32, #tpu.memory_space<vmem>>, vector<16xf32>,
      %parallel_loop3A_289 = arith.constant 0.000000e+00 : f32
      %parallel_loop3A_290 = vector.broadcast %parallel_loop3A_289 : f32 to vector<16xf32>
      %parallel_loop3A_291 = arith.subf %parallel_loop3A_290, %parallel_loop3A_285 : vector<16xf32>
      %parallel_loop3A_292 = math.exp %parallel_loop3A_291 : vector<16xf32>
      %parallel_loop3A_293 = arith.constant 1.000000e+00 : f32
      %parallel_loop3A_294 = vector.broadcast %parallel_loop3A_293 : f32 to vector<16xf32>
      %parallel_loop3A_295 = arith.addf %parallel_loop3A_294, %parallel_loop3A_292 : vector<16xf32>
      %parallel_loop3A_296 = arith.divf %parallel_loop3A_288, %parallel_loop3A_295 : vector<16xf32>
      %parallel_loop3A_297 = arith.addf %parallel_loop3A_282, %parallel_loop3A_296 : vector<16xf32>
      %parallel_loop3A_298 = arith.index_cast %parallel_loop3A_190 : i32 to index
      %parallel_loop3A_299 = arith.constant 112 : index
      %parallel_loop3A_300 = tpu.vector_load %arg9[%parallel_loop3A_298, %parallel_loop3A_299] {strides = array<i32>} : memref<128x128xf32, #tpu.memory_space<vmem>>, vector<16xf32>,
      %parallel_loop3A_301 = arith.index_cast %parallel_loop3A_190 : i32 to index
      %parallel_loop3A_302 = arith.constant 112 : index
      %parallel_loop3A_303 = tpu.vector_load %arg8[%parallel_loop3A_301, %parallel_loop3A_302] {strides = array<i32>} : memref<128x128xf32, #tpu.memory_space<vmem>>, vector<16xf32>,
      %parallel_loop3A_304 = arith.constant 0.000000e+00 : f32
      %parallel_loop3A_305 = vector.broadcast %parallel_loop3A_304 : f32 to vector<16xf32>
      %parallel_loop3A_306 = arith.subf %parallel_loop3A_305, %parallel_loop3A_300 : vector<16xf32>
      %parallel_loop3A_307 = math.exp %parallel_loop3A_306 : vector<16xf32>
      %parallel_loop3A_308 = arith.constant 1.000000e+00 : f32
      %parallel_loop3A_309 = vector.broadcast %parallel_loop3A_308 : f32 to vector<16xf32>
      %parallel_loop3A_310 = arith.addf %parallel_loop3A_309, %parallel_loop3A_307 : vector<16xf32>
      %parallel_loop3A_311 = arith.divf %parallel_loop3A_303, %parallel_loop3A_310 : vector<16xf32>
      %parallel_loop3A_312 = arith.addf %parallel_loop3A_297, %parallel_loop3A_311 : vector<16xf32>
      %parallel_loop3A_313 = arith.constant 384 : i32
      %parallel_loop3A_314 = arith.addi %parallel_loop3A_313, %parallel_loop3A_190 : i32
      %parallel_loop3A_315 = arith.constant 16 : i32
      %parallel_loop3A_316 = arith.muli %parallel_loop3A_314, %parallel_loop3A_315 : i32
      %parallel_loop3A_317 = arith.index_cast %parallel_loop3A_316 : i32 to index
      %parallel_loop3A_318 = tpu.vector_load %arg15[%parallel_loop3A_317] {strides = array<i32>} : memref<8192xf32, #tpu.memory_space<vmem>>, vector<16xf32>,
      tpu.vector_store %arg15[%parallel_loop3A_317], %parallel_loop3A_312 {strides = array<i32>} : memref<8192xf32, #tpu.memory_space<vmem>>, vector<16xf32>,
    } {sc.loop_unroll_factor = 4 : i64, sc.parallel_access}
    %dma_wait3A_185 = arith.constant 0 : i32
    %dma_wait3A_186 = tpu.memref_slice %arg6[%dma_wait3A_185] : memref<100000xf32, #tpu.memory_space<hbm>> -> memref<100000xf32, #tpu.memory_space<hbm>>
    tpu.wait_indirect_dma semaphore(%arg19 : memref<!tpu.dma_semaphore, #tpu.memory_space<semaphore_mem>>) src(%dma_wait3A_186 : memref<100000xf32, #tpu.memory_space<hbm>>) dst(%arg14 : memref<512xf32, #tpu.memory_space<vmem>>)
    %iota3A = tpu.iota {dimensions = array<i32: 0>} : vector<16xi32>
    %parallel_loop3A_187 = arith.constant 0 : i32
    %parallel_loop3A_188 = arith.constant 32 : i32
    %parallel_loop3A_189 = arith.constant 1 : i32
    scf.for %parallel_loop3A_190 = %parallel_loop3A_187 to %parallel_loop3A_188 step %parallel_loop3A_189  : i32 {
      %parallel_loop3A_191 = arith.constant 16 : i32
      %parallel_loop3A_192 = arith.muli %parallel_loop3A_190, %parallel_loop3A_191 : i32
      %parallel_loop3A_193 = arith.constant 16 : i32
      %parallel_loop3A_194 = arith.muli %parallel_loop3A_192, %parallel_loop3A_193 : i32
      %parallel_loop3A_195 = arith.constant 16 : i32
      %parallel_loop3A_196 = vector.broadcast %parallel_loop3A_195 : i32 to vector<16xi32>
      %parallel_loop3A_197 = arith.muli %iota3A, %parallel_loop3A_196 : vector<16xi32>
      %parallel_loop3A_198 = vector.broadcast %parallel_loop3A_194 : i32 to vector<16xi32>
      %parallel_loop3A_199 = arith.addi %parallel_loop3A_198, %parallel_loop3A_197 : vector<16xi32>
      %parallel_loop3A_200 = arith.constant 0.000000e+00 : f32
      %parallel_loop3A_201 = vector.broadcast %parallel_loop3A_200 : f32 to vector<16xf32>
      %parallel_loop3A_202 = arith.constant 0 : i32
      %parallel_loop3A_203 = vector.broadcast %parallel_loop3A_202 : i32 to vector<16xi32>
      %parallel_loop3A_204 = arith.addi %parallel_loop3A_199, %parallel_loop3A_203 : vector<16xi32>
      %parallel_loop3A_205 = tpu.vector_load_idx %arg15[%parallel_loop3A_204] : memref<8192xf32, #tpu.memory_space<vmem>>[vector<16xi32>], vector<16xf32>,
      %parallel_loop3A_206 = arith.addf %parallel_loop3A_201, %parallel_loop3A_205 : vector<16xf32>
      %parallel_loop3A_207 = arith.constant 1 : i32
      %parallel_loop3A_208 = vector.broadcast %parallel_loop3A_207 : i32 to vector<16xi32>
      %parallel_loop3A_209 = arith.addi %parallel_loop3A_199, %parallel_loop3A_208 : vector<16xi32>
      %parallel_loop3A_210 = tpu.vector_load_idx %arg15[%parallel_loop3A_209] : memref<8192xf32, #tpu.memory_space<vmem>>[vector<16xi32>], vector<16xf32>,
      %parallel_loop3A_211 = arith.addf %parallel_loop3A_206, %parallel_loop3A_210 : vector<16xf32>
      %parallel_loop3A_212 = arith.constant 2 : i32
      %parallel_loop3A_213 = vector.broadcast %parallel_loop3A_212 : i32 to vector<16xi32>
      %parallel_loop3A_214 = arith.addi %parallel_loop3A_199, %parallel_loop3A_213 : vector<16xi32>
      %parallel_loop3A_215 = tpu.vector_load_idx %arg15[%parallel_loop3A_214] : memref<8192xf32, #tpu.memory_space<vmem>>[vector<16xi32>], vector<16xf32>,
      %parallel_loop3A_216 = arith.addf %parallel_loop3A_211, %parallel_loop3A_215 : vector<16xf32>
      %parallel_loop3A_217 = arith.constant 3 : i32
      %parallel_loop3A_218 = vector.broadcast %parallel_loop3A_217 : i32 to vector<16xi32>
      %parallel_loop3A_219 = arith.addi %parallel_loop3A_199, %parallel_loop3A_218 : vector<16xi32>
      %parallel_loop3A_220 = tpu.vector_load_idx %arg15[%parallel_loop3A_219] : memref<8192xf32, #tpu.memory_space<vmem>>[vector<16xi32>], vector<16xf32>,
      %parallel_loop3A_221 = arith.addf %parallel_loop3A_216, %parallel_loop3A_220 : vector<16xf32>
      %parallel_loop3A_222 = arith.constant 4 : i32
      %parallel_loop3A_223 = vector.broadcast %parallel_loop3A_222 : i32 to vector<16xi32>
      %parallel_loop3A_224 = arith.addi %parallel_loop3A_199, %parallel_loop3A_223 : vector<16xi32>
      %parallel_loop3A_225 = tpu.vector_load_idx %arg15[%parallel_loop3A_224] : memref<8192xf32, #tpu.memory_space<vmem>>[vector<16xi32>], vector<16xf32>,
      %parallel_loop3A_226 = arith.addf %parallel_loop3A_221, %parallel_loop3A_225 : vector<16xf32>
      %parallel_loop3A_227 = arith.constant 5 : i32
      %parallel_loop3A_228 = vector.broadcast %parallel_loop3A_227 : i32 to vector<16xi32>
      %parallel_loop3A_229 = arith.addi %parallel_loop3A_199, %parallel_loop3A_228 : vector<16xi32>
      %parallel_loop3A_230 = tpu.vector_load_idx %arg15[%parallel_loop3A_229] : memref<8192xf32, #tpu.memory_space<vmem>>[vector<16xi32>], vector<16xf32>,
      %parallel_loop3A_231 = arith.addf %parallel_loop3A_226, %parallel_loop3A_230 : vector<16xf32>
      %parallel_loop3A_232 = arith.constant 6 : i32
      %parallel_loop3A_233 = vector.broadcast %parallel_loop3A_232 : i32 to vector<16xi32>
      %parallel_loop3A_234 = arith.addi %parallel_loop3A_199, %parallel_loop3A_233 : vector<16xi32>
      %parallel_loop3A_235 = tpu.vector_load_idx %arg15[%parallel_loop3A_234] : memref<8192xf32, #tpu.memory_space<vmem>>[vector<16xi32>], vector<16xf32>,
      %parallel_loop3A_236 = arith.addf %parallel_loop3A_231, %parallel_loop3A_235 : vector<16xf32>
      %parallel_loop3A_237 = arith.constant 7 : i32
      %parallel_loop3A_238 = vector.broadcast %parallel_loop3A_237 : i32 to vector<16xi32>
      %parallel_loop3A_239 = arith.addi %parallel_loop3A_199, %parallel_loop3A_238 : vector<16xi32>
      %parallel_loop3A_240 = tpu.vector_load_idx %arg15[%parallel_loop3A_239] : memref<8192xf32, #tpu.memory_space<vmem>>[vector<16xi32>], vector<16xf32>,
      %parallel_loop3A_241 = arith.addf %parallel_loop3A_236, %parallel_loop3A_240 : vector<16xf32>
      %parallel_loop3A_242 = arith.constant 8 : i32
      %parallel_loop3A_243 = vector.broadcast %parallel_loop3A_242 : i32 to vector<16xi32>
      %parallel_loop3A_244 = arith.addi %parallel_loop3A_199, %parallel_loop3A_243 : vector<16xi32>
      %parallel_loop3A_245 = tpu.vector_load_idx %arg15[%parallel_loop3A_244] : memref<8192xf32, #tpu.memory_space<vmem>>[vector<16xi32>], vector<16xf32>,
      %parallel_loop3A_246 = arith.addf %parallel_loop3A_241, %parallel_loop3A_245 : vector<16xf32>
      %parallel_loop3A_247 = arith.constant 9 : i32
      %parallel_loop3A_248 = vector.broadcast %parallel_loop3A_247 : i32 to vector<16xi32>
      %parallel_loop3A_249 = arith.addi %parallel_loop3A_199, %parallel_loop3A_248 : vector<16xi32>
      %parallel_loop3A_250 = tpu.vector_load_idx %arg15[%parallel_loop3A_249] : memref<8192xf32, #tpu.memory_space<vmem>>[vector<16xi32>], vector<16xf32>,
      %parallel_loop3A_251 = arith.addf %parallel_loop3A_246, %parallel_loop3A_250 : vector<16xf32>
      %parallel_loop3A_252 = arith.constant 10 : i32
      %parallel_loop3A_253 = vector.broadcast %parallel_loop3A_252 : i32 to vector<16xi32>
      %parallel_loop3A_254 = arith.addi %parallel_loop3A_199, %parallel_loop3A_253 : vector<16xi32>
      %parallel_loop3A_255 = tpu.vector_load_idx %arg15[%parallel_loop3A_254] : memref<8192xf32, #tpu.memory_space<vmem>>[vector<16xi32>], vector<16xf32>,
      %parallel_loop3A_256 = arith.addf %parallel_loop3A_251, %parallel_loop3A_255 : vector<16xf32>
      %parallel_loop3A_257 = arith.constant 11 : i32
      %parallel_loop3A_258 = vector.broadcast %parallel_loop3A_257 : i32 to vector<16xi32>
      %parallel_loop3A_259 = arith.addi %parallel_loop3A_199, %parallel_loop3A_258 : vector<16xi32>
      %parallel_loop3A_260 = tpu.vector_load_idx %arg15[%parallel_loop3A_259] : memref<8192xf32, #tpu.memory_space<vmem>>[vector<16xi32>], vector<16xf32>,
      %parallel_loop3A_261 = arith.addf %parallel_loop3A_256, %parallel_loop3A_260 : vector<16xf32>
      %parallel_loop3A_262 = arith.constant 12 : i32
      %parallel_loop3A_263 = vector.broadcast %parallel_loop3A_262 : i32 to vector<16xi32>
      %parallel_loop3A_264 = arith.addi %parallel_loop3A_199, %parallel_loop3A_263 : vector<16xi32>
      %parallel_loop3A_265 = tpu.vector_load_idx %arg15[%parallel_loop3A_264] : memref<8192xf32, #tpu.memory_space<vmem>>[vector<16xi32>], vector<16xf32>,
      %parallel_loop3A_266 = arith.addf %parallel_loop3A_261, %parallel_loop3A_265 : vector<16xf32>
      %parallel_loop3A_267 = arith.constant 13 : i32
      %parallel_loop3A_268 = vector.broadcast %parallel_loop3A_267 : i32 to vector<16xi32>
      %parallel_loop3A_269 = arith.addi %parallel_loop3A_199, %parallel_loop3A_268 : vector<16xi32>
      %parallel_loop3A_270 = tpu.vector_load_idx %arg15[%parallel_loop3A_269] : memref<8192xf32, #tpu.memory_space<vmem>>[vector<16xi32>], vector<16xf32>,
      %parallel_loop3A_271 = arith.addf %parallel_loop3A_266, %parallel_loop3A_270 : vector<16xf32>
      %parallel_loop3A_272 = arith.constant 14 : i32
      %parallel_loop3A_273 = vector.broadcast %parallel_loop3A_272 : i32 to vector<16xi32>
      %parallel_loop3A_274 = arith.addi %parallel_loop3A_199, %parallel_loop3A_273 : vector<16xi32>
      %parallel_loop3A_275 = tpu.vector_load_idx %arg15[%parallel_loop3A_274] : memref<8192xf32, #tpu.memory_space<vmem>>[vector<16xi32>], vector<16xf32>,
      %parallel_loop3A_276 = arith.addf %parallel_loop3A_271, %parallel_loop3A_275 : vector<16xf32>
      %parallel_loop3A_277 = arith.constant 15 : i32
      %parallel_loop3A_278 = vector.broadcast %parallel_loop3A_277 : i32 to vector<16xi32>
      %parallel_loop3A_279 = arith.addi %parallel_loop3A_199, %parallel_loop3A_278 : vector<16xi32>
      %parallel_loop3A_280 = tpu.vector_load_idx %arg15[%parallel_loop3A_279] : memref<8192xf32, #tpu.memory_space<vmem>>[vector<16xi32>], vector<16xf32>,
      %parallel_loop3A_281 = arith.addf %parallel_loop3A_276, %parallel_loop3A_280 : vector<16xf32>
      %parallel_loop3A_282 = arith.index_cast %parallel_loop3A_192 : i32 to index
      %parallel_loop3A_283 = tpu.vector_load %arg14[%parallel_loop3A_282] {strides = array<i32>} : memref<512xf32, #tpu.memory_space<vmem>>, vector<16xf32>,
      %parallel_loop3A_284 = arith.subf %parallel_loop3A_283, %parallel_loop3A_281 : vector<16xf32>
      %parallel_loop3A_285 = math.exp %parallel_loop3A_284 : vector<16xf32>
      %parallel_loop3A_286 = arith.constant 1.000000e+00 : f32
      %parallel_loop3A_287 = vector.broadcast %parallel_loop3A_286 : f32 to vector<16xf32>
      %parallel_loop3A_288 = arith.addf %parallel_loop3A_287, %parallel_loop3A_285 : vector<16xf32>
      %parallel_loop3A_289 = arith.constant 1.000000e+00 : f32
      %parallel_loop3A_290 = vector.broadcast %parallel_loop3A_289 : f32 to vector<16xf32>
      %parallel_loop3A_291 = arith.divf %parallel_loop3A_290, %parallel_loop3A_288 : vector<16xf32>
      %parallel_loop3A_292 = arith.index_cast %parallel_loop3A_192 : i32 to index
      %parallel_loop3A_293 = tpu.vector_load %arg16[%parallel_loop3A_292] {strides = array<i32>} : memref<512xf32, #tpu.memory_space<vmem>>, vector<16xf32>,
      tpu.vector_store %arg16[%parallel_loop3A_292], %parallel_loop3A_291 {strides = array<i32>} : memref<512xf32, #tpu.memory_space<vmem>>, vector<16xf32>,
    } {sc.loop_unroll_factor = 2 : i64, sc.parallel_access}
    "tpu.region"() ({
      %run_scoped3A = tpu.sem_alloc : memref<!tpu.dma_semaphore, #tpu.memory_space<semaphore_mem>>
      %dma_start3A_190 = tpu.memref_slice %arg7[%mul3A_2] : memref<16384xf32, #tpu.memory_space<hbm>> -> memref<512xf32, #tpu.memory_space<hbm>>
      %dma_start3A_191 = tpu.memref_slice %arg7[%mul3A_2] : memref<16384xf32, #tpu.memory_space<hbm>> -> memref<512xf32, #tpu.memory_space<hbm>>
      tpu.enqueue_dma source(%arg16 : memref<512xf32, #tpu.memory_space<vmem>>) target(%dma_start3A_191 : memref<512xf32, #tpu.memory_space<hbm>>) target_semaphore(%run_scoped3A : memref<!tpu.dma_semaphore, #tpu.memory_space<semaphore_mem>>)
      %dma_wait3A_192 = tpu.memref_slice %arg7[%mul3A_2] : memref<16384xf32, #tpu.memory_space<hbm>> -> memref<512xf32, #tpu.memory_space<hbm>>
      %dma_wait3A_193 = tpu.memref_slice %arg7[%mul3A_2] : memref<16384xf32, #tpu.memory_space<hbm>> -> memref<512xf32, #tpu.memory_space<hbm>>
      tpu.wait_dma2 semaphore(%run_scoped3A : memref<!tpu.dma_semaphore, #tpu.memory_space<semaphore_mem>>) src(%arg16 : memref<512xf32, #tpu.memory_space<vmem>>) dst(%dma_wait3A_193 : memref<512xf32, #tpu.memory_space<hbm>>)
      tpu.yield
    }) : () -> ()
    return
  }
}

</mosaic_0001>

<sc_bundles>
// kernel: kernel.3.cloned.1.call-start
scs
__scs_entry_jumppad:
0x0: {  	(pc) =	sbr.rel $0x88, $3  }
0x1: {  	(tag) =	ssettag $0x0;
	lr =	simm.s32 $0x1  }
0x2: {  	[smem:$0x3F9C] =	sst lr;
	_ =	strace $0xD0000000  }
0x3: {  	_ = 	snop  }
0x4: {  	_ = 	snop  }
0x5: {  	_ = 	snop  }
0x6: {  	_ = 	snop  }
0x7: {  	_ = 	snop  }
__scs_overlays_trampoline_lowered:
0x8: {  	[smem:$0x3FAB] =	sst s0  }
0x9: {  	[smem:$0x3FAC] =	sst s1  }
0xa: {  	[smem:$0x3FAD] =	sst s2  }
0xb: {  	[smem:$0x3FAE] =	sst s3  }
0xc: {  	[smem:$0x3FAF] =	sst s4  }
0xd: {  	[smem:$0x3FB0] =	sst s5  }
0xe: {  	[smem:$0x3FB1] =	sst s6  }
0xf: {  	[smem:$0x3FB2] =	sst s7  }
0x10: {  	[smem:$0x3FB3] =	sst s8  }
0x11: {  	[smem:$0x3FB4] =	sst s9;
	s0 =	simm.s32 @!p0 $0x0  }
0x12: {  	s1 =	sld [smem:$0x3F9A];
	s0 =	simm.s32 @p0 $0x1  }
0x13: {  	[smem:$0x3FB5] =	sst s0;
	s0 =	simm.s32 @!p1 $0x0  }
0x14: {  	s2 =	sld [smem:$0x3F99];
	s0 =	simm.s32 @p1 $0x1  }
0x15: {  	[smem:$0x3FB6] =	sst s0;
	s0 =	simm.s32 @!p2 $0x0  }
0x16: {  	s3 =	sld [smem:$0x3FDB];
	s0 =	simm.s32 @p2 $0x1  }
0x17: {  	s4 =	simm.s32 $0x1BF5;
	[smem:$0x3FB8] =	sst s0  }
0x18: {  	s0 =	sld [smem:$0x3F9B];
	_ =	swait.ge [sflag:s4], $0x0  }
0x19: {  	s7 =	sld [smem:$0x3F9C]  }
0x1a: {  	s8 =	sadd.s32 $0xFFFFE003, lr  }
0x1b: {  	s9 =	sadd.s32 $0xFFFFFEF7, lr;
	s5 =	simm.s32 $0xFFFFFFFF;
	p2 =	slt.u32 s8, $0xFFFFF086  }
0x1c: {  	p1 =	slt.u32 s9, $0xF7A;
	s5 =	simm.s32 @!p2 $0x0  }
0x1d: {  	s5 =	simm.s32 @p1 $0x1;
	p0 =	seq.s32 s7, s2  }
0x1e: {  	s7 =	smul.u32 @!p0 $0xF7A, s2;
	p2 =	seq.s32 @!p0 s5, $0x0  }
0x1f: {  	s9 =	smul.u32 $0xF7A, s1;
	s8 =	simm.s32 @!p0 $0x1BF5;
	p2 =	por !p2, p0  }
0x20: {  	[sflag:s8] =	ssyncset.s32 @!p0 $0xFFFFF086;
	s6 =	sadd.s32 @!p0 s3, s7;
	s7 =	simm.s32 @!p0 $0x108  }
0x21: {  	s3 =	sadd.s32 s3, s9;
	s6 =	sadd.s32 @!p0 $0x88, s6;
	s7 =	simm.s32 @p2 $0x1082  }
0x22: {  	[simem:s7], [sflag:s8] =	dma.local @!p0 [hbm:s6], $0xF7A  }
0x23: {  	s9 =	sor.u32 $0xD0000000, s2;
	s6 =	simm.s32 $0x108;
	_ =	swait.ge @!p0 [sflag:s8], $0x0  }
0x24: {  	s3 =	sadd.s32 $0x88, s3;
	s6 =	simm.s32 @!p1 $0x1082;
	[sflag:s4] =	ssyncset.s32 $0xFFFFF086  }
0x25: {  	[simem:s6], [sflag:s4] =	dma.local [hbm:s3], $0xF7A  }
0x26: {  	[smem:$0x3F9C] =	sst s1;
	(tag) =	ssettag s2;
	_ =	strace s9  }
0x27: {  	s1 =	sld [smem:$0x3FAC]  }
0x28: {  	s2 =	sld [smem:$0x3FAD]  }
0x29: {  	s4 =	sld [smem:$0x3FAF]  }
0x2a: {  	p0 =	seq.s32 s5, $0x0;
	s5 =	sld [smem:$0x3FB0]  }
0x2b: {  	s6 =	sld [smem:$0x3FB1]  }
0x2c: {  	s7 =	sld [smem:$0x3FB2]  }
0x2d: {  	s3 =	simm.s32 $0x108;
	s8 =	sld [smem:$0x3FB3]  }
0x2e: {  	s3 =	simm.s32 @!p0 $0x1082;
	s9 =	sld [smem:$0x3FB4]  }
0x2f: {  	lr =	sadd.s32 s0, s3;
	s0 =	sld [smem:$0x3FAB]  }
0x30: {  	s3 =	sld [smem:$0x3FAE]  }
0x31: {  	[smem:$0x3FB7] =	sst s10  }
0x32: {  	s10 =	sld [smem:$0x3FB5];
	_ =	sdelay $0x3  }
0x33: {  	p0 =	seq.s32 s10, $0x1;
	s10 =	sld [smem:$0x3FB7];
	_ =	sdelay $0x3  }
0x34: {  	[smem:$0x3FB7] =	sst s10  }
0x35: {  	s10 =	sld [smem:$0x3FB6];
	_ =	sdelay $0x3  }
0x36: {  	p1 =	seq.s32 s10, $0x1;
	s10 =	sld [smem:$0x3FB7];
	_ =	sdelay $0x3  }
0x37: {  	[smem:$0x3FB7] =	sst s10  }
0x38: {  	s10 =	sld [smem:$0x3FB8]  }
0x39: {  	_ = 	snop;
	(pc) =	sbr.ind lr, $3  }
0x3a: {  	_ = 	snop  }
0x3b: {  	_ = 	snop  }
0x3c: {  	p2 =	seq.s32 s10, $0x1;
	s10 =	sld [smem:$0x3FB7]  }
0x3d: {  	_ =	shalt  }
0x3e: {  	_ =	shalt  }
0x3f: {  	_ =	shalt  }
0x40: {  	_ =	shalt  }
0x41: {  	_ =	shalt  }
0x42: {  	_ =	shalt  }
0x43: {  	_ =	shalt  }
0x44: {  	_ =	shalt  }
0x45: {  	_ =	shalt  }
0x46: {  	_ =	shalt  }
0x47: {  	_ =	shalt  }
0x48: {  	_ =	shalt  }
0x49: {  	_ =	shalt  }
0x4a: {  	_ =	shalt  }
0x4b: {  	_ =	shalt  }
0x4c: {  	_ =	shalt  }
0x4d: {  	_ =	shalt  }
0x4e: {  	_ =	shalt  }
0x4f: {  	_ =	shalt  }
0x50: {  	_ =	shalt  }
0x51: {  	_ =	shalt  }
0x52: {  	_ =	shalt  }
0x53: {  	_ =	shalt  }
0x54: {  	_ =	shalt  }
0x55: {  	_ =	shalt  }
0x56: {  	_ =	shalt  }
0x57: {  	_ =	shalt  }
0x58: {  	_ =	shalt  }
0x59: {  	_ =	shalt  }
0x5a: {  	_ =	shalt  }
0x5b: {  	_ =	shalt  }
0x5c: {  	_ =	shalt  }
0x5d: {  	_ =	shalt  }
0x5e: {  	_ =	shalt  }
0x5f: {  	_ =	shalt  }
0x60: {  	_ =	shalt  }
0x61: {  	_ =	shalt  }
0x62: {  	_ =	shalt  }
0x63: {  	_ =	shalt  }
0x64: {  	_ =	shalt  }
0x65: {  	_ =	shalt  }
0x66: {  	_ =	shalt  }
0x67: {  	_ =	shalt  }
0x68: {  	_ =	shalt  }
0x69: {  	_ =	shalt  }
0x6a: {  	_ =	shalt  }
0x6b: {  	_ =	shalt  }
0x6c: {  	_ =	shalt  }
0x6d: {  	_ =	shalt  }
0x6e: {  	_ =	shalt  }
0x6f: {  	_ =	shalt  }
0x70: {  	_ =	shalt  }
0x71: {  	_ =	shalt  }
0x72: {  	_ =	shalt  }
0x73: {  	_ =	shalt  }
0x74: {  	_ =	shalt  }
0x75: {  	_ =	shalt  }
0x76: {  	_ =	shalt  }
0x77: {  	_ =	shalt  }
0x78: {  	_ =	shalt  }
0x79: {  	_ =	shalt  }
0x7a: {  	_ =	shalt  }
0x7b: {  	_ =	shalt  }
0x7c: {  	_ =	shalt  }
0x7d: {  	_ =	shalt  }
0x7e: {  	_ =	shalt  }
0x7f: {  	_ =	shalt  }
0x80: {  	_ =	shalt  }
0x81: {  	_ =	shalt  }
0x82: {  	_ =	shalt  }
0x83: {  	_ =	shalt  }
0x84: {  	_ =	shalt  }
0x85: {  	_ =	shalt  }
0x86: {  	_ =	shalt  }
0x87: {  	_ =	shalt  }
.Lfunc_end0:
.L_simem_size_0:
called_computation_lowered:
.L_overlay_start_0:
0x88: {  	s2 =	sld [smem:$0x3FD9]  }
0x89: {  	s3 =	sld [smem:$0x3FFE];
	_ =	sdelay $0x1  }
0x8a: {  	s1 =	srdreg.scid  }
0x8b: {  	s0 =	sand.u32 $0x1, s1  }
0x8c: {  	s17 =	sshll.u32 s0, $0xA;
	s2 =	sadd.s32 s3, s2  }
0x8d: {  	s2 =	sadd.s32 s2, s17  }
0x8e: {  	[smem:$0x3FC3] =	sst s2  }
0x8f: {  	_ = 	snop  }
0x90: {  	s2 =	sld [smem:$0x3FC9]  }
0x91: {  	s18 =	sld [smem:$0x3FC8]  }
0x92: {  	s4 =	sld [smem:$0x3FC7]  }
0x93: {  	s5 =	sld [smem:$0x3FC6]  }
0x94: {  	s6 =	sld [smem:$0x3FD0];
	(tm) =	ssettm $0x1  }
0x95: {  	s7 =	sld [smem:$0x3FFB];
	_ =	sdelay $0x3  }
0x96: {  	_ =	strace s7  }
0x97: {  	s7 =	sld [smem:$0x3FFC];
	_ =	sdelay $0x3  }
0x98: {  	_ =	strace s7  }
0x99: {  	s7 =	sld [smem:$0x3FFD];
	_ =	sdelay $0x3  }
0x9a: {  	_ =	strace s7  }
0x9b: {  	_ =	strace $0x8FFFFFFF  }
0x9c: {  	s19 =	sld [smem:$0x3FDB];
	_ =	sdelay $0x1  }
0x9d: {  	s8 =	simm.s32 $_scs_section_size  }
0x9e: {  	s9 =	simm.s32 $_size__tile_overlayer_lowered;
	s10 =	simm.s32 $_tile_overlayer_lowered  }
0x9f: {  	s22 =	simm.s32 $0x1BFF;
	s21 =	sshll.u32 s10, $0x1;
	s7 =	sadd.s32 s8, s19  }
0xa0: {  	s11 =	simm.s32 $0x0;
	s20 =	sshll.u32 s9, $0x1;
	s9 =	sadd.s32 s21, s7  }
0xa1: {  	[timem:s11], [sflag:s22] =	dma.local [hbm:s9], s20  }
0xa2: {  	_ =	swait.ge [sflag:s22], s20  }
0xa3: {  	s8 =	ssub.s32 $0x0, s20;
	[sflag:s22] =	ssyncset.done $0x0  }
0xa4: {  	[sflag:s22] =	ssyncadd.s32 s8;
	_ =	sdelay $0x1  }
0xa5: {  	s23 =	simm.s32 $0x1B8B  }
0xa6: {  	_ =	swait.ge [sflag:s23], $0x1  }
0xa7: {  	[sflag:s23] =	ssyncset.done $0x0  }
0xa8: {  	s25 =	simm.s32 $0x1B8E;
	s24 =	sld [smem:$0x3FFE];
	[sflag:s23] =	ssyncadd.s32 $0xFFFFFFFF  }
0xa9: {  	s26 =	simm.s32 $execute0_lowered;
	[smem:$0x3FD2] =	sst s25  }
0xaa: {  	s9 =	sshll.u32 s26, $0x1;
	_ =	strace $0x80000046;
	[dreg:$0x1] =	wrdreg $0xFFFFFFFF  }
0xab: {  	s28 =	simm.s32 $_size_execute0_lowered;
	s7 =	sadd.s32 s7, s9;
	[dreg:$0x0] =	wrdreg $0x0  }
0xac: {  	s9 =	sshll.u32 s28, $0x1;
	[dreg:$0x2] =	wrdreg s7  }
0xad: {  	[dreg:$0x3] =	wrdreg s9  }
0xae: {  	[dreg:$0x4] =	wrdreg $0xC0  }
0xaf: {  	_ =	task [dreg:s11], $0x5FFFF  }
0xb0: {  	[dreg:$0x1] =	wrdreg $0xFFFFFFFF  }
0xb1: {  	[dreg:$0x0] =	wrdreg $0x60  }
0xb2: {  	[dreg:$0x2] =	wrdreg s2  }
0xb3: {  	[dreg:$0x3] =	wrdreg s18  }
0xb4: {  	[dreg:$0x4] =	wrdreg s4  }
0xb5: {  	[dreg:$0x5] =	wrdreg s5  }
0xb6: {  	[dreg:$0x6] =	wrdreg s24  }
0xb7: {  	[dreg:$0x7] =	wrdreg s6  }
0xb8: {  	[dreg:$0x8] =	wrdreg $0x9  }
0xb9: {  	_ =	task.clear_ibuf [dreg:s11], $0x9FFFF;
	_ =	strace $0x90000046  }
0xba: {  	s29 =	simm.s32 $0x9;
	_ =	strace $0x80000048  }
0xbb: {  	_ =	swait.ge [sflag:s29], $0x1  }
0xbc: {  	[sflag:s29] =	ssyncadd.s32 $0xFFFFFFFF  }
0xbd: {  	_ =	strace $0x90000048  }
0xbe: {  	_ =	sfence  }
0xbf: {  	s30 =	sld [smem:$0x0];
	_ =	sdelay $0x2  }
0xc0: {  	s31 =	sshll.u32 s1, $0xD;
	s1 =	sshrl.u32 s1, $0x2  }
0xc1: {  	s3 =	sand.u32 $0x4000, s31;
	s1 =	sadd.s32 s1, s30  }
0xc2: {  	s0 =	sor.u32 s3, s0;
	s1 =	sshll.u32 s1, $0x11  }
0xc3: {  	s0 =	sor.u32 s1, s0  }
0xc4: {  	s0 =	sadd.s32 $0x8F2B, s0  }
0xc5: {  	[sflag:s0] =	ssyncadd.remote.s32 $0x1  }
0xc6: {  	_ =	sfence.sel $0xFFFF  }
0xc7: {  	[dreg:$0x0] =	wrdreg $0xFFFFFFFF;
	(pc) =	sbr.abs _section_cstart, $3  }
0xc8: {  	[dreg:$0x1] =	wrdreg $0xFFFFFFFF  }
0xc9: {  	_ =	task.clear_ibuf [dreg:s11], $0x2FFFF;
	_ =	strace $0x9FFFFFFF  }
0xca: {  	(tm) =	ssettm $0x7FFFFFFF  }
0xcb: {  	_ =	shalt  }
tec
execute0_lowered:
.L_overlay_start_1:
0x0: {  	(tag) =	ssettag $0x1  }
0x1: {  	s0 =	rddreg [dreg:$0x0]  }
0x2: {  	s3 =	rddreg [dreg:$0x1]  }
0x3: {  	s1 =	rddreg [dreg:$0x2]  }
0x4: {  	s2 =	rddreg [dreg:$0x3]  }
0x5: {  	s4 =	rddreg [dreg:$0x5];
	s5 =	simm.s32 $0x0;
	s6 =	srdreg.scid  }
0x6: {  	s8 =	stileid.u32;
	s10 =	simm.s32 $0x10000;
	s11 =	simm.s32 $0x10200  }
0x7: {  	v0 =	vlaneseq.u32;
	s12 =	simm.s32 $0x3;
	s13 =	simm.s32 $0x20;
	s14 =	simm.s32 $0x4000  }
0x8: {  	s17 =	simm.s32 $0x60;
	s19 =	simm.s32 $0x8000;
	s21 =	simm.s32 $0xC000;
	v54 =	vmul.u32 $0x10, v0  }
0x9: {  	s22 =	simm.s32 $0x1;
	s23 =	simm.s32 $0x80;
	s26 =	simm.s32 $0x2;
	v1 =	vand.u32 $0x7, v0  }
0xa: {  	s31 =	simm.s32 $0x10380;
	[smem:$0x7FF] =	sst s5;
	s6 =	sand.u32 $0x1, s6;
	v17 =	vmul.u32 $0x10, v1;
	v56 =	vor.u32 $0x1, v54;
	v3 =	vor.u32 $0x2, v54  }
0xb: {  	s8 =	sshll.u32 s8, $0x7;
	s7 =	ssub.s32 $0x2, s6;
	s6 =	sshll.u32 s6, $0x6;
	v4 =	vor.u32 $0x3, v54;
	v5 =	vor.u32 $0x4, v54;
	v6 =	vor.u32 $0x5, v54  }
0xc: {  	_ =	strace $0x80000047;
	s9 =	sshrl.u32 s7, $0x1;
	s8 =	sor.u32 s6, s8;
	v7 =	vor.u32 $0x6, v54;
	v8 =	vor.u32 $0x7, v54;
	v9 =	vor.u32 $0x8, v54;
	[tilespmem:$0x1FFC0] =	vst v54  }
0xd: {  	s15 =	simm.s32 $0x0;
	v10 =	vor.u32 $0x9, v54;
	v11 =	vor.u32 $0xA, v54;
	s9 =	ssub.s32 s7, s9;
	s6 =	sadd.s32 s0, s8;
	v55 =	vor.u32 $0xFFFFFE80, v17;
	[tilespmem:$0x1FFE0] =	vst v56  }
0xe: {  	v12 =	vor.u32 $0xB, v54;
	v13 =	vor.u32 $0xC, v54;
	s7 =	sadd.s32 s3, s8;
	s8 =	sadd.s32 s4, s8;
	s0 =	simm.s32 $0x10600;
	v57 =	vor.u32 $0xFFFFFF80, v17;
	[tilespmem:$0x1FFD0] =	vst v55  }
0xf: {  	v14 =	vor.u32 $0xD, v54;
	v15 =	vor.u32 $0xE, v54;
	v16 =	vor.u32 $0xF, v54;
	s4 =	simm.s32 $0x12600;
	s3 =	simm.s32 $0x4;
	s9 =	smax.u32 s9, $0x1;
	[tilespmem:$0x1FFF0] =	vst v57  }
.LBB2_1:
0x10: {  	[tilespmem:s10], [sflag:$0x3] =	stream.linear.gather [hbm4b:s6+s5], $0x200, $0x38;
	[tilespmem:$0x12800] =	vst v63  }
0x11: {  	_ = 	snop  }
0x12: {  	[tilespmem:s11], [sflag:$0x3] =	stream.linear.gather [hbm4b:s7+s5], $0x200, $0x38;
	[tilespmem:$0x12800] =	vst v63  }
0x13: {  	_ =	swait.ge [sflag:s12], $0x200  }
0x14: {  	[sflag:s12] =	ssyncset.done $0x0  }
0x15: {  	[sflag:s12] =	ssyncadd.s32 $0xFFFFFE00  }
0x16: {  	_ =	swait.ge [sflag:s12], $0x200  }
0x17: {  	[sflag:s12] =	ssyncset.done $0x0  }
0x18: {  	[sflag:s12] =	ssyncadd.s32 $0xFFFFFE00  }
0x19: {  	[tilespmem:s5], [sflag:$0x1] =	stream.indirect.gather [hbm4b:s1+s13], $0x80, s10, s13, $0xb8;
	[tilespmem:$0x12800] =	vst v63  }
0x1a: {  	_ = 	snop  }
0x1b: {  	[tilespmem:s14], [sflag:$0x1] =	stream.indirect.gather [hbm4b:s2+s13], $0x80, s11, s13, $0xb8;
	[tilespmem:$0x12800] =	vst v63  }
0x1c: {  	s18 =	simm.s32 $0x200;
	s20 =	simm.s32 $0x10400;
	s16 =	rddreg [dreg:$0x4]  }
0x1d: {  	[tilespmem:s20], [sflag:$0x3] =	stream.indirect.gather [hbm4b:s16+s18], $0x1, s11, s18, $0xb8;
	[tilespmem:$0x12800] =	vst v63  }
0x1e: {  	s20 =	simm.s32 $0x10020  }
0x1f: {  	[tilespmem:s19], [sflag:$0x2] =	stream.indirect.gather [hbm4b:s1+s17], $0x80, s20, s17, $0xb8;
	[tilespmem:$0x12800] =	vst v63  }
0x20: {  	s24 =	simm.s32 $0x10220  }
0x21: {  	[tilespmem:s21], [sflag:$0x2] =	stream.indirect.gather [hbm4b:s2+s17], $0x80, s24, s17, $0xb8;
	[tilespmem:$0x12800] =	vst v63  }
0x22: {  	_ =	swait.ge [sflag:s22], $0x1000  }
0x23: {  	[sflag:s22] =	ssyncset.done $0x0  }
0x24: {  	[sflag:s22] =	ssyncadd.s32 $0xFFFFF000  }
0x25: {  	_ =	swait.ge [sflag:s22], $0x1000  }
0x26: {  	[sflag:s22] =	ssyncset.done $0x0  }
0x27: {  	s25 =	simm.s32 $0x4100;
	[sflag:s22] =	ssyncadd.s32 $0xFFFFF000  }
0x28: {  	v18 =	vld [tilespmem:s25+$0x80]  }
0x29: {  	v19 =	vld [tilespmem:s25+$0xFFFFFF80]  }
0x2a: {  	v20 =	vld [tilespmem:s25+$0x90]  }
0x2b: {  	v21 =	vld [tilespmem:s25+$0x0]  }
0x2c: {  	v22 =	vld [tilespmem:s25+$0xA0]  }
0x2d: {  	v23 =	vld [tilespmem:s25+$0xFFFFFF00]  }
0x2e: {  	v24 =	vld [tilespmem:s25+$0xB0];
	v18 =	vsub.f32 $0.0e+00, v18  }
0x2f: {  	v25 =	vld [tilespmem:s25+$0xFFFFFF10];
	v19 =	vsub.f32 $0.0e+00, v19;
	v20 =	vsub.f32 $0.0e+00, v20  }
0x30: {  	v26 =	vld [tilespmem:s25+$0xC0];
	v21 =	vsub.f32 $0.0e+00, v21;
	v18 =	vmul.f32 $1.442695020e+00, v18  }
0x31: {  	v27 =	vld [tilespmem:s25+$0xFFFFFF90];
	v22 =	vsub.f32 $0.0e+00, v22;
	v19 =	vmul.f32 $1.442695020e+00, v19;
	v20 =	vmul.f32 $1.442695020e+00, v20  }
0x32: {  	v21 =	vmul.f32 $1.442695020e+00, v21;
	(erf) = vpow2.f32 v18;
	v18 =	vsub.f32 $0.0e+00, v23  }
0x33: {  	v23 =	vld [tilespmem:s25+$0xD0];
	(erf) = vpow2.f32 v19;
	v19 =	vmul.f32 $1.442695020e+00, v22;
	v22 =	vsub.f32 $0.0e+00, v24  }
0x34: {  	v24 =	vld [tilespmem:s25+$0xE0];
	(erf) = vpow2.f32 v20;
	v18 =	vmul.f32 $1.442695020e+00, v18  }
0x35: {  	v20 =	vsub.f32 $0.0e+00, v25;
	v25 =	vld [tilespmem:s25+$0xF0];
	(erf) = vpow2.f32 v21;
	v21 =	vmul.f32 $1.442695020e+00, v22  }
0x36: {  	v22 =	vsub.f32 $0.0e+00, v26;
	v26 =	vsub.f32 $0.0e+00, v27;
	(erf) = vpow2.f32 v19  }
0x37: {  	v19 =	vld [tilespmem:s25+$0x10];
	v20 =	vmul.f32 $1.442695020e+00, v20;
	(erf) = vpow2.f32 v18  }
0x38: {  	(erf) = vpow2.f32 v21;
	v21 =	vmul.f32 $1.442695020e+00, v26  }
0x39: {  	v18 =	vld [tilespmem:s25+$0xFFFFFF20];
	v22 =	vmul.f32 $1.442695020e+00, v22;
	v23 =	vsub.f32 $0.0e+00, v23  }
0x3a: {  	v24 =	vsub.f32 $0.0e+00, v24;
	(erf) = vpow2.f32 v20;
	v25 =	vsub.f32 $0.0e+00, v25  }
0x3b: {  	v23 =	vmul.f32 $1.442695020e+00, v23;
	(erf) = vpow2.f32 v22  }
0x3c: {  	v24 =	vmul.f32 $1.442695020e+00, v24;
	(erf) = vpow2.f32 v21;
	v19 =	vsub.f32 $0.0e+00, v19;
	v21 =	vpop (erf)  }
0x3d: {  	v20 =	vld [tilespmem:s25+$0xFFFFFFA0];
	v21 =	vadd.f32 $1.000000000e+00, v21;
	v27 =	vpop (erf);
	(erf) = vpow2.f32 v23;
	v23 =	vmul.f32 $1.442695020e+00, v25  }
0x3e: {  	v18 =	vsub.f32 $0.0e+00, v18;
	v19 =	vmul.f32 $1.442695020e+00, v19;
	v25 =	vpop (erf);
	(erf) = vpow2.f32 v24  }
0x3f: {  	v26 =	vld [tilespmem:s25+$0xFFFFFF30];
	v25 =	vadd.f32 $1.000000000e+00, v25;
	v28 =	vpop (erf);
	(erf) = vrcp.f32 v21  }
0x40: {  	v18 =	vmul.f32 $1.442695020e+00, v18;
	v29 =	vpop (erf);
	(erf) = vpow2.f32 v23  }
0x41: {  	v24 =	vld [tilespmem:s25+$0xFFFFFFB0];
	v29 =	vadd.f32 $1.000000000e+00, v29;
	v30 =	vpop (erf);
	(erf) = vrcp.f32 v25  }
0x42: {  	v22 =	vld [tilespmem:s25+$0x20];
	v20 =	vsub.f32 $0.0e+00, v20;
	(erf) = vpow2.f32 v19;
	v19 =	vpop (erf)  }
0x43: {  	v31 =	vld [tilespmem:s25+$0x40];
	v32 =	vpop (erf);
	(erf) = vrcp.f32 v29  }
0x44: {  	v26 =	vsub.f32 $0.0e+00, v26;
	v21 =	vld [tilespmem:s25+$0x30];
	v20 =	vmul.f32 $1.442695020e+00, v20;
	(erf) = vpow2.f32 v18;
	v18 =	vpop (erf)  }
0x45: {  	s29 =	simm.s32 $0x100;
	v25 =	vld [tilespmem:s25+$0xFFFFFFC0];
	v19 =	vadd.f32 $1.000000000e+00, v19;
	v18 =	vadd.f32 $1.000000000e+00, v18  }
0x46: {  	v24 =	vsub.f32 $0.0e+00, v24;
	v29 =	vld [tilespmem:s29+$0x80]  }
0x47: {  	v33 =	vld [tilespmem:s25+$0xFFFFFF50];
	v22 =	vsub.f32 $0.0e+00, v22;
	v26 =	vmul.f32 $1.442695020e+00, v26;
	v34 =	vpop (erf);
	(erf) = vrcp.f32 v19  }
0x48: {  	v19 =	vmul.f32 $1.442695020e+00, v24;
	v24 =	vld [tilespmem:s29+$0x90];
	(erf) = vpow2.f32 v20;
	v20 =	vpop (erf)  }
0x49: {  	v36 =	vld [tilespmem:s29+$0xA0];
	v31 =	vsub.f32 $0.0e+00, v31;
	v22 =	vmul.f32 $1.442695020e+00, v22;
	(erf) = vrcp.f32 v18;
	v18 =	vpop (erf)  }
0x4a: {  	v38 =	vld [tilespmem:s25+$0x50];
	v25 =	vsub.f32 $0.0e+00, v25;
	v20 =	vadd.f32 $1.000000000e+00, v20;
	v37 =	vpop (erf)  }
0x4b: {  	v23 =	vld [tilespmem:s25+$0xFFFFFF40];
	v21 =	vsub.f32 $0.0e+00, v21;
	(erf) = vpow2.f32 v22;
	v22 =	vmul.f32 v37, v29;
	v29 =	vpop (erf)  }
0x4c: {  	v18 =	vadd.f32 $1.000000000e+00, v18;
	(erf) = vrcp.f32 v20;
	v20 =	vmul.f32 $1.442695020e+00, v25;
	v25 =	vld [tilespmem:s29+$0xB0];
	v59 =	vpop (erf)  }
0x4d: {  	(erf) = vpow2.f32 v26;
	v22 =	vadd.f32 $0.0e+00, v22;
	v24 =	vmul.f32 v59, v24;
	v26 =	vpop (erf)  }
0x4e: {  	v35 =	vld [tilespmem:s25+$0xFFFFFFD0];
	v21 =	vmul.f32 $1.442695020e+00, v21;
	v29 =	vadd.f32 $1.000000000e+00, v29;
	(erf) = vrcp.f32 v18;
	v61 =	vpop (erf)  }
0x4f: {  	v39 =	vld [tilespmem:s25+$0xFFFFFF60];
	(erf) = vpow2.f32 v19;
	v19 =	vadd.f32 v24, v22;
	v22 =	vmul.f32 v61, v36;
	v62 =	vpop (erf)  }
0x50: {  	v60 =	vld [tilespmem:s29+$0xC0];
	v63 =	vsub.f32 $0.0e+00, v38;
	v23 =	vsub.f32 $0.0e+00, v23;
	(erf) = vrcp.f32 v29;
	v41 =	vpop (erf)  }
0x51: {  	v18 =	vsub.f32 $0.0e+00, v33;
	v24 =	vld [tilespmem:s25+$0x60];
	(erf) = vpow2.f32 v21;
	v21 =	vmul.f32 v41, v25  }
0x52: {  	v31 =	vmul.f32 $1.442695020e+00, v31;
	v23 =	vmul.f32 $1.442695020e+00, v23;
	v19 =	vadd.f32 v22, v19;
	v25 =	vld [tilespmem:s29+$0xD0]  }
0x53: {  	v27 =	vadd.f32 $1.000000000e+00, v27;
	v29 =	vsub.f32 $0.0e+00, v35;
	v18 =	vmul.f32 $1.442695020e+00, v18;
	v22 =	vpop (erf)  }
0x54: {  	v40 =	vld [tilespmem:s25+$0xFFFFFFE0];
	v35 =	vmul.f32 $1.442695020e+00, v63;
	(erf) = vpow2.f32 v23;
	v19 =	vadd.f32 v21, v19;
	v42 =	vpop (erf)  }
0x55: {  	v28 =	vadd.f32 $1.000000000e+00, v28;
	v29 =	vmul.f32 $1.442695020e+00, v29;
	(erf) = vpow2.f32 v20;
	v21 =	vpop (erf)  }
0x56: {  	v23 =	vsub.f32 $0.0e+00, v39;
	v20 =	vmul.f32 v42, v60;
	(erf) = vpow2.f32 v31;
	v45 =	vpop (erf)  }
0x57: {  	v43 =	vld [tilespmem:s29+$0xE0];
	v24 =	vsub.f32 $0.0e+00, v24;
	(erf) = vpow2.f32 v18;
	v25 =	vmul.f32 v45, v25  }
0x58: {  	v18 =	vadd.f32 v20, v19;
	v19 =	vpop (erf);
	v20 =	vadd.f32 $1.000000000e+00, v30;
	(erf) = vpow2.f32 v29;
	v29 =	vld [tilespmem:s29+$0xF0]  }
0x59: {  	v44 =	vld [tilespmem:s25+$0xFFFFFF70];
	v23 =	vmul.f32 $1.442695020e+00, v23;
	v31 =	vsub.f32 $0.0e+00, v40;
	v30 =	vpop (erf);
	(erf) = vpow2.f32 v35  }
0x5a: {  	v46 =	vld [tilespmem:s25+$0xFFFFFFF0];
	v24 =	vmul.f32 $1.442695020e+00, v24;
	v47 =	vpop (erf);
	(erf) = vrcp.f32 v20  }
0x5b: {  	v31 =	vmul.f32 $1.442695020e+00, v31;
	v20 =	vld [tilespmem:s25+$0x70];
	v18 =	vadd.f32 v25, v18;
	v25 =	vpop (erf);
	(erf) = vrcp.f32 v27  }
0x5c: {  	v30 =	vmul.f32 v30, v43;
	v48 =	vpop (erf);
	(erf) = vrcp.f32 v28  }
0x5d: {  	v26 =	vadd.f32 $1.000000000e+00, v26;
	v28 =	vpop (erf);
	(erf) = vpow2.f32 v23;
	v23 =	vmul.f32 v25, v29  }
0x5e: {  	v29 =	vadd.f32 $1.000000000e+00, v32;
	v25 =	vpop (erf);
	(erf) = vpow2.f32 v31;
	v31 =	vadd.f32 $1.000000000e+00, v34  }
0x5f: {  	v27 =	vsub.f32 $0.0e+00, v44;
	v18 =	vadd.f32 v30, v18;
	v49 =	vpop (erf);
	(erf) = vpow2.f32 v24  }
0x60: {  	v30 =	vsub.f32 $0.0e+00, v46;
	v20 =	vsub.f32 $0.0e+00, v20;
	v50 =	vpop (erf);
	(erf) = vrcp.f32 v29  }
0x61: {  	v24 =	vadd.f32 v23, v18;
	v18 =	vmul.f32 $1.442695020e+00, v27;
	v23 =	vpop (erf);
	(erf) = vrcp.f32 v31  }
0x62: {  	v30 =	vmul.f32 $1.442695020e+00, v30;
	v29 =	vadd.f32 $1.000000000e+00, v62;
	v31 =	vpop (erf);
	(erf) = vrcp.f32 v26  }
0x63: {  	v22 =	vadd.f32 $1.000000000e+00, v22;
	v27 =	vld [tilespmem:s29+$0xFFFFFF00];
	v20 =	vmul.f32 $1.442695020e+00, v20;
	v51 =	vpop (erf);
	(erf) = vpow2.f32 v18  }
0x64: {  	v21 =	vadd.f32 $1.000000000e+00, v21;
	v26 =	vld [tilespmem:s29+$0xFFFFFF80];
	v52 =	vpop (erf);
	(erf) = vpow2.f32 v30  }
0x65: {  	v30 =	vld [tilespmem:s29+$0xFFFFFF10];
	v53 =	vpop (erf);
	(erf) = vpow2.f32 v20  }
0x66: {  	v19 =	vadd.f32 $1.000000000e+00, v19;
	(erf) = vrcp.f32 v29;
	v29 =	vpop (erf)  }
0x67: {  	v54 =	vld [tilespmem:s29+$0x10];
	v37 =	vadd.f32 $1.000000000e+00, v47;
	v33 =	vadd.f32 $1.000000000e+00, v48;
	(erf) = vrcp.f32 v22;
	v22 =	vpop (erf)  }
0x68: {  	v55 =	vld [tilespmem:s29+$0xFFFFFF20];
	v28 =	vadd.f32 $1.000000000e+00, v28;
	v27 =	vmul.f32 v51, v27;
	(erf) = vrcp.f32 v21;
	v21 =	vpop (erf)  }
0x69: {  	v25 =	vadd.f32 $1.000000000e+00, v25;
	v20 =	vld [tilespmem:s29+$0xFFFFFF90];
	v26 =	vmul.f32 v52, v26;
	v57 =	vpop (erf);
	(erf) = vrcp.f32 v19  }
0x6a: {  	v18 =	vld [tilespmem:s29+$0x0];
	v58 =	vpop (erf);
	(erf) = vrcp.f32 v37;
	v30 =	vmul.f32 v57, v30  }
0x6b: {  	v56 =	vld [tilespmem:s29+$0xFFFFFFA0];
	v41 =	vpop (erf);
	(erf) = vrcp.f32 v33  }
0x6c: {  	v59 =	vld [tilespmem:s29+$0xFFFFFF30];
	v27 =	vadd.f32 $0.0e+00, v27;
	v26 =	vadd.f32 $0.0e+00, v26;
	(erf) = vrcp.f32 v28;
	v28 =	vpop (erf)  }
0x6d: {  	v61 =	vld [tilespmem:s29+$0x30];
	v32 =	vadd.f32 $1.000000000e+00, v49;
	v34 =	vadd.f32 $1.000000000e+00, v50;
	(erf) = vrcp.f32 v25;
	v25 =	vpop (erf)  }
0x6e: {  	v60 =	vld [tilespmem:s29+$0xFFFFFFB0];
	v23 =	vadd.f32 $1.000000000e+00, v23;
	v20 =	vmul.f32 v58, v20;
	v27 =	vadd.f32 v30, v27;
	v30 =	vpop (erf)  }
0x6f: {  	v42 =	vld [tilespmem:s29+$0xFFFFFF40];
	v31 =	vadd.f32 $1.000000000e+00, v31;
	v29 =	vadd.f32 $1.000000000e+00, v29;
	v18 =	vmul.f32 v53, v18;
	v43 =	vpop (erf)  }
0x70: {  	v22 =	vadd.f32 $1.000000000e+00, v22;
	v19 =	vld [tilespmem:s29+$0x20];
	v20 =	vadd.f32 v20, v26;
	(erf) = vrcp.f32 v32;
	v26 =	vpop (erf)  }
0x71: {  	v44 =	vld [tilespmem:s29+$0x40];
	v21 =	vadd.f32 $1.000000000e+00, v21;
	(erf) = vrcp.f32 v34;
	v26 =	vmul.f32 v26, v56  }
0x72: {  	v62 =	vld [tilespmem:s29+$0xFFFFFFC0];
	v18 =	vadd.f32 $0.0e+00, v18;
	v63 =	vmul.f32 v41, v54;
	(erf) = vrcp.f32 v23;
	v46 =	vpop (erf)  }
0x73: {  	s30 =	simm.s32 $0x4300;
	v49 =	vld [tilespmem:s29+$0xFFFFFF60];
	v28 =	vadd.f32 $1.000000000e+00, v28;
	v25 =	vadd.f32 $1.000000000e+00, v25;
	(erf) = vrcp.f32 v31;
	v47 =	vpop (erf)  }
0x74: {  	v50 =	vld [tilespmem:s30+$0xFFFFFF80];
	v18 =	vadd.f32 v63, v18;
	v45 =	vmul.f32 v43, v55;
	(erf) = vrcp.f32 v29;
	v48 =	vpop (erf)  }
0x75: {  	v52 =	vld [tilespmem:s30+$0xFFFFFF90];
	v19 =	vmul.f32 v46, v19;
	v20 =	vadd.f32 v26, v20;
	(erf) = vrcp.f32 v22;
	v26 =	vpop (erf)  }
0x76: {  	v23 =	vld [tilespmem:s29+$0xFFFFFF50];
	v27 =	vadd.f32 v45, v27;
	v22 =	vmul.f32 v48, v60;
	(erf) = vrcp.f32 v21;
	v21 =	vpop (erf)  }
0x77: {  	v31 =	vld [tilespmem:s29+$0xFFFFFFD0];
	v18 =	vadd.f32 v19, v18;
	v19 =	vmul.f32 v26, v61;
	(erf) = vrcp.f32 v28;
	v28 =	vpop (erf)  }
0x78: {  	v35 =	vmul.f32 v47, v59;
	v26 =	vld [tilespmem:s30+$0x80];
	v20 =	vadd.f32 v22, v20;
	v22 =	vmul.f32 v28, v62  }
0x79: {  	v30 =	vadd.f32 $1.000000000e+00, v30;
	v29 =	vld [tilespmem:s29+$0x50];
	v18 =	vadd.f32 v19, v18  }
0x7a: {  	v27 =	vadd.f32 v35, v27;
	v21 =	vmul.f32 v21, v42;
	(erf) = vrcp.f32 v25;
	v25 =	vpop (erf);
	v28 =	vld [tilespmem:s30+$0x90]  }
0x7b: {  	(erf) = vrcp.f32 v30;
	v30 =	vld [tilespmem:s30+$0x0];
	v19 =	vmul.f32 v25, v44;
	v25 =	vpop (erf)  }
0x7c: {  	v21 =	vadd.f32 v21, v27;
	v27 =	vld [tilespmem:s30+$0xA0];
	v23 =	vmul.f32 v25, v23;
	v20 =	vadd.f32 v22, v20;
	v22 =	vpop (erf)  }
0x7d: {  	v19 =	vadd.f32 v19, v18;
	v51 =	vsub.f32 $0.0e+00, v26;
	v25 =	vmul.f32 v22, v31;
	v18 =	vpop (erf);
	v31 =	vld [tilespmem:s30+$0xFFFFFF00]  }
0x7e: {  	v22 =	vadd.f32 v23, v21;
	v23 =	vsub.f32 $0.0e+00, v50;
	v21 =	vmul.f32 v18, v29;
	v18 =	vpop (erf);
	v29 =	vld [tilespmem:s30+$0xB0]  }
0x7f: {  	v32 =	vmul.f32 $1.442695020e+00, v51;
	v28 =	vsub.f32 $0.0e+00, v28;
	v26 =	vmul.f32 v18, v49  }
0x80: {  	v18 =	vld [tilespmem:s30+$0xFFFFFF10];
	v25 =	vadd.f32 v25, v20;
	v20 =	vmul.f32 $1.442695020e+00, v23;
	v23 =	vsub.f32 $0.0e+00, v30  }
0x81: {  	v33 =	vsub.f32 $0.0e+00, v52;
	v27 =	vsub.f32 $0.0e+00, v27;
	v30 =	vld [tilespmem:s30+$0xC0];
	v28 =	vmul.f32 $1.442695020e+00, v28  }
0x82: {  	v53 =	vld [tilespmem:s30+$0xD0];
	(erf) = vpow2.f32 v32;
	v23 =	vmul.f32 $1.442695020e+00, v23;
	v31 =	vsub.f32 $0.0e+00, v31  }
0x83: {  	v55 =	vld [tilespmem:s30+$0xF0];
	(erf) = vpow2.f32 v20;
	v20 =	vmul.f32 $1.442695020e+00, v27;
	v27 =	vsub.f32 $0.0e+00, v29  }
0x84: {  	v33 =	vmul.f32 $1.442695020e+00, v33;
	(erf) = vpow2.f32 v28;
	v29 =	vld [tilespmem:s30+$0xE0]  }
0x85: {  	(erf) = vpow2.f32 v23;
	v28 =	vmul.f32 $1.442695020e+00, v31;
	v18 =	vsub.f32 $0.0e+00, v18  }
0x86: {  	v57 =	vld [tilespmem:s30+$0x10];
	v30 =	vsub.f32 $0.0e+00, v30;
	(erf) = vpow2.f32 v20;
	v54 =	vmul.f32 $1.442695020e+00, v27;
	v31 =	vpop (erf)  }
0x87: {  	v20 =	vld [tilespmem:s29+$0xFFFFFFE0];
	v56 =	vmul.f32 $1.442695020e+00, v18;
	v27 =	vpop (erf);
	(erf) = vpow2.f32 v28  }
0x88: {  	v32 =	vsub.f32 $0.0e+00, v53;
	v30 =	vmul.f32 $1.442695020e+00, v30;
	v23 =	vpop (erf);
	(erf) = vpow2.f32 v54  }
0x89: {  	v35 =	vsub.f32 $0.0e+00, v55;
	v29 =	vsub.f32 $0.0e+00, v29;
	v18 =	vpop (erf);
	(erf) = vpow2.f32 v56  }
0x8a: {  	v58 =	vld [tilespmem:s30+$0xFFFFFF20];
	v32 =	vmul.f32 $1.442695020e+00, v32;
	v28 =	vadd.f32 v21, v19;
	v19 =	vpop (erf);
	(erf) = vpow2.f32 v30  }
0x8b: {  	v61 =	vsub.f32 $0.0e+00, v57;
	v21 =	vld [tilespmem:s30+$0xFFFFFFA0];
	v30 =	vmul.f32 $1.442695020e+00, v29;
	(erf) = vpow2.f32 v33;
	v59 =	vpop (erf)  }
0x8c: {  	v29 =	vmul.f32 v31, v20;
	v31 =	vadd.f32 $1.000000000e+00, v59;
	(erf) = vpow2.f32 v32  }
0x8d: {  	v35 =	vmul.f32 $1.442695020e+00, v35;
	v33 =	vpop (erf);
	(erf) = vpow2.f32 v30  }
0x8e: {  	v62 =	vpop (erf);
	(erf) = vrcp.f32 v31;
	v31 =	vmul.f32 $1.442695020e+00, v61  }
0x8f: {  	v34 =	vsub.f32 $0.0e+00, v58;
	v20 =	vld [tilespmem:s30+$0x20];
	v37 =	vadd.f32 $1.000000000e+00, v62;
	v38 =	vpop (erf)  }
0x90: {  	v21 =	vsub.f32 $0.0e+00, v21;
	v48 =	vpop (erf);
	(erf) = vpow2.f32 v35  }
0x91: {  	v34 =	vmul.f32 $1.442695020e+00, v34;
	v60 =	vld [tilespmem:s30+$0xFFFFFF30];
	v39 =	vadd.f32 $1.000000000e+00, v48;
	v40 =	vpop (erf);
	(erf) = vrcp.f32 v37  }
0x92: {  	v21 =	vmul.f32 $1.442695020e+00, v21;
	(erf) = vpow2.f32 v31;
	v31 =	vpop (erf)  }
0x93: {  	v30 =	vld [tilespmem:s30+$0xFFFFFFB0];
	(erf) = vrcp.f32 v39;
	v31 =	vadd.f32 $1.000000000e+00, v31;
	v42 =	vpop (erf)  }
0x94: {  	v63 =	vld [tilespmem:s30+$0x30];
	v20 =	vsub.f32 $0.0e+00, v20;
	(erf) = vpow2.f32 v34;
	v53 =	vpop (erf)  }
0x95: {  	v44 =	vpop (erf);
	(erf) = vrcp.f32 v31  }
0x96: {  	v51 =	vld [tilespmem:s30+$0x40];
	v32 =	vsub.f32 $0.0e+00, v60;
	v20 =	vmul.f32 $1.442695020e+00, v20;
	(erf) = vpow2.f32 v21;
	v21 =	vpop (erf)  }
0x97: {  	s16 =	simm.s32 $0x300;
	v49 =	vld [tilespmem:s30+$0xFFFFFF40];
	v34 =	vadd.f32 $1.000000000e+00, v53;
	v21 =	vadd.f32 $1.000000000e+00, v21  }
0x98: {  	v43 =	vld [tilespmem:s16+$0x80];
	v30 =	vsub.f32 $0.0e+00, v30  }
0x99: {  	v36 =	vsub.f32 $0.0e+00, v63;
	v50 =	vld [tilespmem:s30+$0xFFFFFFC0];
	v32 =	vmul.f32 $1.442695020e+00, v32;
	(erf) = vrcp.f32 v34;
	v54 =	vpop (erf)  }
0x9a: {  	v45 =	vld [tilespmem:s16+$0x90];
	v30 =	vmul.f32 $1.442695020e+00, v30;
	(erf) = vpow2.f32 v20;
	v20 =	vpop (erf)  }
0x9b: {  	v46 =	vld [tilespmem:s30+$0x50];
	v36 =	vmul.f32 $1.442695020e+00, v36;
	v34 =	vadd.f32 $1.000000000e+00, v54;
	(erf) = vrcp.f32 v21;
	v21 =	vpop (erf)  }
0x9c: {  	v47 =	vld [tilespmem:s16+$0xA0];
	v41 =	vsub.f32 $0.0e+00, v51;
	v35 =	vsub.f32 $0.0e+00, v49;
	(erf) = vpow2.f32 v32;
	v56 =	vpop (erf)  }
0x9d: {  	v52 =	vld [tilespmem:s30+$0xFFFFFF50];
	v20 =	vmul.f32 v20, v43;
	v21 =	vadd.f32 $1.000000000e+00, v21;
	(erf) = vrcp.f32 v34;
	v49 =	vpop (erf)  }
0x9e: {  	v55 =	vld [tilespmem:s16+$0xB0];
	v37 =	vsub.f32 $0.0e+00, v50;
	v35 =	vmul.f32 $1.442695020e+00, v35;
	(erf) = vpow2.f32 v30;
	v30 =	vpop (erf)  }
0x9f: {  	v31 =	vld [tilespmem:s30+$0xFFFFFFD0];
	v20 =	vadd.f32 $0.0e+00, v20;
	v32 =	vmul.f32 v56, v45;
	v50 =	vpop (erf);
	(erf) = vrcp.f32 v21  }
0xa0: {  	v57 =	vld [tilespmem:s16+$0xC0];
	v46 =	vsub.f32 $0.0e+00, v46;
	v41 =	vmul.f32 $1.442695020e+00, v41;
	v59 =	vpop (erf)  }
0xa1: {  	v58 =	vld [tilespmem:s30+$0xFFFFFFE0];
	v20 =	vadd.f32 v32, v20;
	v30 =	vmul.f32 v30, v47;
	(erf) = vpow2.f32 v36;
	v36 =	vpop (erf)  }
0xa2: {  	v60 =	vld [tilespmem:s16+$0xD0];
	v37 =	vmul.f32 $1.442695020e+00, v37;
	v39 =	vsub.f32 $0.0e+00, v52;
	v56 =	vmul.f32 $1.442695020e+00, v46;
	v61 =	vpop (erf)  }
0xa3: {  	v62 =	vld [tilespmem:s16+$0xE0];
	v32 =	vmul.f32 v59, v55;
	v20 =	vadd.f32 v30, v20;
	(erf) = vpow2.f32 v35;
	v35 =	vpop (erf)  }
0xa4: {  	v63 =	vld [tilespmem:s16+$0xF0];
	v31 =	vsub.f32 $0.0e+00, v31;
	v30 =	vmul.f32 $1.442695020e+00, v39;
	(erf) = vpow2.f32 v37;
	v54 =	vpop (erf)  }
0xa5: {  	v48 =	vld [tilespmem:s30+$0xFFFFFF60];
	v34 =	vmul.f32 v61, v57;
	v20 =	vadd.f32 v32, v20;
	(erf) = vpow2.f32 v41;
	v46 =	vpop (erf)  }
0xa6: {  	v31 =	vmul.f32 $1.442695020e+00, v31;
	(erf) = vpow2.f32 v30;
	v59 =	vpop (erf)  }
0xa7: {  	v21 =	vld [tilespmem:s30+$0x60];
	v30 =	vadd.f32 $1.000000000e+00, v38;
	v20 =	vadd.f32 v34, v20;
	v57 =	vmul.f32 v54, v60;
	v38 =	vpop (erf)  }
0xa8: {  	v55 =	vsub.f32 $0.0e+00, v58;
	v58 =	vadd.f32 $1.000000000e+00, v40;
	v61 =	vmul.f32 v59, v62;
	v62 =	vpop (erf)  }
0xa9: {  	v51 =	vld [tilespmem:s30+$0xFFFFFFF0];
	(erf) = vpow2.f32 v31;
	v20 =	vadd.f32 v57, v20;
	v31 =	vmul.f32 v62, v63  }
0xaa: {  	v33 =	vadd.f32 $1.000000000e+00, v33;
	v43 =	vld [tilespmem:s30+$0xFFFFFF70];
	v39 =	vsub.f32 $0.0e+00, v48;
	(erf) = vpow2.f32 v56  }
0xab: {  	v60 =	vld [tilespmem:s30+$0x70];
	(erf) = vrcp.f32 v58;
	v20 =	vadd.f32 v61, v20  }
0xac: {  	v39 =	vmul.f32 $1.442695020e+00, v39;
	v21 =	vsub.f32 $0.0e+00, v21;
	(erf) = vrcp.f32 v33  }
0xad: {  	v63 =	vmul.f32 $1.442695020e+00, v55;
	(erf) = vrcp.f32 v30;
	v47 =	vadd.f32 v31, v20;
	v31 =	vpop (erf)  }
0xae: {  	v52 =	vsub.f32 $0.0e+00, v51;
	v45 =	vld [tilespmem:s29+$0xFFFFFF70];
	v53 =	vmul.f32 $1.442695020e+00, v21;
	(erf) = vpow2.f32 v39;
	v30 =	vpop (erf)  }
0xaf: {  	v43 =	vsub.f32 $0.0e+00, v43;
	v32 =	vld [tilespmem:s16+$0xFFFFFF80];
	v55 =	vadd.f32 $1.000000000e+00, v42;
	(erf) = vpow2.f32 v63;
	v59 =	vpop (erf)  }
0xb0: {  	v34 =	vld [tilespmem:s29+$0x60];
	v56 =	vadd.f32 $1.000000000e+00, v44;
	v54 =	vsub.f32 $0.0e+00, v60;
	(erf) = vpow2.f32 v53;
	v60 =	vpop (erf)  }
0xb1: {  	v43 =	vmul.f32 $1.442695020e+00, v43;
	v57 =	vadd.f32 $1.000000000e+00, v49;
	v58 =	vld [tilespmem:s16+$0xFFFFFF00];
	(erf) = vrcp.f32 v55;
	v62 =	vpop (erf)  }
0xb2: {  	v40 =	vmul.f32 $1.442695020e+00, v52;
	v61 =	vld [tilespmem:s16+$0x0];
	(erf) = vrcp.f32 v56;
	v52 =	vpop (erf)  }
0xb3: {  	v29 =	vadd.f32 v29, v25;
	v41 =	vld [tilespmem:s16+$0xFFFFFFB0];
	(erf) = vrcp.f32 v57;
	v53 =	vpop (erf)  }
0xb4: {  	v36 =	vadd.f32 $1.000000000e+00, v36;
	v21 =	vld [tilespmem:s29+$0x70];
	v37 =	vmul.f32 $1.442695020e+00, v54;
	(erf) = vpow2.f32 v43;
	v54 =	vpop (erf)  }
0xb5: {  	v44 =	vld [tilespmem:s16+$0x10];
	v49 =	vadd.f32 $1.000000000e+00, v50;
	v27 =	vmul.f32 v27, v34;
	(erf) = vpow2.f32 v40;
	v55 =	vpop (erf)  }
0xb6: {  	v33 =	vld [tilespmem:s16+$0xFFFFFF10];
	v39 =	vmul.f32 v54, v58;
	v54 =	vadd.f32 v26, v22;
	(erf) = vpow2.f32 v37;
	v22 =	vpop (erf)  }
0xb7: {  	v35 =	vadd.f32 $1.000000000e+00, v35;
	v34 =	vld [tilespmem:s16+$0xFFFFFF40];
	(erf) = vrcp.f32 v49;
	v25 =	vpop (erf);
	v22 =	vmul.f32 v22, v61  }
0xb8: {  	v46 =	vadd.f32 $1.000000000e+00, v46;
	v20 =	vld [tilespmem:s29+$0xFFFFFFF0];
	v48 =	vadd.f32 $1.000000000e+00, v59;
	(erf) = vrcp.f32 v36;
	v59 =	vpop (erf)  }
0xb9: {  	v38 =	vadd.f32 $1.000000000e+00, v38;
	v63 =	vld [tilespmem:s16+$0xFFFFFF90];
	v50 =	vadd.f32 $1.000000000e+00, v60;
	(erf) = vrcp.f32 v35;
	v60 =	vpop (erf)  }
0xba: {  	v31 =	vadd.f32 $1.000000000e+00, v31;
	v30 =	vadd.f32 $1.000000000e+00, v30;
	v56 =	vld [tilespmem:s16+$0x20];
	v61 =	vpop (erf);
	(erf) = vrcp.f32 v46  }
0xbb: {  	v51 =	vadd.f32 $1.000000000e+00, v62;
	v43 =	vld [tilespmem:s16+$0xFFFFFF20];
	v62 =	vadd.f32 $0.0e+00, v22;
	v22 =	vpop (erf);
	(erf) = vrcp.f32 v38  }
0xbc: {  	v52 =	vadd.f32 $1.000000000e+00, v52;
	v40 =	vld [tilespmem:s16+$0xFFFFFFA0];
	v26 =	vmul.f32 v55, v32;
	v42 =	vpop (erf);
	(erf) = vrcp.f32 v31  }
0xbd: {  	v53 =	vadd.f32 $1.000000000e+00, v53;
	v37 =	vld [tilespmem:s16+$0xFFFFFF50];
	(erf) = vrcp.f32 v30;
	v30 =	vmul.f32 v42, v44  }
0xbe: {  	v49 =	vld [tilespmem:s16+$0xFFFFFF30];
	v26 =	vadd.f32 $0.0e+00, v26;
	v63 =	vmul.f32 v22, v63;
	v22 =	vadd.f32 v27, v28;
	v28 =	vpop (erf)  }
0xbf: {  	v55 =	vld [tilespmem:s16+$0x30];
	v32 =	vadd.f32 $0.0e+00, v39;
	v44 =	vadd.f32 $1.000000000e+00, v28;
	v28 =	vpop (erf)  }
0xc0: {  	v23 =	vmul.f32 v23, v45;
	v36 =	vld [tilespmem:s16+$0x40];
	v42 =	vadd.f32 v63, v26;
	v26 =	vadd.f32 $1.000000000e+00, v28;
	v28 =	vpop (erf)  }
0xc1: {  	v39 =	vld [tilespmem:s16+$0x50];
	v33 =	vmul.f32 v61, v33;
	(erf) = vrcp.f32 v48;
	v46 =	vadd.f32 v30, v62;
	v30 =	vpop (erf)  }
0xc2: {  	v25 =	vadd.f32 $1.000000000e+00, v25;
	v35 =	vld [tilespmem:s16+$0xFFFFFFC0];
	(erf) = vrcp.f32 v50;
	v30 =	vmul.f32 v30, v43  }
0xc3: {  	v58 =	vadd.f32 $1.000000000e+00, v60;
	v60 =	vadd.f32 v23, v54;
	v23 =	vld [tilespmem:s16+$0x60];
	(erf) = vrcp.f32 v51  }
0xc4: {  	v57 =	vadd.f32 $1.000000000e+00, v59;
	v38 =	vld [tilespmem:s16+$0xFFFFFFD0];
	v27 =	vadd.f32 v33, v32;
	(erf) = vrcp.f32 v52;
	v51 =	vpop (erf)  }
0xc5: {  	v31 =	vld [tilespmem:s16+$0xFFFFFF60];
	v28 =	vadd.f32 $1.000000000e+00, v28;
	v40 =	vmul.f32 v51, v40;
	v59 =	vpop (erf);
	(erf) = vrcp.f32 v53  }
0xc6: {  	s18 =	simm.s32 $0x10620;
	v32 =	vld [tilespmem:s16+$0xFFFFFFE0];
	v27 =	vadd.f32 v30, v27;
	v61 =	vmul.f32 v59, v56;
	v30 =	vpop (erf);
	(erf) = vrcp.f32 v25  }
0xc7: {  	s24 =	simm.s32 $0x10660;
	[tilespmem:s18+$0x10] =	vst v24;
	v33 =	vld [tilespmem:s16+$0xFFFFFF70];
	v24 =	vadd.f32 v40, v42;
	v62 =	vmul.f32 v30, v49;
	v25 =	vpop (erf);
	(erf) = vrcp.f32 v57  }
0xc8: {  	[tilespmem:s24+$0x10] =	vst v47;
	v40 =	vld [tilespmem:s16+$0xFFFFFFF0];
	v30 =	vmul.f32 v25, v41;
	v25 =	vadd.f32 v61, v46;
	v63 =	vpop (erf);
	(erf) = vrcp.f32 v58  }
0xc9: {  	s28 =	simm.s32 $0x4500;
	s20 =	simm.s32 $0x10660;
	s25 =	simm.s32 $0x4;
	[tilespmem:s18+$0xFFFFFFE0] =	vst v60;
	v41 =	vld [tilespmem:s16+$0x70];
	v27 =	vadd.f32 v62, v27;
	v42 =	vmul.f32 v63, v55;
	v43 =	vpop (erf);
	(erf) = vrcp.f32 v44  }
.LBB2_2:
0xca: {  	v44 =	vld [tilespmem:s28+$0x80];
	s25 =	sadd.s32 $0x4, s25;
	v34 =	vmul.f32 v43, v34;
	v24 =	vadd.f32 v30, v24;
	v30 =	vpop (erf);
	(erf) = vrcp.f32 v26  }
0xcb: {  	v18 =	vmul.f32 v18, v20;
	v26 =	vld [tilespmem:s28+$0xFFFFFF80]  }
0xcc: {  	p0 =	slt.u32 s25, $0x1C;
	v30 =	vmul.f32 v30, v35;
	v25 =	vadd.f32 v42, v25;
	v35 =	vpop (erf);
	(erf) = vrcp.f32 v28  }
0xcd: {  	v28 =	vld [tilespmem:s28+$0x90];
	v27 =	vadd.f32 v34, v27;
	v0 =	vmul.f32 v35, v36;
	v35 =	vpop (erf);
	v18 =	vadd.f32 v18, v29  }
0xce: {  	v20 =	vld [tilespmem:s28+$0x0];
	v35 =	vmul.f32 v35, v37;
	v30 =	vadd.f32 v30, v24;
	v36 =	vpop (erf);
	v24 =	vmul.f32 v19, v21  }
0xcf: {  	v19 =	vld [tilespmem:s28+$0xA0];
	v1 =	vmul.f32 v36, v38;
	v25 =	vadd.f32 v0, v25;
	v34 =	vpop (erf);
	v37 =	vsub.f32 $0.0e+00, v44  }
0xd0: {  	v36 =	vld [tilespmem:s28+$0xFFFFFF00];
	v29 =	vadd.f32 v35, v27;
	v27 =	vmul.f32 v34, v39;
	v34 =	vpop (erf);
	v35 =	vsub.f32 $0.0e+00, v26  }
0xd1: {  	v38 =	vld [tilespmem:s28+$0xB0];
	v31 =	vmul.f32 v34, v31;
	v30 =	vadd.f32 v1, v30;
	v21 =	vpop (erf);
	[tilespmem:s18+$0xFFFFFFF0] =	vst v18;
	v0 =	vmul.f32 $1.442695020e+00, v37  }
0xd2: {  	v34 =	vld [tilespmem:s28+$0xFFFFFF10];
	v37 =	vsub.f32 $0.0e+00, v28;
	v26 =	vadd.f32 v27, v25;
	v28 =	vpop (erf);
	v27 =	vmul.f32 $1.442695020e+00, v35  }
0xd3: {  	v32 =	vmul.f32 v21, v32;
	v1 =	vsub.f32 $0.0e+00, v20;
	v35 =	vld [tilespmem:s28+$0xC0];
	v25 =	vpop (erf)  }
0xd4: {  	v39 =	vld [tilespmem:s28+$0xFFFFFF90];
	v2 =	vmul.f32 $1.442695020e+00, v37;
	v37 =	vsub.f32 $0.0e+00, v19;
	(erf) = vpow2.f32 v0;
	v18 =	vpop (erf)  }
0xd5: {  	v36 =	vsub.f32 $0.0e+00, v36;
	v42 =	vmul.f32 $1.442695020e+00, v1;
	v43 =	vld [tilespmem:s28+$0xD0];
	(erf) = vpow2.f32 v27;
	v19 =	vpop (erf)  }
0xd6: {  	v20 =	vmovc v40;
	v37 =	vmul.f32 $1.442695020e+00, v37;
	v38 =	vsub.f32 $0.0e+00, v38;
	v44 =	vld [tilespmem:s28+$0xE0];
	(erf) = vpow2.f32 v2;
	v27 =	vmovc v33  }
0xd7: {  	v21 =	vmovc v41;
	v33 =	vmul.f32 $1.442695020e+00, v36;
	v34 =	vsub.f32 $0.0e+00, v34;
	v36 =	vld [tilespmem:s28+$0x10];
	(erf) = vpow2.f32 v42  }
0xd8: {  	v38 =	vmul.f32 $1.442695020e+00, v38;
	v35 =	vsub.f32 $0.0e+00, v35;
	v40 =	vld [tilespmem:s28+$0xF0];
	(erf) = vpow2.f32 v37  }
0xd9: {  	v34 =	vmul.f32 $1.442695020e+00, v34;
	v39 =	vsub.f32 $0.0e+00, v39;
	v37 =	vld [tilespmem:s28+$0xFFFFFF20];
	(erf) = vpow2.f32 v33  }
0xda: {  	v0 =	vmul.f32 $1.442695020e+00, v35;
	v35 =	vsub.f32 $0.0e+00, v43;
	v41 =	vld [tilespmem:s28+$0xFFFFFFA0];
	(erf) = vpow2.f32 v38  }
0xdb: {  	v38 =	vmul.f32 $1.442695020e+00, v39;
	v42 =	vsub.f32 $0.0e+00, v44;
	v39 =	vld [tilespmem:s28+$0x20];
	(erf) = vpow2.f32 v34  }
0xdc: {  	v1 =	vmul.f32 $1.442695020e+00, v35;
	v34 =	vld [tilespmem:s28+$0xFFFFFF30];
	v36 =	vsub.f32 $0.0e+00, v36;
	(erf) = vpow2.f32 v0  }
0xdd: {  	v42 =	vmul.f32 $1.442695020e+00, v42;
	v43 =	vld [tilespmem:s28+$0xFFFFFFB0];
	v40 =	vsub.f32 $0.0e+00, v40;
	(erf) = vpow2.f32 v38;
	v33 =	vpop (erf)  }
0xde: {  	v36 =	vmul.f32 $1.442695020e+00, v36;
	v38 =	vld [tilespmem:s28+$0x30];
	v44 =	vadd.f32 $1.000000000e+00, v33;
	v33 =	vpop (erf);
	(erf) = vpow2.f32 v1  }
0xdf: {  	v37 =	vsub.f32 $0.0e+00, v37;
	v45 =	vld [tilespmem:s28+$0xFFFFFF40];
	v40 =	vmul.f32 $1.442695020e+00, v40;
	v35 =	vpop (erf);
	(erf) = vpow2.f32 v42  }
0xe0: {  	v41 =	vsub.f32 $0.0e+00, v41;
	v42 =	vld [tilespmem:s28+$0xFFFFFFC0];
	v46 =	vadd.f32 $1.000000000e+00, v35;
	v35 =	vpop (erf);
	(erf) = vrcp.f32 v44  }
0xe1: {  	v37 =	vmul.f32 $1.442695020e+00, v37;
	v39 =	vsub.f32 $0.0e+00, v39;
	v44 =	vld [tilespmem:s28+$0x40];
	v47 =	vpop (erf);
	(erf) = vpow2.f32 v40  }
0xe2: {  	v41 =	vmul.f32 $1.442695020e+00, v41;
	v40 =	vld [tilespmem:s28+$0xFFFFFF50];
	v47 =	vadd.f32 $1.000000000e+00, v47;
	v48 =	vpop (erf);
	(erf) = vrcp.f32 v46  }
0xe3: {  	v46 =	vsub.f32 $0.0e+00, v34;
	v39 =	vmul.f32 $1.442695020e+00, v39;
	v49 =	vld [tilespmem:s28+$0xFFFFFFD0];
	(erf) = vpow2.f32 v36;
	v34 =	vpop (erf)  }
0xe4: {  	s16 =	sadd.s32 $0x200, s16;
	v36 =	vsub.f32 $0.0e+00, v43;
	v43 =	vld [tilespmem:s28+$0x50];
	v50 =	vadd.f32 $1.000000000e+00, v34;
	v34 =	vpop (erf);
	(erf) = vrcp.f32 v47  }
0xe5: {  	v38 =	vsub.f32 $0.0e+00, v38;
	v46 =	vmul.f32 $1.442695020e+00, v46;
	v47 =	vld [tilespmem:s16+$0x80];
	(erf) = vpow2.f32 v37;
	v37 =	vpop (erf)  }
0xe6: {  	v36 =	vmul.f32 $1.442695020e+00, v36;
	v51 =	vld [tilespmem:s28+$0xFFFFFF60];
	v0 =	vadd.f32 $1.000000000e+00, v37;
	v52 =	vpop (erf);
	(erf) = vrcp.f32 v50  }
0xe7: {  	v45 =	vsub.f32 $0.0e+00, v45;
	v38 =	vmul.f32 $1.442695020e+00, v38;
	v50 =	vld [tilespmem:s16+$0x90];
	(erf) = vpow2.f32 v41;
	v41 =	vpop (erf)  }
0xe8: {  	v42 =	vsub.f32 $0.0e+00, v42;
	v53 =	vld [tilespmem:s28+$0xFFFFFFE0];
	v1 =	vadd.f32 $1.000000000e+00, v41;
	(erf) = vrcp.f32 v0;
	v37 =	vpop (erf)  }
0xe9: {  	v45 =	vmul.f32 $1.442695020e+00, v45;
	v44 =	vsub.f32 $0.0e+00, v44;
	v54 =	vld [tilespmem:s16+$0xA0];
	(erf) = vpow2.f32 v39;
	v39 =	vpop (erf)  }
0xea: {  	v37 =	vadd.f32 $1.000000000e+00, v37;
	v55 =	vld [tilespmem:s28+$0x60];
	v39 =	vmul.f32 v39, v47;
	(erf) = vrcp.f32 v1;
	v41 =	vpop (erf)  }
0xeb: {  	v42 =	vmul.f32 $1.442695020e+00, v42;
	v47 =	vld [tilespmem:s16+$0xB0];
	v41 =	vadd.f32 $1.000000000e+00, v41;
	(erf) = vpow2.f32 v46;
	v46 =	vpop (erf)  }
0xec: {  	v56 =	vld [tilespmem:s28+$0xFFFFFF70];
	v39 =	vadd.f32 $0.0e+00, v39;
	v0 =	vmul.f32 v46, v50;
	v50 =	vpop (erf);
	(erf) = vrcp.f32 v37  }
0xed: {  	v37 =	vsub.f32 $0.0e+00, v40;
	v40 =	vmul.f32 $1.442695020e+00, v44;
	v44 =	vld [tilespmem:s16+$0xC0];
	(erf) = vpow2.f32 v36;
	v36 =	vpop (erf)  }
0xee: {  	v57 =	vld [tilespmem:s28+$0xFFFFFFF0];
	v0 =	vadd.f32 v0, v39;
	v36 =	vmul.f32 v36, v54;
	v46 =	vpop (erf);
	(erf) = vrcp.f32 v41  }
0xef: {  	v43 =	vsub.f32 $0.0e+00, v43;
	v41 =	vsub.f32 $0.0e+00, v49;
	v49 =	vld [tilespmem:s16+$0xD0];
	(erf) = vpow2.f32 v38;
	v38 =	vpop (erf)  }
0xf0: {  	v54 =	vld [tilespmem:s28+$0x70];
	v36 =	vadd.f32 v36, v0;
	v38 =	vmul.f32 v38, v47;
	(erf) = vpow2.f32 v45;
	v39 =	vpop (erf)  }
0xf1: {  	v37 =	vmul.f32 $1.442695020e+00, v37;
	v45 =	vsub.f32 $0.0e+00, v51;
	v47 =	vld [tilespmem:s16+$0xE0];
	(erf) = vpow2.f32 v42;
	v42 =	vpop (erf)  }
0xf2: {  	v51 =	vld [tilespmem:s16+$0xFFFFFF00];
	v36 =	vadd.f32 v38, v36;
	v38 =	vmul.f32 v42, v44;
	v58 =	vpop (erf);
	(erf) = vpow2.f32 v40  }
0xf3: {  	v40 =	vmul.f32 $1.442695020e+00, v41;
	v41 =	vsub.f32 $0.0e+00, v53;
	v42 =	vmul.f32 $1.442695020e+00, v43;
	v43 =	vld [tilespmem:s16+$0xF0];
	v44 =	vpop (erf)  }
0xf4: {  	v55 =	vsub.f32 $0.0e+00, v55;
	v53 =	vld [tilespmem:s16+$0xFFFFFF80];
	v36 =	vadd.f32 v38, v36;
	v0 =	vmul.f32 v44, v49;
	v49 =	vpop (erf)  }
0xf5: {  	v33 =	vadd.f32 $1.000000000e+00, v33;
	v44 =	vadd.f32 $1.000000000e+00, v48;
	v48 =	vld [tilespmem:s16+$0x0];
	(erf) = vpow2.f32 v37;
	v37 =	vpop (erf)  }
0xf6: {  	v35 =	vadd.f32 $1.000000000e+00, v35;
	v59 =	vld [tilespmem:s16+$0xFFFFFF10];
	v36 =	vadd.f32 v0, v36;
	v37 =	vmul.f32 v37, v47;
	v38 =	vpop (erf)  }
0xf7: {  	v60 =	vmul.f32 $1.442695020e+00, v45;
	v47 =	vsub.f32 $0.0e+00, v56;
	v56 =	vld [tilespmem:s16+$0xFFFFFF90];
	(erf) = vpow2.f32 v40;
	v40 =	vpop (erf)  }
0xf8: {  	v61 =	vld [tilespmem:s16+$0x10];
	v36 =	vadd.f32 v37, v36;
	v0 =	vmul.f32 v40, v43;
	v40 =	vpop (erf);
	(erf) = vpow2.f32 v42  }
0xf9: {  	v55 =	vmul.f32 $1.442695020e+00, v55;
	v57 =	vsub.f32 $0.0e+00, v57;
	v41 =	vmul.f32 $1.442695020e+00, v41;
	v42 =	vld [tilespmem:s16+$0xFFFFFF20];
	v62 =	vpop (erf)  }
0xfa: {  	v54 =	vsub.f32 $0.0e+00, v54;
	v43 =	vld [tilespmem:s16+$0xFFFFFFA0];
	v36 =	vadd.f32 v0, v36;
	(erf) = vrcp.f32 v44;
	v37 =	vpop (erf)  }
0xfb: {  	s24 =	sadd.s32 $0x40, s24;
	v63 =	vadd.f32 $1.000000000e+00, v34;
	v52 =	vadd.f32 $1.000000000e+00, v52;
	v44 =	vld [tilespmem:s16+$0x20];
	(erf) = vrcp.f32 v33;
	v33 =	vpop (erf)  }
0xfc: {  	v50 =	vadd.f32 $1.000000000e+00, v50;
	v1 =	vmul.f32 $1.442695020e+00, v47;
	v45 =	vld [tilespmem:s16+$0xFFFFFF30];
	[tilespmem:s24+$0x10] =	vst v36;
	(erf) = vrcp.f32 v35  }
0xfd: {  	v17 =	vadd.f32 $1.000000000e+00, v46;
	v57 =	vmul.f32 $1.442695020e+00, v57;
	v47 =	vld [tilespmem:s16+$0xFFFFFFB0];
	(erf) = vpow2.f32 v60  }
0xfe: {  	v54 =	vmul.f32 $1.442695020e+00, v54;
	v60 =	vadd.f32 $1.000000000e+00, v39;
	v46 =	vld [tilespmem:s16+$0x30];
	v39 =	vpop (erf);
	(erf) = vpow2.f32 v41  }
0xff: {  	v41 =	vadd.f32 $1.000000000e+00, v49;
	v49 =	vadd.f32 $1.000000000e+00, v58;
	v34 =	vld [tilespmem:s16+$0xFFFFFF40];
	(erf) = vpow2.f32 v55  }
0x100: {  	v58 =	vadd.f32 $1.000000000e+00, v40;
	v55 =	vadd.f32 $1.000000000e+00, v38;
	v35 =	vld [tilespmem:s16+$0xFFFFFFC0];
	(erf) = vrcp.f32 v63;
	v40 =	vpop (erf)  }
0x101: {  	v62 =	vadd.f32 $1.000000000e+00, v62;
	v63 =	vadd.f32 $1.000000000e+00, v37;
	v36 =	vld [tilespmem:s16+$0x40];
	(erf) = vrcp.f32 v52;
	v52 =	vpop (erf)  }
0x102: {  	v2 =	vadd.f32 $1.000000000e+00, v33;
	v0 =	vadd.f32 $1.000000000e+00, v39;
	v37 =	vld [tilespmem:s16+$0xFFFFFF50];
	(erf) = vrcp.f32 v50  }
0x103: {  	v50 =	vadd.f32 $1.000000000e+00, v40;
	v52 =	vadd.f32 $1.000000000e+00, v52;
	v38 =	vld [tilespmem:s16+$0xFFFFFFD0];
	v33 =	vpop (erf);
	(erf) = vpow2.f32 v1  }
0x104: {  	v1 =	vmul.f32 v33, v51;
	v39 =	vld [tilespmem:s16+$0x50];
	v33 =	vpop (erf);
	(erf) = vpow2.f32 v57;
	v51 =	vadd.f32 v31, v29  }
0x105: {  	v29 =	vadd.f32 v32, v30;
	v31 =	vld [tilespmem:s16+$0xFFFFFF60];
	v33 =	vmul.f32 v33, v53;
	v40 =	vpop (erf);
	(erf) = vpow2.f32 v54  }
0x106: {  	v1 =	vadd.f32 $0.0e+00, v1;
	v32 =	vld [tilespmem:s16+$0xFFFFFFE0];
	v30 =	vmul.f32 v40, v48;
	(erf) = vrcp.f32 v17;
	v17 =	vpop (erf)  }
0x107: {  	v17 =	vadd.f32 $1.000000000e+00, v17;
	v48 =	vadd.f32 $0.0e+00, v33;
	v53 =	vld [tilespmem:s16+$0x60];
	(erf) = vrcp.f32 v60;
	v40 =	vpop (erf)  }
0x108: {  	v33 =	vld [tilespmem:s16+$0xFFFFFF70];
	v54 =	vadd.f32 $1.000000000e+00, v40;
	v30 =	vadd.f32 $0.0e+00, v30;
	(erf) = vrcp.f32 v49;
	v49 =	vpop (erf)  }
0x109: {  	v23 =	vmul.f32 v28, v23;
	v40 =	vld [tilespmem:s16+$0xFFFFFFF0];
	v49 =	vadd.f32 $1.000000000e+00, v49;
	v57 =	vpop (erf);
	(erf) = vrcp.f32 v41  }
0x10a: {  	v24 =	vadd.f32 v24, v22;
	v28 =	vmul.f32 v57, v59;
	v41 =	vld [tilespmem:s16+$0x70];
	v57 =	vpop (erf);
	(erf) = vrcp.f32 v55  }
0x10b: {  	v22 =	vadd.f32 v23, v26;
	v55 =	vmul.f32 v57, v56;
	v56 =	vpop (erf);
	(erf) = vrcp.f32 v58  }
0x10c: {  	v1 =	vadd.f32 v28, v1;
	v23 =	vmul.f32 v56, v61;
	(erf) = vrcp.f32 v62;
	v26 =	vpop (erf);
	[tilespmem:s18+$0x0] =	vst v24;
	s18 =	smov.u32 s20;
	s20 =	smov.u32 s24  }
0x10d: {  	v56 =	vadd.f32 $1.000000000e+00, v26;
	v24 =	vadd.f32 v55, v48;
	(erf) = vrcp.f32 v63;
	v26 =	vpop (erf)  }
0x10e: {  	v26 =	vadd.f32 $1.000000000e+00, v26;
	v48 =	vadd.f32 v23, v30;
	(erf) = vrcp.f32 v2;
	v2 =	vpop (erf)  }
0x10f: {  	v28 =	vadd.f32 $1.000000000e+00, v2;
	v2 =	vpop (erf);
	(erf) = vrcp.f32 v0;
	v0 =	vmul.f32 v25, v27  }
0x110: {  	v2 =	vmul.f32 v2, v42;
	v25 =	vpop (erf);
	(erf) = vrcp.f32 v50;
	v23 =	vmov v53  }
.Ltmp0:
0x111: {  	v30 =	vmul.f32 v25, v43;
	v27 =	vpop (erf);
	(erf) = vrcp.f32 v52;
	v42 =	vadd.f32 v0, v51;
	(pc) =	sbr.rel @p0 .LBB2_2-.Ltmp0, $4  }
0x112: {  	v1 =	vadd.f32 v2, v1;
	v2 =	vmul.f32 v27, v44;
	v27 =	vpop (erf);
	(erf) = vrcp.f32 v17  }
0x113: {  	v17 =	vmul.f32 v27, v45;
	v24 =	vadd.f32 v30, v24;
	v25 =	vpop (erf);
	(erf) = vrcp.f32 v54;
	[tilespmem:s18+$0xFFFFFFE0] =	vst v42  }
0x114: {  	v30 =	vmul.f32 v25, v47;
	v25 =	vadd.f32 v2, v48;
	v0 =	vpop (erf);
	(erf) = vrcp.f32 v49  }
0x115: {  	s28 =	sadd.s32 $0x200, s28;
	v27 =	vadd.f32 v17, v1;
	v42 =	vmul.f32 v0, v46;
	v43 =	vpop (erf);
	(erf) = vrcp.f32 v56  }
0x116: {  	v0 =	vpop (erf);
	(erf) = vrcp.f32 v26  }
0x117: {  	v1 =	vpop (erf);
	(erf) = vrcp.f32 v28  }
0x118: {  	v24 =	vadd.f32 v30, v24;
	v0 =	vmul.f32 v0, v35;
	v25 =	vadd.f32 v42, v25;
	v17 =	vpop (erf)  }
0x119: {  	v2 =	vmul.f32 v43, v34;
	v18 =	vmul.f32 v18, v20;
	v26 =	vpop (erf)  }
0x11a: {  	v1 =	vmul.f32 v1, v36;
	v0 =	vadd.f32 v0, v24;
	v20 =	vpop (erf);
	v24 =	vmul.f32 v26, v38  }
0x11b: {  	v19 =	vmul.f32 v19, v21;
	v2 =	vadd.f32 v2, v27;
	v17 =	vmul.f32 v17, v37;
	v21 =	vpop (erf)  }
0x11c: {  	v1 =	vadd.f32 v1, v25;
	v20 =	vmul.f32 v20, v39;
	v25 =	vpop (erf)  }
0x11d: {  	v18 =	vadd.f32 v18, v29;
	v2 =	vadd.f32 v17, v2;
	v17 =	vmul.f32 v21, v31;
	v21 =	vpop (erf)  }
0x11e: {  	v0 =	vadd.f32 v24, v0;
	v1 =	vadd.f32 v20, v1;
	v20 =	vmul.f32 v25, v32;
	v24 =	vpop (erf)  }
0x11f: {  	v2 =	vadd.f32 v17, v2;
	v17 =	vmul.f32 v21, v23;
	v25 =	vpop (erf);
	v21 =	vmul.f32 v24, v33  }
0x120: {  	v19 =	vadd.f32 v19, v22;
	v0 =	vadd.f32 v20, v0;
	v23 =	vpop (erf);
	v20 =	vmul.f32 v25, v40  }
0x121: {  	[tilespmem:s18+$0xFFFFFFF0] =	vst v18;
	v1 =	vadd.f32 v17, v1;
	v2 =	vadd.f32 v21, v2;
	v17 =	vmul.f32 v23, v41  }
0x122: {  	[tilespmem:s18+$0x0] =	vst v19;
	v0 =	vadd.f32 v20, v0  }
0x123: {  	[tilespmem:s20+$0xFFFFFFE0] =	vst v2;
	v1 =	vadd.f32 v17, v1  }
0x124: {  	[tilespmem:s20+$0xFFFFFFF0] =	vst v0  }
0x125: {  	s16 =	simm.s32 $0x0;
	s30 =	simm.s32 $0x10080;
	[tilespmem:s20+$0x0] =	vst v1  }
0x126: {  	[tilespmem:s16], [sflag:$0x1] =	stream.indirect.gather [hbm4b:s1+s23], $0x80, s30, s23, $0xb8;
	[tilespmem:$0x12800] =	vst v63  }
0x127: {  	s20 =	simm.s32 $0x10280  }
0x128: {  	[tilespmem:s14], [sflag:$0x1] =	stream.indirect.gather [hbm4b:s2+s23], $0x80, s20, s23, $0xb8;
	[tilespmem:$0x12800] =	vst v63  }
0x129: {  	_ =	swait.ge [sflag:s26], $0x3000  }
0x12a: {  	[sflag:s26] =	ssyncset.done $0x0  }
0x12b: {  	[sflag:s26] =	ssyncadd.s32 $0xFFFFD000  }
0x12c: {  	_ =	swait.ge [sflag:s26], $0x3000  }
0x12d: {  	[sflag:s26] =	ssyncset.done $0x0  }
0x12e: {  	s24 =	simm.s32 $0xC100;
	[sflag:s26] =	ssyncadd.s32 $0xFFFFD000  }
0x12f: {  	v0 =	vld [tilespmem:s24+$0x80]  }
0x130: {  	v1 =	vld [tilespmem:s24+$0xFFFFFF80]  }
0x131: {  	v2 =	vld [tilespmem:s24+$0x90]  }
0x132: {  	v17 =	vld [tilespmem:s24+$0x0]  }
0x133: {  	v18 =	vld [tilespmem:s24+$0xA0]  }
0x134: {  	v19 =	vld [tilespmem:s24+$0xFFFFFF00]  }
0x135: {  	v20 =	vld [tilespmem:s24+$0xB0];
	v0 =	vsub.f32 $0.0e+00, v0  }
0x136: {  	v21 =	vld [tilespmem:s24+$0xFFFFFF10];
	v1 =	vsub.f32 $0.0e+00, v1;
	v2 =	vsub.f32 $0.0e+00, v2  }
0x137: {  	v22 =	vld [tilespmem:s24+$0xC0];
	v17 =	vsub.f32 $0.0e+00, v17;
	v0 =	vmul.f32 $1.442695020e+00, v0  }
0x138: {  	v23 =	vld [tilespmem:s24+$0xFFFFFF90];
	v18 =	vsub.f32 $0.0e+00, v18;
	v1 =	vmul.f32 $1.442695020e+00, v1;
	v2 =	vmul.f32 $1.442695020e+00, v2  }
0x139: {  	v17 =	vmul.f32 $1.442695020e+00, v17;
	(erf) = vpow2.f32 v0;
	v0 =	vsub.f32 $0.0e+00, v19  }
0x13a: {  	v19 =	vld [tilespmem:s24+$0xD0];
	(erf) = vpow2.f32 v1;
	v1 =	vmul.f32 $1.442695020e+00, v18;
	v18 =	vsub.f32 $0.0e+00, v20  }
0x13b: {  	v20 =	vld [tilespmem:s24+$0xE0];
	(erf) = vpow2.f32 v2;
	v0 =	vmul.f32 $1.442695020e+00, v0  }
0x13c: {  	v2 =	vsub.f32 $0.0e+00, v21;
	v21 =	vld [tilespmem:s24+$0xF0];
	(erf) = vpow2.f32 v17;
	v17 =	vmul.f32 $1.442695020e+00, v18  }
0x13d: {  	v18 =	vsub.f32 $0.0e+00, v22;
	v22 =	vsub.f32 $0.0e+00, v23;
	(erf) = vpow2.f32 v1  }
0x13e: {  	v1 =	vld [tilespmem:s24+$0x10];
	v2 =	vmul.f32 $1.442695020e+00, v2;
	(erf) = vpow2.f32 v0  }
0x13f: {  	(erf) = vpow2.f32 v17;
	v17 =	vmul.f32 $1.442695020e+00, v22  }
0x140: {  	v0 =	vld [tilespmem:s24+$0xFFFFFF20];
	v18 =	vmul.f32 $1.442695020e+00, v18;
	v19 =	vsub.f32 $0.0e+00, v19  }
0x141: {  	v20 =	vsub.f32 $0.0e+00, v20;
	(erf) = vpow2.f32 v2;
	v21 =	vsub.f32 $0.0e+00, v21  }
0x142: {  	v19 =	vmul.f32 $1.442695020e+00, v19;
	(erf) = vpow2.f32 v18  }
0x143: {  	v20 =	vmul.f32 $1.442695020e+00, v20;
	(erf) = vpow2.f32 v17;
	v1 =	vsub.f32 $0.0e+00, v1;
	v17 =	vpop (erf)  }
0x144: {  	v2 =	vld [tilespmem:s24+$0xFFFFFFA0];
	(erf) = vpow2.f32 v19;
	v19 =	vmul.f32 $1.442695020e+00, v21;
	v17 =	vadd.f32 $1.000000000e+00, v17;
	v23 =	vpop (erf)  }
0x145: {  	v0 =	vsub.f32 $0.0e+00, v0;
	(erf) = vpow2.f32 v20;
	v1 =	vmul.f32 $1.442695020e+00, v1;
	v21 =	vpop (erf)  }
0x146: {  	v21 =	vadd.f32 $1.000000000e+00, v21;
	v24 =	vpop (erf);
	(erf) = vrcp.f32 v17  }
0x147: {  	v0 =	vmul.f32 $1.442695020e+00, v0;
	v25 =	vpop (erf);
	(erf) = vpow2.f32 v19  }
0x148: {  	v20 =	vld [tilespmem:s24+$0xFFFFFFB0];
	v25 =	vadd.f32 $1.000000000e+00, v25;
	v26 =	vpop (erf);
	(erf) = vrcp.f32 v21  }
0x149: {  	v18 =	vld [tilespmem:s24+$0x20];
	v2 =	vsub.f32 $0.0e+00, v2;
	(erf) = vpow2.f32 v1;
	v1 =	vpop (erf)  }
0x14a: {  	v22 =	vld [tilespmem:s24+$0xFFFFFF30];
	v28 =	vpop (erf);
	(erf) = vrcp.f32 v25  }
0x14b: {  	v2 =	vmul.f32 $1.442695020e+00, v2;
	(erf) = vpow2.f32 v0;
	v0 =	vpop (erf)  }
0x14c: {  	s25 =	simm.s32 $0x8100;
	v17 =	vld [tilespmem:s24+$0x30];
	v1 =	vadd.f32 $1.000000000e+00, v1;
	v0 =	vadd.f32 $1.000000000e+00, v0  }
0x14d: {  	v20 =	vsub.f32 $0.0e+00, v20;
	v25 =	vld [tilespmem:s25+$0x80]  }
0x14e: {  	v18 =	vsub.f32 $0.0e+00, v18;
	v21 =	vld [tilespmem:s24+$0xFFFFFFC0];
	v30 =	vpop (erf);
	(erf) = vrcp.f32 v1  }
0x14f: {  	v22 =	vsub.f32 $0.0e+00, v22;
	v1 =	vmul.f32 $1.442695020e+00, v20;
	v20 =	vld [tilespmem:s25+$0x90];
	(erf) = vpow2.f32 v2;
	v2 =	vpop (erf)  }
0x150: {  	v18 =	vmul.f32 $1.442695020e+00, v18;
	(erf) = vrcp.f32 v0;
	v0 =	vpop (erf)  }
0x151: {  	v27 =	vld [tilespmem:s24+$0x40];
	v22 =	vmul.f32 $1.442695020e+00, v22;
	v40 =	vpop (erf)  }
0x152: {  	v29 =	vld [tilespmem:s24+$0xFFFFFF50];
	(erf) = vpow2.f32 v18;
	v18 =	vmul.f32 v40, v25;
	v25 =	vpop (erf)  }
0x153: {  	v63 =	vld [tilespmem:s25+$0xA0];
	v21 =	vsub.f32 $0.0e+00, v21;
	v2 =	vadd.f32 $1.000000000e+00, v2;
	v42 =	vpop (erf)  }
0x154: {  	v19 =	vld [tilespmem:s24+$0xFFFFFF40];
	v17 =	vsub.f32 $0.0e+00, v17;
	v20 =	vmul.f32 v42, v20  }
0x155: {  	v0 =	vadd.f32 $1.000000000e+00, v0;
	(erf) = vrcp.f32 v2;
	v2 =	vmul.f32 $1.442695020e+00, v21;
	v21 =	vld [tilespmem:s25+$0xB0]  }
0x156: {  	v31 =	vld [tilespmem:s24+$0xFFFFFFD0];
	v27 =	vsub.f32 $0.0e+00, v27;
	(erf) = vpow2.f32 v22;
	v18 =	vadd.f32 $0.0e+00, v18;
	v22 =	vpop (erf)  }
0x157: {  	v41 =	vld [tilespmem:s24+$0x50];
	v17 =	vmul.f32 $1.442695020e+00, v17;
	v25 =	vadd.f32 $1.000000000e+00, v25;
	(erf) = vrcp.f32 v0;
	v44 =	vpop (erf)  }
0x158: {  	v46 =	vld [tilespmem:s24+$0x60];
	(erf) = vpow2.f32 v1;
	v1 =	vadd.f32 v20, v18;
	v18 =	vmul.f32 v44, v63;
	v20 =	vpop (erf)  }
0x159: {  	v19 =	vsub.f32 $0.0e+00, v19;
	v0 =	vsub.f32 $0.0e+00, v29;
	v29 =	vld [tilespmem:s25+$0xC0];
	(erf) = vrcp.f32 v25;
	v47 =	vpop (erf)  }
0x15a: {  	v43 =	vld [tilespmem:s24+$0xFFFFFF60];
	v1 =	vadd.f32 v18, v1;
	(erf) = vpow2.f32 v17;
	v17 =	vmul.f32 v47, v21  }
0x15b: {  	v19 =	vmul.f32 $1.442695020e+00, v19;
	v25 =	vsub.f32 $0.0e+00, v31;
	v21 =	vld [tilespmem:s25+$0xD0]  }
0x15c: {  	v45 =	vld [tilespmem:s24+$0xFFFFFFE0];
	v27 =	vmul.f32 $1.442695020e+00, v27;
	v0 =	vmul.f32 $1.442695020e+00, v0;
	v18 =	vpop (erf);
	v1 =	vadd.f32 v17, v1  }
0x15d: {  	v49 =	vld [tilespmem:s25+$0xE0];
	v31 =	vsub.f32 $0.0e+00, v41;
	(erf) = vpow2.f32 v19;
	v25 =	vmul.f32 $1.442695020e+00, v25;
	v48 =	vpop (erf)  }
0x15e: {  	v32 =	vsub.f32 $0.0e+00, v46;
	(erf) = vpow2.f32 v2;
	v2 =	vmul.f32 v48, v29;
	v17 =	vpop (erf)  }
0x15f: {  	v23 =	vadd.f32 $1.000000000e+00, v23;
	v31 =	vmul.f32 $1.442695020e+00, v31;
	(erf) = vpow2.f32 v27;
	v50 =	vpop (erf)  }
0x160: {  	v29 =	vld [tilespmem:s24+$0xFFFFFF70];
	(erf) = vpow2.f32 v0;
	v0 =	vadd.f32 v2, v1;
	v1 =	vpop (erf);
	v21 =	vmul.f32 v50, v21  }
0x161: {  	v19 =	vsub.f32 $0.0e+00, v43;
	v2 =	vadd.f32 $1.000000000e+00, v26;
	(erf) = vpow2.f32 v25;
	v25 =	vld [tilespmem:s25+$0xF0];
	v26 =	vpop (erf)  }
0x162: {  	v27 =	vsub.f32 $0.0e+00, v45;
	(erf) = vpow2.f32 v31;
	v31 =	vld [tilespmem:s24+$0xFFFFFFF0];
	v26 =	vmul.f32 v26, v49  }
0x163: {  	v24 =	vadd.f32 $1.000000000e+00, v24;
	v19 =	vmul.f32 $1.442695020e+00, v19;
	v51 =	vpop (erf);
	(erf) = vrcp.f32 v2  }
0x164: {  	v27 =	vmul.f32 $1.442695020e+00, v27;
	v2 =	vld [tilespmem:s24+$0x70];
	v0 =	vadd.f32 v21, v0;
	v21 =	vpop (erf);
	(erf) = vrcp.f32 v23  }
0x165: {  	v23 =	vsub.f32 $0.0e+00, v29;
	v29 =	vpop (erf);
	(erf) = vrcp.f32 v24;
	v24 =	vmul.f32 $1.442695020e+00, v32  }
0x166: {  	v0 =	vadd.f32 v26, v0;
	v26 =	vpop (erf);
	(erf) = vpow2.f32 v19;
	v19 =	vmul.f32 v21, v25  }
0x167: {  	v25 =	vadd.f32 $1.000000000e+00, v28;
	v21 =	vpop (erf);
	(erf) = vpow2.f32 v27;
	v27 =	vsub.f32 $0.0e+00, v31  }
0x168: {  	v28 =	vadd.f32 $1.000000000e+00, v30;
	v30 =	vpop (erf);
	(erf) = vpow2.f32 v24  }
0x169: {  	v22 =	vadd.f32 $1.000000000e+00, v22;
	v2 =	vsub.f32 $0.0e+00, v2;
	v31 =	vpop (erf);
	(erf) = vrcp.f32 v25  }
0x16a: {  	v24 =	vadd.f32 v19, v0;
	v0 =	vmul.f32 $1.442695020e+00, v23;
	v19 =	vpop (erf);
	(erf) = vrcp.f32 v28  }
0x16b: {  	v20 =	vadd.f32 $1.000000000e+00, v20;
	v25 =	vmul.f32 $1.442695020e+00, v27;
	v27 =	vpop (erf);
	(erf) = vrcp.f32 v22  }
0x16c: {  	v18 =	vadd.f32 $1.000000000e+00, v18;
	v23 =	vld [tilespmem:s25+$0xFFFFFF00];
	v2 =	vmul.f32 $1.442695020e+00, v2;
	v28 =	vpop (erf);
	(erf) = vpow2.f32 v0  }
0x16d: {  	v17 =	vadd.f32 $1.000000000e+00, v17;
	v22 =	vld [tilespmem:s25+$0xFFFFFF80];
	v52 =	vpop (erf);
	(erf) = vpow2.f32 v25  }
0x16e: {  	v25 =	vld [tilespmem:s25+$0xFFFFFF10];
	v53 =	vpop (erf);
	(erf) = vpow2.f32 v2  }
0x16f: {  	v1 =	vadd.f32 $1.000000000e+00, v1;
	(erf) = vrcp.f32 v20;
	v20 =	vpop (erf)  }
0x170: {  	v54 =	vld [tilespmem:s25+$0x10];
	v33 =	vadd.f32 $1.000000000e+00, v51;
	v29 =	vadd.f32 $1.000000000e+00, v29;
	(erf) = vrcp.f32 v18;
	v18 =	vpop (erf)  }
0x171: {  	v26 =	vadd.f32 $1.000000000e+00, v26;
	v0 =	vld [tilespmem:s25+$0x0];
	v23 =	vmul.f32 v28, v23;
	(erf) = vrcp.f32 v17;
	v17 =	vpop (erf)  }
0x172: {  	v21 =	vadd.f32 $1.000000000e+00, v21;
	v2 =	vld [tilespmem:s25+$0xFFFFFF90];
	v22 =	vmul.f32 v52, v22;
	v56 =	vpop (erf);
	(erf) = vrcp.f32 v1  }
0x173: {  	v55 =	vld [tilespmem:s25+$0xFFFFFF20];
	v30 =	vadd.f32 $1.000000000e+00, v30;
	v57 =	vpop (erf);
	(erf) = vrcp.f32 v33;
	v25 =	vmul.f32 v56, v25  }
0x174: {  	v58 =	vld [tilespmem:s25+$0xFFFFFF30];
	v31 =	vadd.f32 $1.000000000e+00, v31;
	v19 =	vadd.f32 $1.000000000e+00, v19;
	v59 =	vpop (erf);
	(erf) = vrcp.f32 v29  }
0x175: {  	v28 =	vld [tilespmem:s25+$0xFFFFFFA0];
	v23 =	vadd.f32 $0.0e+00, v23;
	v22 =	vadd.f32 $0.0e+00, v22;
	(erf) = vrcp.f32 v26;
	v26 =	vpop (erf)  }
0x176: {  	v60 =	vld [tilespmem:s25+$0x30];
	v27 =	vadd.f32 $1.000000000e+00, v27;
	v20 =	vadd.f32 $1.000000000e+00, v20;
	(erf) = vrcp.f32 v21;
	v21 =	vpop (erf)  }
0x177: {  	v61 =	vld [tilespmem:s25+$0xFFFFFF40];
	v0 =	vmul.f32 v53, v0;
	v2 =	vmul.f32 v57, v2;
	v23 =	vadd.f32 v25, v23;
	v25 =	vpop (erf)  }
0x178: {  	v18 =	vadd.f32 $1.000000000e+00, v18;
	v1 =	vld [tilespmem:s25+$0x20];
	v17 =	vadd.f32 $1.000000000e+00, v17;
	(erf) = vrcp.f32 v30;
	v63 =	vpop (erf)  }
0x179: {  	v29 =	vld [tilespmem:s25+$0xFFFFFFB0];
	v62 =	vmul.f32 v59, v54;
	v2 =	vadd.f32 v2, v22;
	(erf) = vrcp.f32 v31;
	v22 =	vpop (erf)  }
0x17a: {  	v40 =	vld [tilespmem:s25+$0xFFFFFF60];
	v0 =	vadd.f32 $0.0e+00, v0;
	(erf) = vrcp.f32 v19;
	v22 =	vmul.f32 v22, v28  }
0x17b: {  	v26 =	vadd.f32 $1.000000000e+00, v26;
	v30 =	vld [tilespmem:s25+$0xFFFFFFC0];
	v36 =	vmul.f32 v63, v55;
	v37 =	vpop (erf);
	(erf) = vrcp.f32 v27  }
0x17c: {  	v21 =	vadd.f32 $1.000000000e+00, v21;
	v0 =	vadd.f32 v62, v0;
	v31 =	vld [tilespmem:s25+$0x40];
	v28 =	vpop (erf);
	(erf) = vrcp.f32 v20  }
0x17d: {  	v19 =	vld [tilespmem:s25+$0xFFFFFF50];
	v23 =	vadd.f32 v36, v23;
	v1 =	vmul.f32 v37, v1;
	v28 =	vmul.f32 v28, v58;
	v39 =	vpop (erf)  }
0x17e: {  	s24 =	simm.s32 $0xC300;
	v27 =	vld [tilespmem:s25+$0xFFFFFFD0];
	v2 =	vadd.f32 v22, v2;
	(erf) = vrcp.f32 v18;
	v18 =	vmul.f32 v39, v29;
	v22 =	vpop (erf)  }
0x17f: {  	v0 =	vadd.f32 v1, v0;
	v29 =	vld [tilespmem:s24+$0x90];
	(erf) = vrcp.f32 v17;
	v1 =	vmul.f32 v22, v60;
	v17 =	vpop (erf)  }
0x180: {  	v23 =	vadd.f32 v28, v23;
	v22 =	vld [tilespmem:s24+$0x80];
	(erf) = vrcp.f32 v26;
	v17 =	vmul.f32 v17, v61;
	v26 =	vpop (erf)  }
0x181: {  	v28 =	vld [tilespmem:s24+$0xFFFFFF80];
	v2 =	vadd.f32 v18, v2;
	(erf) = vrcp.f32 v21;
	v18 =	vmul.f32 v26, v30;
	v21 =	vpop (erf)  }
0x182: {  	v20 =	vld [tilespmem:s25+$0x50];
	v0 =	vadd.f32 v1, v0;
	v1 =	vmul.f32 v21, v31;
	v21 =	vpop (erf)  }
0x183: {  	v25 =	vadd.f32 $1.000000000e+00, v25;
	v30 =	vld [tilespmem:s24+$0x0];
	v17 =	vadd.f32 v17, v23;
	v19 =	vmul.f32 v21, v19  }
0x184: {  	v2 =	vadd.f32 v18, v2;
	v21 =	vld [tilespmem:s24+$0xA0];
	v0 =	vadd.f32 v1, v0  }
0x185: {  	(erf) = vrcp.f32 v25;
	v23 =	vld [tilespmem:s24+$0xFFFFFF00];
	v25 =	vsub.f32 $0.0e+00, v22;
	v18 =	vpop (erf);
	v22 =	vadd.f32 v19, v17  }
0x186: {  	v19 =	vsub.f32 $0.0e+00, v28;
	v28 =	vsub.f32 $0.0e+00, v29;
	v29 =	vld [tilespmem:s24+$0xFFFFFF90];
	v18 =	vmul.f32 v18, v27;
	v1 =	vpop (erf)  }
0x187: {  	v27 =	vmul.f32 $1.442695020e+00, v25;
	v1 =	vmul.f32 v1, v20;
	v17 =	vpop (erf);
	v20 =	vld [tilespmem:s24+$0xB0]  }
0x188: {  	v26 =	vmul.f32 v17, v40;
	v17 =	vld [tilespmem:s24+$0xFFFFFF10];
	v25 =	vadd.f32 v18, v2;
	v18 =	vsub.f32 $0.0e+00, v30  }
0x189: {  	v28 =	vmul.f32 $1.442695020e+00, v28;
	v2 =	vmul.f32 $1.442695020e+00, v19;
	v19 =	vld [tilespmem:s24+$0xC0];
	v21 =	vsub.f32 $0.0e+00, v21  }
0x18a: {  	(erf) = vpow2.f32 v27;
	v30 =	vld [tilespmem:s24+$0xD0];
	v18 =	vmul.f32 $1.442695020e+00, v18  }
0x18b: {  	v23 =	vsub.f32 $0.0e+00, v23;
	(erf) = vpow2.f32 v2;
	v2 =	vmul.f32 $1.442695020e+00, v21;
	v21 =	vld [tilespmem:s24+$0xE0]  }
0x18c: {  	(erf) = vpow2.f32 v28;
	v20 =	vsub.f32 $0.0e+00, v20  }
0x18d: {  	v23 =	vmul.f32 $1.442695020e+00, v23;
	v28 =	vsub.f32 $0.0e+00, v29;
	(erf) = vpow2.f32 v18  }
0x18e: {  	v17 =	vsub.f32 $0.0e+00, v17;
	(erf) = vpow2.f32 v2;
	v2 =	vld [tilespmem:s25+$0xFFFFFFE0];
	v18 =	vmul.f32 $1.442695020e+00, v20  }
0x18f: {  	v31 =	vpop (erf);
	v19 =	vsub.f32 $0.0e+00, v19;
	v30 =	vsub.f32 $0.0e+00, v30;
	v43 =	vmul.f32 $1.442695020e+00, v28;
	v20 =	vld [tilespmem:s24+$0xF0]  }
0x190: {  	v41 =	vld [tilespmem:s24+$0x10];
	v27 =	vpop (erf);
	(erf) = vpow2.f32 v23;
	v17 =	vmul.f32 $1.442695020e+00, v17;
	v21 =	vsub.f32 $0.0e+00, v21  }
0x191: {  	v23 =	vpop (erf);
	v29 =	vmul.f32 $1.442695020e+00, v19;
	(erf) = vpow2.f32 v18  }
0x192: {  	v28 =	vadd.f32 v1, v0;
	v1 =	vmul.f32 $1.442695020e+00, v30;
	(erf) = vpow2.f32 v17;
	v18 =	vpop (erf)  }
0x193: {  	v42 =	vld [tilespmem:s24+$0xFFFFFF20];
	v17 =	vmul.f32 $1.442695020e+00, v21;
	(erf) = vpow2.f32 v29;
	v19 =	vpop (erf)  }
0x194: {  	v0 =	vld [tilespmem:s24+$0xFFFFFFA0];
	v29 =	vmul.f32 v31, v2;
	v20 =	vsub.f32 $0.0e+00, v20;
	(erf) = vpow2.f32 v43;
	v21 =	vpop (erf)  }
0x195: {  	v31 =	vsub.f32 $0.0e+00, v41;
	(erf) = vpow2.f32 v1;
	v21 =	vadd.f32 $1.000000000e+00, v21  }
0x196: {  	v30 =	vpop (erf);
	v20 =	vmul.f32 $1.442695020e+00, v20;
	(erf) = vpow2.f32 v17  }
0x197: {  	v44 =	vpop (erf);
	(erf) = vrcp.f32 v21;
	v21 =	vmul.f32 $1.442695020e+00, v31  }
0x198: {  	v33 =	vsub.f32 $0.0e+00, v42;
	v2 =	vld [tilespmem:s24+$0x20];
	v32 =	vadd.f32 $1.000000000e+00, v44;
	v34 =	vpop (erf)  }
0x199: {  	v0 =	vsub.f32 $0.0e+00, v0;
	v45 =	vpop (erf);
	(erf) = vpow2.f32 v20  }
0x19a: {  	s18 =	simm.s32 $0x8300;
	v33 =	vmul.f32 $1.442695020e+00, v33;
	v1 =	vld [tilespmem:s24+$0xFFFFFF30];
	v35 =	vadd.f32 $1.000000000e+00, v45;
	v36 =	vpop (erf);
	(erf) = vrcp.f32 v32  }
0x19b: {  	v50 =	vld [tilespmem:s18+$0x80];
	v0 =	vmul.f32 $1.442695020e+00, v0;
	(erf) = vpow2.f32 v21;
	v21 =	vpop (erf)  }
0x19c: {  	v17 =	vld [tilespmem:s24+$0xFFFFFFB0];
	(erf) = vrcp.f32 v35;
	v21 =	vadd.f32 $1.000000000e+00, v21;
	v38 =	vpop (erf)  }
0x19d: {  	v31 =	vld [tilespmem:s24+$0x30];
	v2 =	vsub.f32 $0.0e+00, v2;
	(erf) = vpow2.f32 v33;
	v49 =	vpop (erf)  }
0x19e: {  	v20 =	vld [tilespmem:s24+$0xFFFFFF40];
	v40 =	vpop (erf);
	(erf) = vrcp.f32 v21  }
0x19f: {  	v46 =	vld [tilespmem:s24+$0xFFFFFFC0];
	v1 =	vsub.f32 $0.0e+00, v1;
	v2 =	vmul.f32 $1.442695020e+00, v2;
	(erf) = vpow2.f32 v0;
	v0 =	vpop (erf)  }
0x1a0: {  	v47 =	vld [tilespmem:s24+$0x40];
	v33 =	vadd.f32 $1.000000000e+00, v49;
	v0 =	vadd.f32 $1.000000000e+00, v0  }
0x1a1: {  	v48 =	vld [tilespmem:s24+$0xFFFFFF50];
	v17 =	vsub.f32 $0.0e+00, v17;
	v1 =	vmul.f32 $1.442695020e+00, v1  }
0x1a2: {  	v51 =	vld [tilespmem:s18+$0x90];
	v31 =	vsub.f32 $0.0e+00, v31;
	(erf) = vrcp.f32 v33;
	v52 =	vpop (erf)  }
0x1a3: {  	v54 =	vld [tilespmem:s18+$0xA0];
	v17 =	vmul.f32 $1.442695020e+00, v17;
	v20 =	vsub.f32 $0.0e+00, v20;
	(erf) = vpow2.f32 v2;
	v2 =	vpop (erf)  }
0x1a4: {  	v21 =	vld [tilespmem:s24+$0xFFFFFFD0];
	v31 =	vmul.f32 $1.442695020e+00, v31;
	v33 =	vadd.f32 $1.000000000e+00, v52;
	(erf) = vrcp.f32 v0;
	v0 =	vpop (erf)  }
0x1a5: {  	v57 =	vld [tilespmem:s24+$0xFFFFFFE0];
	v32 =	vsub.f32 $0.0e+00, v46;
	v2 =	vmul.f32 v2, v50;
	(erf) = vpow2.f32 v1;
	v1 =	vpop (erf)  }
0x1a6: {  	v55 =	vld [tilespmem:s18+$0xB0];
	v20 =	vmul.f32 $1.442695020e+00, v20;
	v0 =	vadd.f32 $1.000000000e+00, v0;
	(erf) = vrcp.f32 v33;
	v45 =	vpop (erf)  }
0x1a7: {  	v53 =	vld [tilespmem:s24+$0x50];
	v2 =	vadd.f32 $0.0e+00, v2;
	v1 =	vmul.f32 v1, v51;
	(erf) = vpow2.f32 v17;
	v17 =	vpop (erf)  }
0x1a8: {  	v56 =	vld [tilespmem:s18+$0xC0];
	v32 =	vmul.f32 $1.442695020e+00, v32;
	v46 =	vpop (erf);
	(erf) = vrcp.f32 v0  }
0x1a9: {  	v59 =	vld [tilespmem:s24+$0xFFFFFF70];
	v1 =	vadd.f32 v1, v2;
	v2 =	vmul.f32 v17, v54;
	v17 =	vsub.f32 $0.0e+00, v21;
	v21 =	vpop (erf)  }
0x1aa: {  	v63 =	vsub.f32 $0.0e+00, v57;
	v37 =	vsub.f32 $0.0e+00, v47;
	(erf) = vpow2.f32 v31;
	v31 =	vpop (erf)  }
0x1ab: {  	v58 =	vld [tilespmem:s18+$0xD0];
	v21 =	vmul.f32 v21, v55;
	v1 =	vadd.f32 v2, v1;
	(erf) = vpow2.f32 v20;
	v20 =	vpop (erf)  }
0x1ac: {  	v42 =	vsub.f32 $0.0e+00, v53;
	v61 =	vld [tilespmem:s18+$0xE0];
	v35 =	vsub.f32 $0.0e+00, v48;
	(erf) = vpow2.f32 v32;
	v32 =	vpop (erf)  }
0x1ad: {  	v57 =	vmul.f32 $1.442695020e+00, v63;
	v37 =	vmul.f32 $1.442695020e+00, v37;
	v1 =	vadd.f32 v21, v1;
	v21 =	vld [tilespmem:s18+$0xF0];
	v62 =	vpop (erf)  }
0x1ae: {  	v39 =	vsub.f32 $0.0e+00, v59;
	v44 =	vld [tilespmem:s24+$0xFFFFFF60];
	v2 =	vmul.f32 $1.442695020e+00, v35;
	v20 =	vmul.f32 v20, v56;
	v49 =	vpop (erf)  }
0x1af: {  	v30 =	vadd.f32 $1.000000000e+00, v30;
	v17 =	vmul.f32 $1.442695020e+00, v17;
	(erf) = vpow2.f32 v37;
	v51 =	vpop (erf)  }
0x1b0: {  	v0 =	vld [tilespmem:s24+$0x60];
	(erf) = vpow2.f32 v2;
	v1 =	vadd.f32 v20, v1;
	v20 =	vmul.f32 v62, v58;
	v53 =	vpop (erf)  }
0x1b1: {  	v48 =	vmul.f32 $1.442695020e+00, v42;
	v50 =	vadd.f32 $1.000000000e+00, v36;
	(erf) = vpow2.f32 v17;
	v56 =	vpop (erf)  }
0x1b2: {  	v52 =	vld [tilespmem:s24+$0x70];
	v1 =	vadd.f32 v20, v1;
	v20 =	vmul.f32 v51, v61;
	v17 =	vmul.f32 v56, v21  }
0x1b3: {  	v60 =	vsub.f32 $0.0e+00, v44;
	v2 =	vadd.f32 $1.000000000e+00, v34;
	(erf) = vpow2.f32 v48  }
0x1b4: {  	v47 =	vld [tilespmem:s24+$0xFFFFFFF0];
	v39 =	vmul.f32 $1.442695020e+00, v39;
	(erf) = vrcp.f32 v50;
	v1 =	vadd.f32 v20, v1  }
0x1b5: {  	v33 =	vld [tilespmem:s25+$0xFFFFFF70];
	v35 =	vmul.f32 $1.442695020e+00, v60;
	v0 =	vsub.f32 $0.0e+00, v0;
	(erf) = vrcp.f32 v30  }
0x1b6: {  	v63 =	vld [tilespmem:s18+$0xFFFFFF80];
	v59 =	vadd.f32 $1.000000000e+00, v40;
	(erf) = vrcp.f32 v2;
	v1 =	vadd.f32 v17, v1;
	v17 =	vpop (erf)  }
0x1b7: {  	v40 =	vld [tilespmem:s18+$0xFFFFFFF0];
	v43 =	vsub.f32 $0.0e+00, v52;
	v0 =	vmul.f32 $1.442695020e+00, v0;
	(erf) = vpow2.f32 v35;
	v2 =	vpop (erf)  }
0x1b8: {  	v29 =	vadd.f32 v29, v25;
	v37 =	vld [tilespmem:s25+$0x60];
	v30 =	vadd.f32 $1.000000000e+00, v38;
	(erf) = vpow2.f32 v57;
	v62 =	vpop (erf)  }
0x1b9: {  	v36 =	vld [tilespmem:s18+$0x40];
	v43 =	vmul.f32 $1.442695020e+00, v43;
	v60 =	vadd.f32 $1.000000000e+00, v45;
	(erf) = vpow2.f32 v0;
	v54 =	vpop (erf)  }
0x1ba: {  	v45 =	vadd.f32 $1.000000000e+00, v46;
	v23 =	vmul.f32 v23, v33;
	v61 =	vld [tilespmem:s18+$0xFFFFFF00];
	(erf) = vrcp.f32 v30;
	v55 =	vpop (erf)  }
0x1bb: {  	v33 =	vld [tilespmem:s18+$0xFFFFFF70];
	v31 =	vadd.f32 $1.000000000e+00, v31;
	v58 =	vsub.f32 $0.0e+00, v47;
	(erf) = vrcp.f32 v59;
	v56 =	vpop (erf)  }
0x1bc: {  	v32 =	vadd.f32 $1.000000000e+00, v32;
	v42 =	vadd.f32 $1.000000000e+00, v49;
	v0 =	vld [tilespmem:s18+$0x0];
	(erf) = vrcp.f32 v60;
	v49 =	vpop (erf)  }
0x1bd: {  	v34 =	vld [tilespmem:s18+$0xFFFFFF40];
	v41 =	vmul.f32 $1.442695020e+00, v58;
	v48 =	vadd.f32 $1.000000000e+00, v53;
	v27 =	vmul.f32 v27, v37;
	v50 =	vpop (erf)  }
0x1be: {  	v58 =	vld [tilespmem:s18+$0x10];
	v17 =	vadd.f32 $1.000000000e+00, v17;
	v2 =	vadd.f32 $1.000000000e+00, v2;
	(erf) = vpow2.f32 v39;
	v59 =	vpop (erf)  }
0x1bf: {  	v30 =	vld [tilespmem:s18+$0xFFFFFF10];
	(erf) = vpow2.f32 v41;
	v35 =	vmul.f32 v50, v61;
	v61 =	vadd.f32 v26, v22;
	v22 =	vpop (erf)  }
0x1c0: {  	v57 =	vld [tilespmem:s18+$0xFFFFFF90];
	v44 =	vadd.f32 $1.000000000e+00, v62;
	v46 =	vadd.f32 $1.000000000e+00, v54;
	(erf) = vpow2.f32 v43;
	v25 =	vpop (erf)  }
0x1c1: {  	v51 =	vld [tilespmem:s18+$0xFFFFFF20];
	v47 =	vadd.f32 $1.000000000e+00, v55;
	(erf) = vrcp.f32 v45;
	v0 =	vmul.f32 v22, v0;
	v22 =	vpop (erf)  }
0x1c2: {  	v53 =	vld [tilespmem:s18+$0xFFFFFFB0];
	v52 =	vadd.f32 $1.000000000e+00, v56;
	v49 =	vadd.f32 $1.000000000e+00, v49;
	(erf) = vrcp.f32 v31;
	v31 =	vpop (erf)  }
0x1c3: {  	v37 =	vld [tilespmem:s18+$0xFFFFFF50];
	v26 =	vmul.f32 v59, v63;
	(erf) = vrcp.f32 v32;
	v55 =	vadd.f32 $1.000000000e+00, v22;
	v22 =	vpop (erf)  }
0x1c4: {  	v38 =	vld [tilespmem:s18+$0xFFFFFFD0];
	v63 =	vadd.f32 $0.0e+00, v35;
	(erf) = vrcp.f32 v42;
	v30 =	vmul.f32 v22, v30;
	v22 =	vpop (erf)  }
0x1c5: {  	v20 =	vld [tilespmem:s25+$0xFFFFFFF0];
	v56 =	vadd.f32 $1.000000000e+00, v31;
	(erf) = vrcp.f32 v48;
	v31 =	vmul.f32 v22, v57;
	v57 =	vpop (erf)  }
0x1c6: {  	v21 =	vld [tilespmem:s25+$0x70];
	(erf) = vrcp.f32 v17;
	v22 =	vadd.f32 v27, v28;
	v27 =	vmul.f32 v57, v58  }
0x1c7: {  	v60 =	vld [tilespmem:s18+$0xFFFFFFA0];
	v61 =	vadd.f32 v23, v61;
	v26 =	vadd.f32 $0.0e+00, v26;
	(erf) = vrcp.f32 v2;
	v2 =	vpop (erf)  }
0x1c8: {  	v62 =	vld [tilespmem:s18+$0x20];
	v0 =	vadd.f32 $0.0e+00, v0;
	v17 =	vadd.f32 v30, v63;
	(erf) = vrcp.f32 v44;
	v28 =	vpop (erf)  }
0x1c9: {  	v45 =	vld [tilespmem:s18+$0xFFFFFF30];
	v30 =	vadd.f32 v31, v26;
	v26 =	vadd.f32 $1.000000000e+00, v28;
	(erf) = vrcp.f32 v46;
	v28 =	vpop (erf)  }
0x1ca: {  	v54 =	vld [tilespmem:s18+$0x30];
	v25 =	vadd.f32 $1.000000000e+00, v25;
	v0 =	vadd.f32 v27, v0;
	(erf) = vrcp.f32 v47;
	v27 =	vpop (erf)  }
0x1cb: {  	v39 =	vld [tilespmem:s18+$0x50];
	v2 =	vadd.f32 $1.000000000e+00, v2;
	(erf) = vrcp.f32 v52;
	v27 =	vmul.f32 v27, v51;
	v58 =	vpop (erf)  }
0x1cc: {  	v41 =	vld [tilespmem:s18+$0x70];
	v28 =	vadd.f32 $1.000000000e+00, v28;
	v59 =	vmul.f32 v58, v60;
	v60 =	vpop (erf);
	(erf) = vrcp.f32 v49  }
0x1cd: {  	s20 =	simm.s32 $0x10830;
	v35 =	vld [tilespmem:s18+$0xFFFFFFC0];
	v17 =	vadd.f32 v27, v17;
	v27 =	vmul.f32 v60, v62;
	v62 =	vpop (erf);
	(erf) = vrcp.f32 v25  }
0x1ce: {  	[tilespmem:s20+$0x0] =	vst v24;
	s25 =	simm.s32 $0x10870;
	v23 =	vld [tilespmem:s18+$0x60];
	v63 =	vmul.f32 v62, v45;
	v24 =	vadd.f32 v59, v30;
	v25 =	vpop (erf);
	(erf) = vrcp.f32 v55  }
0x1cf: {  	s30 =	sand.u32 $0x7C0, s16;
	[tilespmem:s25+$0x0] =	vst v1;
	v32 =	vld [tilespmem:s18+$0xFFFFFFE0];
	v30 =	vmul.f32 v25, v53;
	v25 =	vadd.f32 v27, v0;
	v0 =	vpop (erf);
	(erf) = vrcp.f32 v56  }
0x1d0: {  	s28 =	simm.s32 $0x4;
	s29 =	simm.s32 $0xC500;
	s24 =	simm.s32 $0x10870;
	[tilespmem:s30+$0x10800] =	vst v61;
	v31 =	vld [tilespmem:s18+$0xFFFFFF60];
	v27 =	vadd.f32 v63, v17;
	v42 =	vmul.f32 v0, v54;
	v43 =	vpop (erf);
	(erf) = vrcp.f32 v2  }
.LBB2_4:
0x1d1: {  	v0 =	vld [tilespmem:s29+$0x80];
	s28 =	sadd.s32 $0x4, s28;
	v1 =	vmul.f32 v43, v34;
	v2 =	vadd.f32 v30, v24;
	v17 =	vpop (erf);
	(erf) = vrcp.f32 v26  }
0x1d2: {  	v26 =	vld [tilespmem:s29+$0xFFFFFF80];
	p0 =	slt.u32 s28, $0x5C;
	v34 =	vmul.f32 v17, v35;
	v35 =	vadd.f32 v42, v25;
	v24 =	vpop (erf);
	(erf) = vrcp.f32 v28  }
0x1d3: {  	v18 =	vmul.f32 v18, v20;
	v28 =	vld [tilespmem:s29+$0x90];
	v1 =	vadd.f32 v1, v27;
	v27 =	vmul.f32 v24, v36;
	v24 =	vpop (erf)  }
0x1d4: {  	v20 =	vld [tilespmem:s29+$0x0];
	v30 =	vmul.f32 v24, v37;
	v36 =	vadd.f32 v34, v2;
	v17 =	vpop (erf);
	v24 =	vmul.f32 v19, v21  }
0x1d5: {  	v18 =	vadd.f32 v18, v29;
	v19 =	vld [tilespmem:s29+$0xA0];
	v17 =	vmul.f32 v17, v38;
	v21 =	vadd.f32 v27, v35;
	v25 =	vpop (erf)  }
0x1d6: {  	v27 =	vld [tilespmem:s29+$0xFFFFFF00];
	v0 =	vsub.f32 $0.0e+00, v0;
	v29 =	vadd.f32 v30, v1;
	v1 =	vmul.f32 v25, v39;
	v25 =	vpop (erf)  }
0x1d7: {  	v34 =	vsub.f32 $0.0e+00, v26;
	v35 =	vld [tilespmem:s29+$0xB0];
	v31 =	vmul.f32 v25, v31;
	v30 =	vadd.f32 v17, v36;
	v2 =	vpop (erf);
	[tilespmem:s20+$0xFFFFFFE0] =	vst v18  }
0x1d8: {  	v17 =	vld [tilespmem:s29+$0xFFFFFF10];
	v0 =	vmul.f32 $1.442695020e+00, v0;
	v37 =	vsub.f32 $0.0e+00, v28;
	v26 =	vadd.f32 v1, v21;
	v28 =	vpop (erf)  }
0x1d9: {  	v32 =	vmul.f32 v2, v32;
	v1 =	vmul.f32 $1.442695020e+00, v34;
	v39 =	vsub.f32 $0.0e+00, v20;
	v34 =	vld [tilespmem:s29+$0xC0];
	v25 =	vpop (erf)  }
0x1da: {  	v2 =	vld [tilespmem:s29+$0xFFFFFF90];
	v42 =	vmul.f32 $1.442695020e+00, v37;
	v36 =	vsub.f32 $0.0e+00, v19;
	(erf) = vpow2.f32 v0;
	v18 =	vpop (erf)  }
0x1db: {  	v0 =	vsub.f32 $0.0e+00, v27;
	v37 =	vmul.f32 $1.442695020e+00, v39;
	v38 =	vld [tilespmem:s29+$0xD0];
	(erf) = vpow2.f32 v1;
	v19 =	vpop (erf)  }
0x1dc: {  	v20 =	vmovc v40;
	v27 =	vmovc v33;
	v1 =	vmul.f32 $1.442695020e+00, v36;
	v35 =	vsub.f32 $0.0e+00, v35;
	v36 =	vld [tilespmem:s29+$0xE0];
	(erf) = vpow2.f32 v42  }
0x1dd: {  	v21 =	vmovc v41;
	v0 =	vmul.f32 $1.442695020e+00, v0;
	v17 =	vsub.f32 $0.0e+00, v17;
	v33 =	vld [tilespmem:s29+$0x10];
	(erf) = vpow2.f32 v37  }
0x1de: {  	v35 =	vmul.f32 $1.442695020e+00, v35;
	v34 =	vsub.f32 $0.0e+00, v34;
	v37 =	vld [tilespmem:s29+$0xF0];
	(erf) = vpow2.f32 v1  }
0x1df: {  	v1 =	vmul.f32 $1.442695020e+00, v17;
	v17 =	vld [tilespmem:s29+$0xFFFFFF20];
	v2 =	vsub.f32 $0.0e+00, v2;
	(erf) = vpow2.f32 v0  }
0x1e0: {  	v0 =	vld [tilespmem:s29+$0xFFFFFFA0];
	v34 =	vmul.f32 $1.442695020e+00, v34;
	v38 =	vsub.f32 $0.0e+00, v38;
	(erf) = vpow2.f32 v35  }
0x1e1: {  	v40 =	vmul.f32 $1.442695020e+00, v2;
	v39 =	vld [tilespmem:s29+$0x20];
	v35 =	vsub.f32 $0.0e+00, v36;
	(erf) = vpow2.f32 v1  }
0x1e2: {  	v1 =	vld [tilespmem:s29+$0xFFFFFF30];
	v42 =	vsub.f32 $0.0e+00, v33;
	v36 =	vmul.f32 $1.442695020e+00, v38;
	(erf) = vpow2.f32 v34  }
0x1e3: {  	v34 =	vld [tilespmem:s29+$0xFFFFFFB0];
	v43 =	vmul.f32 $1.442695020e+00, v35;
	v37 =	vsub.f32 $0.0e+00, v37;
	(erf) = vpow2.f32 v40;
	v2 =	vpop (erf)  }
0x1e4: {  	v38 =	vmul.f32 $1.442695020e+00, v42;
	v40 =	vld [tilespmem:s29+$0x30];
	v2 =	vadd.f32 $1.000000000e+00, v2;
	v33 =	vpop (erf);
	(erf) = vpow2.f32 v36  }
0x1e5: {  	v17 =	vsub.f32 $0.0e+00, v17;
	v36 =	vld [tilespmem:s29+$0xFFFFFF40];
	v37 =	vmul.f32 $1.442695020e+00, v37;
	v41 =	vpop (erf);
	(erf) = vpow2.f32 v43  }
0x1e6: {  	v0 =	vsub.f32 $0.0e+00, v0;
	v42 =	vld [tilespmem:s29+$0xFFFFFFC0];
	v41 =	vadd.f32 $1.000000000e+00, v41;
	v35 =	vpop (erf);
	(erf) = vrcp.f32 v2  }
0x1e7: {  	v2 =	vmul.f32 $1.442695020e+00, v17;
	v17 =	vsub.f32 $0.0e+00, v39;
	v39 =	vld [tilespmem:s29+$0x40];
	v43 =	vpop (erf);
	(erf) = vpow2.f32 v37  }
0x1e8: {  	v0 =	vmul.f32 $1.442695020e+00, v0;
	v37 =	vld [tilespmem:s29+$0xFFFFFF50];
	v43 =	vadd.f32 $1.000000000e+00, v43;
	v44 =	vpop (erf);
	(erf) = vrcp.f32 v41  }
0x1e9: {  	v1 =	vsub.f32 $0.0e+00, v1;
	v17 =	vmul.f32 $1.442695020e+00, v17;
	v41 =	vld [tilespmem:s29+$0xFFFFFFD0];
	(erf) = vpow2.f32 v38;
	v38 =	vpop (erf)  }
0x1ea: {  	s18 =	sadd.s32 $0x200, s18;
	v45 =	vsub.f32 $0.0e+00, v34;
	v46 =	vld [tilespmem:s29+$0x50];
	v38 =	vadd.f32 $1.000000000e+00, v38;
	v34 =	vpop (erf);
	(erf) = vrcp.f32 v43  }
0x1eb: {  	v1 =	vmul.f32 $1.442695020e+00, v1;
	v40 =	vsub.f32 $0.0e+00, v40;
	v43 =	vld [tilespmem:s18+$0x80];
	(erf) = vpow2.f32 v2;
	v2 =	vpop (erf)  }
0x1ec: {  	v45 =	vmul.f32 $1.442695020e+00, v45;
	v47 =	vld [tilespmem:s29+$0xFFFFFF60];
	v50 =	vadd.f32 $1.000000000e+00, v2;
	v48 =	vpop (erf);
	(erf) = vrcp.f32 v38  }
0x1ed: {  	v36 =	vsub.f32 $0.0e+00, v36;
	v38 =	vmul.f32 $1.442695020e+00, v40;
	v40 =	vld [tilespmem:s18+$0x90];
	(erf) = vpow2.f32 v0;
	v0 =	vpop (erf)  }
0x1ee: {  	v42 =	vsub.f32 $0.0e+00, v42;
	v49 =	vld [tilespmem:s29+$0xFFFFFFE0];
	v52 =	vadd.f32 $1.000000000e+00, v0;
	(erf) = vrcp.f32 v50;
	v2 =	vpop (erf)  }
0x1ef: {  	v36 =	vmul.f32 $1.442695020e+00, v36;
	v39 =	vsub.f32 $0.0e+00, v39;
	v50 =	vld [tilespmem:s18+$0xA0];
	(erf) = vpow2.f32 v17;
	v17 =	vpop (erf)  }
0x1f0: {  	v2 =	vadd.f32 $1.000000000e+00, v2;
	v51 =	vld [tilespmem:s29+$0x60];
	v17 =	vmul.f32 v17, v43;
	(erf) = vrcp.f32 v52;
	v0 =	vpop (erf)  }
0x1f1: {  	v42 =	vmul.f32 $1.442695020e+00, v42;
	v43 =	vld [tilespmem:s18+$0xB0];
	v0 =	vadd.f32 $1.000000000e+00, v0;
	(erf) = vpow2.f32 v1;
	v1 =	vpop (erf)  }
0x1f2: {  	v52 =	vld [tilespmem:s29+$0xFFFFFF70];
	v17 =	vadd.f32 $0.0e+00, v17;
	v1 =	vmul.f32 v1, v40;
	v40 =	vpop (erf);
	(erf) = vrcp.f32 v2  }
0x1f3: {  	v2 =	vsub.f32 $0.0e+00, v37;
	v37 =	vmul.f32 $1.442695020e+00, v39;
	v39 =	vld [tilespmem:s18+$0xC0];
	(erf) = vpow2.f32 v45;
	v45 =	vpop (erf)  }
0x1f4: {  	v53 =	vld [tilespmem:s29+$0xFFFFFFF0];
	v1 =	vadd.f32 v1, v17;
	v17 =	vmul.f32 v45, v50;
	v50 =	vpop (erf);
	(erf) = vrcp.f32 v0  }
0x1f5: {  	v0 =	vsub.f32 $0.0e+00, v41;
	v41 =	vsub.f32 $0.0e+00, v46;
	v45 =	vld [tilespmem:s18+$0xD0];
	(erf) = vpow2.f32 v38;
	v38 =	vpop (erf)  }
0x1f6: {  	v46 =	vld [tilespmem:s29+$0x70];
	v1 =	vadd.f32 v17, v1;
	v17 =	vmul.f32 v38, v43;
	(erf) = vpow2.f32 v36;
	v36 =	vpop (erf)  }
0x1f7: {  	v2 =	vmul.f32 $1.442695020e+00, v2;
	v38 =	vsub.f32 $0.0e+00, v47;
	v43 =	vld [tilespmem:s18+$0xE0];
	(erf) = vpow2.f32 v42;
	v42 =	vpop (erf)  }
0x1f8: {  	v54 =	vld [tilespmem:s18+$0xFFFFFF00];
	v1 =	vadd.f32 v17, v1;
	v17 =	vmul.f32 v42, v39;
	v39 =	vpop (erf);
	(erf) = vpow2.f32 v37  }
0x1f9: {  	v0 =	vmul.f32 $1.442695020e+00, v0;
	v41 =	vmul.f32 $1.442695020e+00, v41;
	v37 =	vsub.f32 $0.0e+00, v49;
	v42 =	vld [tilespmem:s18+$0xF0];
	v47 =	vpop (erf)  }
0x1fa: {  	v51 =	vsub.f32 $0.0e+00, v51;
	v49 =	vld [tilespmem:s18+$0xFFFFFF80];
	v1 =	vadd.f32 v17, v1;
	v45 =	vmul.f32 v47, v45;
	v55 =	vpop (erf)  }
0x1fb: {  	v33 =	vadd.f32 $1.000000000e+00, v33;
	v44 =	vadd.f32 $1.000000000e+00, v44;
	v56 =	vld [tilespmem:s18+$0x0];
	(erf) = vpow2.f32 v2;
	v2 =	vpop (erf)  }
0x1fc: {  	v35 =	vadd.f32 $1.000000000e+00, v35;
	v57 =	vld [tilespmem:s18+$0xFFFFFF10];
	v1 =	vadd.f32 v45, v1;
	v43 =	vmul.f32 v2, v43;
	v17 =	vpop (erf)  }
0x1fd: {  	v38 =	vmul.f32 $1.442695020e+00, v38;
	v47 =	vsub.f32 $0.0e+00, v52;
	v52 =	vld [tilespmem:s18+$0xFFFFFF90];
	(erf) = vpow2.f32 v0;
	v0 =	vpop (erf)  }
0x1fe: {  	v58 =	vld [tilespmem:s18+$0x10];
	v45 =	vadd.f32 v43, v1;
	v0 =	vmul.f32 v0, v42;
	v2 =	vpop (erf);
	(erf) = vpow2.f32 v41  }
0x1ff: {  	v51 =	vmul.f32 $1.442695020e+00, v51;
	v37 =	vmul.f32 $1.442695020e+00, v37;
	v41 =	vsub.f32 $0.0e+00, v53;
	v42 =	vld [tilespmem:s18+$0xFFFFFF20];
	v53 =	vpop (erf)  }
0x200: {  	v59 =	vsub.f32 $0.0e+00, v46;
	v43 =	vld [tilespmem:s18+$0xFFFFFFA0];
	v0 =	vadd.f32 v0, v45;
	(erf) = vrcp.f32 v44;
	v1 =	vpop (erf)  }
0x201: {  	s25 =	sadd.s32 $0x40, s25;
	v60 =	vadd.f32 $1.000000000e+00, v34;
	v48 =	vadd.f32 $1.000000000e+00, v48;
	v45 =	vld [tilespmem:s18+$0x20];
	(erf) = vrcp.f32 v33;
	v33 =	vpop (erf)  }
0x202: {  	v40 =	vadd.f32 $1.000000000e+00, v40;
	v61 =	vmul.f32 $1.442695020e+00, v47;
	v44 =	vld [tilespmem:s18+$0xFFFFFF30];
	[tilespmem:s25+$0x0] =	vst v0;
	(erf) = vrcp.f32 v35  }
0x203: {  	v41 =	vmul.f32 $1.442695020e+00, v41;
	v0 =	vadd.f32 $1.000000000e+00, v50;
	v47 =	vld [tilespmem:s18+$0xFFFFFFB0];
	(erf) = vpow2.f32 v38  }
0x204: {  	v59 =	vmul.f32 $1.442695020e+00, v59;
	v50 =	vadd.f32 $1.000000000e+00, v36;
	v46 =	vld [tilespmem:s18+$0x30];
	v38 =	vpop (erf);
	(erf) = vpow2.f32 v37  }
0x205: {  	v62 =	vadd.f32 $1.000000000e+00, v39;
	v55 =	vadd.f32 $1.000000000e+00, v55;
	v34 =	vld [tilespmem:s18+$0xFFFFFF40];
	(erf) = vpow2.f32 v51  }
0x206: {  	v17 =	vadd.f32 $1.000000000e+00, v17;
	v2 =	vadd.f32 $1.000000000e+00, v2;
	v35 =	vld [tilespmem:s18+$0xFFFFFFC0];
	(erf) = vrcp.f32 v60;
	v39 =	vpop (erf)  }
0x207: {  	v1 =	vadd.f32 $1.000000000e+00, v1;
	v51 =	vadd.f32 $1.000000000e+00, v53;
	v36 =	vld [tilespmem:s18+$0x40];
	(erf) = vrcp.f32 v48;
	v48 =	vpop (erf)  }
0x208: {  	v53 =	vadd.f32 $1.000000000e+00, v38;
	v60 =	vadd.f32 $1.000000000e+00, v33;
	v37 =	vld [tilespmem:s18+$0xFFFFFF50];
	(erf) = vrcp.f32 v40  }
0x209: {  	v63 =	vadd.f32 $1.000000000e+00, v39;
	v48 =	vadd.f32 $1.000000000e+00, v48;
	v38 =	vld [tilespmem:s18+$0xFFFFFFD0];
	v33 =	vpop (erf);
	(erf) = vpow2.f32 v61  }
0x20a: {  	v33 =	vmul.f32 v33, v54;
	v39 =	vld [tilespmem:s18+$0x50];
	v40 =	vpop (erf);
	(erf) = vpow2.f32 v41;
	v54 =	vadd.f32 v31, v29  }
0x20b: {  	v41 =	vpop (erf)  }
0x20c: {  	v41 =	vmul.f32 v41, v56  }
0x20d: {  	v29 =	vadd.f32 v32, v30;
	v31 =	vld [tilespmem:s18+$0xFFFFFF60];
	v61 =	vmul.f32 v40, v49;
	(erf) = vpow2.f32 v59  }
0x20e: {  	v30 =	vadd.f32 $0.0e+00, v33;
	v32 =	vld [tilespmem:s18+$0xFFFFFFE0];
	(erf) = vrcp.f32 v0;
	v0 =	vpop (erf)  }
0x20f: {  	v0 =	vadd.f32 $1.000000000e+00, v0;
	v49 =	vadd.f32 $0.0e+00, v61;
	v56 =	vld [tilespmem:s18+$0x60];
	(erf) = vrcp.f32 v50;
	v40 =	vpop (erf)  }
0x210: {  	v33 =	vld [tilespmem:s18+$0xFFFFFF70];
	v50 =	vadd.f32 $1.000000000e+00, v40;
	v59 =	vadd.f32 $0.0e+00, v41;
	(erf) = vrcp.f32 v62;
	v41 =	vpop (erf)  }
0x211: {  	v23 =	vmul.f32 v28, v23;
	v40 =	vld [tilespmem:s18+$0xFFFFFFF0];
	v61 =	vadd.f32 $1.000000000e+00, v41;
	v41 =	vpop (erf);
	(erf) = vrcp.f32 v55  }
0x212: {  	v28 =	vmul.f32 v41, v57;
	v41 =	vld [tilespmem:s18+$0x70];
	v55 =	vpop (erf);
	(erf) = vrcp.f32 v17;
	v17 =	vadd.f32 v24, v22  }
0x213: {  	v22 =	vadd.f32 v23, v26;
	v24 =	vmul.f32 v55, v52;
	v52 =	vpop (erf);
	(erf) = vrcp.f32 v2  }
0x214: {  	v2 =	vadd.f32 v28, v30;
	v28 =	vmul.f32 v52, v58;
	(erf) = vrcp.f32 v51;
	v26 =	vpop (erf);
	[tilespmem:s20+$0xFFFFFFF0] =	vst v17;
	s20 =	smov.u32 s24;
	s24 =	smov.u32 s25  }
0x215: {  	v17 =	vadd.f32 $1.000000000e+00, v26;
	v24 =	vadd.f32 v24, v49;
	(erf) = vrcp.f32 v1;
	v1 =	vpop (erf)  }
0x216: {  	v26 =	vadd.f32 $1.000000000e+00, v1;
	v1 =	vadd.f32 v28, v59;
	(erf) = vrcp.f32 v60;
	v23 =	vpop (erf)  }
0x217: {  	v25 =	vmul.f32 v25, v27;
	v28 =	vadd.f32 $1.000000000e+00, v23;
	v23 =	vpop (erf);
	(erf) = vrcp.f32 v53  }
0x218: {  	v27 =	vmul.f32 v23, v42;
	v30 =	vpop (erf);
	(erf) = vrcp.f32 v63;
	v23 =	vmov v56  }
.Ltmp1:
0x219: {  	s16 =	sadd.s32 $0x40, s16;
	v25 =	vadd.f32 v25, v54;
	v43 =	vmul.f32 v30, v43;
	v42 =	vpop (erf);
	(erf) = vrcp.f32 v48;
	(pc) =	sbr.rel @p0 .LBB2_4-.Ltmp1, $4  }
0x21a: {  	s30 =	sand.u32 $0x7C0, s16;
	v2 =	vadd.f32 v27, v2;
	v27 =	vmul.f32 v42, v45;
	v42 =	vpop (erf);
	(erf) = vrcp.f32 v0  }
0x21b: {  	v0 =	vmul.f32 v42, v44;
	v24 =	vadd.f32 v43, v24;
	v30 =	vpop (erf);
	(erf) = vrcp.f32 v50;
	[tilespmem:s30+$0x10800] =	vst v25  }
0x21c: {  	v30 =	vmul.f32 v30, v47;
	v25 =	vadd.f32 v27, v1;
	v1 =	vpop (erf);
	(erf) = vrcp.f32 v61  }
0x21d: {  	s29 =	sadd.s32 $0x200, s29;
	v27 =	vadd.f32 v0, v2;
	v42 =	vmul.f32 v1, v46;
	v43 =	vpop (erf);
	(erf) = vrcp.f32 v17  }
0x21e: {  	v0 =	vpop (erf);
	(erf) = vrcp.f32 v26  }
0x21f: {  	v1 =	vpop (erf);
	(erf) = vrcp.f32 v28  }
0x220: {  	v24 =	vadd.f32 v30, v24;
	v0 =	vmul.f32 v0, v35;
	v25 =	vadd.f32 v42, v25;
	v17 =	vpop (erf)  }
0x221: {  	v2 =	vmul.f32 v43, v34;
	v18 =	vmul.f32 v18, v20;
	v26 =	vpop (erf)  }
0x222: {  	v1 =	vmul.f32 v1, v36;
	v0 =	vadd.f32 v0, v24;
	v20 =	vpop (erf);
	v24 =	vmul.f32 v26, v38  }
0x223: {  	v19 =	vmul.f32 v19, v21;
	v2 =	vadd.f32 v2, v27;
	v17 =	vmul.f32 v17, v37;
	v21 =	vpop (erf)  }
0x224: {  	v1 =	vadd.f32 v1, v25;
	v20 =	vmul.f32 v20, v39;
	v25 =	vpop (erf)  }
0x225: {  	v18 =	vadd.f32 v18, v29;
	v2 =	vadd.f32 v17, v2;
	v17 =	vmul.f32 v21, v31;
	v21 =	vpop (erf)  }
0x226: {  	v0 =	vadd.f32 v24, v0;
	v1 =	vadd.f32 v20, v1;
	v20 =	vmul.f32 v25, v32;
	v24 =	vpop (erf)  }
0x227: {  	v2 =	vadd.f32 v17, v2;
	v17 =	vmul.f32 v21, v23;
	v25 =	vpop (erf);
	v21 =	vmul.f32 v24, v33  }
0x228: {  	v19 =	vadd.f32 v19, v22;
	v0 =	vadd.f32 v20, v0;
	v23 =	vpop (erf);
	v20 =	vmul.f32 v25, v40  }
0x229: {  	s16 =	sadd.s32 $0x40, s16;
	[tilespmem:s20+$0xFFFFFFE0] =	vst v18;
	v1 =	vadd.f32 v17, v1;
	v2 =	vadd.f32 v21, v2;
	v17 =	vmul.f32 v23, v41  }
0x22a: {  	s16 =	sand.u32 $0x7C0, s16;
	[tilespmem:s20+$0xFFFFFFF0] =	vst v19;
	v0 =	vadd.f32 v20, v0  }
0x22b: {  	[tilespmem:s16+$0x10800] =	vst v2;
	v1 =	vadd.f32 v17, v1  }
0x22c: {  	[tilespmem:s24+$0xFFFFFFE0] =	vst v0  }
0x22d: {  	s18 =	simm.s32 $0x10100;
	[tilespmem:s24+$0xFFFFFFF0] =	vst v1  }
0x22e: {  	[tilespmem:s19], [sflag:$0x2] =	stream.indirect.gather [hbm4b:s1+s23], $0x80, s18, s23, $0xb8;
	[tilespmem:$0x12800] =	vst v63  }
0x22f: {  	s20 =	simm.s32 $0x10300  }
0x230: {  	[tilespmem:s21], [sflag:$0x2] =	stream.indirect.gather [hbm4b:s2+s23], $0x80, s20, s23, $0xb8;
	[tilespmem:$0x12800] =	vst v63  }
0x231: {  	_ =	swait.ge [sflag:s22], $0x4000  }
0x232: {  	[sflag:s22] =	ssyncset.done $0x0  }
0x233: {  	[sflag:s22] =	ssyncadd.s32 $0xFFFFC000  }
0x234: {  	_ =	swait.ge [sflag:s22], $0x4000  }
0x235: {  	[sflag:s22] =	ssyncset.done $0x0  }
0x236: {  	s24 =	simm.s32 $0x4100;
	[sflag:s22] =	ssyncadd.s32 $0xFFFFC000  }
0x237: {  	v0 =	vld [tilespmem:s24+$0x80]  }
0x238: {  	v1 =	vld [tilespmem:s24+$0xFFFFFF80]  }
0x239: {  	v2 =	vld [tilespmem:s24+$0x90]  }
0x23a: {  	v17 =	vld [tilespmem:s24+$0x0]  }
0x23b: {  	v18 =	vld [tilespmem:s24+$0xA0]  }
0x23c: {  	v19 =	vld [tilespmem:s24+$0xFFFFFF00]  }
0x23d: {  	v20 =	vld [tilespmem:s24+$0xB0];
	v0 =	vsub.f32 $0.0e+00, v0  }
0x23e: {  	v21 =	vld [tilespmem:s24+$0xFFFFFF10];
	v1 =	vsub.f32 $0.0e+00, v1;
	v2 =	vsub.f32 $0.0e+00, v2  }
0x23f: {  	v22 =	vld [tilespmem:s24+$0xC0];
	v17 =	vsub.f32 $0.0e+00, v17;
	v0 =	vmul.f32 $1.442695020e+00, v0  }
0x240: {  	v23 =	vld [tilespmem:s24+$0xFFFFFF90];
	v18 =	vsub.f32 $0.0e+00, v18;
	v1 =	vmul.f32 $1.442695020e+00, v1;
	v2 =	vmul.f32 $1.442695020e+00, v2  }
0x241: {  	v17 =	vmul.f32 $1.442695020e+00, v17;
	(erf) = vpow2.f32 v0;
	v0 =	vsub.f32 $0.0e+00, v19  }
0x242: {  	v19 =	vld [tilespmem:s24+$0xD0];
	(erf) = vpow2.f32 v1;
	v1 =	vmul.f32 $1.442695020e+00, v18;
	v18 =	vsub.f32 $0.0e+00, v20  }
0x243: {  	v20 =	vld [tilespmem:s24+$0xE0];
	(erf) = vpow2.f32 v2;
	v0 =	vmul.f32 $1.442695020e+00, v0  }
0x244: {  	v2 =	vsub.f32 $0.0e+00, v21;
	v21 =	vld [tilespmem:s24+$0xF0];
	(erf) = vpow2.f32 v17;
	v17 =	vmul.f32 $1.442695020e+00, v18  }
0x245: {  	v18 =	vsub.f32 $0.0e+00, v22;
	v22 =	vsub.f32 $0.0e+00, v23;
	(erf) = vpow2.f32 v1  }
0x246: {  	v1 =	vld [tilespmem:s24+$0x10];
	v2 =	vmul.f32 $1.442695020e+00, v2;
	(erf) = vpow2.f32 v0  }
0x247: {  	(erf) = vpow2.f32 v17;
	v17 =	vmul.f32 $1.442695020e+00, v22  }
0x248: {  	v0 =	vld [tilespmem:s24+$0xFFFFFF20];
	v18 =	vmul.f32 $1.442695020e+00, v18;
	v19 =	vsub.f32 $0.0e+00, v19  }
0x249: {  	v20 =	vsub.f32 $0.0e+00, v20;
	(erf) = vpow2.f32 v2;
	v21 =	vsub.f32 $0.0e+00, v21  }
0x24a: {  	v19 =	vmul.f32 $1.442695020e+00, v19;
	(erf) = vpow2.f32 v18  }
0x24b: {  	v20 =	vmul.f32 $1.442695020e+00, v20;
	(erf) = vpow2.f32 v17;
	v1 =	vsub.f32 $0.0e+00, v1;
	v17 =	vpop (erf)  }
0x24c: {  	v2 =	vld [tilespmem:s24+$0xFFFFFFA0];
	(erf) = vpow2.f32 v19;
	v19 =	vmul.f32 $1.442695020e+00, v21;
	v17 =	vadd.f32 $1.000000000e+00, v17;
	v23 =	vpop (erf)  }
0x24d: {  	v0 =	vsub.f32 $0.0e+00, v0;
	(erf) = vpow2.f32 v20;
	v1 =	vmul.f32 $1.442695020e+00, v1;
	v21 =	vpop (erf)  }
0x24e: {  	v21 =	vadd.f32 $1.000000000e+00, v21;
	v24 =	vpop (erf);
	(erf) = vrcp.f32 v17  }
0x24f: {  	v0 =	vmul.f32 $1.442695020e+00, v0;
	v25 =	vpop (erf);
	(erf) = vpow2.f32 v19  }
0x250: {  	v20 =	vld [tilespmem:s24+$0xFFFFFFB0];
	v25 =	vadd.f32 $1.000000000e+00, v25;
	v26 =	vpop (erf);
	(erf) = vrcp.f32 v21  }
0x251: {  	v18 =	vld [tilespmem:s24+$0x20];
	v2 =	vsub.f32 $0.0e+00, v2;
	(erf) = vpow2.f32 v1;
	v1 =	vpop (erf)  }
0x252: {  	v22 =	vld [tilespmem:s24+$0xFFFFFF30];
	v28 =	vpop (erf);
	(erf) = vrcp.f32 v25  }
0x253: {  	v2 =	vmul.f32 $1.442695020e+00, v2;
	(erf) = vpow2.f32 v0;
	v0 =	vpop (erf)  }
0x254: {  	s18 =	simm.s32 $0x100;
	v17 =	vld [tilespmem:s24+$0x30];
	v1 =	vadd.f32 $1.000000000e+00, v1;
	v0 =	vadd.f32 $1.000000000e+00, v0  }
0x255: {  	v20 =	vsub.f32 $0.0e+00, v20;
	v25 =	vld [tilespmem:s18+$0x80]  }
0x256: {  	v18 =	vsub.f32 $0.0e+00, v18;
	v21 =	vld [tilespmem:s24+$0xFFFFFFC0];
	v30 =	vpop (erf);
	(erf) = vrcp.f32 v1  }
0x257: {  	v22 =	vsub.f32 $0.0e+00, v22;
	v1 =	vmul.f32 $1.442695020e+00, v20;
	v20 =	vld [tilespmem:s18+$0x90];
	(erf) = vpow2.f32 v2;
	v2 =	vpop (erf)  }
0x258: {  	v18 =	vmul.f32 $1.442695020e+00, v18;
	(erf) = vrcp.f32 v0;
	v0 =	vpop (erf)  }
0x259: {  	v27 =	vld [tilespmem:s24+$0x40];
	v22 =	vmul.f32 $1.442695020e+00, v22;
	v49 =	vpop (erf)  }
0x25a: {  	v29 =	vld [tilespmem:s24+$0xFFFFFF50];
	(erf) = vpow2.f32 v18;
	v18 =	vmul.f32 v49, v25;
	v25 =	vpop (erf)  }
0x25b: {  	v48 =	vld [tilespmem:s18+$0xA0];
	v21 =	vsub.f32 $0.0e+00, v21;
	v2 =	vadd.f32 $1.000000000e+00, v2;
	v51 =	vpop (erf)  }
0x25c: {  	v19 =	vld [tilespmem:s24+$0xFFFFFF40];
	v17 =	vsub.f32 $0.0e+00, v17;
	v20 =	vmul.f32 v51, v20  }
0x25d: {  	v0 =	vadd.f32 $1.000000000e+00, v0;
	(erf) = vrcp.f32 v2;
	v2 =	vmul.f32 $1.442695020e+00, v21;
	v21 =	vld [tilespmem:s18+$0xB0]  }
0x25e: {  	v31 =	vld [tilespmem:s24+$0xFFFFFFD0];
	v27 =	vsub.f32 $0.0e+00, v27;
	(erf) = vpow2.f32 v22;
	v18 =	vadd.f32 $0.0e+00, v18;
	v22 =	vpop (erf)  }
0x25f: {  	v50 =	vld [tilespmem:s24+$0x50];
	v17 =	vmul.f32 $1.442695020e+00, v17;
	v25 =	vadd.f32 $1.000000000e+00, v25;
	(erf) = vrcp.f32 v0;
	v53 =	vpop (erf)  }
0x260: {  	v55 =	vld [tilespmem:s24+$0x60];
	(erf) = vpow2.f32 v1;
	v1 =	vadd.f32 v20, v18;
	v18 =	vmul.f32 v53, v48;
	v20 =	vpop (erf)  }
0x261: {  	v19 =	vsub.f32 $0.0e+00, v19;
	v0 =	vsub.f32 $0.0e+00, v29;
	v29 =	vld [tilespmem:s18+$0xC0];
	(erf) = vrcp.f32 v25;
	v56 =	vpop (erf)  }
0x262: {  	v52 =	vld [tilespmem:s24+$0xFFFFFF60];
	v1 =	vadd.f32 v18, v1;
	(erf) = vpow2.f32 v17;
	v17 =	vmul.f32 v56, v21  }
0x263: {  	v19 =	vmul.f32 $1.442695020e+00, v19;
	v25 =	vsub.f32 $0.0e+00, v31;
	v21 =	vld [tilespmem:s18+$0xD0]  }
0x264: {  	v54 =	vld [tilespmem:s24+$0xFFFFFFE0];
	v27 =	vmul.f32 $1.442695020e+00, v27;
	v0 =	vmul.f32 $1.442695020e+00, v0;
	v18 =	vpop (erf);
	v1 =	vadd.f32 v17, v1  }
0x265: {  	v58 =	vld [tilespmem:s18+$0xE0];
	v31 =	vsub.f32 $0.0e+00, v50;
	(erf) = vpow2.f32 v19;
	v25 =	vmul.f32 $1.442695020e+00, v25;
	v57 =	vpop (erf)  }
0x266: {  	v32 =	vsub.f32 $0.0e+00, v55;
	(erf) = vpow2.f32 v2;
	v2 =	vmul.f32 v57, v29;
	v17 =	vpop (erf)  }
0x267: {  	v23 =	vadd.f32 $1.000000000e+00, v23;
	v31 =	vmul.f32 $1.442695020e+00, v31;
	(erf) = vpow2.f32 v27;
	v59 =	vpop (erf)  }
0x268: {  	v29 =	vld [tilespmem:s24+$0xFFFFFF70];
	(erf) = vpow2.f32 v0;
	v0 =	vadd.f32 v2, v1;
	v1 =	vpop (erf);
	v21 =	vmul.f32 v59, v21  }
0x269: {  	v19 =	vsub.f32 $0.0e+00, v52;
	v2 =	vadd.f32 $1.000000000e+00, v26;
	(erf) = vpow2.f32 v25;
	v25 =	vld [tilespmem:s18+$0xF0];
	v26 =	vpop (erf)  }
0x26a: {  	v27 =	vsub.f32 $0.0e+00, v54;
	(erf) = vpow2.f32 v31;
	v31 =	vld [tilespmem:s24+$0xFFFFFFF0];
	v26 =	vmul.f32 v26, v58  }
0x26b: {  	v24 =	vadd.f32 $1.000000000e+00, v24;
	v19 =	vmul.f32 $1.442695020e+00, v19;
	v60 =	vpop (erf);
	(erf) = vrcp.f32 v2  }
0x26c: {  	v27 =	vmul.f32 $1.442695020e+00, v27;
	v2 =	vld [tilespmem:s24+$0x70];
	v0 =	vadd.f32 v21, v0;
	v21 =	vpop (erf);
	(erf) = vrcp.f32 v23  }
0x26d: {  	v23 =	vsub.f32 $0.0e+00, v29;
	v29 =	vpop (erf);
	(erf) = vrcp.f32 v24;
	v24 =	vmul.f32 $1.442695020e+00, v32  }
0x26e: {  	v0 =	vadd.f32 v26, v0;
	v26 =	vpop (erf);
	(erf) = vpow2.f32 v19;
	v19 =	vmul.f32 v21, v25  }
0x26f: {  	v25 =	vadd.f32 $1.000000000e+00, v28;
	v21 =	vpop (erf);
	(erf) = vpow2.f32 v27;
	v27 =	vsub.f32 $0.0e+00, v31  }
0x270: {  	v28 =	vadd.f32 $1.000000000e+00, v30;
	v30 =	vpop (erf);
	(erf) = vpow2.f32 v24  }
0x271: {  	v22 =	vadd.f32 $1.000000000e+00, v22;
	v2 =	vsub.f32 $0.0e+00, v2;
	v31 =	vpop (erf);
	(erf) = vrcp.f32 v25  }
0x272: {  	v24 =	vadd.f32 v19, v0;
	v0 =	vmul.f32 $1.442695020e+00, v23;
	v19 =	vpop (erf);
	(erf) = vrcp.f32 v28  }
0x273: {  	v20 =	vadd.f32 $1.000000000e+00, v20;
	v25 =	vmul.f32 $1.442695020e+00, v27;
	v27 =	vpop (erf);
	(erf) = vrcp.f32 v22  }
0x274: {  	v18 =	vadd.f32 $1.000000000e+00, v18;
	v23 =	vld [tilespmem:s18+$0xFFFFFF00];
	v2 =	vmul.f32 $1.442695020e+00, v2;
	v28 =	vpop (erf);
	(erf) = vpow2.f32 v0  }
0x275: {  	v17 =	vadd.f32 $1.000000000e+00, v17;
	v22 =	vld [tilespmem:s18+$0xFFFFFF80];
	v61 =	vpop (erf);
	(erf) = vpow2.f32 v25  }
0x276: {  	v25 =	vld [tilespmem:s18+$0xFFFFFF10];
	v62 =	vpop (erf);
	(erf) = vpow2.f32 v2  }
0x277: {  	v1 =	vadd.f32 $1.000000000e+00, v1;
	(erf) = vrcp.f32 v20;
	v20 =	vpop (erf)  }
0x278: {  	v63 =	vld [tilespmem:s18+$0x10];
	v33 =	vadd.f32 $1.000000000e+00, v60;
	v29 =	vadd.f32 $1.000000000e+00, v29;
	(erf) = vrcp.f32 v18;
	v18 =	vpop (erf)  }
0x279: {  	v26 =	vadd.f32 $1.000000000e+00, v26;
	v0 =	vld [tilespmem:s18+$0x0];
	v23 =	vmul.f32 v28, v23;
	(erf) = vrcp.f32 v17;
	v17 =	vpop (erf)  }
0x27a: {  	v21 =	vadd.f32 $1.000000000e+00, v21;
	v2 =	vld [tilespmem:s18+$0xFFFFFF90];
	v22 =	vmul.f32 v61, v22;
	v41 =	vpop (erf);
	(erf) = vrcp.f32 v1  }
0x27b: {  	v40 =	vld [tilespmem:s18+$0xFFFFFF20];
	v30 =	vadd.f32 $1.000000000e+00, v30;
	v42 =	vpop (erf);
	(erf) = vrcp.f32 v33;
	v25 =	vmul.f32 v41, v25  }
0x27c: {  	v43 =	vld [tilespmem:s18+$0xFFFFFF30];
	v31 =	vadd.f32 $1.000000000e+00, v31;
	v19 =	vadd.f32 $1.000000000e+00, v19;
	v44 =	vpop (erf);
	(erf) = vrcp.f32 v29  }
0x27d: {  	v28 =	vld [tilespmem:s18+$0xFFFFFFA0];
	v23 =	vadd.f32 $0.0e+00, v23;
	v22 =	vadd.f32 $0.0e+00, v22;
	(erf) = vrcp.f32 v26;
	v26 =	vpop (erf)  }
0x27e: {  	v45 =	vld [tilespmem:s18+$0x30];
	v27 =	vadd.f32 $1.000000000e+00, v27;
	v20 =	vadd.f32 $1.000000000e+00, v20;
	(erf) = vrcp.f32 v21;
	v21 =	vpop (erf)  }
0x27f: {  	v46 =	vld [tilespmem:s18+$0xFFFFFF40];
	v0 =	vmul.f32 v62, v0;
	v2 =	vmul.f32 v42, v2;
	v23 =	vadd.f32 v25, v23;
	v25 =	vpop (erf)  }
0x280: {  	v18 =	vadd.f32 $1.000000000e+00, v18;
	v1 =	vld [tilespmem:s18+$0x20];
	v17 =	vadd.f32 $1.000000000e+00, v17;
	(erf) = vrcp.f32 v30;
	v48 =	vpop (erf)  }
0x281: {  	v29 =	vld [tilespmem:s18+$0xFFFFFFB0];
	v47 =	vmul.f32 v44, v63;
	v2 =	vadd.f32 v2, v22;
	(erf) = vrcp.f32 v31;
	v22 =	vpop (erf)  }
0x282: {  	v52 =	vld [tilespmem:s18+$0xFFFFFF60];
	v0 =	vadd.f32 $0.0e+00, v0;
	(erf) = vrcp.f32 v19;
	v22 =	vmul.f32 v22, v28  }
0x283: {  	v26 =	vadd.f32 $1.000000000e+00, v26;
	v30 =	vld [tilespmem:s18+$0xFFFFFFC0];
	v49 =	vmul.f32 v48, v40;
	v50 =	vpop (erf);
	(erf) = vrcp.f32 v27  }
0x284: {  	v21 =	vadd.f32 $1.000000000e+00, v21;
	v0 =	vadd.f32 v47, v0;
	v31 =	vld [tilespmem:s18+$0x40];
	v28 =	vpop (erf);
	(erf) = vrcp.f32 v20  }
0x285: {  	v19 =	vld [tilespmem:s18+$0xFFFFFF50];
	v23 =	vadd.f32 v49, v23;
	v1 =	vmul.f32 v50, v1;
	v28 =	vmul.f32 v28, v43;
	v51 =	vpop (erf)  }
0x286: {  	s25 =	simm.s32 $0x4300;
	v27 =	vld [tilespmem:s18+$0xFFFFFFD0];
	v2 =	vadd.f32 v22, v2;
	(erf) = vrcp.f32 v18;
	v18 =	vmul.f32 v51, v29;
	v22 =	vpop (erf)  }
0x287: {  	v0 =	vadd.f32 v1, v0;
	v29 =	vld [tilespmem:s25+$0x90];
	(erf) = vrcp.f32 v17;
	v1 =	vmul.f32 v22, v45;
	v17 =	vpop (erf)  }
0x288: {  	v23 =	vadd.f32 v28, v23;
	v22 =	vld [tilespmem:s25+$0x80];
	(erf) = vrcp.f32 v26;
	v17 =	vmul.f32 v17, v46;
	v26 =	vpop (erf)  }
0x289: {  	v28 =	vld [tilespmem:s25+$0xFFFFFF80];
	v2 =	vadd.f32 v18, v2;
	(erf) = vrcp.f32 v21;
	v18 =	vmul.f32 v26, v30;
	v21 =	vpop (erf)  }
0x28a: {  	v20 =	vld [tilespmem:s18+$0x50];
	v0 =	vadd.f32 v1, v0;
	v1 =	vmul.f32 v21, v31;
	v21 =	vpop (erf)  }
0x28b: {  	v25 =	vadd.f32 $1.000000000e+00, v25;
	v30 =	vld [tilespmem:s25+$0x0];
	v17 =	vadd.f32 v17, v23;
	v19 =	vmul.f32 v21, v19  }
0x28c: {  	v2 =	vadd.f32 v18, v2;
	v21 =	vld [tilespmem:s25+$0xA0];
	v0 =	vadd.f32 v1, v0  }
0x28d: {  	(erf) = vrcp.f32 v25;
	v23 =	vld [tilespmem:s25+$0xFFFFFF00];
	v25 =	vsub.f32 $0.0e+00, v22;
	v18 =	vpop (erf);
	v22 =	vadd.f32 v19, v17  }
0x28e: {  	v19 =	vsub.f32 $0.0e+00, v28;
	v28 =	vsub.f32 $0.0e+00, v29;
	v29 =	vld [tilespmem:s25+$0xFFFFFF90];
	v18 =	vmul.f32 v18, v27;
	v1 =	vpop (erf)  }
0x28f: {  	v27 =	vmul.f32 $1.442695020e+00, v25;
	v1 =	vmul.f32 v1, v20;
	v17 =	vpop (erf);
	v20 =	vld [tilespmem:s25+$0xB0]  }
0x290: {  	v26 =	vmul.f32 v17, v52;
	v17 =	vld [tilespmem:s25+$0xFFFFFF10];
	v25 =	vadd.f32 v18, v2;
	v18 =	vsub.f32 $0.0e+00, v30  }
0x291: {  	v28 =	vmul.f32 $1.442695020e+00, v28;
	v2 =	vmul.f32 $1.442695020e+00, v19;
	v19 =	vld [tilespmem:s25+$0xC0];
	v21 =	vsub.f32 $0.0e+00, v21  }
0x292: {  	(erf) = vpow2.f32 v27;
	v30 =	vld [tilespmem:s25+$0xD0];
	v18 =	vmul.f32 $1.442695020e+00, v18  }
0x293: {  	v23 =	vsub.f32 $0.0e+00, v23;
	(erf) = vpow2.f32 v2;
	v2 =	vmul.f32 $1.442695020e+00, v21;
	v21 =	vld [tilespmem:s25+$0xE0]  }
0x294: {  	(erf) = vpow2.f32 v28;
	v20 =	vsub.f32 $0.0e+00, v20  }
0x295: {  	v23 =	vmul.f32 $1.442695020e+00, v23;
	v28 =	vsub.f32 $0.0e+00, v29;
	(erf) = vpow2.f32 v18  }
0x296: {  	v17 =	vsub.f32 $0.0e+00, v17;
	(erf) = vpow2.f32 v2;
	v2 =	vld [tilespmem:s18+$0xFFFFFFE0];
	v18 =	vmul.f32 $1.442695020e+00, v20  }
0x297: {  	v31 =	vpop (erf);
	v19 =	vsub.f32 $0.0e+00, v19;
	v30 =	vsub.f32 $0.0e+00, v30;
	v55 =	vmul.f32 $1.442695020e+00, v28;
	v20 =	vld [tilespmem:s25+$0xF0]  }
0x298: {  	v53 =	vld [tilespmem:s25+$0x10];
	v27 =	vpop (erf);
	(erf) = vpow2.f32 v23;
	v17 =	vmul.f32 $1.442695020e+00, v17;
	v21 =	vsub.f32 $0.0e+00, v21  }
0x299: {  	v23 =	vpop (erf);
	v29 =	vmul.f32 $1.442695020e+00, v19;
	(erf) = vpow2.f32 v18  }
0x29a: {  	v28 =	vadd.f32 v1, v0;
	v1 =	vmul.f32 $1.442695020e+00, v30;
	(erf) = vpow2.f32 v17;
	v18 =	vpop (erf)  }
0x29b: {  	v54 =	vld [tilespmem:s25+$0xFFFFFF20];
	v17 =	vmul.f32 $1.442695020e+00, v21;
	(erf) = vpow2.f32 v29;
	v19 =	vpop (erf)  }
0x29c: {  	v0 =	vld [tilespmem:s25+$0xFFFFFFA0];
	v29 =	vmul.f32 v31, v2;
	v20 =	vsub.f32 $0.0e+00, v20;
	(erf) = vpow2.f32 v55;
	v21 =	vpop (erf)  }
0x29d: {  	v31 =	vsub.f32 $0.0e+00, v53;
	(erf) = vpow2.f32 v1;
	v21 =	vadd.f32 $1.000000000e+00, v21  }
0x29e: {  	v30 =	vpop (erf);
	v20 =	vmul.f32 $1.442695020e+00, v20;
	(erf) = vpow2.f32 v17  }
0x29f: {  	v56 =	vpop (erf);
	(erf) = vrcp.f32 v21;
	v21 =	vmul.f32 $1.442695020e+00, v31  }
0x2a0: {  	v33 =	vsub.f32 $0.0e+00, v54;
	v2 =	vld [tilespmem:s25+$0x20];
	v32 =	vadd.f32 $1.000000000e+00, v56;
	v34 =	vpop (erf)  }
0x2a1: {  	v0 =	vsub.f32 $0.0e+00, v0;
	v57 =	vpop (erf);
	(erf) = vpow2.f32 v20  }
0x2a2: {  	v33 =	vmul.f32 $1.442695020e+00, v33;
	v1 =	vld [tilespmem:s25+$0xFFFFFF30];
	v35 =	vadd.f32 $1.000000000e+00, v57;
	v36 =	vpop (erf);
	(erf) = vrcp.f32 v32  }
0x2a3: {  	v59 =	vld [tilespmem:s25+$0x40];
	v0 =	vmul.f32 $1.442695020e+00, v0;
	(erf) = vpow2.f32 v21;
	v21 =	vpop (erf)  }
0x2a4: {  	v17 =	vld [tilespmem:s25+$0xFFFFFFB0];
	(erf) = vrcp.f32 v35;
	v21 =	vadd.f32 $1.000000000e+00, v21;
	v38 =	vpop (erf)  }
0x2a5: {  	v31 =	vld [tilespmem:s25+$0x30];
	v2 =	vsub.f32 $0.0e+00, v2;
	(erf) = vpow2.f32 v33;
	v61 =	vpop (erf)  }
0x2a6: {  	v20 =	vld [tilespmem:s25+$0xFFFFFF40];
	v40 =	vpop (erf);
	(erf) = vrcp.f32 v21  }
0x2a7: {  	s16 =	simm.s32 $0x300;
	v58 =	vld [tilespmem:s25+$0xFFFFFFC0];
	v1 =	vsub.f32 $0.0e+00, v1;
	v2 =	vmul.f32 $1.442695020e+00, v2;
	(erf) = vpow2.f32 v0;
	v0 =	vpop (erf)  }
0x2a8: {  	v62 =	vld [tilespmem:s16+$0x80];
	v33 =	vadd.f32 $1.000000000e+00, v61;
	v0 =	vadd.f32 $1.000000000e+00, v0  }
0x2a9: {  	v54 =	vld [tilespmem:s25+$0xFFFFFF70];
	v17 =	vsub.f32 $0.0e+00, v17;
	v1 =	vmul.f32 $1.442695020e+00, v1  }
0x2aa: {  	v63 =	vld [tilespmem:s16+$0x90];
	v31 =	vsub.f32 $0.0e+00, v31;
	(erf) = vrcp.f32 v33;
	v47 =	vpop (erf)  }
0x2ab: {  	v49 =	vld [tilespmem:s16+$0xA0];
	v17 =	vmul.f32 $1.442695020e+00, v17;
	v20 =	vsub.f32 $0.0e+00, v20;
	(erf) = vpow2.f32 v2;
	v2 =	vpop (erf)  }
0x2ac: {  	v21 =	vld [tilespmem:s25+$0xFFFFFFD0];
	v31 =	vmul.f32 $1.442695020e+00, v31;
	v33 =	vadd.f32 $1.000000000e+00, v47;
	(erf) = vrcp.f32 v0;
	v0 =	vpop (erf)  }
0x2ad: {  	v48 =	vld [tilespmem:s25+$0x50];
	v32 =	vsub.f32 $0.0e+00, v58;
	v2 =	vmul.f32 v2, v62;
	(erf) = vpow2.f32 v1;
	v1 =	vpop (erf)  }
0x2ae: {  	v50 =	vld [tilespmem:s16+$0xB0];
	v20 =	vmul.f32 $1.442695020e+00, v20;
	v0 =	vadd.f32 $1.000000000e+00, v0;
	(erf) = vrcp.f32 v33;
	v45 =	vpop (erf)  }
0x2af: {  	v60 =	vld [tilespmem:s25+$0xFFFFFF50];
	v2 =	vadd.f32 $0.0e+00, v2;
	v1 =	vmul.f32 v1, v63;
	(erf) = vpow2.f32 v17;
	v17 =	vpop (erf)  }
0x2b0: {  	v37 =	vsub.f32 $0.0e+00, v59;
	v44 =	vld [tilespmem:s25+$0xFFFFFF60];
	v32 =	vmul.f32 $1.442695020e+00, v32;
	v46 =	vpop (erf);
	(erf) = vrcp.f32 v0  }
0x2b1: {  	v51 =	vld [tilespmem:s16+$0xC0];
	v1 =	vadd.f32 v1, v2;
	v2 =	vmul.f32 v17, v49;
	v17 =	vsub.f32 $0.0e+00, v21;
	v21 =	vpop (erf)  }
0x2b2: {  	v39 =	vsub.f32 $0.0e+00, v54;
	v42 =	vsub.f32 $0.0e+00, v48;
	(erf) = vpow2.f32 v31;
	v31 =	vpop (erf)  }
0x2b3: {  	v53 =	vld [tilespmem:s16+$0xD0];
	v21 =	vmul.f32 v21, v50;
	v1 =	vadd.f32 v2, v1;
	(erf) = vpow2.f32 v20;
	v20 =	vpop (erf)  }
0x2b4: {  	v37 =	vmul.f32 $1.442695020e+00, v37;
	v56 =	vld [tilespmem:s16+$0xE0];
	v35 =	vsub.f32 $0.0e+00, v60;
	(erf) = vpow2.f32 v32;
	v32 =	vpop (erf)  }
0x2b5: {  	v39 =	vmul.f32 $1.442695020e+00, v39;
	v59 =	vmul.f32 $1.442695020e+00, v42;
	v1 =	vadd.f32 v21, v1;
	v21 =	vld [tilespmem:s16+$0xF0];
	v57 =	vpop (erf)  }
0x2b6: {  	v55 =	vsub.f32 $0.0e+00, v44;
	v44 =	vld [tilespmem:s18+$0xFFFFFF70];
	v2 =	vmul.f32 $1.442695020e+00, v35;
	v20 =	vmul.f32 v20, v51;
	v60 =	vpop (erf)  }
0x2b7: {  	v52 =	vld [tilespmem:s25+$0xFFFFFFE0];
	v17 =	vmul.f32 $1.442695020e+00, v17;
	(erf) = vpow2.f32 v37;
	v62 =	vpop (erf)  }
0x2b8: {  	v0 =	vld [tilespmem:s25+$0x60];
	(erf) = vpow2.f32 v2;
	v1 =	vadd.f32 v20, v1;
	v20 =	vmul.f32 v57, v53;
	v48 =	vpop (erf)  }
0x2b9: {  	v30 =	vadd.f32 $1.000000000e+00, v30;
	v61 =	vadd.f32 $1.000000000e+00, v36;
	(erf) = vpow2.f32 v17;
	v49 =	vpop (erf)  }
0x2ba: {  	v1 =	vadd.f32 v20, v1;
	v20 =	vmul.f32 v62, v56;
	v17 =	vmul.f32 v49, v21  }
0x2bb: {  	v23 =	vmul.f32 v23, v44;
	v2 =	vadd.f32 $1.000000000e+00, v34;
	(erf) = vpow2.f32 v59  }
0x2bc: {  	v58 =	vsub.f32 $0.0e+00, v52;
	v63 =	vld [tilespmem:s25+$0x70];
	(erf) = vrcp.f32 v61;
	v1 =	vadd.f32 v20, v1  }
0x2bd: {  	v47 =	vld [tilespmem:s25+$0xFFFFFFF0];
	v35 =	vmul.f32 $1.442695020e+00, v55;
	v0 =	vsub.f32 $0.0e+00, v0;
	(erf) = vrcp.f32 v30  }
0x2be: {  	v36 =	vld [tilespmem:s16+$0x40];
	v50 =	vmul.f32 $1.442695020e+00, v58;
	(erf) = vrcp.f32 v2;
	v1 =	vadd.f32 v17, v1;
	v17 =	vpop (erf)  }
0x2bf: {  	v29 =	vadd.f32 v29, v25;
	v55 =	vld [tilespmem:s16+$0xFFFFFF00];
	v0 =	vmul.f32 $1.442695020e+00, v0;
	(erf) = vpow2.f32 v35;
	v2 =	vpop (erf)  }
0x2c0: {  	v54 =	vadd.f32 $1.000000000e+00, v45;
	v37 =	vld [tilespmem:s18+$0x60];
	v30 =	vadd.f32 $1.000000000e+00, v38;
	(erf) = vpow2.f32 v50;
	v62 =	vpop (erf)  }
0x2c1: {  	v58 =	vld [tilespmem:s16+$0xFFFFFF90];
	v52 =	vsub.f32 $0.0e+00, v63;
	v53 =	vadd.f32 $1.000000000e+00, v40;
	(erf) = vpow2.f32 v0;
	v56 =	vpop (erf)  }
0x2c2: {  	v45 =	vadd.f32 $1.000000000e+00, v46;
	v63 =	vld [tilespmem:s16+$0xFFFFFF80];
	v51 =	vsub.f32 $0.0e+00, v47;
	(erf) = vrcp.f32 v30;
	v57 =	vpop (erf)  }
0x2c3: {  	v33 =	vmul.f32 $1.442695020e+00, v52;
	v52 =	vld [tilespmem:s16+$0x20];
	v34 =	vadd.f32 $1.000000000e+00, v48;
	(erf) = vrcp.f32 v53;
	v48 =	vpop (erf)  }
0x2c4: {  	v31 =	vadd.f32 $1.000000000e+00, v31;
	v32 =	vadd.f32 $1.000000000e+00, v32;
	v0 =	vld [tilespmem:s16+$0x0];
	(erf) = vrcp.f32 v54;
	v49 =	vpop (erf)  }
0x2c5: {  	v41 =	vmul.f32 $1.442695020e+00, v51;
	v51 =	vld [tilespmem:s16+$0xFFFFFF20];
	v42 =	vadd.f32 $1.000000000e+00, v60;
	v27 =	vmul.f32 v27, v37;
	v50 =	vpop (erf)  }
0x2c6: {  	v40 =	vld [tilespmem:s16+$0xFFFFFFF0];
	v17 =	vadd.f32 $1.000000000e+00, v17;
	v2 =	vadd.f32 $1.000000000e+00, v2;
	(erf) = vpow2.f32 v39;
	v60 =	vpop (erf)  }
0x2c7: {  	v30 =	vld [tilespmem:s16+$0xFFFFFF10];
	v43 =	vadd.f32 $1.000000000e+00, v62;
	v62 =	vadd.f32 v26, v22;
	(erf) = vpow2.f32 v41;
	v22 =	vpop (erf)  }
0x2c8: {  	v59 =	vld [tilespmem:s16+$0x10];
	v46 =	vadd.f32 $1.000000000e+00, v56;
	v47 =	vadd.f32 $1.000000000e+00, v57;
	(erf) = vpow2.f32 v33;
	v25 =	vpop (erf)  }
0x2c9: {  	v61 =	vld [tilespmem:s16+$0xFFFFFFA0];
	v48 =	vadd.f32 $1.000000000e+00, v48;
	(erf) = vrcp.f32 v45;
	v0 =	vmul.f32 v22, v0;
	v22 =	vpop (erf)  }
0x2ca: {  	v37 =	vld [tilespmem:s16+$0xFFFFFF50];
	v49 =	vadd.f32 $1.000000000e+00, v49;
	v35 =	vmul.f32 v50, v55;
	(erf) = vrcp.f32 v31;
	v31 =	vpop (erf)  }
0x2cb: {  	v38 =	vld [tilespmem:s16+$0xFFFFFFD0];
	v26 =	vmul.f32 v60, v63;
	(erf) = vrcp.f32 v32;
	v55 =	vadd.f32 $1.000000000e+00, v22;
	v22 =	vpop (erf)  }
0x2cc: {  	v20 =	vld [tilespmem:s18+$0xFFFFFFF0];
	v35 =	vadd.f32 $0.0e+00, v35;
	(erf) = vrcp.f32 v42;
	v30 =	vmul.f32 v22, v30;
	v22 =	vpop (erf)  }
0x2cd: {  	v21 =	vld [tilespmem:s18+$0x70];
	v56 =	vadd.f32 $1.000000000e+00, v31;
	(erf) = vrcp.f32 v34;
	v31 =	vmul.f32 v22, v58;
	v57 =	vpop (erf)  }
0x2ce: {  	v53 =	vld [tilespmem:s16+$0xFFFFFFB0];
	(erf) = vrcp.f32 v17;
	v22 =	vadd.f32 v27, v28;
	v27 =	vmul.f32 v57, v59  }
0x2cf: {  	v54 =	vld [tilespmem:s16+$0x30];
	v25 =	vadd.f32 $1.000000000e+00, v25;
	v26 =	vadd.f32 $0.0e+00, v26;
	(erf) = vrcp.f32 v2;
	v2 =	vpop (erf)  }
0x2d0: {  	v39 =	vld [tilespmem:s16+$0x50];
	v0 =	vadd.f32 $0.0e+00, v0;
	v17 =	vadd.f32 v30, v35;
	(erf) = vrcp.f32 v43;
	v28 =	vpop (erf)  }
0x2d1: {  	v63 =	vld [tilespmem:s16+$0xFFFFFF30];
	v30 =	vadd.f32 v31, v26;
	v26 =	vadd.f32 $1.000000000e+00, v28;
	(erf) = vrcp.f32 v46;
	v28 =	vpop (erf)  }
0x2d2: {  	v41 =	vld [tilespmem:s16+$0x70];
	v2 =	vadd.f32 $1.000000000e+00, v2;
	v0 =	vadd.f32 v27, v0;
	(erf) = vrcp.f32 v47;
	v27 =	vpop (erf)  }
0x2d3: {  	v33 =	vld [tilespmem:s16+$0xFFFFFF40];
	v28 =	vadd.f32 $1.000000000e+00, v28;
	(erf) = vrcp.f32 v48;
	v27 =	vmul.f32 v27, v51;
	v58 =	vpop (erf)  }
0x2d4: {  	v32 =	vld [tilespmem:s16+$0xFFFFFFE0];
	v59 =	vmul.f32 v58, v61;
	v60 =	vpop (erf);
	(erf) = vrcp.f32 v49;
	v61 =	vadd.f32 v23, v62  }
0x2d5: {  	s18 =	simm.s32 $0x10E30;
	v34 =	vld [tilespmem:s16+$0xFFFFFFC0];
	v17 =	vadd.f32 v27, v17;
	v27 =	vmul.f32 v60, v52;
	v62 =	vpop (erf);
	(erf) = vrcp.f32 v25  }
0x2d6: {  	s20 =	simm.s32 $0x0;
	s25 =	simm.s32 $0x10E70;
	[tilespmem:s18+$0x0] =	vst v24;
	v35 =	vld [tilespmem:s16+$0xFFFFFF70];
	v63 =	vmul.f32 v62, v63;
	v24 =	vadd.f32 v59, v30;
	v25 =	vpop (erf);
	(erf) = vrcp.f32 v55  }
0x2d7: {  	s30 =	sand.u32 $0x7C0, s20;
	[tilespmem:s25+$0x0] =	vst v1;
	v31 =	vld [tilespmem:s16+$0xFFFFFF60];
	v30 =	vmul.f32 v25, v53;
	v25 =	vadd.f32 v27, v0;
	v0 =	vpop (erf);
	(erf) = vrcp.f32 v56  }
0x2d8: {  	s28 =	simm.s32 $0x4;
	s29 =	simm.s32 $0x4500;
	s24 =	simm.s32 $0x10E70;
	v23 =	vld [tilespmem:s16+$0x60];
	[tilespmem:s30+$0x10E00] =	vst v61;
	v27 =	vadd.f32 v63, v17;
	v42 =	vmul.f32 v0, v54;
	v43 =	vpop (erf);
	(erf) = vrcp.f32 v2  }
.LBB2_6:
0x2d9: {  	v0 =	vld [tilespmem:s29+$0x80];
	s28 =	sadd.s32 $0x4, s28;
	v1 =	vmul.f32 v43, v33;
	v2 =	vadd.f32 v30, v24;
	v17 =	vpop (erf);
	(erf) = vrcp.f32 v26  }
0x2da: {  	v26 =	vld [tilespmem:s29+$0xFFFFFF80];
	p0 =	slt.u32 s28, $0x7C;
	v33 =	vmul.f32 v17, v34;
	v34 =	vadd.f32 v42, v25;
	v24 =	vpop (erf);
	(erf) = vrcp.f32 v28  }
0x2db: {  	v18 =	vmul.f32 v18, v20;
	v28 =	vld [tilespmem:s29+$0x90];
	v1 =	vadd.f32 v1, v27;
	v27 =	vmul.f32 v24, v36;
	v24 =	vpop (erf)  }
0x2dc: {  	v20 =	vld [tilespmem:s29+$0x0];
	v30 =	vmul.f32 v24, v37;
	v36 =	vadd.f32 v33, v2;
	v17 =	vpop (erf);
	v24 =	vmul.f32 v19, v21  }
0x2dd: {  	v18 =	vadd.f32 v18, v29;
	v19 =	vld [tilespmem:s29+$0xA0];
	v17 =	vmul.f32 v17, v38;
	v21 =	vadd.f32 v27, v34;
	v25 =	vpop (erf)  }
0x2de: {  	v27 =	vld [tilespmem:s29+$0xFFFFFF00];
	v0 =	vsub.f32 $0.0e+00, v0;
	v29 =	vadd.f32 v30, v1;
	v1 =	vmul.f32 v25, v39;
	v25 =	vpop (erf)  }
0x2df: {  	v33 =	vsub.f32 $0.0e+00, v26;
	v34 =	vld [tilespmem:s29+$0xB0];
	v31 =	vmul.f32 v25, v31;
	v30 =	vadd.f32 v17, v36;
	v2 =	vpop (erf);
	[tilespmem:s18+$0xFFFFFFE0] =	vst v18  }
0x2e0: {  	v17 =	vld [tilespmem:s29+$0xFFFFFF10];
	v0 =	vmul.f32 $1.442695020e+00, v0;
	v37 =	vsub.f32 $0.0e+00, v28;
	v26 =	vadd.f32 v1, v21;
	v28 =	vpop (erf)  }
0x2e1: {  	v32 =	vmul.f32 v2, v32;
	v1 =	vmul.f32 $1.442695020e+00, v33;
	v39 =	vsub.f32 $0.0e+00, v20;
	v33 =	vld [tilespmem:s29+$0xC0];
	v25 =	vpop (erf)  }
0x2e2: {  	v2 =	vld [tilespmem:s29+$0xFFFFFF90];
	v42 =	vmul.f32 $1.442695020e+00, v37;
	v36 =	vsub.f32 $0.0e+00, v19;
	(erf) = vpow2.f32 v0;
	v18 =	vpop (erf)  }
0x2e3: {  	v0 =	vsub.f32 $0.0e+00, v27;
	v37 =	vmul.f32 $1.442695020e+00, v39;
	v38 =	vld [tilespmem:s29+$0xD0];
	(erf) = vpow2.f32 v1;
	v19 =	vpop (erf)  }
0x2e4: {  	v20 =	vmovc v40;
	v27 =	vmovc v35;
	v1 =	vmul.f32 $1.442695020e+00, v36;
	v34 =	vsub.f32 $0.0e+00, v34;
	v36 =	vld [tilespmem:s29+$0xE0];
	(erf) = vpow2.f32 v42  }
0x2e5: {  	v21 =	vmovc v41;
	v0 =	vmul.f32 $1.442695020e+00, v0;
	v17 =	vsub.f32 $0.0e+00, v17;
	v35 =	vld [tilespmem:s29+$0x10];
	(erf) = vpow2.f32 v37  }
0x2e6: {  	v34 =	vmul.f32 $1.442695020e+00, v34;
	v33 =	vsub.f32 $0.0e+00, v33;
	v37 =	vld [tilespmem:s29+$0xF0];
	(erf) = vpow2.f32 v1  }
0x2e7: {  	v1 =	vmul.f32 $1.442695020e+00, v17;
	v17 =	vld [tilespmem:s29+$0xFFFFFF20];
	v2 =	vsub.f32 $0.0e+00, v2;
	(erf) = vpow2.f32 v0  }
0x2e8: {  	v0 =	vld [tilespmem:s29+$0xFFFFFFA0];
	v33 =	vmul.f32 $1.442695020e+00, v33;
	v38 =	vsub.f32 $0.0e+00, v38;
	(erf) = vpow2.f32 v34  }
0x2e9: {  	v40 =	vmul.f32 $1.442695020e+00, v2;
	v34 =	vld [tilespmem:s29+$0x20];
	v36 =	vsub.f32 $0.0e+00, v36;
	(erf) = vpow2.f32 v1  }
0x2ea: {  	v1 =	vld [tilespmem:s29+$0xFFFFFF30];
	v42 =	vsub.f32 $0.0e+00, v35;
	v38 =	vmul.f32 $1.442695020e+00, v38;
	(erf) = vpow2.f32 v33  }
0x2eb: {  	v39 =	vld [tilespmem:s29+$0xFFFFFFB0];
	v36 =	vmul.f32 $1.442695020e+00, v36;
	v37 =	vsub.f32 $0.0e+00, v37;
	(erf) = vpow2.f32 v40;
	v2 =	vpop (erf)  }
0x2ec: {  	v40 =	vmul.f32 $1.442695020e+00, v42;
	v41 =	vld [tilespmem:s29+$0x30];
	v2 =	vadd.f32 $1.000000000e+00, v2;
	v33 =	vpop (erf);
	(erf) = vpow2.f32 v38  }
0x2ed: {  	v17 =	vsub.f32 $0.0e+00, v17;
	v38 =	vld [tilespmem:s29+$0xFFFFFF40];
	v37 =	vmul.f32 $1.442695020e+00, v37;
	v35 =	vpop (erf);
	(erf) = vpow2.f32 v36  }
0x2ee: {  	v0 =	vsub.f32 $0.0e+00, v0;
	v36 =	vld [tilespmem:s29+$0xFFFFFFC0];
	v42 =	vadd.f32 $1.000000000e+00, v35;
	v35 =	vpop (erf);
	(erf) = vrcp.f32 v2  }
0x2ef: {  	v2 =	vmul.f32 $1.442695020e+00, v17;
	v17 =	vsub.f32 $0.0e+00, v34;
	v43 =	vld [tilespmem:s29+$0x40];
	v34 =	vpop (erf);
	(erf) = vpow2.f32 v37  }
0x2f0: {  	v0 =	vmul.f32 $1.442695020e+00, v0;
	v37 =	vld [tilespmem:s29+$0xFFFFFF50];
	v44 =	vadd.f32 $1.000000000e+00, v34;
	v45 =	vpop (erf);
	(erf) = vrcp.f32 v42  }
0x2f1: {  	v1 =	vsub.f32 $0.0e+00, v1;
	v17 =	vmul.f32 $1.442695020e+00, v17;
	v42 =	vld [tilespmem:s29+$0xFFFFFFD0];
	(erf) = vpow2.f32 v40;
	v34 =	vpop (erf)  }
0x2f2: {  	s16 =	sadd.s32 $0x200, s16;
	v39 =	vsub.f32 $0.0e+00, v39;
	v40 =	vld [tilespmem:s29+$0x50];
	v46 =	vadd.f32 $1.000000000e+00, v34;
	v34 =	vpop (erf);
	(erf) = vrcp.f32 v44  }
0x2f3: {  	v1 =	vmul.f32 $1.442695020e+00, v1;
	v41 =	vsub.f32 $0.0e+00, v41;
	v44 =	vld [tilespmem:s16+$0x80];
	(erf) = vpow2.f32 v2;
	v2 =	vpop (erf)  }
0x2f4: {  	v39 =	vmul.f32 $1.442695020e+00, v39;
	v47 =	vld [tilespmem:s29+$0xFFFFFF60];
	v50 =	vadd.f32 $1.000000000e+00, v2;
	v48 =	vpop (erf);
	(erf) = vrcp.f32 v46  }
0x2f5: {  	v38 =	vsub.f32 $0.0e+00, v38;
	v41 =	vmul.f32 $1.442695020e+00, v41;
	v46 =	vld [tilespmem:s16+$0x90];
	(erf) = vpow2.f32 v0;
	v0 =	vpop (erf)  }
0x2f6: {  	v36 =	vsub.f32 $0.0e+00, v36;
	v49 =	vld [tilespmem:s29+$0xFFFFFFE0];
	v52 =	vadd.f32 $1.000000000e+00, v0;
	(erf) = vrcp.f32 v50;
	v2 =	vpop (erf)  }
0x2f7: {  	v38 =	vmul.f32 $1.442695020e+00, v38;
	v43 =	vsub.f32 $0.0e+00, v43;
	v50 =	vld [tilespmem:s16+$0xA0];
	(erf) = vpow2.f32 v17;
	v17 =	vpop (erf)  }
0x2f8: {  	v2 =	vadd.f32 $1.000000000e+00, v2;
	v51 =	vld [tilespmem:s29+$0x60];
	v17 =	vmul.f32 v17, v44;
	(erf) = vrcp.f32 v52;
	v0 =	vpop (erf)  }
0x2f9: {  	v36 =	vmul.f32 $1.442695020e+00, v36;
	v44 =	vld [tilespmem:s16+$0xB0];
	v0 =	vadd.f32 $1.000000000e+00, v0;
	(erf) = vpow2.f32 v1;
	v1 =	vpop (erf)  }
0x2fa: {  	v52 =	vld [tilespmem:s29+$0xFFFFFF70];
	v17 =	vadd.f32 $0.0e+00, v17;
	v1 =	vmul.f32 v1, v46;
	v46 =	vpop (erf);
	(erf) = vrcp.f32 v2  }
0x2fb: {  	v2 =	vsub.f32 $0.0e+00, v37;
	v37 =	vmul.f32 $1.442695020e+00, v43;
	v43 =	vld [tilespmem:s16+$0xC0];
	(erf) = vpow2.f32 v39;
	v39 =	vpop (erf)  }
0x2fc: {  	v53 =	vld [tilespmem:s29+$0xFFFFFFF0];
	v1 =	vadd.f32 v1, v17;
	v17 =	vmul.f32 v39, v50;
	v39 =	vpop (erf);
	(erf) = vrcp.f32 v0  }
0x2fd: {  	v40 =	vsub.f32 $0.0e+00, v40;
	v0 =	vsub.f32 $0.0e+00, v42;
	v42 =	vld [tilespmem:s16+$0xD0];
	(erf) = vpow2.f32 v41;
	v41 =	vpop (erf)  }
0x2fe: {  	v50 =	vld [tilespmem:s29+$0x70];
	v1 =	vadd.f32 v17, v1;
	v17 =	vmul.f32 v41, v44;
	(erf) = vpow2.f32 v38;
	v38 =	vpop (erf)  }
0x2ff: {  	v2 =	vmul.f32 $1.442695020e+00, v2;
	v41 =	vsub.f32 $0.0e+00, v47;
	v44 =	vld [tilespmem:s16+$0xE0];
	(erf) = vpow2.f32 v36;
	v36 =	vpop (erf)  }
0x300: {  	v54 =	vld [tilespmem:s16+$0xFFFFFF00];
	v1 =	vadd.f32 v17, v1;
	v17 =	vmul.f32 v36, v43;
	v36 =	vpop (erf);
	(erf) = vpow2.f32 v37  }
0x301: {  	v40 =	vmul.f32 $1.442695020e+00, v40;
	v0 =	vmul.f32 $1.442695020e+00, v0;
	v37 =	vsub.f32 $0.0e+00, v49;
	v43 =	vld [tilespmem:s16+$0xF0];
	v47 =	vpop (erf)  }
0x302: {  	v51 =	vsub.f32 $0.0e+00, v51;
	v49 =	vld [tilespmem:s16+$0xFFFFFF80];
	v1 =	vadd.f32 v17, v1;
	v42 =	vmul.f32 v47, v42;
	v55 =	vpop (erf)  }
0x303: {  	v33 =	vadd.f32 $1.000000000e+00, v33;
	v45 =	vadd.f32 $1.000000000e+00, v45;
	v56 =	vld [tilespmem:s16+$0x0];
	(erf) = vpow2.f32 v2;
	v2 =	vpop (erf)  }
0x304: {  	v35 =	vadd.f32 $1.000000000e+00, v35;
	v57 =	vld [tilespmem:s16+$0xFFFFFF10];
	v1 =	vadd.f32 v42, v1;
	v42 =	vmul.f32 v2, v44;
	v17 =	vpop (erf)  }
0x305: {  	v41 =	vmul.f32 $1.442695020e+00, v41;
	v47 =	vsub.f32 $0.0e+00, v52;
	v52 =	vld [tilespmem:s16+$0xFFFFFF90];
	(erf) = vpow2.f32 v0;
	v0 =	vpop (erf)  }
0x306: {  	v58 =	vld [tilespmem:s16+$0x10];
	v44 =	vadd.f32 v42, v1;
	v0 =	vmul.f32 v0, v43;
	v2 =	vpop (erf);
	(erf) = vpow2.f32 v40  }
0x307: {  	v51 =	vmul.f32 $1.442695020e+00, v51;
	v37 =	vmul.f32 $1.442695020e+00, v37;
	v40 =	vsub.f32 $0.0e+00, v53;
	v42 =	vld [tilespmem:s16+$0xFFFFFF20];
	v53 =	vpop (erf)  }
0x308: {  	v50 =	vsub.f32 $0.0e+00, v50;
	v43 =	vld [tilespmem:s16+$0xFFFFFFA0];
	v0 =	vadd.f32 v0, v44;
	(erf) = vrcp.f32 v45;
	v1 =	vpop (erf)  }
0x309: {  	s25 =	sadd.s32 $0x40, s25;
	v59 =	vadd.f32 $1.000000000e+00, v34;
	v48 =	vadd.f32 $1.000000000e+00, v48;
	v45 =	vld [tilespmem:s16+$0x20];
	(erf) = vrcp.f32 v33;
	v60 =	vpop (erf)  }
0x30a: {  	v62 =	vadd.f32 $1.000000000e+00, v46;
	v61 =	vmul.f32 $1.442695020e+00, v47;
	v44 =	vld [tilespmem:s16+$0xFFFFFF30];
	[tilespmem:s25+$0x0] =	vst v0;
	(erf) = vrcp.f32 v35  }
0x30b: {  	v0 =	vadd.f32 $1.000000000e+00, v39;
	v35 =	vmul.f32 $1.442695020e+00, v40;
	v47 =	vld [tilespmem:s16+$0xFFFFFFB0];
	(erf) = vpow2.f32 v41  }
0x30c: {  	v40 =	vadd.f32 $1.000000000e+00, v38;
	v41 =	vmul.f32 $1.442695020e+00, v50;
	v46 =	vld [tilespmem:s16+$0x30];
	v38 =	vpop (erf);
	(erf) = vpow2.f32 v37  }
0x30d: {  	v50 =	vadd.f32 $1.000000000e+00, v55;
	v55 =	vadd.f32 $1.000000000e+00, v36;
	v33 =	vld [tilespmem:s16+$0xFFFFFF40];
	(erf) = vpow2.f32 v51  }
0x30e: {  	v17 =	vadd.f32 $1.000000000e+00, v17;
	v2 =	vadd.f32 $1.000000000e+00, v2;
	v34 =	vld [tilespmem:s16+$0xFFFFFFC0];
	(erf) = vrcp.f32 v59;
	v39 =	vpop (erf)  }
0x30f: {  	v1 =	vadd.f32 $1.000000000e+00, v1;
	v51 =	vadd.f32 $1.000000000e+00, v53;
	v36 =	vld [tilespmem:s16+$0x40];
	(erf) = vrcp.f32 v48;
	v48 =	vpop (erf)  }
0x310: {  	v53 =	vadd.f32 $1.000000000e+00, v38;
	v59 =	vadd.f32 $1.000000000e+00, v60;
	v37 =	vld [tilespmem:s16+$0xFFFFFF50];
	(erf) = vrcp.f32 v62  }
0x311: {  	v60 =	vadd.f32 $1.000000000e+00, v39;
	v48 =	vadd.f32 $1.000000000e+00, v48;
	v38 =	vld [tilespmem:s16+$0xFFFFFFD0];
	v39 =	vpop (erf);
	(erf) = vpow2.f32 v61  }
0x312: {  	v62 =	vadd.f32 v31, v29;
	v54 =	vmul.f32 v39, v54;
	v39 =	vld [tilespmem:s16+$0x50];
	v61 =	vpop (erf);
	(erf) = vpow2.f32 v35  }
0x313: {  	v29 =	vadd.f32 v32, v30;
	v31 =	vld [tilespmem:s16+$0xFFFFFF60];
	v35 =	vmul.f32 v61, v49;
	v49 =	vpop (erf);
	(erf) = vpow2.f32 v41  }
0x314: {  	v30 =	vadd.f32 $0.0e+00, v54;
	v32 =	vld [tilespmem:s16+$0xFFFFFFE0];
	v63 =	vmul.f32 v49, v56;
	(erf) = vrcp.f32 v0;
	v0 =	vpop (erf)  }
0x315: {  	v0 =	vadd.f32 $1.000000000e+00, v0;
	v49 =	vadd.f32 $0.0e+00, v35;
	v54 =	vld [tilespmem:s16+$0x60];
	(erf) = vrcp.f32 v40;
	v40 =	vpop (erf)  }
0x316: {  	v35 =	vld [tilespmem:s16+$0xFFFFFF70];
	v56 =	vadd.f32 $1.000000000e+00, v40;
	v61 =	vadd.f32 $0.0e+00, v63;
	(erf) = vrcp.f32 v55;
	v41 =	vpop (erf)  }
0x317: {  	v23 =	vmul.f32 v28, v23;
	v40 =	vld [tilespmem:s16+$0xFFFFFFF0];
	v55 =	vadd.f32 $1.000000000e+00, v41;
	v41 =	vpop (erf);
	(erf) = vrcp.f32 v50  }
0x318: {  	v28 =	vmul.f32 v41, v57;
	v41 =	vld [tilespmem:s16+$0x70];
	v50 =	vpop (erf);
	(erf) = vrcp.f32 v17;
	v17 =	vadd.f32 v24, v22  }
0x319: {  	v22 =	vadd.f32 v23, v26;
	v24 =	vmul.f32 v50, v52;
	v50 =	vpop (erf);
	(erf) = vrcp.f32 v2  }
0x31a: {  	v2 =	vadd.f32 v28, v30;
	v28 =	vmul.f32 v50, v58;
	(erf) = vrcp.f32 v51;
	v26 =	vpop (erf);
	[tilespmem:s18+$0xFFFFFFF0] =	vst v17;
	s18 =	smov.u32 s24;
	s24 =	smov.u32 s25  }
0x31b: {  	v17 =	vadd.f32 $1.000000000e+00, v26;
	v24 =	vadd.f32 v24, v49;
	(erf) = vrcp.f32 v1;
	v1 =	vpop (erf)  }
0x31c: {  	v26 =	vadd.f32 $1.000000000e+00, v1;
	v1 =	vadd.f32 v28, v61;
	(erf) = vrcp.f32 v59;
	v23 =	vpop (erf)  }
0x31d: {  	v25 =	vmul.f32 v25, v27;
	v28 =	vadd.f32 $1.000000000e+00, v23;
	v23 =	vpop (erf);
	(erf) = vrcp.f32 v53  }
0x31e: {  	v27 =	vmul.f32 v23, v42;
	v30 =	vpop (erf);
	(erf) = vrcp.f32 v60;
	v23 =	vmov v54  }
.Ltmp2:
0x31f: {  	s20 =	sadd.s32 $0x40, s20;
	v25 =	vadd.f32 v25, v62;
	v43 =	vmul.f32 v30, v43;
	v42 =	vpop (erf);
	(erf) = vrcp.f32 v48;
	(pc) =	sbr.rel @p0 .LBB2_6-.Ltmp2, $4  }
0x320: {  	s30 =	sand.u32 $0x7C0, s20;
	v2 =	vadd.f32 v27, v2;
	v27 =	vmul.f32 v42, v45;
	v42 =	vpop (erf);
	(erf) = vrcp.f32 v0  }
0x321: {  	v0 =	vmul.f32 v42, v44;
	v24 =	vadd.f32 v43, v24;
	v30 =	vpop (erf);
	(erf) = vrcp.f32 v56;
	[tilespmem:s30+$0x10E00] =	vst v25  }
0x322: {  	v30 =	vmul.f32 v30, v47;
	v25 =	vadd.f32 v27, v1;
	v1 =	vpop (erf);
	(erf) = vrcp.f32 v55  }
0x323: {  	s29 =	sadd.s32 $0x200, s29;
	v27 =	vadd.f32 v0, v2;
	v42 =	vmul.f32 v1, v46;
	v43 =	vpop (erf);
	(erf) = vrcp.f32 v17  }
0x324: {  	v0 =	vpop (erf);
	(erf) = vrcp.f32 v26  }
0x325: {  	v1 =	vpop (erf);
	(erf) = vrcp.f32 v28  }
0x326: {  	v24 =	vadd.f32 v30, v24;
	v0 =	vmul.f32 v0, v34;
	v25 =	vadd.f32 v42, v25;
	v17 =	vpop (erf)  }
0x327: {  	v2 =	vmul.f32 v43, v33;
	v18 =	vmul.f32 v18, v20;
	v26 =	vpop (erf)  }
0x328: {  	v1 =	vmul.f32 v1, v36;
	v0 =	vadd.f32 v0, v24;
	v20 =	vpop (erf);
	v24 =	vmul.f32 v26, v38  }
0x329: {  	v19 =	vmul.f32 v19, v21;
	v2 =	vadd.f32 v2, v27;
	v17 =	vmul.f32 v17, v37;
	v21 =	vpop (erf)  }
0x32a: {  	v1 =	vadd.f32 v1, v25;
	v20 =	vmul.f32 v20, v39;
	v25 =	vpop (erf)  }
0x32b: {  	v18 =	vadd.f32 v18, v29;
	v2 =	vadd.f32 v17, v2;
	v17 =	vmul.f32 v21, v31;
	v21 =	vpop (erf)  }
0x32c: {  	v0 =	vadd.f32 v24, v0;
	v1 =	vadd.f32 v20, v1;
	v20 =	vmul.f32 v25, v32;
	v24 =	vpop (erf)  }
0x32d: {  	v2 =	vadd.f32 v17, v2;
	v17 =	vmul.f32 v21, v23;
	v25 =	vpop (erf);
	v21 =	vmul.f32 v24, v35  }
0x32e: {  	v19 =	vadd.f32 v19, v22;
	v0 =	vadd.f32 v20, v0;
	v23 =	vpop (erf);
	v20 =	vmul.f32 v25, v40  }
0x32f: {  	s16 =	sadd.s32 $0x40, s20;
	[tilespmem:s18+$0xFFFFFFE0] =	vst v18;
	v1 =	vadd.f32 v17, v1;
	v2 =	vadd.f32 v21, v2;
	v17 =	vmul.f32 v23, v41  }
0x330: {  	s16 =	sand.u32 $0x7C0, s16;
	[tilespmem:s18+$0xFFFFFFF0] =	vst v19;
	v0 =	vadd.f32 v20, v0  }
0x331: {  	[tilespmem:s16+$0x10E00] =	vst v2;
	v1 =	vadd.f32 v17, v1  }
0x332: {  	[tilespmem:s24+$0xFFFFFFE0] =	vst v0  }
0x333: {  	s16 =	simm.s32 $0x0;
	[tilespmem:s24+$0xFFFFFFF0] =	vst v1;
	s24 =	simm.s32 $0x10180  }
0x334: {  	[tilespmem:s16], [sflag:$0x1] =	stream.indirect.gather [hbm4b:s1+s23], $0x80, s24, s23, $0xb8;
	[tilespmem:$0x12800] =	vst v63  }
0x335: {  	_ = 	snop  }
0x336: {  	[tilespmem:s14], [sflag:$0x1] =	stream.indirect.gather [hbm4b:s2+s23], $0x80, s31, s23, $0xb8;
	[tilespmem:$0x12800] =	vst v63  }
0x337: {  	_ =	swait.ge [sflag:s26], $0x4000  }
0x338: {  	[sflag:s26] =	ssyncset.done $0x0  }
0x339: {  	[sflag:s26] =	ssyncadd.s32 $0xFFFFC000  }
0x33a: {  	_ =	swait.ge [sflag:s26], $0x4000  }
0x33b: {  	[sflag:s26] =	ssyncset.done $0x0  }
0x33c: {  	s25 =	simm.s32 $0xC100;
	[sflag:s26] =	ssyncadd.s32 $0xFFFFC000  }
0x33d: {  	v0 =	vld [tilespmem:s25+$0x80]  }
0x33e: {  	v1 =	vld [tilespmem:s25+$0xFFFFFF80]  }
0x33f: {  	v2 =	vld [tilespmem:s25+$0x90]  }
0x340: {  	v17 =	vld [tilespmem:s25+$0x0]  }
0x341: {  	v18 =	vld [tilespmem:s25+$0xA0]  }
0x342: {  	v19 =	vld [tilespmem:s25+$0xFFFFFF00]  }
0x343: {  	v20 =	vld [tilespmem:s25+$0xB0];
	v0 =	vsub.f32 $0.0e+00, v0  }
0x344: {  	v21 =	vld [tilespmem:s25+$0xFFFFFF10];
	v1 =	vsub.f32 $0.0e+00, v1;
	v2 =	vsub.f32 $0.0e+00, v2  }
0x345: {  	v22 =	vld [tilespmem:s25+$0xC0];
	v17 =	vsub.f32 $0.0e+00, v17;
	v0 =	vmul.f32 $1.442695020e+00, v0  }
0x346: {  	v23 =	vld [tilespmem:s25+$0xFFFFFF90];
	v18 =	vsub.f32 $0.0e+00, v18;
	v1 =	vmul.f32 $1.442695020e+00, v1;
	v2 =	vmul.f32 $1.442695020e+00, v2  }
0x347: {  	v17 =	vmul.f32 $1.442695020e+00, v17;
	(erf) = vpow2.f32 v0;
	v0 =	vsub.f32 $0.0e+00, v19  }
0x348: {  	v19 =	vld [tilespmem:s25+$0xD0];
	(erf) = vpow2.f32 v1;
	v1 =	vmul.f32 $1.442695020e+00, v18;
	v18 =	vsub.f32 $0.0e+00, v20  }
0x349: {  	v20 =	vld [tilespmem:s25+$0xE0];
	(erf) = vpow2.f32 v2;
	v0 =	vmul.f32 $1.442695020e+00, v0  }
0x34a: {  	v2 =	vsub.f32 $0.0e+00, v21;
	v21 =	vld [tilespmem:s25+$0xF0];
	(erf) = vpow2.f32 v17;
	v17 =	vmul.f32 $1.442695020e+00, v18  }
0x34b: {  	v18 =	vsub.f32 $0.0e+00, v22;
	v22 =	vsub.f32 $0.0e+00, v23;
	(erf) = vpow2.f32 v1  }
0x34c: {  	v1 =	vld [tilespmem:s25+$0x10];
	v2 =	vmul.f32 $1.442695020e+00, v2;
	(erf) = vpow2.f32 v0  }
0x34d: {  	(erf) = vpow2.f32 v17;
	v17 =	vmul.f32 $1.442695020e+00, v22  }
0x34e: {  	v0 =	vld [tilespmem:s25+$0xFFFFFF20];
	v18 =	vmul.f32 $1.442695020e+00, v18;
	v19 =	vsub.f32 $0.0e+00, v19  }
0x34f: {  	v20 =	vsub.f32 $0.0e+00, v20;
	(erf) = vpow2.f32 v2;
	v21 =	vsub.f32 $0.0e+00, v21  }
0x350: {  	v19 =	vmul.f32 $1.442695020e+00, v19;
	(erf) = vpow2.f32 v18  }
0x351: {  	v20 =	vmul.f32 $1.442695020e+00, v20;
	(erf) = vpow2.f32 v17;
	v1 =	vsub.f32 $0.0e+00, v1;
	v17 =	vpop (erf)  }
0x352: {  	v2 =	vld [tilespmem:s25+$0xFFFFFFA0];
	(erf) = vpow2.f32 v19;
	v19 =	vmul.f32 $1.442695020e+00, v21;
	v17 =	vadd.f32 $1.000000000e+00, v17;
	v23 =	vpop (erf)  }
0x353: {  	v0 =	vsub.f32 $0.0e+00, v0;
	(erf) = vpow2.f32 v20;
	v1 =	vmul.f32 $1.442695020e+00, v1;
	v21 =	vpop (erf)  }
0x354: {  	v21 =	vadd.f32 $1.000000000e+00, v21;
	v24 =	vpop (erf);
	(erf) = vrcp.f32 v17  }
0x355: {  	v0 =	vmul.f32 $1.442695020e+00, v0;
	v25 =	vpop (erf);
	(erf) = vpow2.f32 v19  }
0x356: {  	v20 =	vld [tilespmem:s25+$0xFFFFFFB0];
	v25 =	vadd.f32 $1.000000000e+00, v25;
	v26 =	vpop (erf);
	(erf) = vrcp.f32 v21  }
0x357: {  	v18 =	vld [tilespmem:s25+$0x20];
	v2 =	vsub.f32 $0.0e+00, v2;
	(erf) = vpow2.f32 v1;
	v1 =	vpop (erf)  }
0x358: {  	v22 =	vld [tilespmem:s25+$0xFFFFFF30];
	v28 =	vpop (erf);
	(erf) = vrcp.f32 v25  }
0x359: {  	v2 =	vmul.f32 $1.442695020e+00, v2;
	(erf) = vpow2.f32 v0;
	v0 =	vpop (erf)  }
0x35a: {  	s30 =	simm.s32 $0x8100;
	v17 =	vld [tilespmem:s25+$0x30];
	v1 =	vadd.f32 $1.000000000e+00, v1;
	v0 =	vadd.f32 $1.000000000e+00, v0  }
0x35b: {  	v20 =	vsub.f32 $0.0e+00, v20;
	v25 =	vld [tilespmem:s30+$0x80]  }
0x35c: {  	v18 =	vsub.f32 $0.0e+00, v18;
	v21 =	vld [tilespmem:s25+$0xFFFFFFC0];
	v30 =	vpop (erf);
	(erf) = vrcp.f32 v1  }
0x35d: {  	v22 =	vsub.f32 $0.0e+00, v22;
	v1 =	vmul.f32 $1.442695020e+00, v20;
	v20 =	vld [tilespmem:s30+$0x90];
	(erf) = vpow2.f32 v2;
	v2 =	vpop (erf)  }
0x35e: {  	v18 =	vmul.f32 $1.442695020e+00, v18;
	(erf) = vrcp.f32 v0;
	v0 =	vpop (erf)  }
0x35f: {  	v27 =	vld [tilespmem:s25+$0x40];
	v22 =	vmul.f32 $1.442695020e+00, v22;
	v40 =	vpop (erf)  }
0x360: {  	v29 =	vld [tilespmem:s25+$0xFFFFFF50];
	(erf) = vpow2.f32 v18;
	v18 =	vmul.f32 v40, v25;
	v25 =	vpop (erf)  }
0x361: {  	v63 =	vld [tilespmem:s30+$0xA0];
	v21 =	vsub.f32 $0.0e+00, v21;
	v2 =	vadd.f32 $1.000000000e+00, v2;
	v42 =	vpop (erf)  }
0x362: {  	v19 =	vld [tilespmem:s25+$0xFFFFFF40];
	v17 =	vsub.f32 $0.0e+00, v17;
	v20 =	vmul.f32 v42, v20  }
0x363: {  	v0 =	vadd.f32 $1.000000000e+00, v0;
	(erf) = vrcp.f32 v2;
	v2 =	vmul.f32 $1.442695020e+00, v21;
	v21 =	vld [tilespmem:s30+$0xB0]  }
0x364: {  	v31 =	vld [tilespmem:s25+$0xFFFFFFD0];
	v27 =	vsub.f32 $0.0e+00, v27;
	(erf) = vpow2.f32 v22;
	v18 =	vadd.f32 $0.0e+00, v18;
	v22 =	vpop (erf)  }
0x365: {  	v41 =	vld [tilespmem:s25+$0x50];
	v17 =	vmul.f32 $1.442695020e+00, v17;
	v25 =	vadd.f32 $1.000000000e+00, v25;
	(erf) = vrcp.f32 v0;
	v44 =	vpop (erf)  }
0x366: {  	v46 =	vld [tilespmem:s25+$0x60];
	(erf) = vpow2.f32 v1;
	v1 =	vadd.f32 v20, v18;
	v18 =	vmul.f32 v44, v63;
	v20 =	vpop (erf)  }
0x367: {  	v19 =	vsub.f32 $0.0e+00, v19;
	v0 =	vsub.f32 $0.0e+00, v29;
	v29 =	vld [tilespmem:s30+$0xC0];
	(erf) = vrcp.f32 v25;
	v47 =	vpop (erf)  }
0x368: {  	v43 =	vld [tilespmem:s25+$0xFFFFFF60];
	v1 =	vadd.f32 v18, v1;
	(erf) = vpow2.f32 v17;
	v17 =	vmul.f32 v47, v21  }
0x369: {  	v19 =	vmul.f32 $1.442695020e+00, v19;
	v25 =	vsub.f32 $0.0e+00, v31;
	v21 =	vld [tilespmem:s30+$0xD0]  }
0x36a: {  	v45 =	vld [tilespmem:s25+$0xFFFFFFE0];
	v27 =	vmul.f32 $1.442695020e+00, v27;
	v0 =	vmul.f32 $1.442695020e+00, v0;
	v18 =	vpop (erf);
	v1 =	vadd.f32 v17, v1  }
0x36b: {  	v49 =	vld [tilespmem:s30+$0xE0];
	v31 =	vsub.f32 $0.0e+00, v41;
	(erf) = vpow2.f32 v19;
	v25 =	vmul.f32 $1.442695020e+00, v25;
	v48 =	vpop (erf)  }
0x36c: {  	v32 =	vsub.f32 $0.0e+00, v46;
	(erf) = vpow2.f32 v2;
	v2 =	vmul.f32 v48, v29;
	v17 =	vpop (erf)  }
0x36d: {  	v23 =	vadd.f32 $1.000000000e+00, v23;
	v31 =	vmul.f32 $1.442695020e+00, v31;
	(erf) = vpow2.f32 v27;
	v50 =	vpop (erf)  }
0x36e: {  	v29 =	vld [tilespmem:s25+$0xFFFFFF70];
	(erf) = vpow2.f32 v0;
	v0 =	vadd.f32 v2, v1;
	v1 =	vpop (erf);
	v21 =	vmul.f32 v50, v21  }
0x36f: {  	v19 =	vsub.f32 $0.0e+00, v43;
	v2 =	vadd.f32 $1.000000000e+00, v26;
	(erf) = vpow2.f32 v25;
	v25 =	vld [tilespmem:s30+$0xF0];
	v26 =	vpop (erf)  }
0x370: {  	v27 =	vsub.f32 $0.0e+00, v45;
	(erf) = vpow2.f32 v31;
	v31 =	vld [tilespmem:s25+$0xFFFFFFF0];
	v26 =	vmul.f32 v26, v49  }
0x371: {  	v24 =	vadd.f32 $1.000000000e+00, v24;
	v19 =	vmul.f32 $1.442695020e+00, v19;
	v51 =	vpop (erf);
	(erf) = vrcp.f32 v2  }
0x372: {  	v27 =	vmul.f32 $1.442695020e+00, v27;
	v2 =	vld [tilespmem:s25+$0x70];
	v0 =	vadd.f32 v21, v0;
	v21 =	vpop (erf);
	(erf) = vrcp.f32 v23  }
0x373: {  	v23 =	vsub.f32 $0.0e+00, v29;
	v29 =	vpop (erf);
	(erf) = vrcp.f32 v24;
	v24 =	vmul.f32 $1.442695020e+00, v32  }
0x374: {  	v0 =	vadd.f32 v26, v0;
	v26 =	vpop (erf);
	(erf) = vpow2.f32 v19;
	v19 =	vmul.f32 v21, v25  }
0x375: {  	v25 =	vadd.f32 $1.000000000e+00, v28;
	v21 =	vpop (erf);
	(erf) = vpow2.f32 v27;
	v27 =	vsub.f32 $0.0e+00, v31  }
0x376: {  	v28 =	vadd.f32 $1.000000000e+00, v30;
	v30 =	vpop (erf);
	(erf) = vpow2.f32 v24  }
0x377: {  	v22 =	vadd.f32 $1.000000000e+00, v22;
	v2 =	vsub.f32 $0.0e+00, v2;
	v31 =	vpop (erf);
	(erf) = vrcp.f32 v25  }
0x378: {  	v24 =	vadd.f32 v19, v0;
	v0 =	vmul.f32 $1.442695020e+00, v23;
	v19 =	vpop (erf);
	(erf) = vrcp.f32 v28  }
0x379: {  	v20 =	vadd.f32 $1.000000000e+00, v20;
	v25 =	vmul.f32 $1.442695020e+00, v27;
	v27 =	vpop (erf);
	(erf) = vrcp.f32 v22  }
0x37a: {  	v18 =	vadd.f32 $1.000000000e+00, v18;
	v23 =	vld [tilespmem:s30+$0xFFFFFF00];
	v2 =	vmul.f32 $1.442695020e+00, v2;
	v28 =	vpop (erf);
	(erf) = vpow2.f32 v0  }
0x37b: {  	v17 =	vadd.f32 $1.000000000e+00, v17;
	v22 =	vld [tilespmem:s30+$0xFFFFFF80];
	v52 =	vpop (erf);
	(erf) = vpow2.f32 v25  }
0x37c: {  	v25 =	vld [tilespmem:s30+$0xFFFFFF10];
	v53 =	vpop (erf);
	(erf) = vpow2.f32 v2  }
0x37d: {  	v1 =	vadd.f32 $1.000000000e+00, v1;
	(erf) = vrcp.f32 v20;
	v20 =	vpop (erf)  }
0x37e: {  	v54 =	vld [tilespmem:s30+$0x10];
	v33 =	vadd.f32 $1.000000000e+00, v51;
	v29 =	vadd.f32 $1.000000000e+00, v29;
	(erf) = vrcp.f32 v18;
	v18 =	vpop (erf)  }
0x37f: {  	v26 =	vadd.f32 $1.000000000e+00, v26;
	v0 =	vld [tilespmem:s30+$0x0];
	v23 =	vmul.f32 v28, v23;
	(erf) = vrcp.f32 v17;
	v17 =	vpop (erf)  }
0x380: {  	v21 =	vadd.f32 $1.000000000e+00, v21;
	v2 =	vld [tilespmem:s30+$0xFFFFFF90];
	v22 =	vmul.f32 v52, v22;
	v56 =	vpop (erf);
	(erf) = vrcp.f32 v1  }
0x381: {  	v55 =	vld [tilespmem:s30+$0xFFFFFF20];
	v30 =	vadd.f32 $1.000000000e+00, v30;
	v57 =	vpop (erf);
	(erf) = vrcp.f32 v33;
	v25 =	vmul.f32 v56, v25  }
0x382: {  	v58 =	vld [tilespmem:s30+$0xFFFFFF30];
	v31 =	vadd.f32 $1.000000000e+00, v31;
	v19 =	vadd.f32 $1.000000000e+00, v19;
	v59 =	vpop (erf);
	(erf) = vrcp.f32 v29  }
0x383: {  	v28 =	vld [tilespmem:s30+$0xFFFFFFA0];
	v23 =	vadd.f32 $0.0e+00, v23;
	v22 =	vadd.f32 $0.0e+00, v22;
	(erf) = vrcp.f32 v26;
	v26 =	vpop (erf)  }
0x384: {  	v60 =	vld [tilespmem:s30+$0x30];
	v27 =	vadd.f32 $1.000000000e+00, v27;
	v20 =	vadd.f32 $1.000000000e+00, v20;
	(erf) = vrcp.f32 v21;
	v21 =	vpop (erf)  }
0x385: {  	v61 =	vld [tilespmem:s30+$0xFFFFFF40];
	v0 =	vmul.f32 v53, v0;
	v2 =	vmul.f32 v57, v2;
	v23 =	vadd.f32 v25, v23;
	v25 =	vpop (erf)  }
0x386: {  	v18 =	vadd.f32 $1.000000000e+00, v18;
	v1 =	vld [tilespmem:s30+$0x20];
	v17 =	vadd.f32 $1.000000000e+00, v17;
	(erf) = vrcp.f32 v30;
	v63 =	vpop (erf)  }
0x387: {  	v29 =	vld [tilespmem:s30+$0xFFFFFFB0];
	v62 =	vmul.f32 v59, v54;
	v2 =	vadd.f32 v2, v22;
	(erf) = vrcp.f32 v31;
	v22 =	vpop (erf)  }
0x388: {  	v40 =	vld [tilespmem:s30+$0xFFFFFF60];
	v0 =	vadd.f32 $0.0e+00, v0;
	(erf) = vrcp.f32 v19;
	v22 =	vmul.f32 v22, v28  }
0x389: {  	v26 =	vadd.f32 $1.000000000e+00, v26;
	v30 =	vld [tilespmem:s30+$0xFFFFFFC0];
	v36 =	vmul.f32 v63, v55;
	v37 =	vpop (erf);
	(erf) = vrcp.f32 v27  }
0x38a: {  	v21 =	vadd.f32 $1.000000000e+00, v21;
	v0 =	vadd.f32 v62, v0;
	v31 =	vld [tilespmem:s30+$0x40];
	v28 =	vpop (erf);
	(erf) = vrcp.f32 v20  }
0x38b: {  	v19 =	vld [tilespmem:s30+$0xFFFFFF50];
	v23 =	vadd.f32 v36, v23;
	v1 =	vmul.f32 v37, v1;
	v28 =	vmul.f32 v28, v58;
	v39 =	vpop (erf)  }
0x38c: {  	s25 =	simm.s32 $0xC300;
	v27 =	vld [tilespmem:s30+$0xFFFFFFD0];
	v2 =	vadd.f32 v22, v2;
	(erf) = vrcp.f32 v18;
	v18 =	vmul.f32 v39, v29;
	v22 =	vpop (erf)  }
0x38d: {  	v0 =	vadd.f32 v1, v0;
	v29 =	vld [tilespmem:s25+$0x90];
	(erf) = vrcp.f32 v17;
	v1 =	vmul.f32 v22, v60;
	v17 =	vpop (erf)  }
0x38e: {  	v23 =	vadd.f32 v28, v23;
	v22 =	vld [tilespmem:s25+$0x80];
	(erf) = vrcp.f32 v26;
	v17 =	vmul.f32 v17, v61;
	v26 =	vpop (erf)  }
0x38f: {  	v28 =	vld [tilespmem:s25+$0xFFFFFF80];
	v2 =	vadd.f32 v18, v2;
	(erf) = vrcp.f32 v21;
	v18 =	vmul.f32 v26, v30;
	v21 =	vpop (erf)  }
0x390: {  	v20 =	vld [tilespmem:s30+$0x50];
	v0 =	vadd.f32 v1, v0;
	v1 =	vmul.f32 v21, v31;
	v21 =	vpop (erf)  }
0x391: {  	v25 =	vadd.f32 $1.000000000e+00, v25;
	v30 =	vld [tilespmem:s25+$0x0];
	v17 =	vadd.f32 v17, v23;
	v19 =	vmul.f32 v21, v19  }
0x392: {  	v2 =	vadd.f32 v18, v2;
	v21 =	vld [tilespmem:s25+$0xA0];
	v0 =	vadd.f32 v1, v0  }
0x393: {  	(erf) = vrcp.f32 v25;
	v23 =	vld [tilespmem:s25+$0xFFFFFF00];
	v25 =	vsub.f32 $0.0e+00, v22;
	v18 =	vpop (erf);
	v22 =	vadd.f32 v19, v17  }
0x394: {  	v19 =	vsub.f32 $0.0e+00, v28;
	v28 =	vsub.f32 $0.0e+00, v29;
	v29 =	vld [tilespmem:s25+$0xFFFFFF90];
	v18 =	vmul.f32 v18, v27;
	v1 =	vpop (erf)  }
0x395: {  	v27 =	vmul.f32 $1.442695020e+00, v25;
	v1 =	vmul.f32 v1, v20;
	v17 =	vpop (erf);
	v20 =	vld [tilespmem:s25+$0xB0]  }
0x396: {  	v26 =	vmul.f32 v17, v40;
	v17 =	vld [tilespmem:s25+$0xFFFFFF10];
	v25 =	vadd.f32 v18, v2;
	v18 =	vsub.f32 $0.0e+00, v30  }
0x397: {  	v28 =	vmul.f32 $1.442695020e+00, v28;
	v2 =	vmul.f32 $1.442695020e+00, v19;
	v19 =	vld [tilespmem:s25+$0xC0];
	v21 =	vsub.f32 $0.0e+00, v21  }
0x398: {  	(erf) = vpow2.f32 v27;
	v30 =	vld [tilespmem:s25+$0xD0];
	v18 =	vmul.f32 $1.442695020e+00, v18  }
0x399: {  	v23 =	vsub.f32 $0.0e+00, v23;
	(erf) = vpow2.f32 v2;
	v2 =	vmul.f32 $1.442695020e+00, v21;
	v21 =	vld [tilespmem:s25+$0xE0]  }
0x39a: {  	(erf) = vpow2.f32 v28;
	v20 =	vsub.f32 $0.0e+00, v20  }
0x39b: {  	v23 =	vmul.f32 $1.442695020e+00, v23;
	v28 =	vsub.f32 $0.0e+00, v29;
	(erf) = vpow2.f32 v18  }
0x39c: {  	v17 =	vsub.f32 $0.0e+00, v17;
	(erf) = vpow2.f32 v2;
	v2 =	vld [tilespmem:s30+$0xFFFFFFE0];
	v18 =	vmul.f32 $1.442695020e+00, v20  }
0x39d: {  	v31 =	vpop (erf);
	v19 =	vsub.f32 $0.0e+00, v19;
	v30 =	vsub.f32 $0.0e+00, v30;
	v43 =	vmul.f32 $1.442695020e+00, v28;
	v20 =	vld [tilespmem:s25+$0xF0]  }
0x39e: {  	v41 =	vld [tilespmem:s25+$0x10];
	v27 =	vpop (erf);
	(erf) = vpow2.f32 v23;
	v17 =	vmul.f32 $1.442695020e+00, v17;
	v21 =	vsub.f32 $0.0e+00, v21  }
0x39f: {  	v23 =	vpop (erf);
	v29 =	vmul.f32 $1.442695020e+00, v19;
	(erf) = vpow2.f32 v18  }
0x3a0: {  	v28 =	vadd.f32 v1, v0;
	v1 =	vmul.f32 $1.442695020e+00, v30;
	(erf) = vpow2.f32 v17;
	v18 =	vpop (erf)  }
0x3a1: {  	v42 =	vld [tilespmem:s25+$0xFFFFFF20];
	v17 =	vmul.f32 $1.442695020e+00, v21;
	(erf) = vpow2.f32 v29;
	v19 =	vpop (erf)  }
0x3a2: {  	v0 =	vld [tilespmem:s25+$0xFFFFFFA0];
	v29 =	vmul.f32 v31, v2;
	v20 =	vsub.f32 $0.0e+00, v20;
	(erf) = vpow2.f32 v43;
	v21 =	vpop (erf)  }
0x3a3: {  	v31 =	vsub.f32 $0.0e+00, v41;
	(erf) = vpow2.f32 v1;
	v21 =	vadd.f32 $1.000000000e+00, v21  }
0x3a4: {  	v30 =	vpop (erf);
	v20 =	vmul.f32 $1.442695020e+00, v20;
	(erf) = vpow2.f32 v17  }
0x3a5: {  	v44 =	vpop (erf);
	(erf) = vrcp.f32 v21;
	v21 =	vmul.f32 $1.442695020e+00, v31  }
0x3a6: {  	v33 =	vsub.f32 $0.0e+00, v42;
	v2 =	vld [tilespmem:s25+$0x20];
	v32 =	vadd.f32 $1.000000000e+00, v44;
	v34 =	vpop (erf)  }
0x3a7: {  	v0 =	vsub.f32 $0.0e+00, v0;
	v45 =	vpop (erf);
	(erf) = vpow2.f32 v20  }
0x3a8: {  	s18 =	simm.s32 $0x8300;
	v33 =	vmul.f32 $1.442695020e+00, v33;
	v1 =	vld [tilespmem:s25+$0xFFFFFF30];
	v35 =	vadd.f32 $1.000000000e+00, v45;
	v36 =	vpop (erf);
	(erf) = vrcp.f32 v32  }
0x3a9: {  	v50 =	vld [tilespmem:s18+$0x80];
	v0 =	vmul.f32 $1.442695020e+00, v0;
	(erf) = vpow2.f32 v21;
	v21 =	vpop (erf)  }
0x3aa: {  	v17 =	vld [tilespmem:s25+$0xFFFFFFB0];
	(erf) = vrcp.f32 v35;
	v21 =	vadd.f32 $1.000000000e+00, v21;
	v38 =	vpop (erf)  }
0x3ab: {  	v31 =	vld [tilespmem:s25+$0x30];
	v2 =	vsub.f32 $0.0e+00, v2;
	(erf) = vpow2.f32 v33;
	v49 =	vpop (erf)  }
0x3ac: {  	v20 =	vld [tilespmem:s25+$0xFFFFFF40];
	v40 =	vpop (erf);
	(erf) = vrcp.f32 v21  }
0x3ad: {  	v46 =	vld [tilespmem:s25+$0xFFFFFFC0];
	v1 =	vsub.f32 $0.0e+00, v1;
	v2 =	vmul.f32 $1.442695020e+00, v2;
	(erf) = vpow2.f32 v0;
	v0 =	vpop (erf)  }
0x3ae: {  	v47 =	vld [tilespmem:s25+$0x40];
	v33 =	vadd.f32 $1.000000000e+00, v49;
	v0 =	vadd.f32 $1.000000000e+00, v0  }
0x3af: {  	v48 =	vld [tilespmem:s25+$0xFFFFFF50];
	v17 =	vsub.f32 $0.0e+00, v17;
	v1 =	vmul.f32 $1.442695020e+00, v1  }
0x3b0: {  	v51 =	vld [tilespmem:s18+$0x90];
	v31 =	vsub.f32 $0.0e+00, v31;
	(erf) = vrcp.f32 v33;
	v52 =	vpop (erf)  }
0x3b1: {  	v54 =	vld [tilespmem:s18+$0xA0];
	v17 =	vmul.f32 $1.442695020e+00, v17;
	v20 =	vsub.f32 $0.0e+00, v20;
	(erf) = vpow2.f32 v2;
	v2 =	vpop (erf)  }
0x3b2: {  	v21 =	vld [tilespmem:s25+$0xFFFFFFD0];
	v31 =	vmul.f32 $1.442695020e+00, v31;
	v33 =	vadd.f32 $1.000000000e+00, v52;
	(erf) = vrcp.f32 v0;
	v0 =	vpop (erf)  }
0x3b3: {  	v57 =	vld [tilespmem:s25+$0xFFFFFFE0];
	v32 =	vsub.f32 $0.0e+00, v46;
	v2 =	vmul.f32 v2, v50;
	(erf) = vpow2.f32 v1;
	v1 =	vpop (erf)  }
0x3b4: {  	v55 =	vld [tilespmem:s18+$0xB0];
	v20 =	vmul.f32 $1.442695020e+00, v20;
	v0 =	vadd.f32 $1.000000000e+00, v0;
	(erf) = vrcp.f32 v33;
	v45 =	vpop (erf)  }
0x3b5: {  	v53 =	vld [tilespmem:s25+$0x50];
	v2 =	vadd.f32 $0.0e+00, v2;
	v1 =	vmul.f32 v1, v51;
	(erf) = vpow2.f32 v17;
	v17 =	vpop (erf)  }
0x3b6: {  	v56 =	vld [tilespmem:s18+$0xC0];
	v32 =	vmul.f32 $1.442695020e+00, v32;
	v46 =	vpop (erf);
	(erf) = vrcp.f32 v0  }
0x3b7: {  	v59 =	vld [tilespmem:s25+$0xFFFFFF70];
	v1 =	vadd.f32 v1, v2;
	v2 =	vmul.f32 v17, v54;
	v17 =	vsub.f32 $0.0e+00, v21;
	v21 =	vpop (erf)  }
0x3b8: {  	v63 =	vsub.f32 $0.0e+00, v57;
	v37 =	vsub.f32 $0.0e+00, v47;
	(erf) = vpow2.f32 v31;
	v31 =	vpop (erf)  }
0x3b9: {  	v58 =	vld [tilespmem:s18+$0xD0];
	v21 =	vmul.f32 v21, v55;
	v1 =	vadd.f32 v2, v1;
	(erf) = vpow2.f32 v20;
	v20 =	vpop (erf)  }
0x3ba: {  	v42 =	vsub.f32 $0.0e+00, v53;
	v61 =	vld [tilespmem:s18+$0xE0];
	v35 =	vsub.f32 $0.0e+00, v48;
	(erf) = vpow2.f32 v32;
	v32 =	vpop (erf)  }
0x3bb: {  	v57 =	vmul.f32 $1.442695020e+00, v63;
	v37 =	vmul.f32 $1.442695020e+00, v37;
	v1 =	vadd.f32 v21, v1;
	v21 =	vld [tilespmem:s18+$0xF0];
	v62 =	vpop (erf)  }
0x3bc: {  	v39 =	vsub.f32 $0.0e+00, v59;
	v44 =	vld [tilespmem:s25+$0xFFFFFF60];
	v2 =	vmul.f32 $1.442695020e+00, v35;
	v20 =	vmul.f32 v20, v56;
	v49 =	vpop (erf)  }
0x3bd: {  	v30 =	vadd.f32 $1.000000000e+00, v30;
	v17 =	vmul.f32 $1.442695020e+00, v17;
	(erf) = vpow2.f32 v37;
	v51 =	vpop (erf)  }
0x3be: {  	v0 =	vld [tilespmem:s25+$0x60];
	(erf) = vpow2.f32 v2;
	v1 =	vadd.f32 v20, v1;
	v20 =	vmul.f32 v62, v58;
	v53 =	vpop (erf)  }
0x3bf: {  	v48 =	vmul.f32 $1.442695020e+00, v42;
	v50 =	vadd.f32 $1.000000000e+00, v36;
	(erf) = vpow2.f32 v17;
	v56 =	vpop (erf)  }
0x3c0: {  	v52 =	vld [tilespmem:s25+$0x70];
	v1 =	vadd.f32 v20, v1;
	v20 =	vmul.f32 v51, v61;
	v17 =	vmul.f32 v56, v21  }
0x3c1: {  	v60 =	vsub.f32 $0.0e+00, v44;
	v2 =	vadd.f32 $1.000000000e+00, v34;
	(erf) = vpow2.f32 v48  }
0x3c2: {  	v47 =	vld [tilespmem:s25+$0xFFFFFFF0];
	v39 =	vmul.f32 $1.442695020e+00, v39;
	(erf) = vrcp.f32 v50;
	v1 =	vadd.f32 v20, v1  }
0x3c3: {  	v33 =	vld [tilespmem:s30+$0xFFFFFF70];
	v35 =	vmul.f32 $1.442695020e+00, v60;
	v0 =	vsub.f32 $0.0e+00, v0;
	(erf) = vrcp.f32 v30  }
0x3c4: {  	v63 =	vld [tilespmem:s18+$0xFFFFFF80];
	v59 =	vadd.f32 $1.000000000e+00, v40;
	(erf) = vrcp.f32 v2;
	v1 =	vadd.f32 v17, v1;
	v17 =	vpop (erf)  }
0x3c5: {  	v40 =	vld [tilespmem:s18+$0xFFFFFFF0];
	v43 =	vsub.f32 $0.0e+00, v52;
	v0 =	vmul.f32 $1.442695020e+00, v0;
	(erf) = vpow2.f32 v35;
	v2 =	vpop (erf)  }
0x3c6: {  	v29 =	vadd.f32 v29, v25;
	v37 =	vld [tilespmem:s30+$0x60];
	v30 =	vadd.f32 $1.000000000e+00, v38;
	(erf) = vpow2.f32 v57;
	v62 =	vpop (erf)  }
0x3c7: {  	v36 =	vld [tilespmem:s18+$0x40];
	v43 =	vmul.f32 $1.442695020e+00, v43;
	v60 =	vadd.f32 $1.000000000e+00, v45;
	(erf) = vpow2.f32 v0;
	v54 =	vpop (erf)  }
0x3c8: {  	v45 =	vadd.f32 $1.000000000e+00, v46;
	v23 =	vmul.f32 v23, v33;
	v61 =	vld [tilespmem:s18+$0xFFFFFF00];
	(erf) = vrcp.f32 v30;
	v55 =	vpop (erf)  }
0x3c9: {  	v33 =	vld [tilespmem:s18+$0xFFFFFF70];
	v31 =	vadd.f32 $1.000000000e+00, v31;
	v58 =	vsub.f32 $0.0e+00, v47;
	(erf) = vrcp.f32 v59;
	v56 =	vpop (erf)  }
0x3ca: {  	v32 =	vadd.f32 $1.000000000e+00, v32;
	v42 =	vadd.f32 $1.000000000e+00, v49;
	v0 =	vld [tilespmem:s18+$0x0];
	(erf) = vrcp.f32 v60;
	v49 =	vpop (erf)  }
0x3cb: {  	v34 =	vld [tilespmem:s18+$0xFFFFFF40];
	v41 =	vmul.f32 $1.442695020e+00, v58;
	v48 =	vadd.f32 $1.000000000e+00, v53;
	v27 =	vmul.f32 v27, v37;
	v50 =	vpop (erf)  }
0x3cc: {  	v58 =	vld [tilespmem:s18+$0x10];
	v17 =	vadd.f32 $1.000000000e+00, v17;
	v2 =	vadd.f32 $1.000000000e+00, v2;
	(erf) = vpow2.f32 v39;
	v59 =	vpop (erf)  }
0x3cd: {  	v30 =	vld [tilespmem:s18+$0xFFFFFF10];
	(erf) = vpow2.f32 v41;
	v35 =	vmul.f32 v50, v61;
	v61 =	vadd.f32 v26, v22;
	v22 =	vpop (erf)  }
0x3ce: {  	v57 =	vld [tilespmem:s18+$0xFFFFFF90];
	v44 =	vadd.f32 $1.000000000e+00, v62;
	v46 =	vadd.f32 $1.000000000e+00, v54;
	(erf) = vpow2.f32 v43;
	v25 =	vpop (erf)  }
0x3cf: {  	v51 =	vld [tilespmem:s18+$0xFFFFFF20];
	v47 =	vadd.f32 $1.000000000e+00, v55;
	(erf) = vrcp.f32 v45;
	v0 =	vmul.f32 v22, v0;
	v22 =	vpop (erf)  }
0x3d0: {  	v53 =	vld [tilespmem:s18+$0xFFFFFFB0];
	v52 =	vadd.f32 $1.000000000e+00, v56;
	v49 =	vadd.f32 $1.000000000e+00, v49;
	(erf) = vrcp.f32 v31;
	v31 =	vpop (erf)  }
0x3d1: {  	v37 =	vld [tilespmem:s18+$0xFFFFFF50];
	v26 =	vmul.f32 v59, v63;
	(erf) = vrcp.f32 v32;
	v55 =	vadd.f32 $1.000000000e+00, v22;
	v22 =	vpop (erf)  }
0x3d2: {  	v38 =	vld [tilespmem:s18+$0xFFFFFFD0];
	v63 =	vadd.f32 $0.0e+00, v35;
	(erf) = vrcp.f32 v42;
	v30 =	vmul.f32 v22, v30;
	v22 =	vpop (erf)  }
0x3d3: {  	v20 =	vld [tilespmem:s30+$0xFFFFFFF0];
	v56 =	vadd.f32 $1.000000000e+00, v31;
	(erf) = vrcp.f32 v48;
	v31 =	vmul.f32 v22, v57;
	v57 =	vpop (erf)  }
0x3d4: {  	v21 =	vld [tilespmem:s30+$0x70];
	(erf) = vrcp.f32 v17;
	v22 =	vadd.f32 v27, v28;
	v27 =	vmul.f32 v57, v58  }
0x3d5: {  	v60 =	vld [tilespmem:s18+$0xFFFFFFA0];
	v61 =	vadd.f32 v23, v61;
	v26 =	vadd.f32 $0.0e+00, v26;
	(erf) = vrcp.f32 v2;
	v2 =	vpop (erf)  }
0x3d6: {  	v62 =	vld [tilespmem:s18+$0x20];
	v0 =	vadd.f32 $0.0e+00, v0;
	v17 =	vadd.f32 v30, v63;
	(erf) = vrcp.f32 v44;
	v28 =	vpop (erf)  }
0x3d7: {  	v45 =	vld [tilespmem:s18+$0xFFFFFF30];
	v30 =	vadd.f32 v31, v26;
	v26 =	vadd.f32 $1.000000000e+00, v28;
	(erf) = vrcp.f32 v46;
	v28 =	vpop (erf)  }
0x3d8: {  	v54 =	vld [tilespmem:s18+$0x30];
	v25 =	vadd.f32 $1.000000000e+00, v25;
	v0 =	vadd.f32 v27, v0;
	(erf) = vrcp.f32 v47;
	v27 =	vpop (erf)  }
0x3d9: {  	v39 =	vld [tilespmem:s18+$0x50];
	v2 =	vadd.f32 $1.000000000e+00, v2;
	(erf) = vrcp.f32 v52;
	v27 =	vmul.f32 v27, v51;
	v58 =	vpop (erf)  }
0x3da: {  	v41 =	vld [tilespmem:s18+$0x70];
	v28 =	vadd.f32 $1.000000000e+00, v28;
	v59 =	vmul.f32 v58, v60;
	v60 =	vpop (erf);
	(erf) = vrcp.f32 v49  }
0x3db: {  	s20 =	simm.s32 $0x11630;
	v35 =	vld [tilespmem:s18+$0xFFFFFFC0];
	v17 =	vadd.f32 v27, v17;
	v27 =	vmul.f32 v60, v62;
	v62 =	vpop (erf);
	(erf) = vrcp.f32 v25  }
0x3dc: {  	[tilespmem:s20+$0x0] =	vst v24;
	s25 =	simm.s32 $0x11670;
	v23 =	vld [tilespmem:s18+$0x60];
	v63 =	vmul.f32 v62, v45;
	v24 =	vadd.f32 v59, v30;
	v25 =	vpop (erf);
	(erf) = vrcp.f32 v55  }
0x3dd: {  	s30 =	sand.u32 $0x7C0, s16;
	[tilespmem:s25+$0x0] =	vst v1;
	v32 =	vld [tilespmem:s18+$0xFFFFFFE0];
	v30 =	vmul.f32 v25, v53;
	v25 =	vadd.f32 v27, v0;
	v0 =	vpop (erf);
	(erf) = vrcp.f32 v56  }
0x3de: {  	s28 =	simm.s32 $0x4;
	s29 =	simm.s32 $0xC500;
	s24 =	simm.s32 $0x11670;
	[tilespmem:s30+$0x11600] =	vst v61;
	v31 =	vld [tilespmem:s18+$0xFFFFFF60];
	v27 =	vadd.f32 v63, v17;
	v42 =	vmul.f32 v0, v54;
	v43 =	vpop (erf);
	(erf) = vrcp.f32 v2  }
.LBB2_8:
0x3df: {  	v0 =	vld [tilespmem:s29+$0x80];
	s28 =	sadd.s32 $0x4, s28;
	v1 =	vmul.f32 v43, v34;
	v2 =	vadd.f32 v30, v24;
	v17 =	vpop (erf);
	(erf) = vrcp.f32 v26  }
0x3e0: {  	v26 =	vld [tilespmem:s29+$0xFFFFFF80];
	p0 =	slt.u32 s28, $0x7C;
	v34 =	vmul.f32 v17, v35;
	v35 =	vadd.f32 v42, v25;
	v24 =	vpop (erf);
	(erf) = vrcp.f32 v28  }
0x3e1: {  	v18 =	vmul.f32 v18, v20;
	v28 =	vld [tilespmem:s29+$0x90];
	v1 =	vadd.f32 v1, v27;
	v27 =	vmul.f32 v24, v36;
	v24 =	vpop (erf)  }
0x3e2: {  	v20 =	vld [tilespmem:s29+$0x0];
	v30 =	vmul.f32 v24, v37;
	v36 =	vadd.f32 v34, v2;
	v17 =	vpop (erf);
	v24 =	vmul.f32 v19, v21  }
0x3e3: {  	v18 =	vadd.f32 v18, v29;
	v19 =	vld [tilespmem:s29+$0xA0];
	v17 =	vmul.f32 v17, v38;
	v21 =	vadd.f32 v27, v35;
	v25 =	vpop (erf)  }
0x3e4: {  	v27 =	vld [tilespmem:s29+$0xFFFFFF00];
	v0 =	vsub.f32 $0.0e+00, v0;
	v29 =	vadd.f32 v30, v1;
	v1 =	vmul.f32 v25, v39;
	v25 =	vpop (erf)  }
0x3e5: {  	v34 =	vsub.f32 $0.0e+00, v26;
	v35 =	vld [tilespmem:s29+$0xB0];
	v31 =	vmul.f32 v25, v31;
	v30 =	vadd.f32 v17, v36;
	v2 =	vpop (erf);
	[tilespmem:s20+$0xFFFFFFE0] =	vst v18  }
0x3e6: {  	v17 =	vld [tilespmem:s29+$0xFFFFFF10];
	v0 =	vmul.f32 $1.442695020e+00, v0;
	v37 =	vsub.f32 $0.0e+00, v28;
	v26 =	vadd.f32 v1, v21;
	v28 =	vpop (erf)  }
0x3e7: {  	v32 =	vmul.f32 v2, v32;
	v1 =	vmul.f32 $1.442695020e+00, v34;
	v39 =	vsub.f32 $0.0e+00, v20;
	v34 =	vld [tilespmem:s29+$0xC0];
	v25 =	vpop (erf)  }
0x3e8: {  	v2 =	vld [tilespmem:s29+$0xFFFFFF90];
	v42 =	vmul.f32 $1.442695020e+00, v37;
	v36 =	vsub.f32 $0.0e+00, v19;
	(erf) = vpow2.f32 v0;
	v18 =	vpop (erf)  }
0x3e9: {  	v0 =	vsub.f32 $0.0e+00, v27;
	v37 =	vmul.f32 $1.442695020e+00, v39;
	v38 =	vld [tilespmem:s29+$0xD0];
	(erf) = vpow2.f32 v1;
	v19 =	vpop (erf)  }
0x3ea: {  	v20 =	vmovc v40;
	v27 =	vmovc v33;
	v1 =	vmul.f32 $1.442695020e+00, v36;
	v35 =	vsub.f32 $0.0e+00, v35;
	v36 =	vld [tilespmem:s29+$0xE0];
	(erf) = vpow2.f32 v42  }
0x3eb: {  	v21 =	vmovc v41;
	v0 =	vmul.f32 $1.442695020e+00, v0;
	v17 =	vsub.f32 $0.0e+00, v17;
	v33 =	vld [tilespmem:s29+$0x10];
	(erf) = vpow2.f32 v37  }
0x3ec: {  	v35 =	vmul.f32 $1.442695020e+00, v35;
	v34 =	vsub.f32 $0.0e+00, v34;
	v37 =	vld [tilespmem:s29+$0xF0];
	(erf) = vpow2.f32 v1  }
0x3ed: {  	v1 =	vmul.f32 $1.442695020e+00, v17;
	v17 =	vld [tilespmem:s29+$0xFFFFFF20];
	v2 =	vsub.f32 $0.0e+00, v2;
	(erf) = vpow2.f32 v0  }
0x3ee: {  	v0 =	vld [tilespmem:s29+$0xFFFFFFA0];
	v34 =	vmul.f32 $1.442695020e+00, v34;
	v38 =	vsub.f32 $0.0e+00, v38;
	(erf) = vpow2.f32 v35  }
0x3ef: {  	v40 =	vmul.f32 $1.442695020e+00, v2;
	v39 =	vld [tilespmem:s29+$0x20];
	v35 =	vsub.f32 $0.0e+00, v36;
	(erf) = vpow2.f32 v1  }
0x3f0: {  	v1 =	vld [tilespmem:s29+$0xFFFFFF30];
	v42 =	vsub.f32 $0.0e+00, v33;
	v36 =	vmul.f32 $1.442695020e+00, v38;
	(erf) = vpow2.f32 v34  }
0x3f1: {  	v34 =	vld [tilespmem:s29+$0xFFFFFFB0];
	v43 =	vmul.f32 $1.442695020e+00, v35;
	v37 =	vsub.f32 $0.0e+00, v37;
	(erf) = vpow2.f32 v40;
	v2 =	vpop (erf)  }
0x3f2: {  	v38 =	vmul.f32 $1.442695020e+00, v42;
	v40 =	vld [tilespmem:s29+$0x30];
	v2 =	vadd.f32 $1.000000000e+00, v2;
	v33 =	vpop (erf);
	(erf) = vpow2.f32 v36  }
0x3f3: {  	v17 =	vsub.f32 $0.0e+00, v17;
	v36 =	vld [tilespmem:s29+$0xFFFFFF40];
	v37 =	vmul.f32 $1.442695020e+00, v37;
	v41 =	vpop (erf);
	(erf) = vpow2.f32 v43  }
0x3f4: {  	v0 =	vsub.f32 $0.0e+00, v0;
	v42 =	vld [tilespmem:s29+$0xFFFFFFC0];
	v41 =	vadd.f32 $1.000000000e+00, v41;
	v35 =	vpop (erf);
	(erf) = vrcp.f32 v2  }
0x3f5: {  	v2 =	vmul.f32 $1.442695020e+00, v17;
	v17 =	vsub.f32 $0.0e+00, v39;
	v39 =	vld [tilespmem:s29+$0x40];
	v43 =	vpop (erf);
	(erf) = vpow2.f32 v37  }
0x3f6: {  	v0 =	vmul.f32 $1.442695020e+00, v0;
	v37 =	vld [tilespmem:s29+$0xFFFFFF50];
	v43 =	vadd.f32 $1.000000000e+00, v43;
	v44 =	vpop (erf);
	(erf) = vrcp.f32 v41  }
0x3f7: {  	v1 =	vsub.f32 $0.0e+00, v1;
	v17 =	vmul.f32 $1.442695020e+00, v17;
	v41 =	vld [tilespmem:s29+$0xFFFFFFD0];
	(erf) = vpow2.f32 v38;
	v38 =	vpop (erf)  }
0x3f8: {  	s18 =	sadd.s32 $0x200, s18;
	v45 =	vsub.f32 $0.0e+00, v34;
	v46 =	vld [tilespmem:s29+$0x50];
	v38 =	vadd.f32 $1.000000000e+00, v38;
	v34 =	vpop (erf);
	(erf) = vrcp.f32 v43  }
0x3f9: {  	v1 =	vmul.f32 $1.442695020e+00, v1;
	v40 =	vsub.f32 $0.0e+00, v40;
	v43 =	vld [tilespmem:s18+$0x80];
	(erf) = vpow2.f32 v2;
	v2 =	vpop (erf)  }
0x3fa: {  	v45 =	vmul.f32 $1.442695020e+00, v45;
	v47 =	vld [tilespmem:s29+$0xFFFFFF60];
	v50 =	vadd.f32 $1.000000000e+00, v2;
	v48 =	vpop (erf);
	(erf) = vrcp.f32 v38  }
0x3fb: {  	v36 =	vsub.f32 $0.0e+00, v36;
	v38 =	vmul.f32 $1.442695020e+00, v40;
	v40 =	vld [tilespmem:s18+$0x90];
	(erf) = vpow2.f32 v0;
	v0 =	vpop (erf)  }
0x3fc: {  	v42 =	vsub.f32 $0.0e+00, v42;
	v49 =	vld [tilespmem:s29+$0xFFFFFFE0];
	v52 =	vadd.f32 $1.000000000e+00, v0;
	(erf) = vrcp.f32 v50;
	v2 =	vpop (erf)  }
0x3fd: {  	v36 =	vmul.f32 $1.442695020e+00, v36;
	v39 =	vsub.f32 $0.0e+00, v39;
	v50 =	vld [tilespmem:s18+$0xA0];
	(erf) = vpow2.f32 v17;
	v17 =	vpop (erf)  }
0x3fe: {  	v2 =	vadd.f32 $1.000000000e+00, v2;
	v51 =	vld [tilespmem:s29+$0x60];
	v17 =	vmul.f32 v17, v43;
	(erf) = vrcp.f32 v52;
	v0 =	vpop (erf)  }
0x3ff: {  	v42 =	vmul.f32 $1.442695020e+00, v42;
	v43 =	vld [tilespmem:s18+$0xB0];
	v0 =	vadd.f32 $1.000000000e+00, v0;
	(erf) = vpow2.f32 v1;
	v1 =	vpop (erf)  }
0x400: {  	v52 =	vld [tilespmem:s29+$0xFFFFFF70];
	v17 =	vadd.f32 $0.0e+00, v17;
	v1 =	vmul.f32 v1, v40;
	v40 =	vpop (erf);
	(erf) = vrcp.f32 v2  }
0x401: {  	v2 =	vsub.f32 $0.0e+00, v37;
	v37 =	vmul.f32 $1.442695020e+00, v39;
	v39 =	vld [tilespmem:s18+$0xC0];
	(erf) = vpow2.f32 v45;
	v45 =	vpop (erf)  }
0x402: {  	v53 =	vld [tilespmem:s29+$0xFFFFFFF0];
	v1 =	vadd.f32 v1, v17;
	v17 =	vmul.f32 v45, v50;
	v50 =	vpop (erf);
	(erf) = vrcp.f32 v0  }
0x403: {  	v0 =	vsub.f32 $0.0e+00, v41;
	v41 =	vsub.f32 $0.0e+00, v46;
	v45 =	vld [tilespmem:s18+$0xD0];
	(erf) = vpow2.f32 v38;
	v38 =	vpop (erf)  }
0x404: {  	v46 =	vld [tilespmem:s29+$0x70];
	v1 =	vadd.f32 v17, v1;
	v17 =	vmul.f32 v38, v43;
	(erf) = vpow2.f32 v36;
	v36 =	vpop (erf)  }
0x405: {  	v2 =	vmul.f32 $1.442695020e+00, v2;
	v38 =	vsub.f32 $0.0e+00, v47;
	v43 =	vld [tilespmem:s18+$0xE0];
	(erf) = vpow2.f32 v42;
	v42 =	vpop (erf)  }
0x406: {  	v54 =	vld [tilespmem:s18+$0xFFFFFF00];
	v1 =	vadd.f32 v17, v1;
	v17 =	vmul.f32 v42, v39;
	v39 =	vpop (erf);
	(erf) = vpow2.f32 v37  }
0x407: {  	v0 =	vmul.f32 $1.442695020e+00, v0;
	v41 =	vmul.f32 $1.442695020e+00, v41;
	v37 =	vsub.f32 $0.0e+00, v49;
	v42 =	vld [tilespmem:s18+$0xF0];
	v47 =	vpop (erf)  }
0x408: {  	v51 =	vsub.f32 $0.0e+00, v51;
	v49 =	vld [tilespmem:s18+$0xFFFFFF80];
	v1 =	vadd.f32 v17, v1;
	v45 =	vmul.f32 v47, v45;
	v55 =	vpop (erf)  }
0x409: {  	v33 =	vadd.f32 $1.000000000e+00, v33;
	v44 =	vadd.f32 $1.000000000e+00, v44;
	v56 =	vld [tilespmem:s18+$0x0];
	(erf) = vpow2.f32 v2;
	v2 =	vpop (erf)  }
0x40a: {  	v35 =	vadd.f32 $1.000000000e+00, v35;
	v57 =	vld [tilespmem:s18+$0xFFFFFF10];
	v1 =	vadd.f32 v45, v1;
	v43 =	vmul.f32 v2, v43;
	v17 =	vpop (erf)  }
0x40b: {  	v38 =	vmul.f32 $1.442695020e+00, v38;
	v47 =	vsub.f32 $0.0e+00, v52;
	v52 =	vld [tilespmem:s18+$0xFFFFFF90];
	(erf) = vpow2.f32 v0;
	v0 =	vpop (erf)  }
0x40c: {  	v58 =	vld [tilespmem:s18+$0x10];
	v45 =	vadd.f32 v43, v1;
	v0 =	vmul.f32 v0, v42;
	v2 =	vpop (erf);
	(erf) = vpow2.f32 v41  }
0x40d: {  	v51 =	vmul.f32 $1.442695020e+00, v51;
	v37 =	vmul.f32 $1.442695020e+00, v37;
	v41 =	vsub.f32 $0.0e+00, v53;
	v42 =	vld [tilespmem:s18+$0xFFFFFF20];
	v53 =	vpop (erf)  }
0x40e: {  	v59 =	vsub.f32 $0.0e+00, v46;
	v43 =	vld [tilespmem:s18+$0xFFFFFFA0];
	v0 =	vadd.f32 v0, v45;
	(erf) = vrcp.f32 v44;
	v1 =	vpop (erf)  }
0x40f: {  	s25 =	sadd.s32 $0x40, s25;
	v60 =	vadd.f32 $1.000000000e+00, v34;
	v48 =	vadd.f32 $1.000000000e+00, v48;
	v45 =	vld [tilespmem:s18+$0x20];
	(erf) = vrcp.f32 v33;
	v33 =	vpop (erf)  }
0x410: {  	v40 =	vadd.f32 $1.000000000e+00, v40;
	v61 =	vmul.f32 $1.442695020e+00, v47;
	v44 =	vld [tilespmem:s18+$0xFFFFFF30];
	[tilespmem:s25+$0x0] =	vst v0;
	(erf) = vrcp.f32 v35  }
0x411: {  	v41 =	vmul.f32 $1.442695020e+00, v41;
	v0 =	vadd.f32 $1.000000000e+00, v50;
	v47 =	vld [tilespmem:s18+$0xFFFFFFB0];
	(erf) = vpow2.f32 v38  }
0x412: {  	v59 =	vmul.f32 $1.442695020e+00, v59;
	v50 =	vadd.f32 $1.000000000e+00, v36;
	v46 =	vld [tilespmem:s18+$0x30];
	v38 =	vpop (erf);
	(erf) = vpow2.f32 v37  }
0x413: {  	v62 =	vadd.f32 $1.000000000e+00, v39;
	v55 =	vadd.f32 $1.000000000e+00, v55;
	v34 =	vld [tilespmem:s18+$0xFFFFFF40];
	(erf) = vpow2.f32 v51  }
0x414: {  	v17 =	vadd.f32 $1.000000000e+00, v17;
	v2 =	vadd.f32 $1.000000000e+00, v2;
	v35 =	vld [tilespmem:s18+$0xFFFFFFC0];
	(erf) = vrcp.f32 v60;
	v39 =	vpop (erf)  }
0x415: {  	v1 =	vadd.f32 $1.000000000e+00, v1;
	v51 =	vadd.f32 $1.000000000e+00, v53;
	v36 =	vld [tilespmem:s18+$0x40];
	(erf) = vrcp.f32 v48;
	v48 =	vpop (erf)  }
0x416: {  	v53 =	vadd.f32 $1.000000000e+00, v38;
	v60 =	vadd.f32 $1.000000000e+00, v33;
	v37 =	vld [tilespmem:s18+$0xFFFFFF50];
	(erf) = vrcp.f32 v40  }
0x417: {  	v63 =	vadd.f32 $1.000000000e+00, v39;
	v48 =	vadd.f32 $1.000000000e+00, v48;
	v38 =	vld [tilespmem:s18+$0xFFFFFFD0];
	v33 =	vpop (erf);
	(erf) = vpow2.f32 v61  }
0x418: {  	v33 =	vmul.f32 v33, v54;
	v39 =	vld [tilespmem:s18+$0x50];
	v40 =	vpop (erf);
	(erf) = vpow2.f32 v41;
	v54 =	vadd.f32 v31, v29  }
0x419: {  	v41 =	vpop (erf)  }
0x41a: {  	v41 =	vmul.f32 v41, v56  }
0x41b: {  	v29 =	vadd.f32 v32, v30;
	v31 =	vld [tilespmem:s18+$0xFFFFFF60];
	v61 =	vmul.f32 v40, v49;
	(erf) = vpow2.f32 v59  }
0x41c: {  	v30 =	vadd.f32 $0.0e+00, v33;
	v32 =	vld [tilespmem:s18+$0xFFFFFFE0];
	(erf) = vrcp.f32 v0;
	v0 =	vpop (erf)  }
0x41d: {  	v0 =	vadd.f32 $1.000000000e+00, v0;
	v49 =	vadd.f32 $0.0e+00, v61;
	v56 =	vld [tilespmem:s18+$0x60];
	(erf) = vrcp.f32 v50;
	v40 =	vpop (erf)  }
0x41e: {  	v33 =	vld [tilespmem:s18+$0xFFFFFF70];
	v50 =	vadd.f32 $1.000000000e+00, v40;
	v59 =	vadd.f32 $0.0e+00, v41;
	(erf) = vrcp.f32 v62;
	v41 =	vpop (erf)  }
0x41f: {  	v23 =	vmul.f32 v28, v23;
	v40 =	vld [tilespmem:s18+$0xFFFFFFF0];
	v61 =	vadd.f32 $1.000000000e+00, v41;
	v41 =	vpop (erf);
	(erf) = vrcp.f32 v55  }
0x420: {  	v28 =	vmul.f32 v41, v57;
	v41 =	vld [tilespmem:s18+$0x70];
	v55 =	vpop (erf);
	(erf) = vrcp.f32 v17;
	v17 =	vadd.f32 v24, v22  }
0x421: {  	v22 =	vadd.f32 v23, v26;
	v24 =	vmul.f32 v55, v52;
	v52 =	vpop (erf);
	(erf) = vrcp.f32 v2  }
0x422: {  	v2 =	vadd.f32 v28, v30;
	v28 =	vmul.f32 v52, v58;
	(erf) = vrcp.f32 v51;
	v26 =	vpop (erf);
	[tilespmem:s20+$0xFFFFFFF0] =	vst v17;
	s20 =	smov.u32 s24;
	s24 =	smov.u32 s25  }
0x423: {  	v17 =	vadd.f32 $1.000000000e+00, v26;
	v24 =	vadd.f32 v24, v49;
	(erf) = vrcp.f32 v1;
	v1 =	vpop (erf)  }
0x424: {  	v26 =	vadd.f32 $1.000000000e+00, v1;
	v1 =	vadd.f32 v28, v59;
	(erf) = vrcp.f32 v60;
	v23 =	vpop (erf)  }
0x425: {  	v25 =	vmul.f32 v25, v27;
	v28 =	vadd.f32 $1.000000000e+00, v23;
	v23 =	vpop (erf);
	(erf) = vrcp.f32 v53  }
0x426: {  	v27 =	vmul.f32 v23, v42;
	v30 =	vpop (erf);
	(erf) = vrcp.f32 v63;
	v23 =	vmov v56  }
.Ltmp3:
0x427: {  	s16 =	sadd.s32 $0x40, s16;
	v25 =	vadd.f32 v25, v54;
	v43 =	vmul.f32 v30, v43;
	v42 =	vpop (erf);
	(erf) = vrcp.f32 v48;
	(pc) =	sbr.rel @p0 .LBB2_8-.Ltmp3, $4  }
0x428: {  	s30 =	sand.u32 $0x7C0, s16;
	v2 =	vadd.f32 v27, v2;
	v27 =	vmul.f32 v42, v45;
	v42 =	vpop (erf);
	(erf) = vrcp.f32 v0  }
0x429: {  	v0 =	vmul.f32 v42, v44;
	v24 =	vadd.f32 v43, v24;
	v30 =	vpop (erf);
	(erf) = vrcp.f32 v50;
	[tilespmem:s30+$0x11600] =	vst v25  }
0x42a: {  	v30 =	vmul.f32 v30, v47;
	v25 =	vadd.f32 v27, v1;
	v1 =	vpop (erf);
	(erf) = vrcp.f32 v61  }
0x42b: {  	s29 =	sadd.s32 $0x200, s29;
	v27 =	vadd.f32 v0, v2;
	v42 =	vmul.f32 v1, v46;
	v43 =	vpop (erf);
	(erf) = vrcp.f32 v17  }
0x42c: {  	v0 =	vpop (erf);
	(erf) = vrcp.f32 v26  }
0x42d: {  	v1 =	vpop (erf);
	(erf) = vrcp.f32 v28  }
0x42e: {  	v24 =	vadd.f32 v30, v24;
	v0 =	vmul.f32 v0, v35;
	v25 =	vadd.f32 v42, v25;
	v17 =	vpop (erf)  }
0x42f: {  	v2 =	vmul.f32 v43, v34;
	v18 =	vmul.f32 v18, v20;
	v26 =	vpop (erf)  }
0x430: {  	v1 =	vmul.f32 v1, v36;
	v0 =	vadd.f32 v0, v24;
	v20 =	vpop (erf);
	v24 =	vmul.f32 v26, v38  }
0x431: {  	v19 =	vmul.f32 v19, v21;
	v2 =	vadd.f32 v2, v27;
	v17 =	vmul.f32 v17, v37;
	v21 =	vpop (erf)  }
0x432: {  	v1 =	vadd.f32 v1, v25;
	v20 =	vmul.f32 v20, v39;
	v25 =	vpop (erf)  }
0x433: {  	v18 =	vadd.f32 v18, v29;
	v2 =	vadd.f32 v17, v2;
	v17 =	vmul.f32 v21, v31;
	v21 =	vpop (erf)  }
0x434: {  	v0 =	vadd.f32 v24, v0;
	v1 =	vadd.f32 v20, v1;
	v20 =	vmul.f32 v25, v32;
	v24 =	vpop (erf)  }
0x435: {  	v2 =	vadd.f32 v17, v2;
	v17 =	vmul.f32 v21, v23;
	v25 =	vpop (erf);
	v21 =	vmul.f32 v24, v33  }
0x436: {  	v19 =	vadd.f32 v19, v22;
	v0 =	vadd.f32 v20, v0;
	v23 =	vpop (erf);
	v20 =	vmul.f32 v25, v40  }
0x437: {  	s16 =	sadd.s32 $0x40, s16;
	[tilespmem:s20+$0xFFFFFFE0] =	vst v18;
	v1 =	vadd.f32 v17, v1;
	v2 =	vadd.f32 v21, v2;
	v17 =	vmul.f32 v23, v41  }
0x438: {  	s16 =	sand.u32 $0x7C0, s16;
	[tilespmem:s20+$0xFFFFFFF0] =	vst v19;
	v0 =	vadd.f32 v20, v0  }
0x439: {  	[tilespmem:s16+$0x11600] =	vst v2;
	v1 =	vadd.f32 v17, v1  }
0x43a: {  	[tilespmem:s24+$0xFFFFFFE0] =	vst v0  }
0x43b: {  	[tilespmem:s24+$0xFFFFFFF0] =	vst v1  }
0x43c: {  	_ =	swait.ge [sflag:s22], $0x4000  }
0x43d: {  	[sflag:s22] =	ssyncset.done $0x0  }
0x43e: {  	[sflag:s22] =	ssyncadd.s32 $0xFFFFC000  }
0x43f: {  	_ =	swait.ge [sflag:s22], $0x4000  }
0x440: {  	[sflag:s22] =	ssyncset.done $0x0  }
0x441: {  	s24 =	simm.s32 $0x4100;
	[sflag:s22] =	ssyncadd.s32 $0xFFFFC000  }
0x442: {  	v0 =	vld [tilespmem:s24+$0x80]  }
0x443: {  	v1 =	vld [tilespmem:s24+$0xFFFFFF80]  }
0x444: {  	v2 =	vld [tilespmem:s24+$0x90]  }
0x445: {  	v17 =	vld [tilespmem:s24+$0x0]  }
0x446: {  	v18 =	vld [tilespmem:s24+$0xA0]  }
0x447: {  	v19 =	vld [tilespmem:s24+$0xFFFFFF00]  }
0x448: {  	v20 =	vld [tilespmem:s24+$0xB0];
	v0 =	vsub.f32 $0.0e+00, v0  }
0x449: {  	v21 =	vld [tilespmem:s24+$0xFFFFFF10];
	v1 =	vsub.f32 $0.0e+00, v1;
	v2 =	vsub.f32 $0.0e+00, v2  }
0x44a: {  	v22 =	vld [tilespmem:s24+$0xC0];
	v17 =	vsub.f32 $0.0e+00, v17;
	v0 =	vmul.f32 $1.442695020e+00, v0  }
0x44b: {  	v23 =	vld [tilespmem:s24+$0xFFFFFF90];
	v18 =	vsub.f32 $0.0e+00, v18;
	v1 =	vmul.f32 $1.442695020e+00, v1;
	v2 =	vmul.f32 $1.442695020e+00, v2  }
0x44c: {  	v17 =	vmul.f32 $1.442695020e+00, v17;
	(erf) = vpow2.f32 v0;
	v0 =	vsub.f32 $0.0e+00, v19  }
0x44d: {  	v19 =	vld [tilespmem:s24+$0xD0];
	(erf) = vpow2.f32 v1;
	v1 =	vmul.f32 $1.442695020e+00, v18;
	v18 =	vsub.f32 $0.0e+00, v20  }
0x44e: {  	v20 =	vld [tilespmem:s24+$0xE0];
	(erf) = vpow2.f32 v2;
	v0 =	vmul.f32 $1.442695020e+00, v0  }
0x44f: {  	v2 =	vsub.f32 $0.0e+00, v21;
	v21 =	vld [tilespmem:s24+$0xF0];
	(erf) = vpow2.f32 v17;
	v17 =	vmul.f32 $1.442695020e+00, v18  }
0x450: {  	v18 =	vsub.f32 $0.0e+00, v22;
	v22 =	vsub.f32 $0.0e+00, v23;
	(erf) = vpow2.f32 v1  }
0x451: {  	v1 =	vld [tilespmem:s24+$0x10];
	v2 =	vmul.f32 $1.442695020e+00, v2;
	(erf) = vpow2.f32 v0  }
0x452: {  	(erf) = vpow2.f32 v17;
	v17 =	vmul.f32 $1.442695020e+00, v22  }
0x453: {  	v0 =	vld [tilespmem:s24+$0xFFFFFF20];
	v18 =	vmul.f32 $1.442695020e+00, v18;
	v19 =	vsub.f32 $0.0e+00, v19  }
0x454: {  	v20 =	vsub.f32 $0.0e+00, v20;
	(erf) = vpow2.f32 v2;
	v21 =	vsub.f32 $0.0e+00, v21  }
0x455: {  	v19 =	vmul.f32 $1.442695020e+00, v19;
	(erf) = vpow2.f32 v18  }
0x456: {  	v20 =	vmul.f32 $1.442695020e+00, v20;
	(erf) = vpow2.f32 v17;
	v1 =	vsub.f32 $0.0e+00, v1;
	v17 =	vpop (erf)  }
0x457: {  	v2 =	vld [tilespmem:s24+$0xFFFFFFA0];
	(erf) = vpow2.f32 v19;
	v19 =	vmul.f32 $1.442695020e+00, v21;
	v17 =	vadd.f32 $1.000000000e+00, v17;
	v23 =	vpop (erf)  }
0x458: {  	v0 =	vsub.f32 $0.0e+00, v0;
	(erf) = vpow2.f32 v20;
	v1 =	vmul.f32 $1.442695020e+00, v1;
	v21 =	vpop (erf)  }
0x459: {  	v21 =	vadd.f32 $1.000000000e+00, v21;
	v24 =	vpop (erf);
	(erf) = vrcp.f32 v17  }
0x45a: {  	v0 =	vmul.f32 $1.442695020e+00, v0;
	v25 =	vpop (erf);
	(erf) = vpow2.f32 v19  }
0x45b: {  	v20 =	vld [tilespmem:s24+$0xFFFFFFB0];
	v25 =	vadd.f32 $1.000000000e+00, v25;
	v26 =	vpop (erf);
	(erf) = vrcp.f32 v21  }
0x45c: {  	v18 =	vld [tilespmem:s24+$0x20];
	v2 =	vsub.f32 $0.0e+00, v2;
	(erf) = vpow2.f32 v1;
	v1 =	vpop (erf)  }
0x45d: {  	v22 =	vld [tilespmem:s24+$0xFFFFFF30];
	v28 =	vpop (erf);
	(erf) = vrcp.f32 v25  }
0x45e: {  	v2 =	vmul.f32 $1.442695020e+00, v2;
	(erf) = vpow2.f32 v0;
	v0 =	vpop (erf)  }
0x45f: {  	s18 =	simm.s32 $0x100;
	v17 =	vld [tilespmem:s24+$0x30];
	v1 =	vadd.f32 $1.000000000e+00, v1;
	v0 =	vadd.f32 $1.000000000e+00, v0  }
0x460: {  	v20 =	vsub.f32 $0.0e+00, v20;
	v25 =	vld [tilespmem:s18+$0x80]  }
0x461: {  	v18 =	vsub.f32 $0.0e+00, v18;
	v21 =	vld [tilespmem:s24+$0xFFFFFFC0];
	v30 =	vpop (erf);
	(erf) = vrcp.f32 v1  }
0x462: {  	v22 =	vsub.f32 $0.0e+00, v22;
	v1 =	vmul.f32 $1.442695020e+00, v20;
	v20 =	vld [tilespmem:s18+$0x90];
	(erf) = vpow2.f32 v2;
	v2 =	vpop (erf)  }
0x463: {  	v18 =	vmul.f32 $1.442695020e+00, v18;
	(erf) = vrcp.f32 v0;
	v0 =	vpop (erf)  }
0x464: {  	v27 =	vld [tilespmem:s24+$0x40];
	v22 =	vmul.f32 $1.442695020e+00, v22;
	v49 =	vpop (erf)  }
0x465: {  	v29 =	vld [tilespmem:s24+$0xFFFFFF50];
	(erf) = vpow2.f32 v18;
	v18 =	vmul.f32 v49, v25;
	v25 =	vpop (erf)  }
0x466: {  	v48 =	vld [tilespmem:s18+$0xA0];
	v21 =	vsub.f32 $0.0e+00, v21;
	v2 =	vadd.f32 $1.000000000e+00, v2;
	v51 =	vpop (erf)  }
0x467: {  	v19 =	vld [tilespmem:s24+$0xFFFFFF40];
	v17 =	vsub.f32 $0.0e+00, v17;
	v20 =	vmul.f32 v51, v20  }
0x468: {  	v0 =	vadd.f32 $1.000000000e+00, v0;
	(erf) = vrcp.f32 v2;
	v2 =	vmul.f32 $1.442695020e+00, v21;
	v21 =	vld [tilespmem:s18+$0xB0]  }
0x469: {  	v31 =	vld [tilespmem:s24+$0xFFFFFFD0];
	v27 =	vsub.f32 $0.0e+00, v27;
	(erf) = vpow2.f32 v22;
	v18 =	vadd.f32 $0.0e+00, v18;
	v22 =	vpop (erf)  }
0x46a: {  	v50 =	vld [tilespmem:s24+$0x50];
	v17 =	vmul.f32 $1.442695020e+00, v17;
	v25 =	vadd.f32 $1.000000000e+00, v25;
	(erf) = vrcp.f32 v0;
	v53 =	vpop (erf)  }
0x46b: {  	v55 =	vld [tilespmem:s24+$0x60];
	(erf) = vpow2.f32 v1;
	v1 =	vadd.f32 v20, v18;
	v18 =	vmul.f32 v53, v48;
	v20 =	vpop (erf)  }
0x46c: {  	v19 =	vsub.f32 $0.0e+00, v19;
	v0 =	vsub.f32 $0.0e+00, v29;
	v29 =	vld [tilespmem:s18+$0xC0];
	(erf) = vrcp.f32 v25;
	v56 =	vpop (erf)  }
0x46d: {  	v52 =	vld [tilespmem:s24+$0xFFFFFF60];
	v1 =	vadd.f32 v18, v1;
	(erf) = vpow2.f32 v17;
	v17 =	vmul.f32 v56, v21  }
0x46e: {  	v19 =	vmul.f32 $1.442695020e+00, v19;
	v25 =	vsub.f32 $0.0e+00, v31;
	v21 =	vld [tilespmem:s18+$0xD0]  }
0x46f: {  	v54 =	vld [tilespmem:s24+$0xFFFFFFE0];
	v27 =	vmul.f32 $1.442695020e+00, v27;
	v0 =	vmul.f32 $1.442695020e+00, v0;
	v18 =	vpop (erf);
	v1 =	vadd.f32 v17, v1  }
0x470: {  	v58 =	vld [tilespmem:s18+$0xE0];
	v31 =	vsub.f32 $0.0e+00, v50;
	(erf) = vpow2.f32 v19;
	v25 =	vmul.f32 $1.442695020e+00, v25;
	v57 =	vpop (erf)  }
0x471: {  	v32 =	vsub.f32 $0.0e+00, v55;
	(erf) = vpow2.f32 v2;
	v2 =	vmul.f32 v57, v29;
	v17 =	vpop (erf)  }
0x472: {  	v23 =	vadd.f32 $1.000000000e+00, v23;
	v31 =	vmul.f32 $1.442695020e+00, v31;
	(erf) = vpow2.f32 v27;
	v59 =	vpop (erf)  }
0x473: {  	v29 =	vld [tilespmem:s24+$0xFFFFFF70];
	(erf) = vpow2.f32 v0;
	v0 =	vadd.f32 v2, v1;
	v1 =	vpop (erf);
	v21 =	vmul.f32 v59, v21  }
0x474: {  	v19 =	vsub.f32 $0.0e+00, v52;
	v2 =	vadd.f32 $1.000000000e+00, v26;
	(erf) = vpow2.f32 v25;
	v25 =	vld [tilespmem:s18+$0xF0];
	v26 =	vpop (erf)  }
0x475: {  	v27 =	vsub.f32 $0.0e+00, v54;
	(erf) = vpow2.f32 v31;
	v31 =	vld [tilespmem:s24+$0xFFFFFFF0];
	v26 =	vmul.f32 v26, v58  }
0x476: {  	v24 =	vadd.f32 $1.000000000e+00, v24;
	v19 =	vmul.f32 $1.442695020e+00, v19;
	v60 =	vpop (erf);
	(erf) = vrcp.f32 v2  }
0x477: {  	v27 =	vmul.f32 $1.442695020e+00, v27;
	v2 =	vld [tilespmem:s24+$0x70];
	v0 =	vadd.f32 v21, v0;
	v21 =	vpop (erf);
	(erf) = vrcp.f32 v23  }
0x478: {  	v23 =	vsub.f32 $0.0e+00, v29;
	v29 =	vpop (erf);
	(erf) = vrcp.f32 v24;
	v24 =	vmul.f32 $1.442695020e+00, v32  }
0x479: {  	v0 =	vadd.f32 v26, v0;
	v26 =	vpop (erf);
	(erf) = vpow2.f32 v19;
	v19 =	vmul.f32 v21, v25  }
0x47a: {  	v25 =	vadd.f32 $1.000000000e+00, v28;
	v21 =	vpop (erf);
	(erf) = vpow2.f32 v27;
	v27 =	vsub.f32 $0.0e+00, v31  }
0x47b: {  	v28 =	vadd.f32 $1.000000000e+00, v30;
	v30 =	vpop (erf);
	(erf) = vpow2.f32 v24  }
0x47c: {  	v22 =	vadd.f32 $1.000000000e+00, v22;
	v2 =	vsub.f32 $0.0e+00, v2;
	v31 =	vpop (erf);
	(erf) = vrcp.f32 v25  }
0x47d: {  	v24 =	vadd.f32 v19, v0;
	v0 =	vmul.f32 $1.442695020e+00, v23;
	v19 =	vpop (erf);
	(erf) = vrcp.f32 v28  }
0x47e: {  	v20 =	vadd.f32 $1.000000000e+00, v20;
	v25 =	vmul.f32 $1.442695020e+00, v27;
	v27 =	vpop (erf);
	(erf) = vrcp.f32 v22  }
0x47f: {  	v18 =	vadd.f32 $1.000000000e+00, v18;
	v23 =	vld [tilespmem:s18+$0xFFFFFF00];
	v2 =	vmul.f32 $1.442695020e+00, v2;
	v28 =	vpop (erf);
	(erf) = vpow2.f32 v0  }
0x480: {  	v17 =	vadd.f32 $1.000000000e+00, v17;
	v22 =	vld [tilespmem:s18+$0xFFFFFF80];
	v61 =	vpop (erf);
	(erf) = vpow2.f32 v25  }
0x481: {  	v25 =	vld [tilespmem:s18+$0xFFFFFF10];
	v62 =	vpop (erf);
	(erf) = vpow2.f32 v2  }
0x482: {  	v1 =	vadd.f32 $1.000000000e+00, v1;
	(erf) = vrcp.f32 v20;
	v20 =	vpop (erf)  }
0x483: {  	v63 =	vld [tilespmem:s18+$0x10];
	v33 =	vadd.f32 $1.000000000e+00, v60;
	v29 =	vadd.f32 $1.000000000e+00, v29;
	(erf) = vrcp.f32 v18;
	v18 =	vpop (erf)  }
0x484: {  	v26 =	vadd.f32 $1.000000000e+00, v26;
	v0 =	vld [tilespmem:s18+$0x0];
	v23 =	vmul.f32 v28, v23;
	(erf) = vrcp.f32 v17;
	v17 =	vpop (erf)  }
0x485: {  	v21 =	vadd.f32 $1.000000000e+00, v21;
	v2 =	vld [tilespmem:s18+$0xFFFFFF90];
	v22 =	vmul.f32 v61, v22;
	v41 =	vpop (erf);
	(erf) = vrcp.f32 v1  }
0x486: {  	v40 =	vld [tilespmem:s18+$0xFFFFFF20];
	v30 =	vadd.f32 $1.000000000e+00, v30;
	v42 =	vpop (erf);
	(erf) = vrcp.f32 v33;
	v25 =	vmul.f32 v41, v25  }
0x487: {  	v43 =	vld [tilespmem:s18+$0xFFFFFF30];
	v31 =	vadd.f32 $1.000000000e+00, v31;
	v19 =	vadd.f32 $1.000000000e+00, v19;
	v44 =	vpop (erf);
	(erf) = vrcp.f32 v29  }
0x488: {  	v28 =	vld [tilespmem:s18+$0xFFFFFFA0];
	v23 =	vadd.f32 $0.0e+00, v23;
	v22 =	vadd.f32 $0.0e+00, v22;
	(erf) = vrcp.f32 v26;
	v26 =	vpop (erf)  }
0x489: {  	v45 =	vld [tilespmem:s18+$0x30];
	v27 =	vadd.f32 $1.000000000e+00, v27;
	v20 =	vadd.f32 $1.000000000e+00, v20;
	(erf) = vrcp.f32 v21;
	v21 =	vpop (erf)  }
0x48a: {  	v46 =	vld [tilespmem:s18+$0xFFFFFF40];
	v0 =	vmul.f32 v62, v0;
	v2 =	vmul.f32 v42, v2;
	v23 =	vadd.f32 v25, v23;
	v25 =	vpop (erf)  }
0x48b: {  	v18 =	vadd.f32 $1.000000000e+00, v18;
	v1 =	vld [tilespmem:s18+$0x20];
	v17 =	vadd.f32 $1.000000000e+00, v17;
	(erf) = vrcp.f32 v30;
	v48 =	vpop (erf)  }
0x48c: {  	v29 =	vld [tilespmem:s18+$0xFFFFFFB0];
	v47 =	vmul.f32 v44, v63;
	v2 =	vadd.f32 v2, v22;
	(erf) = vrcp.f32 v31;
	v22 =	vpop (erf)  }
0x48d: {  	v52 =	vld [tilespmem:s18+$0xFFFFFF60];
	v0 =	vadd.f32 $0.0e+00, v0;
	(erf) = vrcp.f32 v19;
	v22 =	vmul.f32 v22, v28  }
0x48e: {  	v26 =	vadd.f32 $1.000000000e+00, v26;
	v30 =	vld [tilespmem:s18+$0xFFFFFFC0];
	v49 =	vmul.f32 v48, v40;
	v50 =	vpop (erf);
	(erf) = vrcp.f32 v27  }
0x48f: {  	v21 =	vadd.f32 $1.000000000e+00, v21;
	v0 =	vadd.f32 v47, v0;
	v31 =	vld [tilespmem:s18+$0x40];
	v28 =	vpop (erf);
	(erf) = vrcp.f32 v20  }
0x490: {  	v19 =	vld [tilespmem:s18+$0xFFFFFF50];
	v23 =	vadd.f32 v49, v23;
	v1 =	vmul.f32 v50, v1;
	v28 =	vmul.f32 v28, v43;
	v51 =	vpop (erf)  }
0x491: {  	s25 =	simm.s32 $0x4300;
	v27 =	vld [tilespmem:s18+$0xFFFFFFD0];
	v2 =	vadd.f32 v22, v2;
	(erf) = vrcp.f32 v18;
	v18 =	vmul.f32 v51, v29;
	v22 =	vpop (erf)  }
0x492: {  	v0 =	vadd.f32 v1, v0;
	v29 =	vld [tilespmem:s25+$0x90];
	(erf) = vrcp.f32 v17;
	v1 =	vmul.f32 v22, v45;
	v17 =	vpop (erf)  }
0x493: {  	v23 =	vadd.f32 v28, v23;
	v22 =	vld [tilespmem:s25+$0x80];
	(erf) = vrcp.f32 v26;
	v17 =	vmul.f32 v17, v46;
	v26 =	vpop (erf)  }
0x494: {  	v28 =	vld [tilespmem:s25+$0xFFFFFF80];
	v2 =	vadd.f32 v18, v2;
	(erf) = vrcp.f32 v21;
	v18 =	vmul.f32 v26, v30;
	v21 =	vpop (erf)  }
0x495: {  	v20 =	vld [tilespmem:s18+$0x50];
	v0 =	vadd.f32 v1, v0;
	v1 =	vmul.f32 v21, v31;
	v21 =	vpop (erf)  }
0x496: {  	v25 =	vadd.f32 $1.000000000e+00, v25;
	v30 =	vld [tilespmem:s25+$0x0];
	v17 =	vadd.f32 v17, v23;
	v19 =	vmul.f32 v21, v19  }
0x497: {  	v2 =	vadd.f32 v18, v2;
	v21 =	vld [tilespmem:s25+$0xA0];
	v0 =	vadd.f32 v1, v0  }
0x498: {  	(erf) = vrcp.f32 v25;
	v23 =	vld [tilespmem:s25+$0xFFFFFF00];
	v25 =	vsub.f32 $0.0e+00, v22;
	v18 =	vpop (erf);
	v22 =	vadd.f32 v19, v17  }
0x499: {  	v19 =	vsub.f32 $0.0e+00, v28;
	v28 =	vsub.f32 $0.0e+00, v29;
	v29 =	vld [tilespmem:s25+$0xFFFFFF90];
	v18 =	vmul.f32 v18, v27;
	v1 =	vpop (erf)  }
0x49a: {  	v27 =	vmul.f32 $1.442695020e+00, v25;
	v1 =	vmul.f32 v1, v20;
	v17 =	vpop (erf);
	v20 =	vld [tilespmem:s25+$0xB0]  }
0x49b: {  	v26 =	vmul.f32 v17, v52;
	v17 =	vld [tilespmem:s25+$0xFFFFFF10];
	v25 =	vadd.f32 v18, v2;
	v18 =	vsub.f32 $0.0e+00, v30  }
0x49c: {  	v28 =	vmul.f32 $1.442695020e+00, v28;
	v2 =	vmul.f32 $1.442695020e+00, v19;
	v19 =	vld [tilespmem:s25+$0xC0];
	v21 =	vsub.f32 $0.0e+00, v21  }
0x49d: {  	(erf) = vpow2.f32 v27;
	v30 =	vld [tilespmem:s25+$0xD0];
	v18 =	vmul.f32 $1.442695020e+00, v18  }
0x49e: {  	v23 =	vsub.f32 $0.0e+00, v23;
	(erf) = vpow2.f32 v2;
	v2 =	vmul.f32 $1.442695020e+00, v21;
	v21 =	vld [tilespmem:s25+$0xE0]  }
0x49f: {  	(erf) = vpow2.f32 v28;
	v20 =	vsub.f32 $0.0e+00, v20  }
0x4a0: {  	v23 =	vmul.f32 $1.442695020e+00, v23;
	v28 =	vsub.f32 $0.0e+00, v29;
	(erf) = vpow2.f32 v18  }
0x4a1: {  	v17 =	vsub.f32 $0.0e+00, v17;
	(erf) = vpow2.f32 v2;
	v2 =	vld [tilespmem:s18+$0xFFFFFFE0];
	v18 =	vmul.f32 $1.442695020e+00, v20  }
0x4a2: {  	v31 =	vpop (erf);
	v19 =	vsub.f32 $0.0e+00, v19;
	v30 =	vsub.f32 $0.0e+00, v30;
	v55 =	vmul.f32 $1.442695020e+00, v28;
	v20 =	vld [tilespmem:s25+$0xF0]  }
0x4a3: {  	v53 =	vld [tilespmem:s25+$0x10];
	v27 =	vpop (erf);
	(erf) = vpow2.f32 v23;
	v17 =	vmul.f32 $1.442695020e+00, v17;
	v21 =	vsub.f32 $0.0e+00, v21  }
0x4a4: {  	v23 =	vpop (erf);
	v29 =	vmul.f32 $1.442695020e+00, v19;
	(erf) = vpow2.f32 v18  }
0x4a5: {  	v28 =	vadd.f32 v1, v0;
	v1 =	vmul.f32 $1.442695020e+00, v30;
	(erf) = vpow2.f32 v17;
	v18 =	vpop (erf)  }
0x4a6: {  	v54 =	vld [tilespmem:s25+$0xFFFFFF20];
	v17 =	vmul.f32 $1.442695020e+00, v21;
	(erf) = vpow2.f32 v29;
	v19 =	vpop (erf)  }
0x4a7: {  	v0 =	vld [tilespmem:s25+$0xFFFFFFA0];
	v29 =	vmul.f32 v31, v2;
	v20 =	vsub.f32 $0.0e+00, v20;
	(erf) = vpow2.f32 v55;
	v21 =	vpop (erf)  }
0x4a8: {  	v31 =	vsub.f32 $0.0e+00, v53;
	(erf) = vpow2.f32 v1;
	v21 =	vadd.f32 $1.000000000e+00, v21  }
0x4a9: {  	v30 =	vpop (erf);
	v20 =	vmul.f32 $1.442695020e+00, v20;
	(erf) = vpow2.f32 v17  }
0x4aa: {  	v56 =	vpop (erf);
	(erf) = vrcp.f32 v21;
	v21 =	vmul.f32 $1.442695020e+00, v31  }
0x4ab: {  	v33 =	vsub.f32 $0.0e+00, v54;
	v2 =	vld [tilespmem:s25+$0x20];
	v32 =	vadd.f32 $1.000000000e+00, v56;
	v34 =	vpop (erf)  }
0x4ac: {  	v0 =	vsub.f32 $0.0e+00, v0;
	v57 =	vpop (erf);
	(erf) = vpow2.f32 v20  }
0x4ad: {  	v33 =	vmul.f32 $1.442695020e+00, v33;
	v1 =	vld [tilespmem:s25+$0xFFFFFF30];
	v35 =	vadd.f32 $1.000000000e+00, v57;
	v36 =	vpop (erf);
	(erf) = vrcp.f32 v32  }
0x4ae: {  	v59 =	vld [tilespmem:s25+$0x40];
	v0 =	vmul.f32 $1.442695020e+00, v0;
	(erf) = vpow2.f32 v21;
	v21 =	vpop (erf)  }
0x4af: {  	v17 =	vld [tilespmem:s25+$0xFFFFFFB0];
	(erf) = vrcp.f32 v35;
	v21 =	vadd.f32 $1.000000000e+00, v21;
	v38 =	vpop (erf)  }
0x4b0: {  	v31 =	vld [tilespmem:s25+$0x30];
	v2 =	vsub.f32 $0.0e+00, v2;
	(erf) = vpow2.f32 v33;
	v61 =	vpop (erf)  }
0x4b1: {  	v20 =	vld [tilespmem:s25+$0xFFFFFF40];
	v40 =	vpop (erf);
	(erf) = vrcp.f32 v21  }
0x4b2: {  	s16 =	simm.s32 $0x300;
	v58 =	vld [tilespmem:s25+$0xFFFFFFC0];
	v1 =	vsub.f32 $0.0e+00, v1;
	v2 =	vmul.f32 $1.442695020e+00, v2;
	(erf) = vpow2.f32 v0;
	v0 =	vpop (erf)  }
0x4b3: {  	v62 =	vld [tilespmem:s16+$0x80];
	v33 =	vadd.f32 $1.000000000e+00, v61;
	v0 =	vadd.f32 $1.000000000e+00, v0  }
0x4b4: {  	v54 =	vld [tilespmem:s25+$0xFFFFFF70];
	v17 =	vsub.f32 $0.0e+00, v17;
	v1 =	vmul.f32 $1.442695020e+00, v1  }
0x4b5: {  	v63 =	vld [tilespmem:s16+$0x90];
	v31 =	vsub.f32 $0.0e+00, v31;
	(erf) = vrcp.f32 v33;
	v47 =	vpop (erf)  }
0x4b6: {  	v49 =	vld [tilespmem:s16+$0xA0];
	v17 =	vmul.f32 $1.442695020e+00, v17;
	v20 =	vsub.f32 $0.0e+00, v20;
	(erf) = vpow2.f32 v2;
	v2 =	vpop (erf)  }
0x4b7: {  	v21 =	vld [tilespmem:s25+$0xFFFFFFD0];
	v31 =	vmul.f32 $1.442695020e+00, v31;
	v33 =	vadd.f32 $1.000000000e+00, v47;
	(erf) = vrcp.f32 v0;
	v0 =	vpop (erf)  }
0x4b8: {  	v48 =	vld [tilespmem:s25+$0x50];
	v32 =	vsub.f32 $0.0e+00, v58;
	v2 =	vmul.f32 v2, v62;
	(erf) = vpow2.f32 v1;
	v1 =	vpop (erf)  }
0x4b9: {  	v50 =	vld [tilespmem:s16+$0xB0];
	v20 =	vmul.f32 $1.442695020e+00, v20;
	v0 =	vadd.f32 $1.000000000e+00, v0;
	(erf) = vrcp.f32 v33;
	v45 =	vpop (erf)  }
0x4ba: {  	v60 =	vld [tilespmem:s25+$0xFFFFFF50];
	v2 =	vadd.f32 $0.0e+00, v2;
	v1 =	vmul.f32 v1, v63;
	(erf) = vpow2.f32 v17;
	v17 =	vpop (erf)  }
0x4bb: {  	v37 =	vsub.f32 $0.0e+00, v59;
	v44 =	vld [tilespmem:s25+$0xFFFFFF60];
	v32 =	vmul.f32 $1.442695020e+00, v32;
	v46 =	vpop (erf);
	(erf) = vrcp.f32 v0  }
0x4bc: {  	v51 =	vld [tilespmem:s16+$0xC0];
	v1 =	vadd.f32 v1, v2;
	v2 =	vmul.f32 v17, v49;
	v17 =	vsub.f32 $0.0e+00, v21;
	v21 =	vpop (erf)  }
0x4bd: {  	v39 =	vsub.f32 $0.0e+00, v54;
	v42 =	vsub.f32 $0.0e+00, v48;
	(erf) = vpow2.f32 v31;
	v31 =	vpop (erf)  }
0x4be: {  	v53 =	vld [tilespmem:s16+$0xD0];
	v21 =	vmul.f32 v21, v50;
	v1 =	vadd.f32 v2, v1;
	(erf) = vpow2.f32 v20;
	v20 =	vpop (erf)  }
0x4bf: {  	v37 =	vmul.f32 $1.442695020e+00, v37;
	v56 =	vld [tilespmem:s16+$0xE0];
	v35 =	vsub.f32 $0.0e+00, v60;
	(erf) = vpow2.f32 v32;
	v32 =	vpop (erf)  }
0x4c0: {  	v39 =	vmul.f32 $1.442695020e+00, v39;
	v59 =	vmul.f32 $1.442695020e+00, v42;
	v1 =	vadd.f32 v21, v1;
	v21 =	vld [tilespmem:s16+$0xF0];
	v57 =	vpop (erf)  }
0x4c1: {  	v55 =	vsub.f32 $0.0e+00, v44;
	v44 =	vld [tilespmem:s18+$0xFFFFFF70];
	v2 =	vmul.f32 $1.442695020e+00, v35;
	v20 =	vmul.f32 v20, v51;
	v60 =	vpop (erf)  }
0x4c2: {  	v52 =	vld [tilespmem:s25+$0xFFFFFFE0];
	v17 =	vmul.f32 $1.442695020e+00, v17;
	(erf) = vpow2.f32 v37;
	v62 =	vpop (erf)  }
0x4c3: {  	v0 =	vld [tilespmem:s25+$0x60];
	(erf) = vpow2.f32 v2;
	v1 =	vadd.f32 v20, v1;
	v20 =	vmul.f32 v57, v53;
	v48 =	vpop (erf)  }
0x4c4: {  	v30 =	vadd.f32 $1.000000000e+00, v30;
	v61 =	vadd.f32 $1.000000000e+00, v36;
	(erf) = vpow2.f32 v17;
	v49 =	vpop (erf)  }
0x4c5: {  	v1 =	vadd.f32 v20, v1;
	v20 =	vmul.f32 v62, v56;
	v17 =	vmul.f32 v49, v21  }
0x4c6: {  	v23 =	vmul.f32 v23, v44;
	v2 =	vadd.f32 $1.000000000e+00, v34;
	(erf) = vpow2.f32 v59  }
0x4c7: {  	v58 =	vsub.f32 $0.0e+00, v52;
	v63 =	vld [tilespmem:s25+$0x70];
	(erf) = vrcp.f32 v61;
	v1 =	vadd.f32 v20, v1  }
0x4c8: {  	v47 =	vld [tilespmem:s25+$0xFFFFFFF0];
	v35 =	vmul.f32 $1.442695020e+00, v55;
	v0 =	vsub.f32 $0.0e+00, v0;
	(erf) = vrcp.f32 v30  }
0x4c9: {  	v36 =	vld [tilespmem:s16+$0x40];
	v50 =	vmul.f32 $1.442695020e+00, v58;
	(erf) = vrcp.f32 v2;
	v1 =	vadd.f32 v17, v1;
	v17 =	vpop (erf)  }
0x4ca: {  	v29 =	vadd.f32 v29, v25;
	v55 =	vld [tilespmem:s16+$0xFFFFFF00];
	v0 =	vmul.f32 $1.442695020e+00, v0;
	(erf) = vpow2.f32 v35;
	v2 =	vpop (erf)  }
0x4cb: {  	v54 =	vadd.f32 $1.000000000e+00, v45;
	v37 =	vld [tilespmem:s18+$0x60];
	v30 =	vadd.f32 $1.000000000e+00, v38;
	(erf) = vpow2.f32 v50;
	v62 =	vpop (erf)  }
0x4cc: {  	v58 =	vld [tilespmem:s16+$0xFFFFFF90];
	v52 =	vsub.f32 $0.0e+00, v63;
	v53 =	vadd.f32 $1.000000000e+00, v40;
	(erf) = vpow2.f32 v0;
	v56 =	vpop (erf)  }
0x4cd: {  	v45 =	vadd.f32 $1.000000000e+00, v46;
	v63 =	vld [tilespmem:s16+$0xFFFFFF80];
	v51 =	vsub.f32 $0.0e+00, v47;
	(erf) = vrcp.f32 v30;
	v57 =	vpop (erf)  }
0x4ce: {  	v33 =	vmul.f32 $1.442695020e+00, v52;
	v52 =	vld [tilespmem:s16+$0x20];
	v34 =	vadd.f32 $1.000000000e+00, v48;
	(erf) = vrcp.f32 v53;
	v48 =	vpop (erf)  }
0x4cf: {  	v31 =	vadd.f32 $1.000000000e+00, v31;
	v32 =	vadd.f32 $1.000000000e+00, v32;
	v0 =	vld [tilespmem:s16+$0x0];
	(erf) = vrcp.f32 v54;
	v49 =	vpop (erf)  }
0x4d0: {  	v41 =	vmul.f32 $1.442695020e+00, v51;
	v51 =	vld [tilespmem:s16+$0xFFFFFF20];
	v42 =	vadd.f32 $1.000000000e+00, v60;
	v27 =	vmul.f32 v27, v37;
	v50 =	vpop (erf)  }
0x4d1: {  	v40 =	vld [tilespmem:s16+$0xFFFFFFF0];
	v17 =	vadd.f32 $1.000000000e+00, v17;
	v2 =	vadd.f32 $1.000000000e+00, v2;
	(erf) = vpow2.f32 v39;
	v60 =	vpop (erf)  }
0x4d2: {  	v30 =	vld [tilespmem:s16+$0xFFFFFF10];
	v43 =	vadd.f32 $1.000000000e+00, v62;
	v62 =	vadd.f32 v26, v22;
	(erf) = vpow2.f32 v41;
	v22 =	vpop (erf)  }
0x4d3: {  	v59 =	vld [tilespmem:s16+$0x10];
	v46 =	vadd.f32 $1.000000000e+00, v56;
	v47 =	vadd.f32 $1.000000000e+00, v57;
	(erf) = vpow2.f32 v33;
	v25 =	vpop (erf)  }
0x4d4: {  	v61 =	vld [tilespmem:s16+$0xFFFFFFA0];
	v48 =	vadd.f32 $1.000000000e+00, v48;
	(erf) = vrcp.f32 v45;
	v0 =	vmul.f32 v22, v0;
	v22 =	vpop (erf)  }
0x4d5: {  	v37 =	vld [tilespmem:s16+$0xFFFFFF50];
	v49 =	vadd.f32 $1.000000000e+00, v49;
	v35 =	vmul.f32 v50, v55;
	(erf) = vrcp.f32 v31;
	v31 =	vpop (erf)  }
0x4d6: {  	v38 =	vld [tilespmem:s16+$0xFFFFFFD0];
	v26 =	vmul.f32 v60, v63;
	(erf) = vrcp.f32 v32;
	v55 =	vadd.f32 $1.000000000e+00, v22;
	v22 =	vpop (erf)  }
0x4d7: {  	v20 =	vld [tilespmem:s18+$0xFFFFFFF0];
	v35 =	vadd.f32 $0.0e+00, v35;
	(erf) = vrcp.f32 v42;
	v30 =	vmul.f32 v22, v30;
	v22 =	vpop (erf)  }
0x4d8: {  	v21 =	vld [tilespmem:s18+$0x70];
	v56 =	vadd.f32 $1.000000000e+00, v31;
	(erf) = vrcp.f32 v34;
	v31 =	vmul.f32 v22, v58;
	v57 =	vpop (erf)  }
0x4d9: {  	v53 =	vld [tilespmem:s16+$0xFFFFFFB0];
	(erf) = vrcp.f32 v17;
	v22 =	vadd.f32 v27, v28;
	v27 =	vmul.f32 v57, v59  }
0x4da: {  	v54 =	vld [tilespmem:s16+$0x30];
	v25 =	vadd.f32 $1.000000000e+00, v25;
	v26 =	vadd.f32 $0.0e+00, v26;
	(erf) = vrcp.f32 v2;
	v2 =	vpop (erf)  }
0x4db: {  	v39 =	vld [tilespmem:s16+$0x50];
	v0 =	vadd.f32 $0.0e+00, v0;
	v17 =	vadd.f32 v30, v35;
	(erf) = vrcp.f32 v43;
	v28 =	vpop (erf)  }
0x4dc: {  	v63 =	vld [tilespmem:s16+$0xFFFFFF30];
	v30 =	vadd.f32 v31, v26;
	v26 =	vadd.f32 $1.000000000e+00, v28;
	(erf) = vrcp.f32 v46;
	v28 =	vpop (erf)  }
0x4dd: {  	v41 =	vld [tilespmem:s16+$0x70];
	v2 =	vadd.f32 $1.000000000e+00, v2;
	v0 =	vadd.f32 v27, v0;
	(erf) = vrcp.f32 v47;
	v27 =	vpop (erf)  }
0x4de: {  	v33 =	vld [tilespmem:s16+$0xFFFFFF40];
	v28 =	vadd.f32 $1.000000000e+00, v28;
	(erf) = vrcp.f32 v48;
	v27 =	vmul.f32 v27, v51;
	v58 =	vpop (erf)  }
0x4df: {  	v32 =	vld [tilespmem:s16+$0xFFFFFFE0];
	v59 =	vmul.f32 v58, v61;
	v60 =	vpop (erf);
	(erf) = vrcp.f32 v49;
	v61 =	vadd.f32 v23, v62  }
0x4e0: {  	s18 =	simm.s32 $0x11E30;
	v34 =	vld [tilespmem:s16+$0xFFFFFFC0];
	v17 =	vadd.f32 v27, v17;
	v27 =	vmul.f32 v60, v52;
	v62 =	vpop (erf);
	(erf) = vrcp.f32 v25  }
0x4e1: {  	s20 =	simm.s32 $0x0;
	s25 =	simm.s32 $0x11E70;
	[tilespmem:s18+$0x0] =	vst v24;
	v35 =	vld [tilespmem:s16+$0xFFFFFF70];
	v63 =	vmul.f32 v62, v63;
	v24 =	vadd.f32 v59, v30;
	v25 =	vpop (erf);
	(erf) = vrcp.f32 v55  }
0x4e2: {  	s30 =	sand.u32 $0x7C0, s20;
	[tilespmem:s25+$0x0] =	vst v1;
	v31 =	vld [tilespmem:s16+$0xFFFFFF60];
	v30 =	vmul.f32 v25, v53;
	v25 =	vadd.f32 v27, v0;
	v0 =	vpop (erf);
	(erf) = vrcp.f32 v56  }
0x4e3: {  	s28 =	simm.s32 $0x4;
	s29 =	simm.s32 $0x4500;
	s24 =	simm.s32 $0x11E70;
	v23 =	vld [tilespmem:s16+$0x60];
	[tilespmem:s30+$0x11E00] =	vst v61;
	v27 =	vadd.f32 v63, v17;
	v42 =	vmul.f32 v0, v54;
	v43 =	vpop (erf);
	(erf) = vrcp.f32 v2  }
.LBB2_10:
0x4e4: {  	v0 =	vld [tilespmem:s29+$0x80];
	s28 =	sadd.s32 $0x4, s28;
	v1 =	vmul.f32 v43, v33;
	v2 =	vadd.f32 v30, v24;
	v17 =	vpop (erf);
	(erf) = vrcp.f32 v26  }
0x4e5: {  	v26 =	vld [tilespmem:s29+$0xFFFFFF80];
	p0 =	slt.u32 s28, $0x7C;
	v33 =	vmul.f32 v17, v34;
	v34 =	vadd.f32 v42, v25;
	v24 =	vpop (erf);
	(erf) = vrcp.f32 v28  }
0x4e6: {  	v18 =	vmul.f32 v18, v20;
	v28 =	vld [tilespmem:s29+$0x90];
	v1 =	vadd.f32 v1, v27;
	v27 =	vmul.f32 v24, v36;
	v24 =	vpop (erf)  }
0x4e7: {  	v20 =	vld [tilespmem:s29+$0x0];
	v30 =	vmul.f32 v24, v37;
	v36 =	vadd.f32 v33, v2;
	v17 =	vpop (erf);
	v24 =	vmul.f32 v19, v21  }
0x4e8: {  	v18 =	vadd.f32 v18, v29;
	v19 =	vld [tilespmem:s29+$0xA0];
	v17 =	vmul.f32 v17, v38;
	v21 =	vadd.f32 v27, v34;
	v25 =	vpop (erf)  }
0x4e9: {  	v27 =	vld [tilespmem:s29+$0xFFFFFF00];
	v0 =	vsub.f32 $0.0e+00, v0;
	v29 =	vadd.f32 v30, v1;
	v1 =	vmul.f32 v25, v39;
	v25 =	vpop (erf)  }
0x4ea: {  	v33 =	vsub.f32 $0.0e+00, v26;
	v34 =	vld [tilespmem:s29+$0xB0];
	v31 =	vmul.f32 v25, v31;
	v30 =	vadd.f32 v17, v36;
	v2 =	vpop (erf);
	[tilespmem:s18+$0xFFFFFFE0] =	vst v18  }
0x4eb: {  	v17 =	vld [tilespmem:s29+$0xFFFFFF10];
	v0 =	vmul.f32 $1.442695020e+00, v0;
	v37 =	vsub.f32 $0.0e+00, v28;
	v26 =	vadd.f32 v1, v21;
	v28 =	vpop (erf)  }
0x4ec: {  	v32 =	vmul.f32 v2, v32;
	v1 =	vmul.f32 $1.442695020e+00, v33;
	v39 =	vsub.f32 $0.0e+00, v20;
	v33 =	vld [tilespmem:s29+$0xC0];
	v25 =	vpop (erf)  }
0x4ed: {  	v2 =	vld [tilespmem:s29+$0xFFFFFF90];
	v42 =	vmul.f32 $1.442695020e+00, v37;
	v36 =	vsub.f32 $0.0e+00, v19;
	(erf) = vpow2.f32 v0;
	v18 =	vpop (erf)  }
0x4ee: {  	v0 =	vsub.f32 $0.0e+00, v27;
	v37 =	vmul.f32 $1.442695020e+00, v39;
	v38 =	vld [tilespmem:s29+$0xD0];
	(erf) = vpow2.f32 v1;
	v19 =	vpop (erf)  }
0x4ef: {  	v20 =	vmovc v40;
	v27 =	vmovc v35;
	v1 =	vmul.f32 $1.442695020e+00, v36;
	v34 =	vsub.f32 $0.0e+00, v34;
	v36 =	vld [tilespmem:s29+$0xE0];
	(erf) = vpow2.f32 v42  }
0x4f0: {  	v21 =	vmovc v41;
	v0 =	vmul.f32 $1.442695020e+00, v0;
	v17 =	vsub.f32 $0.0e+00, v17;
	v35 =	vld [tilespmem:s29+$0x10];
	(erf) = vpow2.f32 v37  }
0x4f1: {  	v34 =	vmul.f32 $1.442695020e+00, v34;
	v33 =	vsub.f32 $0.0e+00, v33;
	v37 =	vld [tilespmem:s29+$0xF0];
	(erf) = vpow2.f32 v1  }
0x4f2: {  	v1 =	vmul.f32 $1.442695020e+00, v17;
	v17 =	vld [tilespmem:s29+$0xFFFFFF20];
	v2 =	vsub.f32 $0.0e+00, v2;
	(erf) = vpow2.f32 v0  }
0x4f3: {  	v0 =	vld [tilespmem:s29+$0xFFFFFFA0];
	v33 =	vmul.f32 $1.442695020e+00, v33;
	v38 =	vsub.f32 $0.0e+00, v38;
	(erf) = vpow2.f32 v34  }
0x4f4: {  	v40 =	vmul.f32 $1.442695020e+00, v2;
	v34 =	vld [tilespmem:s29+$0x20];
	v36 =	vsub.f32 $0.0e+00, v36;
	(erf) = vpow2.f32 v1  }
0x4f5: {  	v1 =	vld [tilespmem:s29+$0xFFFFFF30];
	v42 =	vsub.f32 $0.0e+00, v35;
	v38 =	vmul.f32 $1.442695020e+00, v38;
	(erf) = vpow2.f32 v33  }
0x4f6: {  	v39 =	vld [tilespmem:s29+$0xFFFFFFB0];
	v36 =	vmul.f32 $1.442695020e+00, v36;
	v37 =	vsub.f32 $0.0e+00, v37;
	(erf) = vpow2.f32 v40;
	v2 =	vpop (erf)  }
0x4f7: {  	v40 =	vmul.f32 $1.442695020e+00, v42;
	v41 =	vld [tilespmem:s29+$0x30];
	v2 =	vadd.f32 $1.000000000e+00, v2;
	v33 =	vpop (erf);
	(erf) = vpow2.f32 v38  }
0x4f8: {  	v17 =	vsub.f32 $0.0e+00, v17;
	v38 =	vld [tilespmem:s29+$0xFFFFFF40];
	v37 =	vmul.f32 $1.442695020e+00, v37;
	v35 =	vpop (erf);
	(erf) = vpow2.f32 v36  }
0x4f9: {  	v0 =	vsub.f32 $0.0e+00, v0;
	v36 =	vld [tilespmem:s29+$0xFFFFFFC0];
	v42 =	vadd.f32 $1.000000000e+00, v35;
	v35 =	vpop (erf);
	(erf) = vrcp.f32 v2  }
0x4fa: {  	v2 =	vmul.f32 $1.442695020e+00, v17;
	v17 =	vsub.f32 $0.0e+00, v34;
	v43 =	vld [tilespmem:s29+$0x40];
	v34 =	vpop (erf);
	(erf) = vpow2.f32 v37  }
0x4fb: {  	v0 =	vmul.f32 $1.442695020e+00, v0;
	v37 =	vld [tilespmem:s29+$0xFFFFFF50];
	v44 =	vadd.f32 $1.000000000e+00, v34;
	v45 =	vpop (erf);
	(erf) = vrcp.f32 v42  }
0x4fc: {  	v1 =	vsub.f32 $0.0e+00, v1;
	v17 =	vmul.f32 $1.442695020e+00, v17;
	v42 =	vld [tilespmem:s29+$0xFFFFFFD0];
	(erf) = vpow2.f32 v40;
	v34 =	vpop (erf)  }
0x4fd: {  	s16 =	sadd.s32 $0x200, s16;
	v39 =	vsub.f32 $0.0e+00, v39;
	v40 =	vld [tilespmem:s29+$0x50];
	v46 =	vadd.f32 $1.000000000e+00, v34;
	v34 =	vpop (erf);
	(erf) = vrcp.f32 v44  }
0x4fe: {  	v1 =	vmul.f32 $1.442695020e+00, v1;
	v41 =	vsub.f32 $0.0e+00, v41;
	v44 =	vld [tilespmem:s16+$0x80];
	(erf) = vpow2.f32 v2;
	v2 =	vpop (erf)  }
0x4ff: {  	v39 =	vmul.f32 $1.442695020e+00, v39;
	v47 =	vld [tilespmem:s29+$0xFFFFFF60];
	v50 =	vadd.f32 $1.000000000e+00, v2;
	v48 =	vpop (erf);
	(erf) = vrcp.f32 v46  }
0x500: {  	v38 =	vsub.f32 $0.0e+00, v38;
	v41 =	vmul.f32 $1.442695020e+00, v41;
	v46 =	vld [tilespmem:s16+$0x90];
	(erf) = vpow2.f32 v0;
	v0 =	vpop (erf)  }
0x501: {  	v36 =	vsub.f32 $0.0e+00, v36;
	v49 =	vld [tilespmem:s29+$0xFFFFFFE0];
	v52 =	vadd.f32 $1.000000000e+00, v0;
	(erf) = vrcp.f32 v50;
	v2 =	vpop (erf)  }
0x502: {  	v38 =	vmul.f32 $1.442695020e+00, v38;
	v43 =	vsub.f32 $0.0e+00, v43;
	v50 =	vld [tilespmem:s16+$0xA0];
	(erf) = vpow2.f32 v17;
	v17 =	vpop (erf)  }
0x503: {  	v2 =	vadd.f32 $1.000000000e+00, v2;
	v51 =	vld [tilespmem:s29+$0x60];
	v17 =	vmul.f32 v17, v44;
	(erf) = vrcp.f32 v52;
	v0 =	vpop (erf)  }
0x504: {  	v36 =	vmul.f32 $1.442695020e+00, v36;
	v44 =	vld [tilespmem:s16+$0xB0];
	v0 =	vadd.f32 $1.000000000e+00, v0;
	(erf) = vpow2.f32 v1;
	v1 =	vpop (erf)  }
0x505: {  	v52 =	vld [tilespmem:s29+$0xFFFFFF70];
	v17 =	vadd.f32 $0.0e+00, v17;
	v1 =	vmul.f32 v1, v46;
	v46 =	vpop (erf);
	(erf) = vrcp.f32 v2  }
0x506: {  	v2 =	vsub.f32 $0.0e+00, v37;
	v37 =	vmul.f32 $1.442695020e+00, v43;
	v43 =	vld [tilespmem:s16+$0xC0];
	(erf) = vpow2.f32 v39;
	v39 =	vpop (erf)  }
0x507: {  	v53 =	vld [tilespmem:s29+$0xFFFFFFF0];
	v1 =	vadd.f32 v1, v17;
	v17 =	vmul.f32 v39, v50;
	v39 =	vpop (erf);
	(erf) = vrcp.f32 v0  }
0x508: {  	v40 =	vsub.f32 $0.0e+00, v40;
	v0 =	vsub.f32 $0.0e+00, v42;
	v42 =	vld [tilespmem:s16+$0xD0];
	(erf) = vpow2.f32 v41;
	v41 =	vpop (erf)  }
0x509: {  	v50 =	vld [tilespmem:s29+$0x70];
	v1 =	vadd.f32 v17, v1;
	v17 =	vmul.f32 v41, v44;
	(erf) = vpow2.f32 v38;
	v38 =	vpop (erf)  }
0x50a: {  	v2 =	vmul.f32 $1.442695020e+00, v2;
	v41 =	vsub.f32 $0.0e+00, v47;
	v44 =	vld [tilespmem:s16+$0xE0];
	(erf) = vpow2.f32 v36;
	v36 =	vpop (erf)  }
0x50b: {  	v54 =	vld [tilespmem:s16+$0xFFFFFF00];
	v1 =	vadd.f32 v17, v1;
	v17 =	vmul.f32 v36, v43;
	v36 =	vpop (erf);
	(erf) = vpow2.f32 v37  }
0x50c: {  	v40 =	vmul.f32 $1.442695020e+00, v40;
	v0 =	vmul.f32 $1.442695020e+00, v0;
	v37 =	vsub.f32 $0.0e+00, v49;
	v43 =	vld [tilespmem:s16+$0xF0];
	v47 =	vpop (erf)  }
0x50d: {  	v51 =	vsub.f32 $0.0e+00, v51;
	v49 =	vld [tilespmem:s16+$0xFFFFFF80];
	v1 =	vadd.f32 v17, v1;
	v42 =	vmul.f32 v47, v42;
	v55 =	vpop (erf)  }
0x50e: {  	v33 =	vadd.f32 $1.000000000e+00, v33;
	v45 =	vadd.f32 $1.000000000e+00, v45;
	v56 =	vld [tilespmem:s16+$0x0];
	(erf) = vpow2.f32 v2;
	v2 =	vpop (erf)  }
0x50f: {  	v35 =	vadd.f32 $1.000000000e+00, v35;
	v57 =	vld [tilespmem:s16+$0xFFFFFF10];
	v1 =	vadd.f32 v42, v1;
	v42 =	vmul.f32 v2, v44;
	v17 =	vpop (erf)  }
0x510: {  	v41 =	vmul.f32 $1.442695020e+00, v41;
	v47 =	vsub.f32 $0.0e+00, v52;
	v52 =	vld [tilespmem:s16+$0xFFFFFF90];
	(erf) = vpow2.f32 v0;
	v0 =	vpop (erf)  }
0x511: {  	v58 =	vld [tilespmem:s16+$0x10];
	v44 =	vadd.f32 v42, v1;
	v0 =	vmul.f32 v0, v43;
	v2 =	vpop (erf);
	(erf) = vpow2.f32 v40  }
0x512: {  	v51 =	vmul.f32 $1.442695020e+00, v51;
	v37 =	vmul.f32 $1.442695020e+00, v37;
	v40 =	vsub.f32 $0.0e+00, v53;
	v42 =	vld [tilespmem:s16+$0xFFFFFF20];
	v53 =	vpop (erf)  }
0x513: {  	v50 =	vsub.f32 $0.0e+00, v50;
	v43 =	vld [tilespmem:s16+$0xFFFFFFA0];
	v0 =	vadd.f32 v0, v44;
	(erf) = vrcp.f32 v45;
	v1 =	vpop (erf)  }
0x514: {  	s25 =	sadd.s32 $0x40, s25;
	v59 =	vadd.f32 $1.000000000e+00, v34;
	v48 =	vadd.f32 $1.000000000e+00, v48;
	v45 =	vld [tilespmem:s16+$0x20];
	(erf) = vrcp.f32 v33;
	v60 =	vpop (erf)  }
0x515: {  	v62 =	vadd.f32 $1.000000000e+00, v46;
	v61 =	vmul.f32 $1.442695020e+00, v47;
	v44 =	vld [tilespmem:s16+$0xFFFFFF30];
	[tilespmem:s25+$0x0] =	vst v0;
	(erf) = vrcp.f32 v35  }
0x516: {  	v0 =	vadd.f32 $1.000000000e+00, v39;
	v35 =	vmul.f32 $1.442695020e+00, v40;
	v47 =	vld [tilespmem:s16+$0xFFFFFFB0];
	(erf) = vpow2.f32 v41  }
0x517: {  	v40 =	vadd.f32 $1.000000000e+00, v38;
	v41 =	vmul.f32 $1.442695020e+00, v50;
	v46 =	vld [tilespmem:s16+$0x30];
	v38 =	vpop (erf);
	(erf) = vpow2.f32 v37  }
0x518: {  	v50 =	vadd.f32 $1.000000000e+00, v55;
	v55 =	vadd.f32 $1.000000000e+00, v36;
	v33 =	vld [tilespmem:s16+$0xFFFFFF40];
	(erf) = vpow2.f32 v51  }
0x519: {  	v17 =	vadd.f32 $1.000000000e+00, v17;
	v2 =	vadd.f32 $1.000000000e+00, v2;
	v34 =	vld [tilespmem:s16+$0xFFFFFFC0];
	(erf) = vrcp.f32 v59;
	v39 =	vpop (erf)  }
0x51a: {  	v1 =	vadd.f32 $1.000000000e+00, v1;
	v51 =	vadd.f32 $1.000000000e+00, v53;
	v36 =	vld [tilespmem:s16+$0x40];
	(erf) = vrcp.f32 v48;
	v48 =	vpop (erf)  }
0x51b: {  	v53 =	vadd.f32 $1.000000000e+00, v38;
	v59 =	vadd.f32 $1.000000000e+00, v60;
	v37 =	vld [tilespmem:s16+$0xFFFFFF50];
	(erf) = vrcp.f32 v62  }
0x51c: {  	v60 =	vadd.f32 $1.000000000e+00, v39;
	v48 =	vadd.f32 $1.000000000e+00, v48;
	v38 =	vld [tilespmem:s16+$0xFFFFFFD0];
	v39 =	vpop (erf);
	(erf) = vpow2.f32 v61  }
0x51d: {  	v62 =	vadd.f32 v31, v29;
	v54 =	vmul.f32 v39, v54;
	v39 =	vld [tilespmem:s16+$0x50];
	v61 =	vpop (erf);
	(erf) = vpow2.f32 v35  }
0x51e: {  	v29 =	vadd.f32 v32, v30;
	v31 =	vld [tilespmem:s16+$0xFFFFFF60];
	v35 =	vmul.f32 v61, v49;
	v49 =	vpop (erf);
	(erf) = vpow2.f32 v41  }
0x51f: {  	v30 =	vadd.f32 $0.0e+00, v54;
	v32 =	vld [tilespmem:s16+$0xFFFFFFE0];
	v63 =	vmul.f32 v49, v56;
	(erf) = vrcp.f32 v0;
	v0 =	vpop (erf)  }
0x520: {  	v0 =	vadd.f32 $1.000000000e+00, v0;
	v49 =	vadd.f32 $0.0e+00, v35;
	v54 =	vld [tilespmem:s16+$0x60];
	(erf) = vrcp.f32 v40;
	v40 =	vpop (erf)  }
0x521: {  	v35 =	vld [tilespmem:s16+$0xFFFFFF70];
	v56 =	vadd.f32 $1.000000000e+00, v40;
	v61 =	vadd.f32 $0.0e+00, v63;
	(erf) = vrcp.f32 v55;
	v41 =	vpop (erf)  }
0x522: {  	v23 =	vmul.f32 v28, v23;
	v40 =	vld [tilespmem:s16+$0xFFFFFFF0];
	v55 =	vadd.f32 $1.000000000e+00, v41;
	v41 =	vpop (erf);
	(erf) = vrcp.f32 v50  }
0x523: {  	v28 =	vmul.f32 v41, v57;
	v41 =	vld [tilespmem:s16+$0x70];
	v50 =	vpop (erf);
	(erf) = vrcp.f32 v17;
	v17 =	vadd.f32 v24, v22  }
0x524: {  	v22 =	vadd.f32 v23, v26;
	v24 =	vmul.f32 v50, v52;
	v50 =	vpop (erf);
	(erf) = vrcp.f32 v2  }
0x525: {  	v2 =	vadd.f32 v28, v30;
	v28 =	vmul.f32 v50, v58;
	(erf) = vrcp.f32 v51;
	v26 =	vpop (erf);
	[tilespmem:s18+$0xFFFFFFF0] =	vst v17;
	s18 =	smov.u32 s24;
	s24 =	smov.u32 s25  }
0x526: {  	v17 =	vadd.f32 $1.000000000e+00, v26;
	v24 =	vadd.f32 v24, v49;
	(erf) = vrcp.f32 v1;
	v1 =	vpop (erf)  }
0x527: {  	v26 =	vadd.f32 $1.000000000e+00, v1;
	v1 =	vadd.f32 v28, v61;
	(erf) = vrcp.f32 v59;
	v23 =	vpop (erf)  }
0x528: {  	v25 =	vmul.f32 v25, v27;
	v28 =	vadd.f32 $1.000000000e+00, v23;
	v23 =	vpop (erf);
	(erf) = vrcp.f32 v53  }
0x529: {  	v27 =	vmul.f32 v23, v42;
	v30 =	vpop (erf);
	(erf) = vrcp.f32 v60;
	v23 =	vmov v54  }
.Ltmp4:
0x52a: {  	s20 =	sadd.s32 $0x40, s20;
	v25 =	vadd.f32 v25, v62;
	v43 =	vmul.f32 v30, v43;
	v42 =	vpop (erf);
	(erf) = vrcp.f32 v48;
	(pc) =	sbr.rel @p0 .LBB2_10-.Ltmp4, $4  }
0x52b: {  	s30 =	sand.u32 $0x7C0, s20;
	v2 =	vadd.f32 v27, v2;
	v27 =	vmul.f32 v42, v45;
	v42 =	vpop (erf);
	(erf) = vrcp.f32 v0  }
0x52c: {  	v0 =	vmul.f32 v42, v44;
	v24 =	vadd.f32 v43, v24;
	v30 =	vpop (erf);
	(erf) = vrcp.f32 v56;
	[tilespmem:s30+$0x11E00] =	vst v25  }
0x52d: {  	v30 =	vmul.f32 v30, v47;
	v25 =	vadd.f32 v27, v1;
	v1 =	vpop (erf);
	(erf) = vrcp.f32 v55  }
0x52e: {  	s29 =	sadd.s32 $0x200, s29;
	v27 =	vadd.f32 v0, v2;
	v42 =	vmul.f32 v1, v46;
	v43 =	vpop (erf);
	(erf) = vrcp.f32 v17  }
0x52f: {  	v0 =	vpop (erf);
	(erf) = vrcp.f32 v26  }
0x530: {  	v24 =	vadd.f32 v30, v24;
	v1 =	vpop (erf)  }
0x531: {  	(erf) = vrcp.f32 v28;
	v0 =	vmul.f32 v0, v34;
	v25 =	vadd.f32 v42, v25;
	v17 =	vpop (erf)  }
0x532: {  	v2 =	vmul.f32 v43, v33;
	v18 =	vmul.f32 v18, v20;
	v26 =	vpop (erf)  }
0x533: {  	v1 =	vmul.f32 v1, v36;
	v0 =	vadd.f32 v0, v24;
	v20 =	vpop (erf);
	v24 =	vmul.f32 v26, v38  }
0x534: {  	v19 =	vmul.f32 v19, v21;
	v2 =	vadd.f32 v2, v27;
	v17 =	vmul.f32 v17, v37;
	v21 =	vpop (erf)  }
0x535: {  	v1 =	vadd.f32 v1, v25;
	v20 =	vmul.f32 v20, v39;
	v25 =	vpop (erf)  }
0x536: {  	v18 =	vadd.f32 v18, v29;
	v2 =	vadd.f32 v17, v2;
	v17 =	vmul.f32 v21, v31;
	v21 =	vpop (erf)  }
0x537: {  	v0 =	vadd.f32 v24, v0;
	v1 =	vadd.f32 v20, v1;
	v20 =	vmul.f32 v25, v32;
	v24 =	vpop (erf)  }
0x538: {  	v2 =	vadd.f32 v17, v2;
	v17 =	vmul.f32 v21, v23;
	v25 =	vpop (erf);
	v21 =	vmul.f32 v24, v35  }
0x539: {  	v19 =	vadd.f32 v19, v22;
	v0 =	vadd.f32 v20, v0;
	v20 =	vmul.f32 v25, v40  }
0x53a: {  	s16 =	sadd.s32 $0x40, s20;
	[tilespmem:s18+$0xFFFFFFE0] =	vst v18;
	v23 =	vpop (erf);
	v2 =	vadd.f32 v21, v2  }
0x53b: {  	s16 =	sand.u32 $0x7C0, s16;
	[tilespmem:s18+$0xFFFFFFF0] =	vst v19;
	v1 =	vadd.f32 v17, v1;
	v17 =	vmul.f32 v23, v41;
	v0 =	vadd.f32 v20, v0  }
0x53c: {  	[tilespmem:s16+$0x11E00] =	vst v2  }
0x53d: {  	v1 =	vadd.f32 v17, v1;
	s16 =	simm.s32 $0x100;
	[tilespmem:s24+$0xFFFFFFE0] =	vst v0  }
0x53e: {  	s20 =	simm.s32 $0x0;
	v18 =	vor.u32 s16, v3;
	v56 =	vld [tilespmem:$0x1FFE0]  }
0x53f: {  	v19 =	vor.u32 s20, v3;
	v54 =	vld [tilespmem:$0x1FFC0];
	[tilespmem:s24+$0xFFFFFFF0] =	vst v1  }
0x540: {  	v20 =	vor.u32 s16, v4;
	v55 =	vld [tilespmem:$0x1FFD0];
	_ =	swait.ge [sflag:s12], $0x200  }
0x541: {  	v21 =	vor.u32 s20, v4;
	[sflag:s12] =	ssyncset.done $0x0  }
0x542: {  	v22 =	vor.u32 s16, v5;
	v57 =	vld [tilespmem:$0x1FFF0];
	[sflag:s12] =	ssyncadd.s32 $0xFFFFFE00  }
0x543: {  	v23 =	vor.u32 s20, v5;
	v24 =	vld.idx.msk [tilespmem:v18+s0+$0x0], $0xffff  }
0x544: {  	v29 =	vor.u32 s20, v8;
	v25 =	vld.idx.msk [tilespmem:v19+s0+$0x0], $0xffff  }
0x545: {  	v58 =	vor.u32 s20, v11;
	v26 =	vld.idx.msk [tilespmem:v20+s0+$0x0], $0xffff  }
0x546: {  	v59 =	vor.u32 s20, v13;
	v27 =	vld.idx.msk [tilespmem:v21+s0+$0x0], $0xffff  }
0x547: {  	v45 =	vor.u32 s20, v15;
	v28 =	vld.idx.msk [tilespmem:v22+s0+$0x0], $0xffff  }
0x548: {  	s24 =	simm.s32 $0x300;
	v23 =	vld.idx.msk [tilespmem:v23+s0+$0x0], $0xffff  }
0x549: {  	v49 =	vor.u32 s24, v4;
	v29 =	vld.idx.msk [tilespmem:v29+s0+$0x0], $0xffff  }
0x54a: {  	v50 =	vor.u32 s24, v5;
	v35 =	vld.idx.msk [tilespmem:v58+s0+$0x0], $0xffff  }
0x54b: {  	v51 =	vor.u32 s24, v6;
	v40 =	vld.idx.msk [tilespmem:v59+s0+$0x0], $0xffff  }
0x54c: {  	s28 =	simm.s32 $0x10410;
	v18 =	vor.u32 s16, v6;
	v43 =	vld.idx.msk [tilespmem:v45+s0+$0x0], $0xffff;
	v2 =	vor.u32 s20, v54  }
0x54d: {  	v48 =	vld [tilespmem:s28+$0xFFFFFFF0];
	v2 =	vand.u32 v55, v2  }
0x54e: {  	v19 =	vor.u32 s20, v6;
	v49 =	vld.idx.msk [tilespmem:v49+s0+$0x0], $0xffff  }
0x54f: {  	v17 =	vor.u32 s20, v56;
	v50 =	vld.idx.msk [tilespmem:v50+s0+$0x0], $0xffff  }
0x550: {  	v22 =	vor.u32 s16, v8;
	v51 =	vld.idx.msk [tilespmem:v51+s0+$0x0], $0xffff  }
0x551: {  	v30 =	vld.idx.msk [tilespmem:v18+s0+$0x0], $0xffff;
	v18 =	vor.u32 s16, v9  }
0x552: {  	v20 =	vor.u32 s16, v7;
	v2 =	vld.idx.msk [tilespmem:v2+s0+$0x0], $0xffff  }
0x553: {  	v21 =	vor.u32 s20, v7;
	v31 =	vld.idx.msk [tilespmem:v19+s0+$0x0], $0xffff  }
0x554: {  	v19 =	vor.u32 s20, v9;
	v17 =	vld.idx.msk [tilespmem:v17+s0+$0x0], $0xffff  }
0x555: {  	v34 =	vld.idx.msk [tilespmem:v22+s0+$0x0], $0xffff;
	v22 =	vor.u32 s16, v11  }
0x556: {  	v36 =	vld.idx.msk [tilespmem:v18+s0+$0x0], $0xffff;
	v18 =	vor.u32 s16, v12  }
0x557: {  	v0 =	vor.u32 s16, v56;
	v32 =	vld.idx.msk [tilespmem:v20+s0+$0x0], $0xffff;
	v2 =	vadd.f32 $0.0e+00, v2  }
0x558: {  	v62 =	vor.u32 s24, v56;
	v33 =	vld.idx.msk [tilespmem:v21+s0+$0x0], $0xffff  }
0x559: {  	v20 =	vor.u32 s16, v10;
	v37 =	vld.idx.msk [tilespmem:v19+s0+$0x0], $0xffff;
	v2 =	vadd.f32 v17, v2  }
0x55a: {  	v19 =	vor.u32 s20, v12;
	v41 =	vld.idx.msk [tilespmem:v22+s0+$0x0], $0xffff  }
0x55b: {  	v1 =	vor.u32 s16, v54;
	v22 =	vld.idx.msk [tilespmem:v18+s0+$0x0], $0xffff;
	v18 =	vor.u32 s16, v15;
	v2 =	vadd.f32 v25, v2  }
0x55c: {  	v1 =	vand.u32 v57, v1;
	v0 =	vld.idx.msk [tilespmem:v0+s0+$0x0], $0xffff  }
0x55d: {  	v21 =	vor.u32 s20, v10;
	v42 =	vld.idx.msk [tilespmem:v62+s0+$0x0], $0xffff;
	v2 =	vadd.f32 v27, v2  }
0x55e: {  	v61 =	vor.u32 s20, v14;
	v38 =	vld.idx.msk [tilespmem:v20+s0+$0x0], $0xffff  }
0x55f: {  	s25 =	simm.s32 $0x200;
	v20 =	vor.u32 s16, v13;
	v44 =	vld.idx.msk [tilespmem:v19+s0+$0x0], $0xffff;
	v2 =	vadd.f32 v23, v2  }
0x560: {  	v60 =	vor.u32 s16, v14;
	v19 =	vld.idx.msk [tilespmem:v18+s0+$0x0], $0xffff;
	v18 =	vor.u32 s25, v54  }
0x561: {  	v1 =	vld.idx.msk [tilespmem:v1+s0+$0x0], $0xffff;
	v63 =	vand.u32 v55, v18;
	v2 =	vadd.f32 v31, v2  }
0x562: {  	v46 =	vor.u32 s16, v16;
	v39 =	vld.idx.msk [tilespmem:v21+s0+$0x0], $0xffff  }
0x563: {  	v52 =	vor.u32 s25, v56;
	v17 =	vld.idx.msk [tilespmem:v61+s0+$0x0], $0xffff;
	v2 =	vadd.f32 v33, v2  }
0x564: {  	v47 =	vor.u32 s20, v16;
	v21 =	vld.idx.msk [tilespmem:v20+s0+$0x0], $0xffff  }
0x565: {  	v20 =	vld.idx.msk [tilespmem:v60+s0+$0x0], $0xffff;
	v23 =	vor.u32 s25, v3;
	v2 =	vadd.f32 v29, v2  }
0x566: {  	v53 =	vor.u32 s24, v3;
	v1 =	vadd.f32 $0.0e+00, v1;
	v45 =	vld.idx.msk [tilespmem:v63+s0+$0x0], $0xffff  }
0x567: {  	v18 =	vld.idx.msk [tilespmem:v46+s0+$0x0], $0xffff;
	v31 =	vor.u32 s25, v4;
	v2 =	vadd.f32 v37, v2  }
0x568: {  	v0 =	vadd.f32 v0, v1;
	v1 =	vor.u32 s24, v9;
	v46 =	vld.idx.msk [tilespmem:v52+s0+$0x0], $0xffff  }
0x569: {  	v58 =	vor.u32 s25, v5;
	v25 =	vor.u32 s24, v54;
	v27 =	vld.idx.msk [tilespmem:v47+s0+$0x0], $0xffff;
	v2 =	vadd.f32 v39, v2  }
0x56a: {  	v25 =	vand.u32 v57, v25;
	v23 =	vld.idx.msk [tilespmem:v23+s0+$0x0], $0xffff  }
0x56b: {  	v47 =	vld.idx.msk [tilespmem:v53+s0+$0x0], $0xffff;
	v29 =	vor.u32 s25, v6;
	v61 =	vadd.f32 $0.0e+00, v45;
	v2 =	vadd.f32 v35, v2  }
0x56c: {  	v0 =	vadd.f32 v24, v0;
	v24 =	vor.u32 s24, v10;
	v31 =	vld.idx.msk [tilespmem:v31+s0+$0x0], $0xffff  }
0x56d: {  	v59 =	vor.u32 s25, v7;
	v1 =	vld.idx.msk [tilespmem:v1+s0+$0x0], $0xffff;
	v35 =	vadd.f32 v46, v61;
	v2 =	vadd.f32 v44, v2  }
0x56e: {  	v62 =	vor.u32 s25, v9;
	v0 =	vadd.f32 v26, v0;
	v33 =	vld.idx.msk [tilespmem:v58+s0+$0x0], $0xffff  }
0x56f: {  	v60 =	vor.u32 s25, v8;
	v25 =	vld.idx.msk [tilespmem:v25+s0+$0x0], $0xffff;
	v23 =	vadd.f32 v23, v35;
	v2 =	vadd.f32 v40, v2  }
0x570: {  	v53 =	vor.u32 s24, v8;
	v0 =	vadd.f32 v28, v0;
	v29 =	vld.idx.msk [tilespmem:v29+s0+$0x0], $0xffff  }
0x571: {  	v26 =	vor.u32 s24, v11;
	v24 =	vld.idx.msk [tilespmem:v24+s0+$0x0], $0xffff;
	v2 =	vadd.f32 v17, v2;
	v17 =	vadd.f32 v31, v23  }
0x572: {  	v52 =	vor.u32 s24, v7;
	v0 =	vadd.f32 v30, v0;
	v37 =	vld.idx.msk [tilespmem:v59+s0+$0x0], $0xffff  }
0x573: {  	v58 =	vld.idx.msk [tilespmem:v62+s0+$0x0], $0xffff;
	v63 =	vor.u32 s25, v10;
	v2 =	vadd.f32 v43, v2;
	v17 =	vadd.f32 v33, v17  }
0x574: {  	v28 =	vor.u32 s24, v12;
	v0 =	vadd.f32 v32, v0;
	v39 =	vld.idx.msk [tilespmem:v60+s0+$0x0], $0xffff  }
0x575: {  	v46 =	vld.idx.msk [tilespmem:v53+s0+$0x0], $0xffff;
	v53 =	vor.u32 s25, v11;
	v2 =	vadd.f32 v27, v2;
	v17 =	vadd.f32 v29, v17  }
0x576: {  	v30 =	vor.u32 s24, v13;
	v26 =	vld.idx.msk [tilespmem:v26+s0+$0x0], $0xffff;
	v0 =	vadd.f32 v34, v0  }
0x577: {  	v52 =	vld.idx.msk [tilespmem:v52+s0+$0x0], $0xffff;
	v23 =	vor.u32 s25, v12;
	v2 =	vsub.f32 v48, v2;
	v17 =	vadd.f32 v37, v17  }
0x578: {  	v62 =	vor.u32 s24, v16;
	v25 =	vadd.f32 $0.0e+00, v25;
	v0 =	vadd.f32 v36, v0;
	v31 =	vld.idx.msk [tilespmem:v63+s0+$0x0], $0xffff  }
0x579: {  	v28 =	vld.idx.msk [tilespmem:v28+s0+$0x0], $0xffff;
	v59 =	vor.u32 s25, v13;
	v2 =	vmul.f32 $1.442695020e+00, v2;
	v17 =	vadd.f32 v39, v17  }
0x57a: {  	v25 =	vadd.f32 v42, v25;
	v0 =	vadd.f32 v38, v0;
	v35 =	vld.idx.msk [tilespmem:v53+s0+$0x0], $0xffff  }
0x57b: {  	v30 =	vld.idx.msk [tilespmem:v30+s0+$0x0], $0xffff;
	v27 =	vor.u32 s25, v14;
	(erf) = vpow2.f32 v2;
	v2 =	vadd.f32 v58, v17  }
0x57c: {  	v25 =	vadd.f32 v47, v25;
	v0 =	vadd.f32 v41, v0;
	v23 =	vld.idx.msk [tilespmem:v23+s0+$0x0], $0xffff  }
0x57d: {  	v36 =	vld.idx.msk [tilespmem:v62+s0+$0x0], $0xffff;
	v61 =	vor.u32 s25, v15;
	v2 =	vadd.f32 v31, v2  }
0x57e: {  	s30 =	simm.s32 $0x400;
	v60 =	vor.u32 s24, v14;
	v0 =	vadd.f32 v22, v0;
	v22 =	vadd.f32 v49, v25;
	v33 =	vld.idx.msk [tilespmem:v59+s0+$0x0], $0xffff  }
0x57f: {  	s29 =	simm.s32 $0x500;
	v45 =	vld [tilespmem:s28+$0x0];
	v63 =	vor.u32 s25, v16;
	v43 =	vor.u32 s30, v54;
	v2 =	vadd.f32 v35, v2  }
0x580: {  	s16 =	simm.s32 $0x10430;
	v0 =	vadd.f32 v21, v0;
	v38 =	vand.u32 v55, v43;
	v27 =	vld.idx.msk [tilespmem:v27+s0+$0x0], $0xffff;
	v31 =	vor.u32 s29, v54  }
0x581: {  	v47 =	vld [tilespmem:s16+$0xFFFFFFF0];
	v21 =	vadd.f32 v50, v22;
	v25 =	vand.u32 v57, v31;
	v2 =	vadd.f32 v23, v2  }
0x582: {  	v44 =	vor.u32 s30, v56;
	v34 =	vld.idx.msk [tilespmem:v61+s0+$0x0], $0xffff;
	v0 =	vadd.f32 v20, v0  }
0x583: {  	v32 =	vld.idx.msk [tilespmem:v60+s0+$0x0], $0xffff;
	v20 =	vadd.f32 v51, v21;
	v17 =	vor.u32 s29, v56;
	v2 =	vadd.f32 v33, v2  }
0x584: {  	v22 =	vor.u32 s29, v3;
	v0 =	vadd.f32 v19, v0;
	v31 =	vld.idx.msk [tilespmem:v63+s0+$0x0], $0xffff  }
0x585: {  	v20 =	vadd.f32 v52, v20;
	v38 =	vld.idx.msk [tilespmem:v38+s0+$0x0], $0xffff;
	v23 =	vor.u32 s30, v3;
	v2 =	vadd.f32 v27, v2  }
0x586: {  	v21 =	vor.u32 s29, v4;
	v0 =	vadd.f32 v18, v0;
	v25 =	vld.idx.msk [tilespmem:v25+s0+$0x0], $0xffff  }
0x587: {  	v18 =	vadd.f32 v46, v20;
	v48 =	vor.u32 s30, v4;
	v35 =	vld.idx.msk [tilespmem:v44+s0+$0x0], $0xffff;
	v19 =	vpop (erf);
	v2 =	vadd.f32 v34, v2  }
0x588: {  	v49 =	vor.u32 s29, v5;
	v20 =	vor.u32 s29, v6;
	v17 =	vld.idx.msk [tilespmem:v17+s0+$0x0], $0xffff;
	v19 =	vadd.f32 $1.000000000e+00, v19  }
0x589: {  	v22 =	vld.idx.msk [tilespmem:v22+s0+$0x0], $0xffff;
	v1 =	vadd.f32 v1, v18;
	v27 =	vor.u32 s30, v5;
	v2 =	vadd.f32 v31, v2  }
0x58a: {  	v0 =	vsub.f32 v45, v0;
	v50 =	vadd.f32 $0.0e+00, v38;
	v23 =	vld.idx.msk [tilespmem:v23+s0+$0x0], $0xffff;
	(erf) = vrcp.f32 v19  }
0x58b: {  	v21 =	vld.idx.msk [tilespmem:v21+s0+$0x0], $0xffff;
	v19 =	vor.u32 s30, v6;
	v25 =	vadd.f32 $0.0e+00, v25;
	v2 =	vsub.f32 v47, v2  }
0x58c: {  	v18 =	vor.u32 s29, v7;
	v0 =	vmul.f32 $1.442695020e+00, v0;
	v33 =	vld.idx.msk [tilespmem:v48+s0+$0x0], $0xffff;
	v34 =	vadd.f32 v35, v50  }
0x58d: {  	v51 =	vld.idx.msk [tilespmem:v49+s0+$0x0], $0xffff;
	v31 =	vor.u32 s30, v7;
	v17 =	vadd.f32 v17, v25;
	v2 =	vmul.f32 $1.442695020e+00, v2  }
0x58e: {  	v52 =	vor.u32 s29, v8;
	v29 =	vor.u32 s24, v15;
	(erf) = vpow2.f32 v0;
	v27 =	vld.idx.msk [tilespmem:v27+s0+$0x0], $0xffff  }
0x58f: {  	v20 =	vld.idx.msk [tilespmem:v20+s0+$0x0], $0xffff;
	v23 =	vadd.f32 v23, v34;
	v17 =	vadd.f32 v22, v17;
	(erf) = vpow2.f32 v2  }
0x590: {  	v1 =	vadd.f32 v24, v1;
	v58 =	vor.u32 s29, v9;
	v19 =	vld.idx.msk [tilespmem:v19+s0+$0x0], $0xffff  }
0x591: {  	v53 =	vor.u32 s30, v8;
	v18 =	vld.idx.msk [tilespmem:v18+s0+$0x0], $0xffff;
	v22 =	vadd.f32 v33, v23;
	v17 =	vadd.f32 v21, v17  }
0x592: {  	v1 =	vadd.f32 v26, v1;
	v26 =	vor.u32 s30, v11;
	v23 =	vld.idx.msk [tilespmem:v31+s0+$0x0], $0xffff  }
0x593: {  	v29 =	vld.idx.msk [tilespmem:v29+s0+$0x0], $0xffff;
	v0 =	vor.u32 s30, v9;
	v21 =	vadd.f32 v27, v22;
	v17 =	vadd.f32 v51, v17  }
0x594: {  	v24 =	vld.idx.msk [tilespmem:v52+s0+$0x0], $0xffff;
	v25 =	vor.u32 s29, v10  }
0x595: {  	v59 =	vld.idx.msk [tilespmem:v58+s0+$0x0], $0xffff;
	v2 =	vor.u32 s30, v10;
	v19 =	vadd.f32 v19, v21;
	v17 =	vadd.f32 v20, v17  }
0x596: {  	v31 =	vor.u32 s29, v11;
	v22 =	vld.idx.msk [tilespmem:v53+s0+$0x0], $0xffff;
	v61 =	vpop (erf)  }
0x597: {  	v62 =	vld.idx.msk [tilespmem:v26+s0+$0x0], $0xffff;
	v27 =	vor.u32 s29, v12;
	v19 =	vadd.f32 v23, v19;
	v23 =	vpop (erf);
	v17 =	vadd.f32 v18, v17  }
0x598: {  	v1 =	vadd.f32 v28, v1;
	v28 =	vor.u32 s30, v12;
	v0 =	vld.idx.msk [tilespmem:v0+s0+$0x0], $0xffff;
	v26 =	vadd.f32 $1.000000000e+00, v23;
	v23 =	vpop (erf)  }
0x599: {  	v63 =	vor.u32 s30, v14;
	v25 =	vld.idx.msk [tilespmem:v25+s0+$0x0], $0xffff;
	v17 =	vadd.f32 v24, v17;
	v24 =	vadd.f32 $1.000000000e+00, v23  }
0x59a: {  	v1 =	vadd.f32 v30, v1;
	v20 =	vor.u32 s30, v13;
	v2 =	vld.idx.msk [tilespmem:v2+s0+$0x0], $0xffff;
	(erf) = vrcp.f32 v26  }
0x59b: {  	v60 =	vor.u32 s29, v13;
	v21 =	vld.idx.msk [tilespmem:v31+s0+$0x0], $0xffff;
	v18 =	vadd.f32 v22, v19;
	(erf) = vrcp.f32 v24  }
0x59c: {  	v1 =	vadd.f32 v32, v1;
	v31 =	vor.u32 s29, v14;
	v22 =	vld.idx.msk [tilespmem:v27+s0+$0x0], $0xffff  }
0x59d: {  	v19 =	vor.u32 s29, v15;
	v27 =	vld.idx.msk [tilespmem:v28+s0+$0x0], $0xffff;
	v0 =	vadd.f32 v0, v18  }
0x59e: {  	v30 =	vor.u32 s30, v15;
	v1 =	vadd.f32 v29, v1;
	v28 =	vld.idx.msk [tilespmem:v63+s0+$0x0], $0xffff  }
0x59f: {  	v18 =	vor.u32 s29, v16;
	v26 =	vld.idx.msk [tilespmem:v20+s0+$0x0], $0xffff;
	v17 =	vadd.f32 v59, v17;
	v0 =	vadd.f32 v2, v0  }
0x5a0: {  	s18 =	simm.s32 $0x12610;
	v29 =	vor.u32 s30, v16;
	v20 =	vadd.f32 v36, v1;
	v23 =	vld.idx.msk [tilespmem:v60+s0+$0x0], $0xffff  }
0x5a1: {  	s20 =	simm.s32 $0x4;
	s24 =	simm.s32 $0x700;
	[tilespmem:s18+$0xFFFFFFF0] =	vst v61;
	v25 =	vadd.f32 v25, v17;
	v24 =	vld.idx.msk [tilespmem:v31+s0+$0x0], $0xffff;
	v31 =	vadd.f32 v62, v0  }
.LBB2_12:
0x5a2: {  	s25 =	sadd.s32 $0xFFFFFF00, s24;
	v0 =	vor.u32 s24, v54;
	v1 =	vor.u32 s24, v56;
	v2 =	vor.u32 s24, v3;
	s20 =	sadd.s32 $0x2, s20;
	v17 =	vld.idx.msk [tilespmem:v19+s0+$0x0], $0xffff  }
0x5a3: {  	v19 =	vor.u32 s25, v54;
	v0 =	vand.u32 v57, v0;
	p0 =	slt.u32 s20, $0x1E;
	v27 =	vadd.f32 v27, v31;
	v30 =	vld.idx.msk [tilespmem:v30+s0+$0x0], $0xffff;
	v31 =	vpop (erf)  }
0x5a4: {  	v32 =	vor.u32 s24, v4;
	v33 =	vor.u32 s24, v5;
	v19 =	vand.u32 v55, v19;
	v34 =	vld.idx.msk [tilespmem:v18+s0+$0x0], $0xffff;
	v18 =	vpop (erf);
	[tilespmem:s18+$0x0] =	vst v31;
	s18 =	sadd.s32 $0x20, s18  }
0x5a5: {  	v35 =	vor.u32 s24, v7;
	v31 =	vor.u32 s24, v6;
	v26 =	vadd.f32 v26, v27;
	v27 =	vld.idx.msk [tilespmem:v29+s0+$0x0], $0xffff;
	[tilespmem:s18+$0xFFFFFFF0] =	vst v18  }
0x5a6: {  	v36 =	vor.u32 s24, v8;
	v37 =	vor.u32 s24, v9;
	v29 =	vor.u32 s25, v56;
	v38 =	vld [tilespmem:s16+$0x0]  }
0x5a7: {  	v39 =	vor.u32 s24, v10;
	v40 =	vor.u32 s24, v11;
	s16 =	sadd.s32 $0x20, s16;
	v1 =	vld.idx.msk [tilespmem:v1+s0+$0x0], $0xffff;
	v18 =	vadd.f32 v28, v26  }
0x5a8: {  	v41 =	vor.u32 s24, v13;
	v26 =	vor.u32 s25, v3;
	v28 =	vor.u32 s24, v12;
	v42 =	vld [tilespmem:s16+$0xFFFFFFF0]  }
0x5a9: {  	v44 =	vor.u32 s24, v14;
	v21 =	vadd.f32 v21, v25;
	v43 =	vld.idx.msk [tilespmem:v19+s0+$0x0], $0xffff;
	v30 =	vadd.f32 v30, v18  }
0x5aa: {  	v25 =	vor.u32 s25, v4;
	v19 =	vor.u32 s24, v15;
	v18 =	vor.u32 s24, v16;
	v0 =	vld.idx.msk [tilespmem:v0+s0+$0x0], $0xffff  }
0x5ab: {  	v21 =	vadd.f32 v22, v21;
	v29 =	vld.idx.msk [tilespmem:v29+s0+$0x0], $0xffff;
	v27 =	vadd.f32 v27, v30  }
0x5ac: {  	v22 =	vor.u32 s25, v5;
	v20 =	vsub.f32 v38, v20;
	v2 =	vld.idx.msk [tilespmem:v2+s0+$0x0], $0xffff  }
0x5ad: {  	v21 =	vadd.f32 v23, v21;
	v26 =	vld.idx.msk [tilespmem:v26+s0+$0x0], $0xffff;
	v27 =	vsub.f32 v42, v27  }
0x5ae: {  	v23 =	vor.u32 s25, v6;
	v20 =	vmul.f32 $1.442695020e+00, v20;
	v30 =	vld.idx.msk [tilespmem:v32+s0+$0x0], $0xffff  }
0x5af: {  	v21 =	vadd.f32 v24, v21;
	v32 =	vadd.f32 $0.0e+00, v43;
	v25 =	vld.idx.msk [tilespmem:v25+s0+$0x0], $0xffff;
	v27 =	vmul.f32 $1.442695020e+00, v27  }
0x5b0: {  	v24 =	vor.u32 s25, v7;
	v0 =	vadd.f32 $0.0e+00, v0;
	v33 =	vld.idx.msk [tilespmem:v33+s0+$0x0], $0xffff;
	(erf) = vpow2.f32 v20  }
0x5b1: {  	v17 =	vadd.f32 v17, v21;
	v20 =	vadd.f32 v29, v32;
	v22 =	vld.idx.msk [tilespmem:v22+s0+$0x0], $0xffff;
	(erf) = vpow2.f32 v27  }
0x5b2: {  	v21 =	vor.u32 s25, v8;
	v0 =	vadd.f32 v1, v0;
	v1 =	vld.idx.msk [tilespmem:v31+s0+$0x0], $0xffff  }
0x5b3: {  	v26 =	vadd.f32 v26, v20;
	v20 =	vadd.f32 v34, v17;
	v23 =	vld.idx.msk [tilespmem:v23+s0+$0x0], $0xffff  }
0x5b4: {  	v17 =	vor.u32 s25, v9;
	v0 =	vadd.f32 v2, v0;
	v2 =	vld.idx.msk [tilespmem:v35+s0+$0x0], $0xffff  }
0x5b5: {  	v25 =	vadd.f32 v25, v26;
	v24 =	vld.idx.msk [tilespmem:v24+s0+$0x0], $0xffff  }
0x5b6: {  	v26 =	vor.u32 s25, v10;
	v0 =	vadd.f32 v30, v0;
	v27 =	vld.idx.msk [tilespmem:v36+s0+$0x0], $0xffff  }
0x5b7: {  	v32 =	vadd.f32 v22, v25;
	v25 =	vld.idx.msk [tilespmem:v21+s0+$0x0], $0xffff  }
0x5b8: {  	v29 =	vor.u32 s25, v11;
	v0 =	vadd.f32 v33, v0;
	v31 =	vld.idx.msk [tilespmem:v37+s0+$0x0], $0xffff  }
0x5b9: {  	v21 =	vadd.f32 v23, v32;
	v17 =	vld.idx.msk [tilespmem:v17+s0+$0x0], $0xffff;
	v22 =	vpop (erf)  }
0x5ba: {  	v23 =	vor.u32 s25, v12;
	v0 =	vadd.f32 v1, v0;
	v1 =	vld.idx.msk [tilespmem:v39+s0+$0x0], $0xffff;
	v30 =	vpop (erf);
	v22 =	vadd.f32 $1.000000000e+00, v22  }
0x5bb: {  	v24 =	vadd.f32 v24, v21;
	v26 =	vld.idx.msk [tilespmem:v26+s0+$0x0], $0xffff;
	v30 =	vadd.f32 $1.000000000e+00, v30  }
0x5bc: {  	v32 =	vor.u32 s25, v13;
	v0 =	vadd.f32 v2, v0;
	v21 =	vld.idx.msk [tilespmem:v40+s0+$0x0], $0xffff;
	(erf) = vrcp.f32 v22  }
0x5bd: {  	v2 =	vadd.f32 v25, v24;
	v33 =	vld.idx.msk [tilespmem:v29+s0+$0x0], $0xffff;
	(erf) = vrcp.f32 v30  }
0x5be: {  	v34 =	vor.u32 s25, v14;
	v0 =	vadd.f32 v27, v0;
	v22 =	vld.idx.msk [tilespmem:v28+s0+$0x0], $0xffff  }
.Ltmp5:
0x5bf: {  	v2 =	vadd.f32 v17, v2;
	v27 =	vld.idx.msk [tilespmem:v23+s0+$0x0], $0xffff;
	(pc) =	sbr.rel @p0 .LBB2_12-.Ltmp5, $4  }
0x5c0: {  	v30 =	vor.u32 s25, v15;
	v0 =	vadd.f32 v31, v0;
	v23 =	vld.idx.msk [tilespmem:v41+s0+$0x0], $0xffff  }
0x5c1: {  	v2 =	vadd.f32 v26, v2;
	v26 =	vld.idx.msk [tilespmem:v32+s0+$0x0], $0xffff  }
0x5c2: {  	v29 =	vor.u32 s25, v16;
	v25 =	vadd.f32 v1, v0;
	v24 =	vld.idx.msk [tilespmem:v44+s0+$0x0], $0xffff  }
0x5c3: {  	s24 =	sadd.s32 $0x200, s24;
	v31 =	vadd.f32 v33, v2;
	v28 =	vld.idx.msk [tilespmem:v34+s0+$0x0], $0xffff  }
0x5c4: {  	_ =	sdelay $0x2  }
0x5c5: {  	v0 =	vadd.f32 v27, v31  }
0x5c6: {  	v1 =	vld.idx.msk [tilespmem:v30+s0+$0x0], $0xffff  }
0x5c7: {  	v0 =	vadd.f32 v26, v0  }
0x5c8: {  	v2 =	vld.idx.msk [tilespmem:v29+s0+$0x0], $0xffff  }
0x5c9: {  	v17 =	vld [tilespmem:s16+$0x0];
	s29 =	sadd.s32 $0x20, s16;
	v0 =	vadd.f32 v28, v0  }
0x5ca: {  	v63 =	vld [tilespmem:s29+$0xFFFFFFF0]  }
0x5cb: {  	v0 =	vadd.f32 v1, v0;
	_ =	sdelay $0x1  }
0x5cc: {  	v0 =	vadd.f32 v2, v0  }
0x5cd: {  	v1 =	vsub.f32 v17, v20  }
0x5ce: {  	v0 =	vsub.f32 v63, v0  }
0x5cf: {  	v2 =	vadd.f32 v21, v25;
	v1 =	vmul.f32 $1.442695020e+00, v1  }
0x5d0: {  	v0 =	vmul.f32 $1.442695020e+00, v0  }
0x5d1: {  	v2 =	vadd.f32 v22, v2;
	(erf) = vpow2.f32 v1  }
0x5d2: {  	v1 =	vld.idx.msk [tilespmem:v19+s0+$0x0], $0xffff;
	(erf) = vpow2.f32 v0  }
0x5d3: {  	v0 =	vadd.f32 v23, v2  }
0x5d4: {  	v2 =	vld.idx.msk [tilespmem:v18+s0+$0x0], $0xffff  }
0x5d5: {  	v0 =	vadd.f32 v24, v0  }
0x5d6: {  	v17 =	vld [tilespmem:s29+$0x0]  }
0x5d7: {  	v0 =	vadd.f32 v1, v0  }
0x5d8: {  	v1 =	vpop (erf)  }
0x5d9: {  	v18 =	vpop (erf);
	v0 =	vadd.f32 v2, v0  }
0x5da: {  	v2 =	vpop (erf)  }
0x5db: {  	v2 =	vadd.f32 $1.000000000e+00, v2;
	v0 =	vsub.f32 v17, v0;
	v19 =	vpop (erf)  }
0x5dc: {  	v17 =	vadd.f32 $1.000000000e+00, v19  }
0x5dd: {  	(erf) = vrcp.f32 v2;
	v0 =	vmul.f32 $1.442695020e+00, v0  }
0x5de: {  	(erf) = vrcp.f32 v17  }
0x5df: {  	(erf) = vpow2.f32 v0;
	_ =	sdelay $0x6  }
0x5e0: {  	v0 =	vpop (erf)  }
0x5e1: {  	v2 =	vpop (erf)  }
0x5e2: {  	v17 =	vpop (erf)  }
0x5e3: {  	v17 =	vadd.f32 $1.000000000e+00, v17;
	_ =	sdelay $0x1  }
0x5e4: {  	(erf) = vrcp.f32 v17;
	_ =	sdelay $0x5  }
0x5e5: {  	s30 =	sadd.s32 $0x20, s18;
	[tilespmem:s18+$0x0] =	vst v1  }
0x5e6: {  	[tilespmem:s30+$0xFFFFFFF0] =	vst v18  }
0x5e7: {  	s15 =	sadd.s32 $0x1, s15;
	s16 =	sadd.s32 $0x20, s30;
	[tilespmem:s30+$0x0] =	vst v0  }
0x5e8: {  	p0 =	sne.s32 s15, s9;
	[tilespmem:s16+$0xFFFFFFF0] =	vst v2;
	v0 =	vpop (erf)  }
.Ltmp6:
0x5e9: {  	[tilespmem:s16+$0x0] =	vst v0;
	(pc) =	sbr.rel @p0 .LBB2_1-.Ltmp6, $4  }
0x5ea: {  	[hbm4b:s8+s5] =	stream.linear.scatter [tilespmem:s4], [sflag:$0x4], $0x200, $0x38;
	[tilespmem:$0x12800] =	vst v63  }
0x5eb: {  	_ =	swait.ge [sflag:s3], $0x200  }
0x5ec: {  	[sflag:s3] =	ssyncset.done $0x0  }
0x5ed: {  	[sflag:s3] =	ssyncadd.s32 $0xFFFFFE00  }
0x5ee: {  	_ =	sfence.sel $0x180000  }
0x5ef: {  	[bflag:$0x0] =	sbarrier.arrive $0xFFFF  }
0x5f0: {  	_ =	strace $0x90000047  }
0x5f1: {  	s0 =	stileid.u32;
	[bflag:$0x2] =	sbarrier.arrive $0xFFFF  }
0x5f2: {  	p0 =	sne.s32 s0, $0x0;
	s0 =	rddreg [dreg:$0x6]  }
0x5f3: {  	s0 =	sadd.s32 @!p0 $0x100000, s0  }
0x5f4: {  	[sflag:s0] =	ssyncadd.tile.s32 @!p0 $0x1;
	_ =	shalt  }
.Lfunc_end2:
_tile_overlayer_lowered:
.L_overlay_start_2:
0x5f5: {  	(tag) =	ssettag $0x2  }
0x5f6: {  	s0 =	rddreg [dreg:$0x0];
	s2 =	stileid.u32  }
0x5f7: {  	s1 =	rddreg [dreg:$0x1];
	p0 =	sne.s32 s2, $0x0  }
0x5f8: {  	s3 =	rddreg [dreg:$0x2];
	[bflag:$0x3] =	sbarrier.arrive $0xFFFF;
	s2 =	simm.s32 @!p0 $0x1C04  }
0x5f9: {  	[timem:s3], [sflag:s2] =	dma.local @!p0 [hbm:s0], s1  }
0x5fa: {  	s0 =	simm.s32 @!p0 $0x4  }
0x5fb: {  	_ =	swait.ge @!p0 [sflag:s0], s1  }
0x5fc: {  	s1 =	ssub.s32 @!p0 $0x0, s1;
	[sflag:s0] =	ssyncset.done @!p0 $0x0  }
0x5fd: {  	[sflag:s0] =	ssyncadd.s32 @!p0 s1  }
0x5fe: {  	[bflag:$0x3] =	sbarrier.arrive $0xFFFF  }
0x5ff: {  	_ =	shalt  }

</sc_bundles>
